<compile_context>
chip_gen: v7x
topology: tpu7x:2x2x1
jax: 0.10.2.dev20260603
libtpu: 0.0.44.dev20260713+nightly
codegen_flags: <defaults>
</compile_context>

<pallas_src>
import functools

import jax
import jax.numpy as jnp
from jax import lax
from jax.experimental import pallas as pl
from jax.experimental.pallas import tpu as pltpu
from jax.experimental.pallas import tpu_sc as plsc

_B, _A, _F = 1024, 128, 75
_C = 16
_H = 33
_OUT = 64
_NW = 32
_MPW = _B // _NW
_MPS = 8
_NSUB = _MPW // _MPS
_L = 16
_DNUMS = jax.lax.GatherDimensionNumbers(
    offset_dims=(), collapsed_slice_dims=(0,), start_index_map=(0,))


def _make_sc():
    mesh = plsc.VectorSubcoreMesh(core_axis_name="c", subcore_axis_name="s")

    @functools.partial(
        pl.kernel,
        mesh=mesh,
        out_type=jax.ShapeDtypeStruct((_B, _OUT, _A), jnp.float32),
        scratch_types=[
            pltpu.VMEM((_C, _MPS, _A), jnp.float32),
            pltpu.VMEM((31, _MPS, _A), jnp.float32),
            pltpu.VMEM((_MPS, _OUT, _A), jnp.float32),
            pltpu.VMEM((_H, _C), jnp.float32),
            pltpu.VMEM((_L,), jnp.int32),
            pltpu.SemaphoreType.DMA,
        ],
    )
    def _sc(xt_hbm, wf_hbm, n_hbm, out_hbm, cls_v, oth_v, out_v, w_v, n_v,
            out_sem):
        wid = lax.axis_index("s") * 2 + lax.axis_index("c")
        pltpu.sync_copy(wf_hbm, w_v)
        pltpu.sync_copy(n_hbm, n_v)
        nvec = n_v[...]
        wcols = [w_v[f, pl.ds(0, _L)] for f in range(_H)]

        def out_copy(s):
            mol0 = wid * _MPW + s * _MPS
            return pltpu.make_async_copy(
                out_v, out_hbm.at[pl.ds(mol0, _MPS), :, :], out_sem)

        def sub(s, first):
            mol0 = wid * _MPW + s * _MPS
            pltpu.sync_copy(xt_hbm.at[pl.ds(0, _C), pl.ds(mol0, _MPS), :], cls_v)
            pltpu.sync_copy(xt_hbm.at[pl.ds(44, 31), pl.ds(mol0, _MPS), :], oth_v)
            if not first:
                out_copy(s - 1).wait()

            @plsc.parallel_loop(0, _MPS * _A // _L, unroll=2)
            def group(g):
                m_i = g >> 3
                col = (g & 7) * _L
                rows = [cls_v[f, m_i, pl.ds(col, _L)] for f in range(_C)]
                mx = rows[0]
                for f in range(1, _C):
                    mx = jnp.maximum(mx, rows[f])
                p = jnp.zeros((_L,), jnp.int32)
                for f in range(_C - 1, -1, -1):
                    p = jnp.where(rows[f] == mx, f, p)
                molv = jax.lax.broadcast(mol0 + m_i, (_L,))
                scale = jnp.where(molv < nvec, 1.0, 0.0)
                pidx = p.reshape(_L, 1)
                for f in range(_H):
                    gf = lax.gather(
                        wcols[f], pidx, _DNUMS, slice_sizes=(1,),
                        mode=lax.GatherScatterMode.PROMISE_IN_BOUNDS)
                    out_v[m_i, f, pl.ds(col, _L)] = gf * scale
                v0 = oth_v[0, m_i, pl.ds(col, _L)]
                ss = v0 * v0
                vs = [v0]
                for j in range(1, 31):
                    vj = oth_v[j, m_i, pl.ds(col, _L)]
                    vs.append(vj)
                    ss = ss + vj * vj
                ssc = jnp.maximum(ss, 1e-24)
                yi = jnp.int32(0x5F3759DF) - (lax.bitcast_convert_type(ssc, jnp.int32) >> 1)
                y = lax.bitcast_convert_type(yi, jnp.float32)
                half = ssc * 0.5
                for _ in range(3):
                    y = y * (1.5 - half * y * y)
                y = y * scale
                for j in range(31):
                    out_v[m_i, _H + j, pl.ds(col, _L)] = vs[j] * y

            out_copy(s).start()
            return 0

        sub(0, True)
        lax.fori_loop(1, _NSUB, lambda s, c: sub(s, False), 0)
        out_copy(_NSUB - 1).wait()

    return _sc


def kernel(molecule_atoms, W, N):
    xt = jnp.transpose(molecule_atoms, (2, 0, 1))
    wf = W.T
    nvec = jnp.full((_L,), N, jnp.int32)
    out = _make_sc()(xt, wf, nvec)
    return jnp.transpose(out, (0, 2, 1))

# --- scband reference (transcript-rebuilt; emitter-appended) ---
"""Pipeline reference for scband-atom-rep-29008209117452 (READ-ONLY COPY).

The authoritative reference and input builder live on the scoring server;
editing this copy changes nothing except your own understanding.
"""

import jax, jax.numpy as jnp
import numpy as np

B, A, F = 1024, 128, 75
ATOM_CLASSES, ATOM_HIDDEN, CHANNELS = 16, 33, 64

def setup_inputs(seed: int = 0) -> dict:
    key = jax.random.key(seed)
    k1, k2 = jax.random.split(key)
    molecule_atoms = jax.random.normal(k1, (B, A, F), dtype=jnp.float32)
    W = jax.random.normal(k2, (ATOM_CLASSES, ATOM_HIDDEN), dtype=jnp.float32)
    return {"molecule_atoms": molecule_atoms, "W": W, "N": B}

def reference(molecule_atoms, W, N):
    # vectorized form of the per-molecule python loop (loop runs for i in range(N))
    atom_fea = molecule_atoms[:, :, 0:16]
    p = jnp.argmax(atom_fea, axis=-1)                      # [B, A] int indices
    com = jnp.take(W, p, axis=0)                           # embedding lookup -> [B, A, 33]
    oth1 = molecule_atoms[:, :, 44:75]                     # [B, A, 31]
    norm = jnp.sqrt(jnp.sum(oth1 * oth1, axis=-1, keepdims=True))
    tf = oth1 / jnp.maximum(norm, 1e-12)                   # F.normalize(dim=1) per atom row
    fea = jnp.concatenate([com, tf], axis=-1)              # [B, A, 64]
    # rows >= N stay zero, as in the torch loop
    mask = (jnp.arange(fea.shape[0]) < N)[:, None, None]
    return jnp.where(mask, fea, jnp.zeros_like(fea))

if __name__ == "__main__":
    import jax
    _d = setup_inputs()
    print(jax.jit(kernel)(*tuple(_d.values())))

</pallas_src>

<mosaic_0001>
#map = affine_map<(d0, d1) -> (0, 0, 0)>
#map1 = affine_map<(d0, d1) -> (0, 0)>
#map2 = affine_map<(d0, d1) -> (0)>
module attributes {stable_mosaic.version = 14 : i64} {
  func.func @_sc(%arg0: i32, %arg1: i32, %arg2: memref<75x1024x128xf32, #tpu.memory_space<hbm>>, %arg3: memref<33x16xf32, #tpu.memory_space<hbm>>, %arg4: memref<16xi32, #tpu.memory_space<hbm>>, %arg5: memref<1024x64x128xf32, #tpu.memory_space<hbm>>, %arg6: memref<16x8x128xf32, #tpu.memory_space<vmem>>, %arg7: memref<31x8x128xf32, #tpu.memory_space<vmem>>, %arg8: memref<8x64x128xf32, #tpu.memory_space<vmem>>, %arg9: memref<33x16xf32, #tpu.memory_space<vmem>>, %arg10: memref<16xi32, #tpu.memory_space<vmem>>, %arg11: memref<!tpu.dma_semaphore, #tpu.memory_space<semaphore_mem>>) attributes {dimension_semantics = [#tpu.dimension_semantics<core_parallel>, #tpu.dimension_semantics<subcore_parallel>], iteration_bounds = array<i64: 2, 16>, scalar_prefetch = 0 : i64, scratch_operands = 6 : i64, tpu.core_type = #tpu.core_type<sc_vector_subcore>, window_params = [{transform_indices = #map}, {transform_indices = #map1}, {transform_indices = #map2}, {transform_indices = #map}]} {
    %mul3A = arith.constant 2 : i32
    %mul3A_0 = arith.muli %arg1, %mul3A : i32
    %add3A = arith.addi %mul3A_0, %arg0 : i32
    "tpu.region"() ({
      %run_scoped3A = tpu.sem_alloc : memref<!tpu.dma_semaphore, #tpu.memory_space<semaphore_mem>>
      tpu.enqueue_dma source(%arg3 : memref<33x16xf32, #tpu.memory_space<hbm>>) target(%arg9 : memref<33x16xf32, #tpu.memory_space<vmem>>) target_semaphore(%run_scoped3A : memref<!tpu.dma_semaphore, #tpu.memory_space<semaphore_mem>>)
      tpu.wait_dma2 semaphore(%run_scoped3A : memref<!tpu.dma_semaphore, #tpu.memory_space<semaphore_mem>>) src(%arg3 : memref<33x16xf32, #tpu.memory_space<hbm>>) dst(%arg9 : memref<33x16xf32, #tpu.memory_space<vmem>>)
      tpu.yield
    }) : () -> ()
    "tpu.region"() ({
      %run_scoped3A = tpu.sem_alloc : memref<!tpu.dma_semaphore, #tpu.memory_space<semaphore_mem>>
      tpu.enqueue_dma source(%arg4 : memref<16xi32, #tpu.memory_space<hbm>>) target(%arg10 : memref<16xi32, #tpu.memory_space<vmem>>) target_semaphore(%run_scoped3A : memref<!tpu.dma_semaphore, #tpu.memory_space<semaphore_mem>>)
      tpu.wait_dma2 semaphore(%run_scoped3A : memref<!tpu.dma_semaphore, #tpu.memory_space<semaphore_mem>>) src(%arg4 : memref<16xi32, #tpu.memory_space<hbm>>) dst(%arg10 : memref<16xi32, #tpu.memory_space<vmem>>)
      tpu.yield
    }) : () -> ()
    %get3A = arith.constant 0 : index
    %get3A_1 = tpu.vector_load %arg10[%get3A] {strides = array<i32>} : memref<16xi32, #tpu.memory_space<vmem>>, vector<16xi32>,
    %get3A_2 = vector.shape_cast %get3A_1 : vector<16xi32> to vector<16xi32>
    %get3A_3 = arith.constant 0 : i32
    %get3A_4 = arith.index_cast %get3A_3 : i32 to index
    %get3A_5 = arith.constant 0 : index
    %get3A_6 = tpu.vector_load %arg9[%get3A_4, %get3A_5] {strides = array<i32>} : memref<33x16xf32, #tpu.memory_space<vmem>>, vector<1x16xf32>,
    %get3A_7 = vector.shape_cast %get3A_6 : vector<1x16xf32> to vector<16xf32>
    %get3A_8 = arith.constant 1 : i32
    %get3A_9 = arith.index_cast %get3A_8 : i32 to index
    %get3A_10 = arith.constant 0 : index
    %get3A_11 = tpu.vector_load %arg9[%get3A_9, %get3A_10] {strides = array<i32>} : memref<33x16xf32, #tpu.memory_space<vmem>>, vector<1x16xf32>,
    %get3A_12 = vector.shape_cast %get3A_11 : vector<1x16xf32> to vector<16xf32>
    %get3A_13 = arith.constant 2 : i32
    %get3A_14 = arith.index_cast %get3A_13 : i32 to index
    %get3A_15 = arith.constant 0 : index
    %get3A_16 = tpu.vector_load %arg9[%get3A_14, %get3A_15] {strides = array<i32>} : memref<33x16xf32, #tpu.memory_space<vmem>>, vector<1x16xf32>,
    %get3A_17 = vector.shape_cast %get3A_16 : vector<1x16xf32> to vector<16xf32>
    %get3A_18 = arith.constant 3 : i32
    %get3A_19 = arith.index_cast %get3A_18 : i32 to index
    %get3A_20 = arith.constant 0 : index
    %get3A_21 = tpu.vector_load %arg9[%get3A_19, %get3A_20] {strides = array<i32>} : memref<33x16xf32, #tpu.memory_space<vmem>>, vector<1x16xf32>,
    %get3A_22 = vector.shape_cast %get3A_21 : vector<1x16xf32> to vector<16xf32>
    %get3A_23 = arith.constant 4 : i32
    %get3A_24 = arith.index_cast %get3A_23 : i32 to index
    %get3A_25 = arith.constant 0 : index
    %get3A_26 = tpu.vector_load %arg9[%get3A_24, %get3A_25] {strides = array<i32>} : memref<33x16xf32, #tpu.memory_space<vmem>>, vector<1x16xf32>,
    %get3A_27 = vector.shape_cast %get3A_26 : vector<1x16xf32> to vector<16xf32>
    %get3A_28 = arith.constant 5 : i32
    %get3A_29 = arith.index_cast %get3A_28 : i32 to index
    %get3A_30 = arith.constant 0 : index
    %get3A_31 = tpu.vector_load %arg9[%get3A_29, %get3A_30] {strides = array<i32>} : memref<33x16xf32, #tpu.memory_space<vmem>>, vector<1x16xf32>,
    %get3A_32 = vector.shape_cast %get3A_31 : vector<1x16xf32> to vector<16xf32>
    %get3A_33 = arith.constant 6 : i32
    %get3A_34 = arith.index_cast %get3A_33 : i32 to index
    %get3A_35 = arith.constant 0 : index
    %get3A_36 = tpu.vector_load %arg9[%get3A_34, %get3A_35] {strides = array<i32>} : memref<33x16xf32, #tpu.memory_space<vmem>>, vector<1x16xf32>,
    %get3A_37 = vector.shape_cast %get3A_36 : vector<1x16xf32> to vector<16xf32>
    %get3A_38 = arith.constant 7 : i32
    %get3A_39 = arith.index_cast %get3A_38 : i32 to index
    %get3A_40 = arith.constant 0 : index
    %get3A_41 = tpu.vector_load %arg9[%get3A_39, %get3A_40] {strides = array<i32>} : memref<33x16xf32, #tpu.memory_space<vmem>>, vector<1x16xf32>,
    %get3A_42 = vector.shape_cast %get3A_41 : vector<1x16xf32> to vector<16xf32>
    %get3A_43 = arith.constant 8 : i32
    %get3A_44 = arith.index_cast %get3A_43 : i32 to index
    %get3A_45 = arith.constant 0 : index
    %get3A_46 = tpu.vector_load %arg9[%get3A_44, %get3A_45] {strides = array<i32>} : memref<33x16xf32, #tpu.memory_space<vmem>>, vector<1x16xf32>,
    %get3A_47 = vector.shape_cast %get3A_46 : vector<1x16xf32> to vector<16xf32>
    %get3A_48 = arith.constant 9 : i32
    %get3A_49 = arith.index_cast %get3A_48 : i32 to index
    %get3A_50 = arith.constant 0 : index
    %get3A_51 = tpu.vector_load %arg9[%get3A_49, %get3A_50] {strides = array<i32>} : memref<33x16xf32, #tpu.memory_space<vmem>>, vector<1x16xf32>,
    %get3A_52 = vector.shape_cast %get3A_51 : vector<1x16xf32> to vector<16xf32>
    %get3A_53 = arith.constant 10 : i32
    %get3A_54 = arith.index_cast %get3A_53 : i32 to index
    %get3A_55 = arith.constant 0 : index
    %get3A_56 = tpu.vector_load %arg9[%get3A_54, %get3A_55] {strides = array<i32>} : memref<33x16xf32, #tpu.memory_space<vmem>>, vector<1x16xf32>,
    %get3A_57 = vector.shape_cast %get3A_56 : vector<1x16xf32> to vector<16xf32>
    %get3A_58 = arith.constant 11 : i32
    %get3A_59 = arith.index_cast %get3A_58 : i32 to index
    %get3A_60 = arith.constant 0 : index
    %get3A_61 = tpu.vector_load %arg9[%get3A_59, %get3A_60] {strides = array<i32>} : memref<33x16xf32, #tpu.memory_space<vmem>>, vector<1x16xf32>,
    %get3A_62 = vector.shape_cast %get3A_61 : vector<1x16xf32> to vector<16xf32>
    %get3A_63 = arith.constant 12 : i32
    %get3A_64 = arith.index_cast %get3A_63 : i32 to index
    %get3A_65 = arith.constant 0 : index
    %get3A_66 = tpu.vector_load %arg9[%get3A_64, %get3A_65] {strides = array<i32>} : memref<33x16xf32, #tpu.memory_space<vmem>>, vector<1x16xf32>,
    %get3A_67 = vector.shape_cast %get3A_66 : vector<1x16xf32> to vector<16xf32>
    %get3A_68 = arith.constant 13 : i32
    %get3A_69 = arith.index_cast %get3A_68 : i32 to index
    %get3A_70 = arith.constant 0 : index
    %get3A_71 = tpu.vector_load %arg9[%get3A_69, %get3A_70] {strides = array<i32>} : memref<33x16xf32, #tpu.memory_space<vmem>>, vector<1x16xf32>,
    %get3A_72 = vector.shape_cast %get3A_71 : vector<1x16xf32> to vector<16xf32>
    %get3A_73 = arith.constant 14 : i32
    %get3A_74 = arith.index_cast %get3A_73 : i32 to index
    %get3A_75 = arith.constant 0 : index
    %get3A_76 = tpu.vector_load %arg9[%get3A_74, %get3A_75] {strides = array<i32>} : memref<33x16xf32, #tpu.memory_space<vmem>>, vector<1x16xf32>,
    %get3A_77 = vector.shape_cast %get3A_76 : vector<1x16xf32> to vector<16xf32>
    %get3A_78 = arith.constant 15 : i32
    %get3A_79 = arith.index_cast %get3A_78 : i32 to index
    %get3A_80 = arith.constant 0 : index
    %get3A_81 = tpu.vector_load %arg9[%get3A_79, %get3A_80] {strides = array<i32>} : memref<33x16xf32, #tpu.memory_space<vmem>>, vector<1x16xf32>,
    %get3A_82 = vector.shape_cast %get3A_81 : vector<1x16xf32> to vector<16xf32>
    %get3A_83 = arith.constant 16 : i32
    %get3A_84 = arith.index_cast %get3A_83 : i32 to index
    %get3A_85 = arith.constant 0 : index
    %get3A_86 = tpu.vector_load %arg9[%get3A_84, %get3A_85] {strides = array<i32>} : memref<33x16xf32, #tpu.memory_space<vmem>>, vector<1x16xf32>,
    %get3A_87 = vector.shape_cast %get3A_86 : vector<1x16xf32> to vector<16xf32>
    %get3A_88 = arith.constant 17 : i32
    %get3A_89 = arith.index_cast %get3A_88 : i32 to index
    %get3A_90 = arith.constant 0 : index
    %get3A_91 = tpu.vector_load %arg9[%get3A_89, %get3A_90] {strides = array<i32>} : memref<33x16xf32, #tpu.memory_space<vmem>>, vector<1x16xf32>,
    %get3A_92 = vector.shape_cast %get3A_91 : vector<1x16xf32> to vector<16xf32>
    %get3A_93 = arith.constant 18 : i32
    %get3A_94 = arith.index_cast %get3A_93 : i32 to index
    %get3A_95 = arith.constant 0 : index
    %get3A_96 = tpu.vector_load %arg9[%get3A_94, %get3A_95] {strides = array<i32>} : memref<33x16xf32, #tpu.memory_space<vmem>>, vector<1x16xf32>,
    %get3A_97 = vector.shape_cast %get3A_96 : vector<1x16xf32> to vector<16xf32>
    %get3A_98 = arith.constant 19 : i32
    %get3A_99 = arith.index_cast %get3A_98 : i32 to index
    %get3A_100 = arith.constant 0 : index
    %get3A_101 = tpu.vector_load %arg9[%get3A_99, %get3A_100] {strides = array<i32>} : memref<33x16xf32, #tpu.memory_space<vmem>>, vector<1x16xf32>,
    %get3A_102 = vector.shape_cast %get3A_101 : vector<1x16xf32> to vector<16xf32>
    %get3A_103 = arith.constant 20 : i32
    %get3A_104 = arith.index_cast %get3A_103 : i32 to index
    %get3A_105 = arith.constant 0 : index
    %get3A_106 = tpu.vector_load %arg9[%get3A_104, %get3A_105] {strides = array<i32>} : memref<33x16xf32, #tpu.memory_space<vmem>>, vector<1x16xf32>,
    %get3A_107 = vector.shape_cast %get3A_106 : vector<1x16xf32> to vector<16xf32>
    %get3A_108 = arith.constant 21 : i32
    %get3A_109 = arith.index_cast %get3A_108 : i32 to index
    %get3A_110 = arith.constant 0 : index
    %get3A_111 = tpu.vector_load %arg9[%get3A_109, %get3A_110] {strides = array<i32>} : memref<33x16xf32, #tpu.memory_space<vmem>>, vector<1x16xf32>,
    %get3A_112 = vector.shape_cast %get3A_111 : vector<1x16xf32> to vector<16xf32>
    %get3A_113 = arith.constant 22 : i32
    %get3A_114 = arith.index_cast %get3A_113 : i32 to index
    %get3A_115 = arith.constant 0 : index
    %get3A_116 = tpu.vector_load %arg9[%get3A_114, %get3A_115] {strides = array<i32>} : memref<33x16xf32, #tpu.memory_space<vmem>>, vector<1x16xf32>,
    %get3A_117 = vector.shape_cast %get3A_116 : vector<1x16xf32> to vector<16xf32>
    %get3A_118 = arith.constant 23 : i32
    %get3A_119 = arith.index_cast %get3A_118 : i32 to index
    %get3A_120 = arith.constant 0 : index
    %get3A_121 = tpu.vector_load %arg9[%get3A_119, %get3A_120] {strides = array<i32>} : memref<33x16xf32, #tpu.memory_space<vmem>>, vector<1x16xf32>,
    %get3A_122 = vector.shape_cast %get3A_121 : vector<1x16xf32> to vector<16xf32>
    %get3A_123 = arith.constant 24 : i32
    %get3A_124 = arith.index_cast %get3A_123 : i32 to index
    %get3A_125 = arith.constant 0 : index
    %get3A_126 = tpu.vector_load %arg9[%get3A_124, %get3A_125] {strides = array<i32>} : memref<33x16xf32, #tpu.memory_space<vmem>>, vector<1x16xf32>,
    %get3A_127 = vector.shape_cast %get3A_126 : vector<1x16xf32> to vector<16xf32>
    %get3A_128 = arith.constant 25 : i32
    %get3A_129 = arith.index_cast %get3A_128 : i32 to index
    %get3A_130 = arith.constant 0 : index
    %get3A_131 = tpu.vector_load %arg9[%get3A_129, %get3A_130] {strides = array<i32>} : memref<33x16xf32, #tpu.memory_space<vmem>>, vector<1x16xf32>,
    %get3A_132 = vector.shape_cast %get3A_131 : vector<1x16xf32> to vector<16xf32>
    %get3A_133 = arith.constant 26 : i32
    %get3A_134 = arith.index_cast %get3A_133 : i32 to index
    %get3A_135 = arith.constant 0 : index
    %get3A_136 = tpu.vector_load %arg9[%get3A_134, %get3A_135] {strides = array<i32>} : memref<33x16xf32, #tpu.memory_space<vmem>>, vector<1x16xf32>,
    %get3A_137 = vector.shape_cast %get3A_136 : vector<1x16xf32> to vector<16xf32>
    %get3A_138 = arith.constant 27 : i32
    %get3A_139 = arith.index_cast %get3A_138 : i32 to index
    %get3A_140 = arith.constant 0 : index
    %get3A_141 = tpu.vector_load %arg9[%get3A_139, %get3A_140] {strides = array<i32>} : memref<33x16xf32, #tpu.memory_space<vmem>>, vector<1x16xf32>,
    %get3A_142 = vector.shape_cast %get3A_141 : vector<1x16xf32> to vector<16xf32>
    %get3A_143 = arith.constant 28 : i32
    %get3A_144 = arith.index_cast %get3A_143 : i32 to index
    %get3A_145 = arith.constant 0 : index
    %get3A_146 = tpu.vector_load %arg9[%get3A_144, %get3A_145] {strides = array<i32>} : memref<33x16xf32, #tpu.memory_space<vmem>>, vector<1x16xf32>,
    %get3A_147 = vector.shape_cast %get3A_146 : vector<1x16xf32> to vector<16xf32>
    %get3A_148 = arith.constant 29 : i32
    %get3A_149 = arith.index_cast %get3A_148 : i32 to index
    %get3A_150 = arith.constant 0 : index
    %get3A_151 = tpu.vector_load %arg9[%get3A_149, %get3A_150] {strides = array<i32>} : memref<33x16xf32, #tpu.memory_space<vmem>>, vector<1x16xf32>,
    %get3A_152 = vector.shape_cast %get3A_151 : vector<1x16xf32> to vector<16xf32>
    %get3A_153 = arith.constant 30 : i32
    %get3A_154 = arith.index_cast %get3A_153 : i32 to index
    %get3A_155 = arith.constant 0 : index
    %get3A_156 = tpu.vector_load %arg9[%get3A_154, %get3A_155] {strides = array<i32>} : memref<33x16xf32, #tpu.memory_space<vmem>>, vector<1x16xf32>,
    %get3A_157 = vector.shape_cast %get3A_156 : vector<1x16xf32> to vector<16xf32>
    %get3A_158 = arith.constant 31 : i32
    %get3A_159 = arith.index_cast %get3A_158 : i32 to index
    %get3A_160 = arith.constant 0 : index
    %get3A_161 = tpu.vector_load %arg9[%get3A_159, %get3A_160] {strides = array<i32>} : memref<33x16xf32, #tpu.memory_space<vmem>>, vector<1x16xf32>,
    %get3A_162 = vector.shape_cast %get3A_161 : vector<1x16xf32> to vector<16xf32>
    %get3A_163 = arith.constant 32 : i32
    %get3A_164 = arith.index_cast %get3A_163 : i32 to index
    %get3A_165 = arith.constant 0 : index
    %get3A_166 = tpu.vector_load %arg9[%get3A_164, %get3A_165] {strides = array<i32>} : memref<33x16xf32, #tpu.memory_space<vmem>>, vector<1x16xf32>,
    %get3A_167 = vector.shape_cast %get3A_166 : vector<1x16xf32> to vector<16xf32>
    %mul3A_168 = arith.constant 32 : i32
    %mul3A_169 = arith.muli %add3A, %mul3A_168 : i32
    %add3A_170 = arith.constant 0 : i32
    %add3A_171 = arith.addi %mul3A_169, %add3A_170 : i32
    "tpu.region"() ({
      %run_scoped3A = tpu.sem_alloc : memref<!tpu.dma_semaphore, #tpu.memory_space<semaphore_mem>>
      %dma_start3A_198 = arith.constant 0 : i32
      %dma_start3A_199 = arith.constant 0 : i32
      %dma_start3A_200 = tpu.memref_slice %arg2[%dma_start3A_198, %add3A_171, %dma_start3A_199] : memref<75x1024x128xf32, #tpu.memory_space<hbm>> -> memref<16x8x128xf32, #tpu.memory_space<hbm>>
      %dma_start3A_201 = arith.constant 0 : i32
      %dma_start3A_202 = arith.constant 0 : i32
      %dma_start3A_203 = tpu.memref_slice %arg2[%dma_start3A_201, %add3A_171, %dma_start3A_202] : memref<75x1024x128xf32, #tpu.memory_space<hbm>> -> memref<16x8x128xf32, #tpu.memory_space<hbm>>
      tpu.enqueue_dma source(%dma_start3A_203 : memref<16x8x128xf32, #tpu.memory_space<hbm>>) target(%arg6 : memref<16x8x128xf32, #tpu.memory_space<vmem>>) target_semaphore(%run_scoped3A : memref<!tpu.dma_semaphore, #tpu.memory_space<semaphore_mem>>)
      %dma_wait3A_204 = arith.constant 0 : i32
      %dma_wait3A_205 = arith.constant 0 : i32
      %dma_wait3A_206 = tpu.memref_slice %arg2[%dma_wait3A_204, %add3A_171, %dma_wait3A_205] : memref<75x1024x128xf32, #tpu.memory_space<hbm>> -> memref<16x8x128xf32, #tpu.memory_space<hbm>>
      %dma_wait3A_207 = arith.constant 0 : i32
      %dma_wait3A_208 = arith.constant 0 : i32
      %dma_wait3A_209 = tpu.memref_slice %arg2[%dma_wait3A_207, %add3A_171, %dma_wait3A_208] : memref<75x1024x128xf32, #tpu.memory_space<hbm>> -> memref<16x8x128xf32, #tpu.memory_space<hbm>>
      tpu.wait_dma2 semaphore(%run_scoped3A : memref<!tpu.dma_semaphore, #tpu.memory_space<semaphore_mem>>) src(%dma_wait3A_209 : memref<16x8x128xf32, #tpu.memory_space<hbm>>) dst(%arg6 : memref<16x8x128xf32, #tpu.memory_space<vmem>>)
      tpu.yield
    }) : () -> ()
    "tpu.region"() ({
      %run_scoped3A = tpu.sem_alloc : memref<!tpu.dma_semaphore, #tpu.memory_space<semaphore_mem>>
      %dma_start3A_198 = arith.constant 44 : i32
      %dma_start3A_199 = arith.constant 0 : i32
      %dma_start3A_200 = tpu.memref_slice %arg2[%dma_start3A_198, %add3A_171, %dma_start3A_199] : memref<75x1024x128xf32, #tpu.memory_space<hbm>> -> memref<31x8x128xf32, #tpu.memory_space<hbm>>
      %dma_start3A_201 = arith.constant 44 : i32
      %dma_start3A_202 = arith.constant 0 : i32
      %dma_start3A_203 = tpu.memref_slice %arg2[%dma_start3A_201, %add3A_171, %dma_start3A_202] : memref<75x1024x128xf32, #tpu.memory_space<hbm>> -> memref<31x8x128xf32, #tpu.memory_space<hbm>>
      tpu.enqueue_dma source(%dma_start3A_203 : memref<31x8x128xf32, #tpu.memory_space<hbm>>) target(%arg7 : memref<31x8x128xf32, #tpu.memory_space<vmem>>) target_semaphore(%run_scoped3A : memref<!tpu.dma_semaphore, #tpu.memory_space<semaphore_mem>>)
      %dma_wait3A_204 = arith.constant 44 : i32
      %dma_wait3A_205 = arith.constant 0 : i32
      %dma_wait3A_206 = tpu.memref_slice %arg2[%dma_wait3A_204, %add3A_171, %dma_wait3A_205] : memref<75x1024x128xf32, #tpu.memory_space<hbm>> -> memref<31x8x128xf32, #tpu.memory_space<hbm>>
      %dma_wait3A_207 = arith.constant 44 : i32
      %dma_wait3A_208 = arith.constant 0 : i32
      %dma_wait3A_209 = tpu.memref_slice %arg2[%dma_wait3A_207, %add3A_171, %dma_wait3A_208] : memref<75x1024x128xf32, #tpu.memory_space<hbm>> -> memref<31x8x128xf32, #tpu.memory_space<hbm>>
      tpu.wait_dma2 semaphore(%run_scoped3A : memref<!tpu.dma_semaphore, #tpu.memory_space<semaphore_mem>>) src(%dma_wait3A_209 : memref<31x8x128xf32, #tpu.memory_space<hbm>>) dst(%arg7 : memref<31x8x128xf32, #tpu.memory_space<vmem>>)
      tpu.yield
    }) : () -> ()
    %parallel_loop3A = arith.constant 0 : i32
    %parallel_loop3A_172 = arith.constant 64 : i32
    %parallel_loop3A_173 = arith.constant 1 : i32
    scf.for %parallel_loop3A_198 = %parallel_loop3A to %parallel_loop3A_172 step %parallel_loop3A_173  : i32 {
      %parallel_loop3A_199 = arith.constant 3 : i32
      %parallel_loop3A_200 = arith.shrsi %parallel_loop3A_198, %parallel_loop3A_199 : i32
      %parallel_loop3A_201 = arith.constant 7 : i32
      %parallel_loop3A_202 = arith.andi %parallel_loop3A_198, %parallel_loop3A_201 : i32
      %parallel_loop3A_203 = arith.constant 16 : i32
      %parallel_loop3A_204 = arith.muli %parallel_loop3A_202, %parallel_loop3A_203 : i32
      %parallel_loop3A_205 = arith.constant 0 : i32
      %parallel_loop3A_206 = arith.index_cast %parallel_loop3A_205 : i32 to index
      %parallel_loop3A_207 = arith.index_cast %parallel_loop3A_200 : i32 to index
      %parallel_loop3A_208 = arith.index_cast %parallel_loop3A_204 : i32 to index
      %parallel_loop3A_209 = tpu.vector_load %arg6[%parallel_loop3A_206, %parallel_loop3A_207, %parallel_loop3A_208] {strides = array<i32>} : memref<16x8x128xf32, #tpu.memory_space<vmem>>, vector<1x1x16xf32>,
      %parallel_loop3A_210 = vector.shape_cast %parallel_loop3A_209 : vector<1x1x16xf32> to vector<16xf32>
      %parallel_loop3A_211 = arith.constant 1 : i32
      %parallel_loop3A_212 = arith.index_cast %parallel_loop3A_211 : i32 to index
      %parallel_loop3A_213 = arith.index_cast %parallel_loop3A_200 : i32 to index
      %parallel_loop3A_214 = arith.index_cast %parallel_loop3A_204 : i32 to index
      %parallel_loop3A_215 = tpu.vector_load %arg6[%parallel_loop3A_212, %parallel_loop3A_213, %parallel_loop3A_214] {strides = array<i32>} : memref<16x8x128xf32, #tpu.memory_space<vmem>>, vector<1x1x16xf32>,
      %parallel_loop3A_216 = vector.shape_cast %parallel_loop3A_215 : vector<1x1x16xf32> to vector<16xf32>
      %parallel_loop3A_217 = arith.constant 2 : i32
      %parallel_loop3A_218 = arith.index_cast %parallel_loop3A_217 : i32 to index
      %parallel_loop3A_219 = arith.index_cast %parallel_loop3A_200 : i32 to index
      %parallel_loop3A_220 = arith.index_cast %parallel_loop3A_204 : i32 to index
      %parallel_loop3A_221 = tpu.vector_load %arg6[%parallel_loop3A_218, %parallel_loop3A_219, %parallel_loop3A_220] {strides = array<i32>} : memref<16x8x128xf32, #tpu.memory_space<vmem>>, vector<1x1x16xf32>,
      %parallel_loop3A_222 = vector.shape_cast %parallel_loop3A_221 : vector<1x1x16xf32> to vector<16xf32>
      %parallel_loop3A_223 = arith.constant 3 : i32
      %parallel_loop3A_224 = arith.index_cast %parallel_loop3A_223 : i32 to index
      %parallel_loop3A_225 = arith.index_cast %parallel_loop3A_200 : i32 to index
      %parallel_loop3A_226 = arith.index_cast %parallel_loop3A_204 : i32 to index
      %parallel_loop3A_227 = tpu.vector_load %arg6[%parallel_loop3A_224, %parallel_loop3A_225, %parallel_loop3A_226] {strides = array<i32>} : memref<16x8x128xf32, #tpu.memory_space<vmem>>, vector<1x1x16xf32>,
      %parallel_loop3A_228 = vector.shape_cast %parallel_loop3A_227 : vector<1x1x16xf32> to vector<16xf32>
      %parallel_loop3A_229 = arith.constant 4 : i32
      %parallel_loop3A_230 = arith.index_cast %parallel_loop3A_229 : i32 to index
      %parallel_loop3A_231 = arith.index_cast %parallel_loop3A_200 : i32 to index
      %parallel_loop3A_232 = arith.index_cast %parallel_loop3A_204 : i32 to index
      %parallel_loop3A_233 = tpu.vector_load %arg6[%parallel_loop3A_230, %parallel_loop3A_231, %parallel_loop3A_232] {strides = array<i32>} : memref<16x8x128xf32, #tpu.memory_space<vmem>>, vector<1x1x16xf32>,
      %parallel_loop3A_234 = vector.shape_cast %parallel_loop3A_233 : vector<1x1x16xf32> to vector<16xf32>
      %parallel_loop3A_235 = arith.constant 5 : i32
      %parallel_loop3A_236 = arith.index_cast %parallel_loop3A_235 : i32 to index
      %parallel_loop3A_237 = arith.index_cast %parallel_loop3A_200 : i32 to index
      %parallel_loop3A_238 = arith.index_cast %parallel_loop3A_204 : i32 to index
      %parallel_loop3A_239 = tpu.vector_load %arg6[%parallel_loop3A_236, %parallel_loop3A_237, %parallel_loop3A_238] {strides = array<i32>} : memref<16x8x128xf32, #tpu.memory_space<vmem>>, vector<1x1x16xf32>,
      %parallel_loop3A_240 = vector.shape_cast %parallel_loop3A_239 : vector<1x1x16xf32> to vector<16xf32>
      %parallel_loop3A_241 = arith.constant 6 : i32
      %parallel_loop3A_242 = arith.index_cast %parallel_loop3A_241 : i32 to index
      %parallel_loop3A_243 = arith.index_cast %parallel_loop3A_200 : i32 to index
      %parallel_loop3A_244 = arith.index_cast %parallel_loop3A_204 : i32 to index
      %parallel_loop3A_245 = tpu.vector_load %arg6[%parallel_loop3A_242, %parallel_loop3A_243, %parallel_loop3A_244] {strides = array<i32>} : memref<16x8x128xf32, #tpu.memory_space<vmem>>, vector<1x1x16xf32>,
      %parallel_loop3A_246 = vector.shape_cast %parallel_loop3A_245 : vector<1x1x16xf32> to vector<16xf32>
      %parallel_loop3A_247 = arith.constant 7 : i32
      %parallel_loop3A_248 = arith.index_cast %parallel_loop3A_247 : i32 to index
      %parallel_loop3A_249 = arith.index_cast %parallel_loop3A_200 : i32 to index
      %parallel_loop3A_250 = arith.index_cast %parallel_loop3A_204 : i32 to index
      %parallel_loop3A_251 = tpu.vector_load %arg6[%parallel_loop3A_248, %parallel_loop3A_249, %parallel_loop3A_250] {strides = array<i32>} : memref<16x8x128xf32, #tpu.memory_space<vmem>>, vector<1x1x16xf32>,
      %parallel_loop3A_252 = vector.shape_cast %parallel_loop3A_251 : vector<1x1x16xf32> to vector<16xf32>
      %parallel_loop3A_253 = arith.constant 8 : i32
      %parallel_loop3A_254 = arith.index_cast %parallel_loop3A_253 : i32 to index
      %parallel_loop3A_255 = arith.index_cast %parallel_loop3A_200 : i32 to index
      %parallel_loop3A_256 = arith.index_cast %parallel_loop3A_204 : i32 to index
      %parallel_loop3A_257 = tpu.vector_load %arg6[%parallel_loop3A_254, %parallel_loop3A_255, %parallel_loop3A_256] {strides = array<i32>} : memref<16x8x128xf32, #tpu.memory_space<vmem>>, vector<1x1x16xf32>,
      %parallel_loop3A_258 = vector.shape_cast %parallel_loop3A_257 : vector<1x1x16xf32> to vector<16xf32>
      %parallel_loop3A_259 = arith.constant 9 : i32
      %parallel_loop3A_260 = arith.index_cast %parallel_loop3A_259 : i32 to index
      %parallel_loop3A_261 = arith.index_cast %parallel_loop3A_200 : i32 to index
      %parallel_loop3A_262 = arith.index_cast %parallel_loop3A_204 : i32 to index
      %parallel_loop3A_263 = tpu.vector_load %arg6[%parallel_loop3A_260, %parallel_loop3A_261, %parallel_loop3A_262] {strides = array<i32>} : memref<16x8x128xf32, #tpu.memory_space<vmem>>, vector<1x1x16xf32>,
      %parallel_loop3A_264 = vector.shape_cast %parallel_loop3A_263 : vector<1x1x16xf32> to vector<16xf32>
      %parallel_loop3A_265 = arith.constant 10 : i32
      %parallel_loop3A_266 = arith.index_cast %parallel_loop3A_265 : i32 to index
      %parallel_loop3A_267 = arith.index_cast %parallel_loop3A_200 : i32 to index
      %parallel_loop3A_268 = arith.index_cast %parallel_loop3A_204 : i32 to index
      %parallel_loop3A_269 = tpu.vector_load %arg6[%parallel_loop3A_266, %parallel_loop3A_267, %parallel_loop3A_268] {strides = array<i32>} : memref<16x8x128xf32, #tpu.memory_space<vmem>>, vector<1x1x16xf32>,
      %parallel_loop3A_270 = vector.shape_cast %parallel_loop3A_269 : vector<1x1x16xf32> to vector<16xf32>
      %parallel_loop3A_271 = arith.constant 11 : i32
      %parallel_loop3A_272 = arith.index_cast %parallel_loop3A_271 : i32 to index
      %parallel_loop3A_273 = arith.index_cast %parallel_loop3A_200 : i32 to index
      %parallel_loop3A_274 = arith.index_cast %parallel_loop3A_204 : i32 to index
      %parallel_loop3A_275 = tpu.vector_load %arg6[%parallel_loop3A_272, %parallel_loop3A_273, %parallel_loop3A_274] {strides = array<i32>} : memref<16x8x128xf32, #tpu.memory_space<vmem>>, vector<1x1x16xf32>,
      %parallel_loop3A_276 = vector.shape_cast %parallel_loop3A_275 : vector<1x1x16xf32> to vector<16xf32>
      %parallel_loop3A_277 = arith.constant 12 : i32
      %parallel_loop3A_278 = arith.index_cast %parallel_loop3A_277 : i32 to index
      %parallel_loop3A_279 = arith.index_cast %parallel_loop3A_200 : i32 to index
      %parallel_loop3A_280 = arith.index_cast %parallel_loop3A_204 : i32 to index
      %parallel_loop3A_281 = tpu.vector_load %arg6[%parallel_loop3A_278, %parallel_loop3A_279, %parallel_loop3A_280] {strides = array<i32>} : memref<16x8x128xf32, #tpu.memory_space<vmem>>, vector<1x1x16xf32>,
      %parallel_loop3A_282 = vector.shape_cast %parallel_loop3A_281 : vector<1x1x16xf32> to vector<16xf32>
      %parallel_loop3A_283 = arith.constant 13 : i32
      %parallel_loop3A_284 = arith.index_cast %parallel_loop3A_283 : i32 to index
      %parallel_loop3A_285 = arith.index_cast %parallel_loop3A_200 : i32 to index
      %parallel_loop3A_286 = arith.index_cast %parallel_loop3A_204 : i32 to index
      %parallel_loop3A_287 = tpu.vector_load %arg6[%parallel_loop3A_284, %parallel_loop3A_285, %parallel_loop3A_286] {strides = array<i32>} : memref<16x8x128xf32, #tpu.memory_space<vmem>>, vector<1x1x16xf32>,
      %parallel_loop3A_288 = vector.shape_cast %parallel_loop3A_287 : vector<1x1x16xf32> to vector<16xf32>
      %parallel_loop3A_289 = arith.constant 14 : i32
      %parallel_loop3A_290 = arith.index_cast %parallel_loop3A_289 : i32 to index
      %parallel_loop3A_291 = arith.index_cast %parallel_loop3A_200 : i32 to index
      %parallel_loop3A_292 = arith.index_cast %parallel_loop3A_204 : i32 to index
      %parallel_loop3A_293 = tpu.vector_load %arg6[%parallel_loop3A_290, %parallel_loop3A_291, %parallel_loop3A_292] {strides = array<i32>} : memref<16x8x128xf32, #tpu.memory_space<vmem>>, vector<1x1x16xf32>,
      %parallel_loop3A_294 = vector.shape_cast %parallel_loop3A_293 : vector<1x1x16xf32> to vector<16xf32>
      %parallel_loop3A_295 = arith.constant 15 : i32
      %parallel_loop3A_296 = arith.index_cast %parallel_loop3A_295 : i32 to index
      %parallel_loop3A_297 = arith.index_cast %parallel_loop3A_200 : i32 to index
      %parallel_loop3A_298 = arith.index_cast %parallel_loop3A_204 : i32 to index
      %parallel_loop3A_299 = tpu.vector_load %arg6[%parallel_loop3A_296, %parallel_loop3A_297, %parallel_loop3A_298] {strides = array<i32>} : memref<16x8x128xf32, #tpu.memory_space<vmem>>, vector<1x1x16xf32>,
      %parallel_loop3A_300 = vector.shape_cast %parallel_loop3A_299 : vector<1x1x16xf32> to vector<16xf32>
      %parallel_loop3A_301 = arith.maximumf %parallel_loop3A_210, %parallel_loop3A_216 : vector<16xf32>
      %parallel_loop3A_302 = arith.maximumf %parallel_loop3A_301, %parallel_loop3A_222 : vector<16xf32>
      %parallel_loop3A_303 = arith.maximumf %parallel_loop3A_302, %parallel_loop3A_228 : vector<16xf32>
      %parallel_loop3A_304 = arith.maximumf %parallel_loop3A_303, %parallel_loop3A_234 : vector<16xf32>
      %parallel_loop3A_305 = arith.maximumf %parallel_loop3A_304, %parallel_loop3A_240 : vector<16xf32>
      %parallel_loop3A_306 = arith.maximumf %parallel_loop3A_305, %parallel_loop3A_246 : vector<16xf32>
      %parallel_loop3A_307 = arith.maximumf %parallel_loop3A_306, %parallel_loop3A_252 : vector<16xf32>
      %parallel_loop3A_308 = arith.maximumf %parallel_loop3A_307, %parallel_loop3A_258 : vector<16xf32>
      %parallel_loop3A_309 = arith.maximumf %parallel_loop3A_308, %parallel_loop3A_264 : vector<16xf32>
      %parallel_loop3A_310 = arith.maximumf %parallel_loop3A_309, %parallel_loop3A_270 : vector<16xf32>
      %parallel_loop3A_311 = arith.maximumf %parallel_loop3A_310, %parallel_loop3A_276 : vector<16xf32>
      %parallel_loop3A_312 = arith.maximumf %parallel_loop3A_311, %parallel_loop3A_282 : vector<16xf32>
      %parallel_loop3A_313 = arith.maximumf %parallel_loop3A_312, %parallel_loop3A_288 : vector<16xf32>
      %parallel_loop3A_314 = arith.maximumf %parallel_loop3A_313, %parallel_loop3A_294 : vector<16xf32>
      %parallel_loop3A_315 = arith.maximumf %parallel_loop3A_314, %parallel_loop3A_300 : vector<16xf32>
      %parallel_loop3A_316 = arith.constant 0 : i32
      %parallel_loop3A_317 = vector.broadcast %parallel_loop3A_316 : i32 to vector<16xi32>
      %parallel_loop3A_318 = arith.cmpf oeq, %parallel_loop3A_300, %parallel_loop3A_315 : vector<16xf32>
      %parallel_loop3A_319 = arith.constant 15 : i32
      %parallel_loop3A_320 = vector.broadcast %parallel_loop3A_319 : i32 to vector<16xi32>
      %parallel_loop3A_321 = arith.select %parallel_loop3A_318, %parallel_loop3A_320, %parallel_loop3A_317 : vector<16xi1>, vector<16xi32>
      %parallel_loop3A_322 = arith.cmpf oeq, %parallel_loop3A_294, %parallel_loop3A_315 : vector<16xf32>
      %parallel_loop3A_323 = arith.constant 14 : i32
      %parallel_loop3A_324 = vector.broadcast %parallel_loop3A_323 : i32 to vector<16xi32>
      %parallel_loop3A_325 = arith.select %parallel_loop3A_322, %parallel_loop3A_324, %parallel_loop3A_321 : vector<16xi1>, vector<16xi32>
      %parallel_loop3A_326 = arith.cmpf oeq, %parallel_loop3A_288, %parallel_loop3A_315 : vector<16xf32>
      %parallel_loop3A_327 = arith.constant 13 : i32
      %parallel_loop3A_328 = vector.broadcast %parallel_loop3A_327 : i32 to vector<16xi32>
      %parallel_loop3A_329 = arith.select %parallel_loop3A_326, %parallel_loop3A_328, %parallel_loop3A_325 : vector<16xi1>, vector<16xi32>
      %parallel_loop3A_330 = arith.cmpf oeq, %parallel_loop3A_282, %parallel_loop3A_315 : vector<16xf32>
      %parallel_loop3A_331 = arith.constant 12 : i32
      %parallel_loop3A_332 = vector.broadcast %parallel_loop3A_331 : i32 to vector<16xi32>
      %parallel_loop3A_333 = arith.select %parallel_loop3A_330, %parallel_loop3A_332, %parallel_loop3A_329 : vector<16xi1>, vector<16xi32>
      %parallel_loop3A_334 = arith.cmpf oeq, %parallel_loop3A_276, %parallel_loop3A_315 : vector<16xf32>
      %parallel_loop3A_335 = arith.constant 11 : i32
      %parallel_loop3A_336 = vector.broadcast %parallel_loop3A_335 : i32 to vector<16xi32>
      %parallel_loop3A_337 = arith.select %parallel_loop3A_334, %parallel_loop3A_336, %parallel_loop3A_333 : vector<16xi1>, vector<16xi32>
      %parallel_loop3A_338 = arith.cmpf oeq, %parallel_loop3A_270, %parallel_loop3A_315 : vector<16xf32>
      %parallel_loop3A_339 = arith.constant 10 : i32
      %parallel_loop3A_340 = vector.broadcast %parallel_loop3A_339 : i32 to vector<16xi32>
      %parallel_loop3A_341 = arith.select %parallel_loop3A_338, %parallel_loop3A_340, %parallel_loop3A_337 : vector<16xi1>, vector<16xi32>
      %parallel_loop3A_342 = arith.cmpf oeq, %parallel_loop3A_264, %parallel_loop3A_315 : vector<16xf32>
      %parallel_loop3A_343 = arith.constant 9 : i32
      %parallel_loop3A_344 = vector.broadcast %parallel_loop3A_343 : i32 to vector<16xi32>
      %parallel_loop3A_345 = arith.select %parallel_loop3A_342, %parallel_loop3A_344, %parallel_loop3A_341 : vector<16xi1>, vector<16xi32>
      %parallel_loop3A_346 = arith.cmpf oeq, %parallel_loop3A_258, %parallel_loop3A_315 : vector<16xf32>
      %parallel_loop3A_347 = arith.constant 8 : i32
      %parallel_loop3A_348 = vector.broadcast %parallel_loop3A_347 : i32 to vector<16xi32>
      %parallel_loop3A_349 = arith.select %parallel_loop3A_346, %parallel_loop3A_348, %parallel_loop3A_345 : vector<16xi1>, vector<16xi32>
      %parallel_loop3A_350 = arith.cmpf oeq, %parallel_loop3A_252, %parallel_loop3A_315 : vector<16xf32>
      %parallel_loop3A_351 = arith.constant 7 : i32
      %parallel_loop3A_352 = vector.broadcast %parallel_loop3A_351 : i32 to vector<16xi32>
      %parallel_loop3A_353 = arith.select %parallel_loop3A_350, %parallel_loop3A_352, %parallel_loop3A_349 : vector<16xi1>, vector<16xi32>
      %parallel_loop3A_354 = arith.cmpf oeq, %parallel_loop3A_246, %parallel_loop3A_315 : vector<16xf32>
      %parallel_loop3A_355 = arith.constant 6 : i32
      %parallel_loop3A_356 = vector.broadcast %parallel_loop3A_355 : i32 to vector<16xi32>
      %parallel_loop3A_357 = arith.select %parallel_loop3A_354, %parallel_loop3A_356, %parallel_loop3A_353 : vector<16xi1>, vector<16xi32>
      %parallel_loop3A_358 = arith.cmpf oeq, %parallel_loop3A_240, %parallel_loop3A_315 : vector<16xf32>
      %parallel_loop3A_359 = arith.constant 5 : i32
      %parallel_loop3A_360 = vector.broadcast %parallel_loop3A_359 : i32 to vector<16xi32>
      %parallel_loop3A_361 = arith.select %parallel_loop3A_358, %parallel_loop3A_360, %parallel_loop3A_357 : vector<16xi1>, vector<16xi32>
      %parallel_loop3A_362 = arith.cmpf oeq, %parallel_loop3A_234, %parallel_loop3A_315 : vector<16xf32>
      %parallel_loop3A_363 = arith.constant 4 : i32
      %parallel_loop3A_364 = vector.broadcast %parallel_loop3A_363 : i32 to vector<16xi32>
      %parallel_loop3A_365 = arith.select %parallel_loop3A_362, %parallel_loop3A_364, %parallel_loop3A_361 : vector<16xi1>, vector<16xi32>
      %parallel_loop3A_366 = arith.cmpf oeq, %parallel_loop3A_228, %parallel_loop3A_315 : vector<16xf32>
      %parallel_loop3A_367 = arith.constant 3 : i32
      %parallel_loop3A_368 = vector.broadcast %parallel_loop3A_367 : i32 to vector<16xi32>
      %parallel_loop3A_369 = arith.select %parallel_loop3A_366, %parallel_loop3A_368, %parallel_loop3A_365 : vector<16xi1>, vector<16xi32>
      %parallel_loop3A_370 = arith.cmpf oeq, %parallel_loop3A_222, %parallel_loop3A_315 : vector<16xf32>
      %parallel_loop3A_371 = arith.constant 2 : i32
      %parallel_loop3A_372 = vector.broadcast %parallel_loop3A_371 : i32 to vector<16xi32>
      %parallel_loop3A_373 = arith.select %parallel_loop3A_370, %parallel_loop3A_372, %parallel_loop3A_369 : vector<16xi1>, vector<16xi32>
      %parallel_loop3A_374 = arith.cmpf oeq, %parallel_loop3A_216, %parallel_loop3A_315 : vector<16xf32>
      %parallel_loop3A_375 = arith.constant 1 : i32
      %parallel_loop3A_376 = vector.broadcast %parallel_loop3A_375 : i32 to vector<16xi32>
      %parallel_loop3A_377 = arith.select %parallel_loop3A_374, %parallel_loop3A_376, %parallel_loop3A_373 : vector<16xi1>, vector<16xi32>
      %parallel_loop3A_378 = arith.cmpf oeq, %parallel_loop3A_210, %parallel_loop3A_315 : vector<16xf32>
      %parallel_loop3A_379 = arith.constant 0 : i32
      %parallel_loop3A_380 = vector.broadcast %parallel_loop3A_379 : i32 to vector<16xi32>
      %parallel_loop3A_381 = arith.select %parallel_loop3A_378, %parallel_loop3A_380, %parallel_loop3A_377 : vector<16xi1>, vector<16xi32>
      %parallel_loop3A_382 = arith.addi %add3A_171, %parallel_loop3A_200 : i32
      %parallel_loop3A_383 = vector.broadcast %parallel_loop3A_382 : i32 to vector<16xi32>
      %parallel_loop3A_384 = arith.cmpi slt, %parallel_loop3A_383, %get3A_2 : vector<16xi32>
      %parallel_loop3A_385 = arith.constant 1.000000e+00 : f32
      %parallel_loop3A_386 = arith.constant 0.000000e+00 : f32
      %parallel_loop3A_387 = vector.broadcast %parallel_loop3A_385 : f32 to vector<16xf32>
      %parallel_loop3A_388 = vector.broadcast %parallel_loop3A_386 : f32 to vector<16xf32>
      %parallel_loop3A_389 = arith.select %parallel_loop3A_384, %parallel_loop3A_387, %parallel_loop3A_388 : vector<16xi1>, vector<16xf32>
      %parallel_loop3A_390 = vector.shape_cast %parallel_loop3A_381 : vector<16xi32> to vector<16x1xi32>
      %parallel_loop3A_391 = vector.shape_cast %parallel_loop3A_390 : vector<16x1xi32> to vector<16xi32>
      %parallel_loop3A_392 = tpu.dynamic_gather %get3A_7[%parallel_loop3A_391] in [0] : vector<16xf32>, vector<16xi32> -> vector<16xf32>
      %parallel_loop3A_393 = arith.mulf %parallel_loop3A_392, %parallel_loop3A_389 : vector<16xf32>
      %parallel_loop3A_394 = arith.constant 0 : i32
      %parallel_loop3A_395 = arith.index_cast %parallel_loop3A_200 : i32 to index
      %parallel_loop3A_396 = arith.index_cast %parallel_loop3A_394 : i32 to index
      %parallel_loop3A_397 = arith.index_cast %parallel_loop3A_204 : i32 to index
      %parallel_loop3A_398 = tpu.vector_load %arg8[%parallel_loop3A_395, %parallel_loop3A_396, %parallel_loop3A_397] {strides = array<i32>} : memref<8x64x128xf32, #tpu.memory_space<vmem>>, vector<1x1x16xf32>,
      %parallel_loop3A_399 = vector.shape_cast %parallel_loop3A_398 : vector<1x1x16xf32> to vector<16xf32>
      %parallel_loop3A_400 = vector.shape_cast %parallel_loop3A_393 : vector<16xf32> to vector<1x1x16xf32>
      tpu.vector_store %arg8[%parallel_loop3A_395, %parallel_loop3A_396, %parallel_loop3A_397], %parallel_loop3A_400 {strides = array<i32>} : memref<8x64x128xf32, #tpu.memory_space<vmem>>, vector<1x1x16xf32>,
      %parallel_loop3A_401 = vector.shape_cast %parallel_loop3A_390 : vector<16x1xi32> to vector<16xi32>
      %parallel_loop3A_402 = tpu.dynamic_gather %get3A_12[%parallel_loop3A_401] in [0] : vector<16xf32>, vector<16xi32> -> vector<16xf32>
      %parallel_loop3A_403 = arith.mulf %parallel_loop3A_402, %parallel_loop3A_389 : vector<16xf32>
      %parallel_loop3A_404 = arith.constant 1 : i32
      %parallel_loop3A_405 = arith.index_cast %parallel_loop3A_200 : i32 to index
      %parallel_loop3A_406 = arith.index_cast %parallel_loop3A_404 : i32 to index
      %parallel_loop3A_407 = arith.index_cast %parallel_loop3A_204 : i32 to index
      %parallel_loop3A_408 = tpu.vector_load %arg8[%parallel_loop3A_405, %parallel_loop3A_406, %parallel_loop3A_407] {strides = array<i32>} : memref<8x64x128xf32, #tpu.memory_space<vmem>>, vector<1x1x16xf32>,
      %parallel_loop3A_409 = vector.shape_cast %parallel_loop3A_408 : vector<1x1x16xf32> to vector<16xf32>
      %parallel_loop3A_410 = vector.shape_cast %parallel_loop3A_403 : vector<16xf32> to vector<1x1x16xf32>
      tpu.vector_store %arg8[%parallel_loop3A_405, %parallel_loop3A_406, %parallel_loop3A_407], %parallel_loop3A_410 {strides = array<i32>} : memref<8x64x128xf32, #tpu.memory_space<vmem>>, vector<1x1x16xf32>,
      %parallel_loop3A_411 = vector.shape_cast %parallel_loop3A_390 : vector<16x1xi32> to vector<16xi32>
      %parallel_loop3A_412 = tpu.dynamic_gather %get3A_17[%parallel_loop3A_411] in [0] : vector<16xf32>, vector<16xi32> -> vector<16xf32>
      %parallel_loop3A_413 = arith.mulf %parallel_loop3A_412, %parallel_loop3A_389 : vector<16xf32>
      %parallel_loop3A_414 = arith.constant 2 : i32
      %parallel_loop3A_415 = arith.index_cast %parallel_loop3A_200 : i32 to index
      %parallel_loop3A_416 = arith.index_cast %parallel_loop3A_414 : i32 to index
      %parallel_loop3A_417 = arith.index_cast %parallel_loop3A_204 : i32 to index
      %parallel_loop3A_418 = tpu.vector_load %arg8[%parallel_loop3A_415, %parallel_loop3A_416, %parallel_loop3A_417] {strides = array<i32>} : memref<8x64x128xf32, #tpu.memory_space<vmem>>, vector<1x1x16xf32>,
      %parallel_loop3A_419 = vector.shape_cast %parallel_loop3A_418 : vector<1x1x16xf32> to vector<16xf32>
      %parallel_loop3A_420 = vector.shape_cast %parallel_loop3A_413 : vector<16xf32> to vector<1x1x16xf32>
      tpu.vector_store %arg8[%parallel_loop3A_415, %parallel_loop3A_416, %parallel_loop3A_417], %parallel_loop3A_420 {strides = array<i32>} : memref<8x64x128xf32, #tpu.memory_space<vmem>>, vector<1x1x16xf32>,
      %parallel_loop3A_421 = vector.shape_cast %parallel_loop3A_390 : vector<16x1xi32> to vector<16xi32>
      %parallel_loop3A_422 = tpu.dynamic_gather %get3A_22[%parallel_loop3A_421] in [0] : vector<16xf32>, vector<16xi32> -> vector<16xf32>
      %parallel_loop3A_423 = arith.mulf %parallel_loop3A_422, %parallel_loop3A_389 : vector<16xf32>
      %parallel_loop3A_424 = arith.constant 3 : i32
      %parallel_loop3A_425 = arith.index_cast %parallel_loop3A_200 : i32 to index
      %parallel_loop3A_426 = arith.index_cast %parallel_loop3A_424 : i32 to index
      %parallel_loop3A_427 = arith.index_cast %parallel_loop3A_204 : i32 to index
      %parallel_loop3A_428 = tpu.vector_load %arg8[%parallel_loop3A_425, %parallel_loop3A_426, %parallel_loop3A_427] {strides = array<i32>} : memref<8x64x128xf32, #tpu.memory_space<vmem>>, vector<1x1x16xf32>,
      %parallel_loop3A_429 = vector.shape_cast %parallel_loop3A_428 : vector<1x1x16xf32> to vector<16xf32>
      %parallel_loop3A_430 = vector.shape_cast %parallel_loop3A_423 : vector<16xf32> to vector<1x1x16xf32>
      tpu.vector_store %arg8[%parallel_loop3A_425, %parallel_loop3A_426, %parallel_loop3A_427], %parallel_loop3A_430 {strides = array<i32>} : memref<8x64x128xf32, #tpu.memory_space<vmem>>, vector<1x1x16xf32>,
      %parallel_loop3A_431 = vector.shape_cast %parallel_loop3A_390 : vector<16x1xi32> to vector<16xi32>
      %parallel_loop3A_432 = tpu.dynamic_gather %get3A_27[%parallel_loop3A_431] in [0] : vector<16xf32>, vector<16xi32> -> vector<16xf32>
      %parallel_loop3A_433 = arith.mulf %parallel_loop3A_432, %parallel_loop3A_389 : vector<16xf32>
      %parallel_loop3A_434 = arith.constant 4 : i32
      %parallel_loop3A_435 = arith.index_cast %parallel_loop3A_200 : i32 to index
      %parallel_loop3A_436 = arith.index_cast %parallel_loop3A_434 : i32 to index
      %parallel_loop3A_437 = arith.index_cast %parallel_loop3A_204 : i32 to index
      %parallel_loop3A_438 = tpu.vector_load %arg8[%parallel_loop3A_435, %parallel_loop3A_436, %parallel_loop3A_437] {strides = array<i32>} : memref<8x64x128xf32, #tpu.memory_space<vmem>>, vector<1x1x16xf32>,
      %parallel_loop3A_439 = vector.shape_cast %parallel_loop3A_438 : vector<1x1x16xf32> to vector<16xf32>
      %parallel_loop3A_440 = vector.shape_cast %parallel_loop3A_433 : vector<16xf32> to vector<1x1x16xf32>
      tpu.vector_store %arg8[%parallel_loop3A_435, %parallel_loop3A_436, %parallel_loop3A_437], %parallel_loop3A_440 {strides = array<i32>} : memref<8x64x128xf32, #tpu.memory_space<vmem>>, vector<1x1x16xf32>,
      %parallel_loop3A_441 = vector.shape_cast %parallel_loop3A_390 : vector<16x1xi32> to vector<16xi32>
      %parallel_loop3A_442 = tpu.dynamic_gather %get3A_32[%parallel_loop3A_441] in [0] : vector<16xf32>, vector<16xi32> -> vector<16xf32>
      %parallel_loop3A_443 = arith.mulf %parallel_loop3A_442, %parallel_loop3A_389 : vector<16xf32>
      %parallel_loop3A_444 = arith.constant 5 : i32
      %parallel_loop3A_445 = arith.index_cast %parallel_loop3A_200 : i32 to index
      %parallel_loop3A_446 = arith.index_cast %parallel_loop3A_444 : i32 to index
      %parallel_loop3A_447 = arith.index_cast %parallel_loop3A_204 : i32 to index
      %parallel_loop3A_448 = tpu.vector_load %arg8[%parallel_loop3A_445, %parallel_loop3A_446, %parallel_loop3A_447] {strides = array<i32>} : memref<8x64x128xf32, #tpu.memory_space<vmem>>, vector<1x1x16xf32>,
      %parallel_loop3A_449 = vector.shape_cast %parallel_loop3A_448 : vector<1x1x16xf32> to vector<16xf32>
      %parallel_loop3A_450 = vector.shape_cast %parallel_loop3A_443 : vector<16xf32> to vector<1x1x16xf32>
      tpu.vector_store %arg8[%parallel_loop3A_445, %parallel_loop3A_446, %parallel_loop3A_447], %parallel_loop3A_450 {strides = array<i32>} : memref<8x64x128xf32, #tpu.memory_space<vmem>>, vector<1x1x16xf32>,
      %parallel_loop3A_451 = vector.shape_cast %parallel_loop3A_390 : vector<16x1xi32> to vector<16xi32>
      %parallel_loop3A_452 = tpu.dynamic_gather %get3A_37[%parallel_loop3A_451] in [0] : vector<16xf32>, vector<16xi32> -> vector<16xf32>
      %parallel_loop3A_453 = arith.mulf %parallel_loop3A_452, %parallel_loop3A_389 : vector<16xf32>
      %parallel_loop3A_454 = arith.constant 6 : i32
      %parallel_loop3A_455 = arith.index_cast %parallel_loop3A_200 : i32 to index
      %parallel_loop3A_456 = arith.index_cast %parallel_loop3A_454 : i32 to index
      %parallel_loop3A_457 = arith.index_cast %parallel_loop3A_204 : i32 to index
      %parallel_loop3A_458 = tpu.vector_load %arg8[%parallel_loop3A_455, %parallel_loop3A_456, %parallel_loop3A_457] {strides = array<i32>} : memref<8x64x128xf32, #tpu.memory_space<vmem>>, vector<1x1x16xf32>,
      %parallel_loop3A_459 = vector.shape_cast %parallel_loop3A_458 : vector<1x1x16xf32> to vector<16xf32>
      %parallel_loop3A_460 = vector.shape_cast %parallel_loop3A_453 : vector<16xf32> to vector<1x1x16xf32>
      tpu.vector_store %arg8[%parallel_loop3A_455, %parallel_loop3A_456, %parallel_loop3A_457], %parallel_loop3A_460 {strides = array<i32>} : memref<8x64x128xf32, #tpu.memory_space<vmem>>, vector<1x1x16xf32>,
      %parallel_loop3A_461 = vector.shape_cast %parallel_loop3A_390 : vector<16x1xi32> to vector<16xi32>
      %parallel_loop3A_462 = tpu.dynamic_gather %get3A_42[%parallel_loop3A_461] in [0] : vector<16xf32>, vector<16xi32> -> vector<16xf32>
      %parallel_loop3A_463 = arith.mulf %parallel_loop3A_462, %parallel_loop3A_389 : vector<16xf32>
      %parallel_loop3A_464 = arith.constant 7 : i32
      %parallel_loop3A_465 = arith.index_cast %parallel_loop3A_200 : i32 to index
      %parallel_loop3A_466 = arith.index_cast %parallel_loop3A_464 : i32 to index
      %parallel_loop3A_467 = arith.index_cast %parallel_loop3A_204 : i32 to index
      %parallel_loop3A_468 = tpu.vector_load %arg8[%parallel_loop3A_465, %parallel_loop3A_466, %parallel_loop3A_467] {strides = array<i32>} : memref<8x64x128xf32, #tpu.memory_space<vmem>>, vector<1x1x16xf32>,
      %parallel_loop3A_469 = vector.shape_cast %parallel_loop3A_468 : vector<1x1x16xf32> to vector<16xf32>
      %parallel_loop3A_470 = vector.shape_cast %parallel_loop3A_463 : vector<16xf32> to vector<1x1x16xf32>
      tpu.vector_store %arg8[%parallel_loop3A_465, %parallel_loop3A_466, %parallel_loop3A_467], %parallel_loop3A_470 {strides = array<i32>} : memref<8x64x128xf32, #tpu.memory_space<vmem>>, vector<1x1x16xf32>,
      %parallel_loop3A_471 = vector.shape_cast %parallel_loop3A_390 : vector<16x1xi32> to vector<16xi32>
      %parallel_loop3A_472 = tpu.dynamic_gather %get3A_47[%parallel_loop3A_471] in [0] : vector<16xf32>, vector<16xi32> -> vector<16xf32>
      %parallel_loop3A_473 = arith.mulf %parallel_loop3A_472, %parallel_loop3A_389 : vector<16xf32>
      %parallel_loop3A_474 = arith.constant 8 : i32
      %parallel_loop3A_475 = arith.index_cast %parallel_loop3A_200 : i32 to index
      %parallel_loop3A_476 = arith.index_cast %parallel_loop3A_474 : i32 to index
      %parallel_loop3A_477 = arith.index_cast %parallel_loop3A_204 : i32 to index
      %parallel_loop3A_478 = tpu.vector_load %arg8[%parallel_loop3A_475, %parallel_loop3A_476, %parallel_loop3A_477] {strides = array<i32>} : memref<8x64x128xf32, #tpu.memory_space<vmem>>, vector<1x1x16xf32>,
      %parallel_loop3A_479 = vector.shape_cast %parallel_loop3A_478 : vector<1x1x16xf32> to vector<16xf32>
      %parallel_loop3A_480 = vector.shape_cast %parallel_loop3A_473 : vector<16xf32> to vector<1x1x16xf32>
      tpu.vector_store %arg8[%parallel_loop3A_475, %parallel_loop3A_476, %parallel_loop3A_477], %parallel_loop3A_480 {strides = array<i32>} : memref<8x64x128xf32, #tpu.memory_space<vmem>>, vector<1x1x16xf32>,
      %parallel_loop3A_481 = vector.shape_cast %parallel_loop3A_390 : vector<16x1xi32> to vector<16xi32>
      %parallel_loop3A_482 = tpu.dynamic_gather %get3A_52[%parallel_loop3A_481] in [0] : vector<16xf32>, vector<16xi32> -> vector<16xf32>
      %parallel_loop3A_483 = arith.mulf %parallel_loop3A_482, %parallel_loop3A_389 : vector<16xf32>
      %parallel_loop3A_484 = arith.constant 9 : i32
      %parallel_loop3A_485 = arith.index_cast %parallel_loop3A_200 : i32 to index
      %parallel_loop3A_486 = arith.index_cast %parallel_loop3A_484 : i32 to index
      %parallel_loop3A_487 = arith.index_cast %parallel_loop3A_204 : i32 to index
      %parallel_loop3A_488 = tpu.vector_load %arg8[%parallel_loop3A_485, %parallel_loop3A_486, %parallel_loop3A_487] {strides = array<i32>} : memref<8x64x128xf32, #tpu.memory_space<vmem>>, vector<1x1x16xf32>,
      %parallel_loop3A_489 = vector.shape_cast %parallel_loop3A_488 : vector<1x1x16xf32> to vector<16xf32>
      %parallel_loop3A_490 = vector.shape_cast %parallel_loop3A_483 : vector<16xf32> to vector<1x1x16xf32>
      tpu.vector_store %arg8[%parallel_loop3A_485, %parallel_loop3A_486, %parallel_loop3A_487], %parallel_loop3A_490 {strides = array<i32>} : memref<8x64x128xf32, #tpu.memory_space<vmem>>, vector<1x1x16xf32>,
      %parallel_loop3A_491 = vector.shape_cast %parallel_loop3A_390 : vector<16x1xi32> to vector<16xi32>
      %parallel_loop3A_492 = tpu.dynamic_gather %get3A_57[%parallel_loop3A_491] in [0] : vector<16xf32>, vector<16xi32> -> vector<16xf32>
      %parallel_loop3A_493 = arith.mulf %parallel_loop3A_492, %parallel_loop3A_389 : vector<16xf32>
      %parallel_loop3A_494 = arith.constant 10 : i32
      %parallel_loop3A_495 = arith.index_cast %parallel_loop3A_200 : i32 to index
      %parallel_loop3A_496 = arith.index_cast %parallel_loop3A_494 : i32 to index
      %parallel_loop3A_497 = arith.index_cast %parallel_loop3A_204 : i32 to index
      %parallel_loop3A_498 = tpu.vector_load %arg8[%parallel_loop3A_495, %parallel_loop3A_496, %parallel_loop3A_497] {strides = array<i32>} : memref<8x64x128xf32, #tpu.memory_space<vmem>>, vector<1x1x16xf32>,
      %parallel_loop3A_499 = vector.shape_cast %parallel_loop3A_498 : vector<1x1x16xf32> to vector<16xf32>
      %parallel_loop3A_500 = vector.shape_cast %parallel_loop3A_493 : vector<16xf32> to vector<1x1x16xf32>
      tpu.vector_store %arg8[%parallel_loop3A_495, %parallel_loop3A_496, %parallel_loop3A_497], %parallel_loop3A_500 {strides = array<i32>} : memref<8x64x128xf32, #tpu.memory_space<vmem>>, vector<1x1x16xf32>,
      %parallel_loop3A_501 = vector.shape_cast %parallel_loop3A_390 : vector<16x1xi32> to vector<16xi32>
      %parallel_loop3A_502 = tpu.dynamic_gather %get3A_62[%parallel_loop3A_501] in [0] : vector<16xf32>, vector<16xi32> -> vector<16xf32>
      %parallel_loop3A_503 = arith.mulf %parallel_loop3A_502, %parallel_loop3A_389 : vector<16xf32>
      %parallel_loop3A_504 = arith.constant 11 : i32
      %parallel_loop3A_505 = arith.index_cast %parallel_loop3A_200 : i32 to index
      %parallel_loop3A_506 = arith.index_cast %parallel_loop3A_504 : i32 to index
      %parallel_loop3A_507 = arith.index_cast %parallel_loop3A_204 : i32 to index
      %parallel_loop3A_508 = tpu.vector_load %arg8[%parallel_loop3A_505, %parallel_loop3A_506, %parallel_loop3A_507] {strides = array<i32>} : memref<8x64x128xf32, #tpu.memory_space<vmem>>, vector<1x1x16xf32>,
      %parallel_loop3A_509 = vector.shape_cast %parallel_loop3A_508 : vector<1x1x16xf32> to vector<16xf32>
      %parallel_loop3A_510 = vector.shape_cast %parallel_loop3A_503 : vector<16xf32> to vector<1x1x16xf32>
      tpu.vector_store %arg8[%parallel_loop3A_505, %parallel_loop3A_506, %parallel_loop3A_507], %parallel_loop3A_510 {strides = array<i32>} : memref<8x64x128xf32, #tpu.memory_space<vmem>>, vector<1x1x16xf32>,
      %parallel_loop3A_511 = vector.shape_cast %parallel_loop3A_390 : vector<16x1xi32> to vector<16xi32>
      %parallel_loop3A_512 = tpu.dynamic_gather %get3A_67[%parallel_loop3A_511] in [0] : vector<16xf32>, vector<16xi32> -> vector<16xf32>
      %parallel_loop3A_513 = arith.mulf %parallel_loop3A_512, %parallel_loop3A_389 : vector<16xf32>
      %parallel_loop3A_514 = arith.constant 12 : i32
      %parallel_loop3A_515 = arith.index_cast %parallel_loop3A_200 : i32 to index
      %parallel_loop3A_516 = arith.index_cast %parallel_loop3A_514 : i32 to index
      %parallel_loop3A_517 = arith.index_cast %parallel_loop3A_204 : i32 to index
      %parallel_loop3A_518 = tpu.vector_load %arg8[%parallel_loop3A_515, %parallel_loop3A_516, %parallel_loop3A_517] {strides = array<i32>} : memref<8x64x128xf32, #tpu.memory_space<vmem>>, vector<1x1x16xf32>,
      %parallel_loop3A_519 = vector.shape_cast %parallel_loop3A_518 : vector<1x1x16xf32> to vector<16xf32>
      %parallel_loop3A_520 = vector.shape_cast %parallel_loop3A_513 : vector<16xf32> to vector<1x1x16xf32>
      tpu.vector_store %arg8[%parallel_loop3A_515, %parallel_loop3A_516, %parallel_loop3A_517], %parallel_loop3A_520 {strides = array<i32>} : memref<8x64x128xf32, #tpu.memory_space<vmem>>, vector<1x1x16xf32>,
      %parallel_loop3A_521 = vector.shape_cast %parallel_loop3A_390 : vector<16x1xi32> to vector<16xi32>
      %parallel_loop3A_522 = tpu.dynamic_gather %get3A_72[%parallel_loop3A_521] in [0] : vector<16xf32>, vector<16xi32> -> vector<16xf32>
      %parallel_loop3A_523 = arith.mulf %parallel_loop3A_522, %parallel_loop3A_389 : vector<16xf32>
      %parallel_loop3A_524 = arith.constant 13 : i32
      %parallel_loop3A_525 = arith.index_cast %parallel_loop3A_200 : i32 to index
      %parallel_loop3A_526 = arith.index_cast %parallel_loop3A_524 : i32 to index
      %parallel_loop3A_527 = arith.index_cast %parallel_loop3A_204 : i32 to index
      %parallel_loop3A_528 = tpu.vector_load %arg8[%parallel_loop3A_525, %parallel_loop3A_526, %parallel_loop3A_527] {strides = array<i32>} : memref<8x64x128xf32, #tpu.memory_space<vmem>>, vector<1x1x16xf32>,
      %parallel_loop3A_529 = vector.shape_cast %parallel_loop3A_528 : vector<1x1x16xf32> to vector<16xf32>
      %parallel_loop3A_530 = vector.shape_cast %parallel_loop3A_523 : vector<16xf32> to vector<1x1x16xf32>
      tpu.vector_store %arg8[%parallel_loop3A_525, %parallel_loop3A_526, %parallel_loop3A_527], %parallel_loop3A_530 {strides = array<i32>} : memref<8x64x128xf32, #tpu.memory_space<vmem>>, vector<1x1x16xf32>,
      %parallel_loop3A_531 = vector.shape_cast %parallel_loop3A_390 : vector<16x1xi32> to vector<16xi32>
      %parallel_loop3A_532 = tpu.dynamic_gather %get3A_77[%parallel_loop3A_531] in [0] : vector<16xf32>, vector<16xi32> -> vector<16xf32>
      %parallel_loop3A_533 = arith.mulf %parallel_loop3A_532, %parallel_loop3A_389 : vector<16xf32>
      %parallel_loop3A_534 = arith.constant 14 : i32
      %parallel_loop3A_535 = arith.index_cast %parallel_loop3A_200 : i32 to index
      %parallel_loop3A_536 = arith.index_cast %parallel_loop3A_534 : i32 to index
      %parallel_loop3A_537 = arith.index_cast %parallel_loop3A_204 : i32 to index
      %parallel_loop3A_538 = tpu.vector_load %arg8[%parallel_loop3A_535, %parallel_loop3A_536, %parallel_loop3A_537] {strides = array<i32>} : memref<8x64x128xf32, #tpu.memory_space<vmem>>, vector<1x1x16xf32>,
      %parallel_loop3A_539 = vector.shape_cast %parallel_loop3A_538 : vector<1x1x16xf32> to vector<16xf32>
      %parallel_loop3A_540 = vector.shape_cast %parallel_loop3A_533 : vector<16xf32> to vector<1x1x16xf32>
      tpu.vector_store %arg8[%parallel_loop3A_535, %parallel_loop3A_536, %parallel_loop3A_537], %parallel_loop3A_540 {strides = array<i32>} : memref<8x64x128xf32, #tpu.memory_space<vmem>>, vector<1x1x16xf32>,
      %parallel_loop3A_541 = vector.shape_cast %parallel_loop3A_390 : vector<16x1xi32> to vector<16xi32>
      %parallel_loop3A_542 = tpu.dynamic_gather %get3A_82[%parallel_loop3A_541] in [0] : vector<16xf32>, vector<16xi32> -> vector<16xf32>
      %parallel_loop3A_543 = arith.mulf %parallel_loop3A_542, %parallel_loop3A_389 : vector<16xf32>
      %parallel_loop3A_544 = arith.constant 15 : i32
      %parallel_loop3A_545 = arith.index_cast %parallel_loop3A_200 : i32 to index
      %parallel_loop3A_546 = arith.index_cast %parallel_loop3A_544 : i32 to index
      %parallel_loop3A_547 = arith.index_cast %parallel_loop3A_204 : i32 to index
      %parallel_loop3A_548 = tpu.vector_load %arg8[%parallel_loop3A_545, %parallel_loop3A_546, %parallel_loop3A_547] {strides = array<i32>} : memref<8x64x128xf32, #tpu.memory_space<vmem>>, vector<1x1x16xf32>,
      %parallel_loop3A_549 = vector.shape_cast %parallel_loop3A_548 : vector<1x1x16xf32> to vector<16xf32>
      %parallel_loop3A_550 = vector.shape_cast %parallel_loop3A_543 : vector<16xf32> to vector<1x1x16xf32>
      tpu.vector_store %arg8[%parallel_loop3A_545, %parallel_loop3A_546, %parallel_loop3A_547], %parallel_loop3A_550 {strides = array<i32>} : memref<8x64x128xf32, #tpu.memory_space<vmem>>, vector<1x1x16xf32>,
      %parallel_loop3A_551 = vector.shape_cast %parallel_loop3A_390 : vector<16x1xi32> to vector<16xi32>
      %parallel_loop3A_552 = tpu.dynamic_gather %get3A_87[%parallel_loop3A_551] in [0] : vector<16xf32>, vector<16xi32> -> vector<16xf32>
      %parallel_loop3A_553 = arith.mulf %parallel_loop3A_552, %parallel_loop3A_389 : vector<16xf32>
      %parallel_loop3A_554 = arith.constant 16 : i32
      %parallel_loop3A_555 = arith.index_cast %parallel_loop3A_200 : i32 to index
      %parallel_loop3A_556 = arith.index_cast %parallel_loop3A_554 : i32 to index
      %parallel_loop3A_557 = arith.index_cast %parallel_loop3A_204 : i32 to index
      %parallel_loop3A_558 = tpu.vector_load %arg8[%parallel_loop3A_555, %parallel_loop3A_556, %parallel_loop3A_557] {strides = array<i32>} : memref<8x64x128xf32, #tpu.memory_space<vmem>>, vector<1x1x16xf32>,
      %parallel_loop3A_559 = vector.shape_cast %parallel_loop3A_558 : vector<1x1x16xf32> to vector<16xf32>
      %parallel_loop3A_560 = vector.shape_cast %parallel_loop3A_553 : vector<16xf32> to vector<1x1x16xf32>
      tpu.vector_store %arg8[%parallel_loop3A_555, %parallel_loop3A_556, %parallel_loop3A_557], %parallel_loop3A_560 {strides = array<i32>} : memref<8x64x128xf32, #tpu.memory_space<vmem>>, vector<1x1x16xf32>,
      %parallel_loop3A_561 = vector.shape_cast %parallel_loop3A_390 : vector<16x1xi32> to vector<16xi32>
      %parallel_loop3A_562 = tpu.dynamic_gather %get3A_92[%parallel_loop3A_561] in [0] : vector<16xf32>, vector<16xi32> -> vector<16xf32>
      %parallel_loop3A_563 = arith.mulf %parallel_loop3A_562, %parallel_loop3A_389 : vector<16xf32>
      %parallel_loop3A_564 = arith.constant 17 : i32
      %parallel_loop3A_565 = arith.index_cast %parallel_loop3A_200 : i32 to index
      %parallel_loop3A_566 = arith.index_cast %parallel_loop3A_564 : i32 to index
      %parallel_loop3A_567 = arith.index_cast %parallel_loop3A_204 : i32 to index
      %parallel_loop3A_568 = tpu.vector_load %arg8[%parallel_loop3A_565, %parallel_loop3A_566, %parallel_loop3A_567] {strides = array<i32>} : memref<8x64x128xf32, #tpu.memory_space<vmem>>, vector<1x1x16xf32>,
      %parallel_loop3A_569 = vector.shape_cast %parallel_loop3A_568 : vector<1x1x16xf32> to vector<16xf32>
      %parallel_loop3A_570 = vector.shape_cast %parallel_loop3A_563 : vector<16xf32> to vector<1x1x16xf32>
      tpu.vector_store %arg8[%parallel_loop3A_565, %parallel_loop3A_566, %parallel_loop3A_567], %parallel_loop3A_570 {strides = array<i32>} : memref<8x64x128xf32, #tpu.memory_space<vmem>>, vector<1x1x16xf32>,
      %parallel_loop3A_571 = vector.shape_cast %parallel_loop3A_390 : vector<16x1xi32> to vector<16xi32>
      %parallel_loop3A_572 = tpu.dynamic_gather %get3A_97[%parallel_loop3A_571] in [0] : vector<16xf32>, vector<16xi32> -> vector<16xf32>
      %parallel_loop3A_573 = arith.mulf %parallel_loop3A_572, %parallel_loop3A_389 : vector<16xf32>
      %parallel_loop3A_574 = arith.constant 18 : i32
      %parallel_loop3A_575 = arith.index_cast %parallel_loop3A_200 : i32 to index
      %parallel_loop3A_576 = arith.index_cast %parallel_loop3A_574 : i32 to index
      %parallel_loop3A_577 = arith.index_cast %parallel_loop3A_204 : i32 to index
      %parallel_loop3A_578 = tpu.vector_load %arg8[%parallel_loop3A_575, %parallel_loop3A_576, %parallel_loop3A_577] {strides = array<i32>} : memref<8x64x128xf32, #tpu.memory_space<vmem>>, vector<1x1x16xf32>,
      %parallel_loop3A_579 = vector.shape_cast %parallel_loop3A_578 : vector<1x1x16xf32> to vector<16xf32>
      %parallel_loop3A_580 = vector.shape_cast %parallel_loop3A_573 : vector<16xf32> to vector<1x1x16xf32>
      tpu.vector_store %arg8[%parallel_loop3A_575, %parallel_loop3A_576, %parallel_loop3A_577], %parallel_loop3A_580 {strides = array<i32>} : memref<8x64x128xf32, #tpu.memory_space<vmem>>, vector<1x1x16xf32>,
      %parallel_loop3A_581 = vector.shape_cast %parallel_loop3A_390 : vector<16x1xi32> to vector<16xi32>
      %parallel_loop3A_582 = tpu.dynamic_gather %get3A_102[%parallel_loop3A_581] in [0] : vector<16xf32>, vector<16xi32> -> vector<16xf32>
      %parallel_loop3A_583 = arith.mulf %parallel_loop3A_582, %parallel_loop3A_389 : vector<16xf32>
      %parallel_loop3A_584 = arith.constant 19 : i32
      %parallel_loop3A_585 = arith.index_cast %parallel_loop3A_200 : i32 to index
      %parallel_loop3A_586 = arith.index_cast %parallel_loop3A_584 : i32 to index
      %parallel_loop3A_587 = arith.index_cast %parallel_loop3A_204 : i32 to index
      %parallel_loop3A_588 = tpu.vector_load %arg8[%parallel_loop3A_585, %parallel_loop3A_586, %parallel_loop3A_587] {strides = array<i32>} : memref<8x64x128xf32, #tpu.memory_space<vmem>>, vector<1x1x16xf32>,
      %parallel_loop3A_589 = vector.shape_cast %parallel_loop3A_588 : vector<1x1x16xf32> to vector<16xf32>
      %parallel_loop3A_590 = vector.shape_cast %parallel_loop3A_583 : vector<16xf32> to vector<1x1x16xf32>
      tpu.vector_store %arg8[%parallel_loop3A_585, %parallel_loop3A_586, %parallel_loop3A_587], %parallel_loop3A_590 {strides = array<i32>} : memref<8x64x128xf32, #tpu.memory_space<vmem>>, vector<1x1x16xf32>,
      %parallel_loop3A_591 = vector.shape_cast %parallel_loop3A_390 : vector<16x1xi32> to vector<16xi32>
      %parallel_loop3A_592 = tpu.dynamic_gather %get3A_107[%parallel_loop3A_591] in [0] : vector<16xf32>, vector<16xi32> -> vector<16xf32>
      %parallel_loop3A_593 = arith.mulf %parallel_loop3A_592, %parallel_loop3A_389 : vector<16xf32>
      %parallel_loop3A_594 = arith.constant 20 : i32
      %parallel_loop3A_595 = arith.index_cast %parallel_loop3A_200 : i32 to index
      %parallel_loop3A_596 = arith.index_cast %parallel_loop3A_594 : i32 to index
      %parallel_loop3A_597 = arith.index_cast %parallel_loop3A_204 : i32 to index
      %parallel_loop3A_598 = tpu.vector_load %arg8[%parallel_loop3A_595, %parallel_loop3A_596, %parallel_loop3A_597] {strides = array<i32>} : memref<8x64x128xf32, #tpu.memory_space<vmem>>, vector<1x1x16xf32>,
      %parallel_loop3A_599 = vector.shape_cast %parallel_loop3A_598 : vector<1x1x16xf32> to vector<16xf32>
      %parallel_loop3A_600 = vector.shape_cast %parallel_loop3A_593 : vector<16xf32> to vector<1x1x16xf32>
      tpu.vector_store %arg8[%parallel_loop3A_595, %parallel_loop3A_596, %parallel_loop3A_597], %parallel_loop3A_600 {strides = array<i32>} : memref<8x64x128xf32, #tpu.memory_space<vmem>>, vector<1x1x16xf32>,
      %parallel_loop3A_601 = vector.shape_cast %parallel_loop3A_390 : vector<16x1xi32> to vector<16xi32>
      %parallel_loop3A_602 = tpu.dynamic_gather %get3A_112[%parallel_loop3A_601] in [0] : vector<16xf32>, vector<16xi32> -> vector<16xf32>
      %parallel_loop3A_603 = arith.mulf %parallel_loop3A_602, %parallel_loop3A_389 : vector<16xf32>
      %parallel_loop3A_604 = arith.constant 21 : i32
      %parallel_loop3A_605 = arith.index_cast %parallel_loop3A_200 : i32 to index
      %parallel_loop3A_606 = arith.index_cast %parallel_loop3A_604 : i32 to index
      %parallel_loop3A_607 = arith.index_cast %parallel_loop3A_204 : i32 to index
      %parallel_loop3A_608 = tpu.vector_load %arg8[%parallel_loop3A_605, %parallel_loop3A_606, %parallel_loop3A_607] {strides = array<i32>} : memref<8x64x128xf32, #tpu.memory_space<vmem>>, vector<1x1x16xf32>,
      %parallel_loop3A_609 = vector.shape_cast %parallel_loop3A_608 : vector<1x1x16xf32> to vector<16xf32>
      %parallel_loop3A_610 = vector.shape_cast %parallel_loop3A_603 : vector<16xf32> to vector<1x1x16xf32>
      tpu.vector_store %arg8[%parallel_loop3A_605, %parallel_loop3A_606, %parallel_loop3A_607], %parallel_loop3A_610 {strides = array<i32>} : memref<8x64x128xf32, #tpu.memory_space<vmem>>, vector<1x1x16xf32>,
      %parallel_loop3A_611 = vector.shape_cast %parallel_loop3A_390 : vector<16x1xi32> to vector<16xi32>
      %parallel_loop3A_612 = tpu.dynamic_gather %get3A_117[%parallel_loop3A_611] in [0] : vector<16xf32>, vector<16xi32> -> vector<16xf32>
      %parallel_loop3A_613 = arith.mulf %parallel_loop3A_612, %parallel_loop3A_389 : vector<16xf32>
      %parallel_loop3A_614 = arith.constant 22 : i32
      %parallel_loop3A_615 = arith.index_cast %parallel_loop3A_200 : i32 to index
      %parallel_loop3A_616 = arith.index_cast %parallel_loop3A_614 : i32 to index
      %parallel_loop3A_617 = arith.index_cast %parallel_loop3A_204 : i32 to index
      %parallel_loop3A_618 = tpu.vector_load %arg8[%parallel_loop3A_615, %parallel_loop3A_616, %parallel_loop3A_617] {strides = array<i32>} : memref<8x64x128xf32, #tpu.memory_space<vmem>>, vector<1x1x16xf32>,
      %parallel_loop3A_619 = vector.shape_cast %parallel_loop3A_618 : vector<1x1x16xf32> to vector<16xf32>
      %parallel_loop3A_620 = vector.shape_cast %parallel_loop3A_613 : vector<16xf32> to vector<1x1x16xf32>
      tpu.vector_store %arg8[%parallel_loop3A_615, %parallel_loop3A_616, %parallel_loop3A_617], %parallel_loop3A_620 {strides = array<i32>} : memref<8x64x128xf32, #tpu.memory_space<vmem>>, vector<1x1x16xf32>,
      %parallel_loop3A_621 = vector.shape_cast %parallel_loop3A_390 : vector<16x1xi32> to vector<16xi32>
      %parallel_loop3A_622 = tpu.dynamic_gather %get3A_122[%parallel_loop3A_621] in [0] : vector<16xf32>, vector<16xi32> -> vector<16xf32>
      %parallel_loop3A_623 = arith.mulf %parallel_loop3A_622, %parallel_loop3A_389 : vector<16xf32>
      %parallel_loop3A_624 = arith.constant 23 : i32
      %parallel_loop3A_625 = arith.index_cast %parallel_loop3A_200 : i32 to index
      %parallel_loop3A_626 = arith.index_cast %parallel_loop3A_624 : i32 to index
      %parallel_loop3A_627 = arith.index_cast %parallel_loop3A_204 : i32 to index
      %parallel_loop3A_628 = tpu.vector_load %arg8[%parallel_loop3A_625, %parallel_loop3A_626, %parallel_loop3A_627] {strides = array<i32>} : memref<8x64x128xf32, #tpu.memory_space<vmem>>, vector<1x1x16xf32>,
      %parallel_loop3A_629 = vector.shape_cast %parallel_loop3A_628 : vector<1x1x16xf32> to vector<16xf32>
      %parallel_loop3A_630 = vector.shape_cast %parallel_loop3A_623 : vector<16xf32> to vector<1x1x16xf32>
      tpu.vector_store %arg8[%parallel_loop3A_625, %parallel_loop3A_626, %parallel_loop3A_627], %parallel_loop3A_630 {strides = array<i32>} : memref<8x64x128xf32, #tpu.memory_space<vmem>>, vector<1x1x16xf32>,
      %parallel_loop3A_631 = vector.shape_cast %parallel_loop3A_390 : vector<16x1xi32> to vector<16xi32>
      %parallel_loop3A_632 = tpu.dynamic_gather %get3A_127[%parallel_loop3A_631] in [0] : vector<16xf32>, vector<16xi32> -> vector<16xf32>
      %parallel_loop3A_633 = arith.mulf %parallel_loop3A_632, %parallel_loop3A_389 : vector<16xf32>
      %parallel_loop3A_634 = arith.constant 24 : i32
      %parallel_loop3A_635 = arith.index_cast %parallel_loop3A_200 : i32 to index
      %parallel_loop3A_636 = arith.index_cast %parallel_loop3A_634 : i32 to index
      %parallel_loop3A_637 = arith.index_cast %parallel_loop3A_204 : i32 to index
      %parallel_loop3A_638 = tpu.vector_load %arg8[%parallel_loop3A_635, %parallel_loop3A_636, %parallel_loop3A_637] {strides = array<i32>} : memref<8x64x128xf32, #tpu.memory_space<vmem>>, vector<1x1x16xf32>,
      %parallel_loop3A_639 = vector.shape_cast %parallel_loop3A_638 : vector<1x1x16xf32> to vector<16xf32>
      %parallel_loop3A_640 = vector.shape_cast %parallel_loop3A_633 : vector<16xf32> to vector<1x1x16xf32>
      tpu.vector_store %arg8[%parallel_loop3A_635, %parallel_loop3A_636, %parallel_loop3A_637], %parallel_loop3A_640 {strides = array<i32>} : memref<8x64x128xf32, #tpu.memory_space<vmem>>, vector<1x1x16xf32>,
      %parallel_loop3A_641 = vector.shape_cast %parallel_loop3A_390 : vector<16x1xi32> to vector<16xi32>
      %parallel_loop3A_642 = tpu.dynamic_gather %get3A_132[%parallel_loop3A_641] in [0] : vector<16xf32>, vector<16xi32> -> vector<16xf32>
      %parallel_loop3A_643 = arith.mulf %parallel_loop3A_642, %parallel_loop3A_389 : vector<16xf32>
      %parallel_loop3A_644 = arith.constant 25 : i32
      %parallel_loop3A_645 = arith.index_cast %parallel_loop3A_200 : i32 to index
      %parallel_loop3A_646 = arith.index_cast %parallel_loop3A_644 : i32 to index
      %parallel_loop3A_647 = arith.index_cast %parallel_loop3A_204 : i32 to index
      %parallel_loop3A_648 = tpu.vector_load %arg8[%parallel_loop3A_645, %parallel_loop3A_646, %parallel_loop3A_647] {strides = array<i32>} : memref<8x64x128xf32, #tpu.memory_space<vmem>>, vector<1x1x16xf32>,
      %parallel_loop3A_649 = vector.shape_cast %parallel_loop3A_648 : vector<1x1x16xf32> to vector<16xf32>
      %parallel_loop3A_650 = vector.shape_cast %parallel_loop3A_643 : vector<16xf32> to vector<1x1x16xf32>
      tpu.vector_store %arg8[%parallel_loop3A_645, %parallel_loop3A_646, %parallel_loop3A_647], %parallel_loop3A_650 {strides = array<i32>} : memref<8x64x128xf32, #tpu.memory_space<vmem>>, vector<1x1x16xf32>,
      %parallel_loop3A_651 = vector.shape_cast %parallel_loop3A_390 : vector<16x1xi32> to vector<16xi32>
      %parallel_loop3A_652 = tpu.dynamic_gather %get3A_137[%parallel_loop3A_651] in [0] : vector<16xf32>, vector<16xi32> -> vector<16xf32>
      %parallel_loop3A_653 = arith.mulf %parallel_loop3A_652, %parallel_loop3A_389 : vector<16xf32>
      %parallel_loop3A_654 = arith.constant 26 : i32
      %parallel_loop3A_655 = arith.index_cast %parallel_loop3A_200 : i32 to index
      %parallel_loop3A_656 = arith.index_cast %parallel_loop3A_654 : i32 to index
      %parallel_loop3A_657 = arith.index_cast %parallel_loop3A_204 : i32 to index
      %parallel_loop3A_658 = tpu.vector_load %arg8[%parallel_loop3A_655, %parallel_loop3A_656, %parallel_loop3A_657] {strides = array<i32>} : memref<8x64x128xf32, #tpu.memory_space<vmem>>, vector<1x1x16xf32>,
      %parallel_loop3A_659 = vector.shape_cast %parallel_loop3A_658 : vector<1x1x16xf32> to vector<16xf32>
      %parallel_loop3A_660 = vector.shape_cast %parallel_loop3A_653 : vector<16xf32> to vector<1x1x16xf32>
      tpu.vector_store %arg8[%parallel_loop3A_655, %parallel_loop3A_656, %parallel_loop3A_657], %parallel_loop3A_660 {strides = array<i32>} : memref<8x64x128xf32, #tpu.memory_space<vmem>>, vector<1x1x16xf32>,
      %parallel_loop3A_661 = vector.shape_cast %parallel_loop3A_390 : vector<16x1xi32> to vector<16xi32>
      %parallel_loop3A_662 = tpu.dynamic_gather %get3A_142[%parallel_loop3A_661] in [0] : vector<16xf32>, vector<16xi32> -> vector<16xf32>
      %parallel_loop3A_663 = arith.mulf %parallel_loop3A_662, %parallel_loop3A_389 : vector<16xf32>
      %parallel_loop3A_664 = arith.constant 27 : i32
      %parallel_loop3A_665 = arith.index_cast %parallel_loop3A_200 : i32 to index
      %parallel_loop3A_666 = arith.index_cast %parallel_loop3A_664 : i32 to index
      %parallel_loop3A_667 = arith.index_cast %parallel_loop3A_204 : i32 to index
      %parallel_loop3A_668 = tpu.vector_load %arg8[%parallel_loop3A_665, %parallel_loop3A_666, %parallel_loop3A_667] {strides = array<i32>} : memref<8x64x128xf32, #tpu.memory_space<vmem>>, vector<1x1x16xf32>,
      %parallel_loop3A_669 = vector.shape_cast %parallel_loop3A_668 : vector<1x1x16xf32> to vector<16xf32>
      %parallel_loop3A_670 = vector.shape_cast %parallel_loop3A_663 : vector<16xf32> to vector<1x1x16xf32>
      tpu.vector_store %arg8[%parallel_loop3A_665, %parallel_loop3A_666, %parallel_loop3A_667], %parallel_loop3A_670 {strides = array<i32>} : memref<8x64x128xf32, #tpu.memory_space<vmem>>, vector<1x1x16xf32>,
      %parallel_loop3A_671 = vector.shape_cast %parallel_loop3A_390 : vector<16x1xi32> to vector<16xi32>
      %parallel_loop3A_672 = tpu.dynamic_gather %get3A_147[%parallel_loop3A_671] in [0] : vector<16xf32>, vector<16xi32> -> vector<16xf32>
      %parallel_loop3A_673 = arith.mulf %parallel_loop3A_672, %parallel_loop3A_389 : vector<16xf32>
      %parallel_loop3A_674 = arith.constant 28 : i32
      %parallel_loop3A_675 = arith.index_cast %parallel_loop3A_200 : i32 to index
      %parallel_loop3A_676 = arith.index_cast %parallel_loop3A_674 : i32 to index
      %parallel_loop3A_677 = arith.index_cast %parallel_loop3A_204 : i32 to index
      %parallel_loop3A_678 = tpu.vector_load %arg8[%parallel_loop3A_675, %parallel_loop3A_676, %parallel_loop3A_677] {strides = array<i32>} : memref<8x64x128xf32, #tpu.memory_space<vmem>>, vector<1x1x16xf32>,
      %parallel_loop3A_679 = vector.shape_cast %parallel_loop3A_678 : vector<1x1x16xf32> to vector<16xf32>
      %parallel_loop3A_680 = vector.shape_cast %parallel_loop3A_673 : vector<16xf32> to vector<1x1x16xf32>
      tpu.vector_store %arg8[%parallel_loop3A_675, %parallel_loop3A_676, %parallel_loop3A_677], %parallel_loop3A_680 {strides = array<i32>} : memref<8x64x128xf32, #tpu.memory_space<vmem>>, vector<1x1x16xf32>,
      %parallel_loop3A_681 = vector.shape_cast %parallel_loop3A_390 : vector<16x1xi32> to vector<16xi32>
      %parallel_loop3A_682 = tpu.dynamic_gather %get3A_152[%parallel_loop3A_681] in [0] : vector<16xf32>, vector<16xi32> -> vector<16xf32>
      %parallel_loop3A_683 = arith.mulf %parallel_loop3A_682, %parallel_loop3A_389 : vector<16xf32>
      %parallel_loop3A_684 = arith.constant 29 : i32
      %parallel_loop3A_685 = arith.index_cast %parallel_loop3A_200 : i32 to index
      %parallel_loop3A_686 = arith.index_cast %parallel_loop3A_684 : i32 to index
      %parallel_loop3A_687 = arith.index_cast %parallel_loop3A_204 : i32 to index
      %parallel_loop3A_688 = tpu.vector_load %arg8[%parallel_loop3A_685, %parallel_loop3A_686, %parallel_loop3A_687] {strides = array<i32>} : memref<8x64x128xf32, #tpu.memory_space<vmem>>, vector<1x1x16xf32>,
      %parallel_loop3A_689 = vector.shape_cast %parallel_loop3A_688 : vector<1x1x16xf32> to vector<16xf32>
      %parallel_loop3A_690 = vector.shape_cast %parallel_loop3A_683 : vector<16xf32> to vector<1x1x16xf32>
      tpu.vector_store %arg8[%parallel_loop3A_685, %parallel_loop3A_686, %parallel_loop3A_687], %parallel_loop3A_690 {strides = array<i32>} : memref<8x64x128xf32, #tpu.memory_space<vmem>>, vector<1x1x16xf32>,
      %parallel_loop3A_691 = vector.shape_cast %parallel_loop3A_390 : vector<16x1xi32> to vector<16xi32>
      %parallel_loop3A_692 = tpu.dynamic_gather %get3A_157[%parallel_loop3A_691] in [0] : vector<16xf32>, vector<16xi32> -> vector<16xf32>
      %parallel_loop3A_693 = arith.mulf %parallel_loop3A_692, %parallel_loop3A_389 : vector<16xf32>
      %parallel_loop3A_694 = arith.constant 30 : i32
      %parallel_loop3A_695 = arith.index_cast %parallel_loop3A_200 : i32 to index
      %parallel_loop3A_696 = arith.index_cast %parallel_loop3A_694 : i32 to index
      %parallel_loop3A_697 = arith.index_cast %parallel_loop3A_204 : i32 to index
      %parallel_loop3A_698 = tpu.vector_load %arg8[%parallel_loop3A_695, %parallel_loop3A_696, %parallel_loop3A_697] {strides = array<i32>} : memref<8x64x128xf32, #tpu.memory_space<vmem>>, vector<1x1x16xf32>,
      %parallel_loop3A_699 = vector.shape_cast %parallel_loop3A_698 : vector<1x1x16xf32> to vector<16xf32>
      %parallel_loop3A_700 = vector.shape_cast %parallel_loop3A_693 : vector<16xf32> to vector<1x1x16xf32>
      tpu.vector_store %arg8[%parallel_loop3A_695, %parallel_loop3A_696, %parallel_loop3A_697], %parallel_loop3A_700 {strides = array<i32>} : memref<8x64x128xf32, #tpu.memory_space<vmem>>, vector<1x1x16xf32>,
      %parallel_loop3A_701 = vector.shape_cast %parallel_loop3A_390 : vector<16x1xi32> to vector<16xi32>
      %parallel_loop3A_702 = tpu.dynamic_gather %get3A_162[%parallel_loop3A_701] in [0] : vector<16xf32>, vector<16xi32> -> vector<16xf32>
      %parallel_loop3A_703 = arith.mulf %parallel_loop3A_702, %parallel_loop3A_389 : vector<16xf32>
      %parallel_loop3A_704 = arith.constant 31 : i32
      %parallel_loop3A_705 = arith.index_cast %parallel_loop3A_200 : i32 to index
      %parallel_loop3A_706 = arith.index_cast %parallel_loop3A_704 : i32 to index
      %parallel_loop3A_707 = arith.index_cast %parallel_loop3A_204 : i32 to index
      %parallel_loop3A_708 = tpu.vector_load %arg8[%parallel_loop3A_705, %parallel_loop3A_706, %parallel_loop3A_707] {strides = array<i32>} : memref<8x64x128xf32, #tpu.memory_space<vmem>>, vector<1x1x16xf32>,
      %parallel_loop3A_709 = vector.shape_cast %parallel_loop3A_708 : vector<1x1x16xf32> to vector<16xf32>
      %parallel_loop3A_710 = vector.shape_cast %parallel_loop3A_703 : vector<16xf32> to vector<1x1x16xf32>
      tpu.vector_store %arg8[%parallel_loop3A_705, %parallel_loop3A_706, %parallel_loop3A_707], %parallel_loop3A_710 {strides = array<i32>} : memref<8x64x128xf32, #tpu.memory_space<vmem>>, vector<1x1x16xf32>,
      %parallel_loop3A_711 = vector.shape_cast %parallel_loop3A_390 : vector<16x1xi32> to vector<16xi32>
      %parallel_loop3A_712 = tpu.dynamic_gather %get3A_167[%parallel_loop3A_711] in [0] : vector<16xf32>, vector<16xi32> -> vector<16xf32>
      %parallel_loop3A_713 = arith.mulf %parallel_loop3A_712, %parallel_loop3A_389 : vector<16xf32>
      %parallel_loop3A_714 = arith.constant 32 : i32
      %parallel_loop3A_715 = arith.index_cast %parallel_loop3A_200 : i32 to index
      %parallel_loop3A_716 = arith.index_cast %parallel_loop3A_714 : i32 to index
      %parallel_loop3A_717 = arith.index_cast %parallel_loop3A_204 : i32 to index
      %parallel_loop3A_718 = tpu.vector_load %arg8[%parallel_loop3A_715, %parallel_loop3A_716, %parallel_loop3A_717] {strides = array<i32>} : memref<8x64x128xf32, #tpu.memory_space<vmem>>, vector<1x1x16xf32>,
      %parallel_loop3A_719 = vector.shape_cast %parallel_loop3A_718 : vector<1x1x16xf32> to vector<16xf32>
      %parallel_loop3A_720 = vector.shape_cast %parallel_loop3A_713 : vector<16xf32> to vector<1x1x16xf32>
      tpu.vector_store %arg8[%parallel_loop3A_715, %parallel_loop3A_716, %parallel_loop3A_717], %parallel_loop3A_720 {strides = array<i32>} : memref<8x64x128xf32, #tpu.memory_space<vmem>>, vector<1x1x16xf32>,
      %parallel_loop3A_721 = arith.constant 0 : i32
      %parallel_loop3A_722 = arith.index_cast %parallel_loop3A_721 : i32 to index
      %parallel_loop3A_723 = arith.index_cast %parallel_loop3A_200 : i32 to index
      %parallel_loop3A_724 = arith.index_cast %parallel_loop3A_204 : i32 to index
      %parallel_loop3A_725 = tpu.vector_load %arg7[%parallel_loop3A_722, %parallel_loop3A_723, %parallel_loop3A_724] {strides = array<i32>} : memref<31x8x128xf32, #tpu.memory_space<vmem>>, vector<1x1x16xf32>,
      %parallel_loop3A_726 = vector.shape_cast %parallel_loop3A_725 : vector<1x1x16xf32> to vector<16xf32>
      %parallel_loop3A_727 = arith.mulf %parallel_loop3A_726, %parallel_loop3A_726 : vector<16xf32>
      %parallel_loop3A_728 = arith.constant 1 : i32
      %parallel_loop3A_729 = arith.index_cast %parallel_loop3A_728 : i32 to index
      %parallel_loop3A_730 = arith.index_cast %parallel_loop3A_200 : i32 to index
      %parallel_loop3A_731 = arith.index_cast %parallel_loop3A_204 : i32 to index
      %parallel_loop3A_732 = tpu.vector_load %arg7[%parallel_loop3A_729, %parallel_loop3A_730, %parallel_loop3A_731] {strides = array<i32>} : memref<31x8x128xf32, #tpu.memory_space<vmem>>, vector<1x1x16xf32>,
      %parallel_loop3A_733 = vector.shape_cast %parallel_loop3A_732 : vector<1x1x16xf32> to vector<16xf32>
      %parallel_loop3A_734 = arith.mulf %parallel_loop3A_733, %parallel_loop3A_733 : vector<16xf32>
      %parallel_loop3A_735 = arith.addf %parallel_loop3A_727, %parallel_loop3A_734 : vector<16xf32>
      %parallel_loop3A_736 = arith.constant 2 : i32
      %parallel_loop3A_737 = arith.index_cast %parallel_loop3A_736 : i32 to index
      %parallel_loop3A_738 = arith.index_cast %parallel_loop3A_200 : i32 to index
      %parallel_loop3A_739 = arith.index_cast %parallel_loop3A_204 : i32 to index
      %parallel_loop3A_740 = tpu.vector_load %arg7[%parallel_loop3A_737, %parallel_loop3A_738, %parallel_loop3A_739] {strides = array<i32>} : memref<31x8x128xf32, #tpu.memory_space<vmem>>, vector<1x1x16xf32>,
      %parallel_loop3A_741 = vector.shape_cast %parallel_loop3A_740 : vector<1x1x16xf32> to vector<16xf32>
      %parallel_loop3A_742 = arith.mulf %parallel_loop3A_741, %parallel_loop3A_741 : vector<16xf32>
      %parallel_loop3A_743 = arith.addf %parallel_loop3A_735, %parallel_loop3A_742 : vector<16xf32>
      %parallel_loop3A_744 = arith.constant 3 : i32
      %parallel_loop3A_745 = arith.index_cast %parallel_loop3A_744 : i32 to index
      %parallel_loop3A_746 = arith.index_cast %parallel_loop3A_200 : i32 to index
      %parallel_loop3A_747 = arith.index_cast %parallel_loop3A_204 : i32 to index
      %parallel_loop3A_748 = tpu.vector_load %arg7[%parallel_loop3A_745, %parallel_loop3A_746, %parallel_loop3A_747] {strides = array<i32>} : memref<31x8x128xf32, #tpu.memory_space<vmem>>, vector<1x1x16xf32>,
      %parallel_loop3A_749 = vector.shape_cast %parallel_loop3A_748 : vector<1x1x16xf32> to vector<16xf32>
      %parallel_loop3A_750 = arith.mulf %parallel_loop3A_749, %parallel_loop3A_749 : vector<16xf32>
      %parallel_loop3A_751 = arith.addf %parallel_loop3A_743, %parallel_loop3A_750 : vector<16xf32>
      %parallel_loop3A_752 = arith.constant 4 : i32
      %parallel_loop3A_753 = arith.index_cast %parallel_loop3A_752 : i32 to index
      %parallel_loop3A_754 = arith.index_cast %parallel_loop3A_200 : i32 to index
      %parallel_loop3A_755 = arith.index_cast %parallel_loop3A_204 : i32 to index
      %parallel_loop3A_756 = tpu.vector_load %arg7[%parallel_loop3A_753, %parallel_loop3A_754, %parallel_loop3A_755] {strides = array<i32>} : memref<31x8x128xf32, #tpu.memory_space<vmem>>, vector<1x1x16xf32>,
      %parallel_loop3A_757 = vector.shape_cast %parallel_loop3A_756 : vector<1x1x16xf32> to vector<16xf32>
      %parallel_loop3A_758 = arith.mulf %parallel_loop3A_757, %parallel_loop3A_757 : vector<16xf32>
      %parallel_loop3A_759 = arith.addf %parallel_loop3A_751, %parallel_loop3A_758 : vector<16xf32>
      %parallel_loop3A_760 = arith.constant 5 : i32
      %parallel_loop3A_761 = arith.index_cast %parallel_loop3A_760 : i32 to index
      %parallel_loop3A_762 = arith.index_cast %parallel_loop3A_200 : i32 to index
      %parallel_loop3A_763 = arith.index_cast %parallel_loop3A_204 : i32 to index
      %parallel_loop3A_764 = tpu.vector_load %arg7[%parallel_loop3A_761, %parallel_loop3A_762, %parallel_loop3A_763] {strides = array<i32>} : memref<31x8x128xf32, #tpu.memory_space<vmem>>, vector<1x1x16xf32>,
      %parallel_loop3A_765 = vector.shape_cast %parallel_loop3A_764 : vector<1x1x16xf32> to vector<16xf32>
      %parallel_loop3A_766 = arith.mulf %parallel_loop3A_765, %parallel_loop3A_765 : vector<16xf32>
      %parallel_loop3A_767 = arith.addf %parallel_loop3A_759, %parallel_loop3A_766 : vector<16xf32>
      %parallel_loop3A_768 = arith.constant 6 : i32
      %parallel_loop3A_769 = arith.index_cast %parallel_loop3A_768 : i32 to index
      %parallel_loop3A_770 = arith.index_cast %parallel_loop3A_200 : i32 to index
      %parallel_loop3A_771 = arith.index_cast %parallel_loop3A_204 : i32 to index
      %parallel_loop3A_772 = tpu.vector_load %arg7[%parallel_loop3A_769, %parallel_loop3A_770, %parallel_loop3A_771] {strides = array<i32>} : memref<31x8x128xf32, #tpu.memory_space<vmem>>, vector<1x1x16xf32>,
      %parallel_loop3A_773 = vector.shape_cast %parallel_loop3A_772 : vector<1x1x16xf32> to vector<16xf32>
      %parallel_loop3A_774 = arith.mulf %parallel_loop3A_773, %parallel_loop3A_773 : vector<16xf32>
      %parallel_loop3A_775 = arith.addf %parallel_loop3A_767, %parallel_loop3A_774 : vector<16xf32>
      %parallel_loop3A_776 = arith.constant 7 : i32
      %parallel_loop3A_777 = arith.index_cast %parallel_loop3A_776 : i32 to index
      %parallel_loop3A_778 = arith.index_cast %parallel_loop3A_200 : i32 to index
      %parallel_loop3A_779 = arith.index_cast %parallel_loop3A_204 : i32 to index
      %parallel_loop3A_780 = tpu.vector_load %arg7[%parallel_loop3A_777, %parallel_loop3A_778, %parallel_loop3A_779] {strides = array<i32>} : memref<31x8x128xf32, #tpu.memory_space<vmem>>, vector<1x1x16xf32>,
      %parallel_loop3A_781 = vector.shape_cast %parallel_loop3A_780 : vector<1x1x16xf32> to vector<16xf32>
      %parallel_loop3A_782 = arith.mulf %parallel_loop3A_781, %parallel_loop3A_781 : vector<16xf32>
      %parallel_loop3A_783 = arith.addf %parallel_loop3A_775, %parallel_loop3A_782 : vector<16xf32>
      %parallel_loop3A_784 = arith.constant 8 : i32
      %parallel_loop3A_785 = arith.index_cast %parallel_loop3A_784 : i32 to index
      %parallel_loop3A_786 = arith.index_cast %parallel_loop3A_200 : i32 to index
      %parallel_loop3A_787 = arith.index_cast %parallel_loop3A_204 : i32 to index
      %parallel_loop3A_788 = tpu.vector_load %arg7[%parallel_loop3A_785, %parallel_loop3A_786, %parallel_loop3A_787] {strides = array<i32>} : memref<31x8x128xf32, #tpu.memory_space<vmem>>, vector<1x1x16xf32>,
      %parallel_loop3A_789 = vector.shape_cast %parallel_loop3A_788 : vector<1x1x16xf32> to vector<16xf32>
      %parallel_loop3A_790 = arith.mulf %parallel_loop3A_789, %parallel_loop3A_789 : vector<16xf32>
      %parallel_loop3A_791 = arith.addf %parallel_loop3A_783, %parallel_loop3A_790 : vector<16xf32>
      %parallel_loop3A_792 = arith.constant 9 : i32
      %parallel_loop3A_793 = arith.index_cast %parallel_loop3A_792 : i32 to index
      %parallel_loop3A_794 = arith.index_cast %parallel_loop3A_200 : i32 to index
      %parallel_loop3A_795 = arith.index_cast %parallel_loop3A_204 : i32 to index
      %parallel_loop3A_796 = tpu.vector_load %arg7[%parallel_loop3A_793, %parallel_loop3A_794, %parallel_loop3A_795] {strides = array<i32>} : memref<31x8x128xf32, #tpu.memory_space<vmem>>, vector<1x1x16xf32>,
      %parallel_loop3A_797 = vector.shape_cast %parallel_loop3A_796 : vector<1x1x16xf32> to vector<16xf32>
      %parallel_loop3A_798 = arith.mulf %parallel_loop3A_797, %parallel_loop3A_797 : vector<16xf32>
      %parallel_loop3A_799 = arith.addf %parallel_loop3A_791, %parallel_loop3A_798 : vector<16xf32>
      %parallel_loop3A_800 = arith.constant 10 : i32
      %parallel_loop3A_801 = arith.index_cast %parallel_loop3A_800 : i32 to index
      %parallel_loop3A_802 = arith.index_cast %parallel_loop3A_200 : i32 to index
      %parallel_loop3A_803 = arith.index_cast %parallel_loop3A_204 : i32 to index
      %parallel_loop3A_804 = tpu.vector_load %arg7[%parallel_loop3A_801, %parallel_loop3A_802, %parallel_loop3A_803] {strides = array<i32>} : memref<31x8x128xf32, #tpu.memory_space<vmem>>, vector<1x1x16xf32>,
      %parallel_loop3A_805 = vector.shape_cast %parallel_loop3A_804 : vector<1x1x16xf32> to vector<16xf32>
      %parallel_loop3A_806 = arith.mulf %parallel_loop3A_805, %parallel_loop3A_805 : vector<16xf32>
      %parallel_loop3A_807 = arith.addf %parallel_loop3A_799, %parallel_loop3A_806 : vector<16xf32>
      %parallel_loop3A_808 = arith.constant 11 : i32
      %parallel_loop3A_809 = arith.index_cast %parallel_loop3A_808 : i32 to index
      %parallel_loop3A_810 = arith.index_cast %parallel_loop3A_200 : i32 to index
      %parallel_loop3A_811 = arith.index_cast %parallel_loop3A_204 : i32 to index
      %parallel_loop3A_812 = tpu.vector_load %arg7[%parallel_loop3A_809, %parallel_loop3A_810, %parallel_loop3A_811] {strides = array<i32>} : memref<31x8x128xf32, #tpu.memory_space<vmem>>, vector<1x1x16xf32>,
      %parallel_loop3A_813 = vector.shape_cast %parallel_loop3A_812 : vector<1x1x16xf32> to vector<16xf32>
      %parallel_loop3A_814 = arith.mulf %parallel_loop3A_813, %parallel_loop3A_813 : vector<16xf32>
      %parallel_loop3A_815 = arith.addf %parallel_loop3A_807, %parallel_loop3A_814 : vector<16xf32>
      %parallel_loop3A_816 = arith.constant 12 : i32
      %parallel_loop3A_817 = arith.index_cast %parallel_loop3A_816 : i32 to index
      %parallel_loop3A_818 = arith.index_cast %parallel_loop3A_200 : i32 to index
      %parallel_loop3A_819 = arith.index_cast %parallel_loop3A_204 : i32 to index
      %parallel_loop3A_820 = tpu.vector_load %arg7[%parallel_loop3A_817, %parallel_loop3A_818, %parallel_loop3A_819] {strides = array<i32>} : memref<31x8x128xf32, #tpu.memory_space<vmem>>, vector<1x1x16xf32>,
      %parallel_loop3A_821 = vector.shape_cast %parallel_loop3A_820 : vector<1x1x16xf32> to vector<16xf32>
      %parallel_loop3A_822 = arith.mulf %parallel_loop3A_821, %parallel_loop3A_821 : vector<16xf32>
      %parallel_loop3A_823 = arith.addf %parallel_loop3A_815, %parallel_loop3A_822 : vector<16xf32>
      %parallel_loop3A_824 = arith.constant 13 : i32
      %parallel_loop3A_825 = arith.index_cast %parallel_loop3A_824 : i32 to index
      %parallel_loop3A_826 = arith.index_cast %parallel_loop3A_200 : i32 to index
      %parallel_loop3A_827 = arith.index_cast %parallel_loop3A_204 : i32 to index
      %parallel_loop3A_828 = tpu.vector_load %arg7[%parallel_loop3A_825, %parallel_loop3A_826, %parallel_loop3A_827] {strides = array<i32>} : memref<31x8x128xf32, #tpu.memory_space<vmem>>, vector<1x1x16xf32>,
      %parallel_loop3A_829 = vector.shape_cast %parallel_loop3A_828 : vector<1x1x16xf32> to vector<16xf32>
      %parallel_loop3A_830 = arith.mulf %parallel_loop3A_829, %parallel_loop3A_829 : vector<16xf32>
      %parallel_loop3A_831 = arith.addf %parallel_loop3A_823, %parallel_loop3A_830 : vector<16xf32>
      %parallel_loop3A_832 = arith.constant 14 : i32
      %parallel_loop3A_833 = arith.index_cast %parallel_loop3A_832 : i32 to index
      %parallel_loop3A_834 = arith.index_cast %parallel_loop3A_200 : i32 to index
      %parallel_loop3A_835 = arith.index_cast %parallel_loop3A_204 : i32 to index
      %parallel_loop3A_836 = tpu.vector_load %arg7[%parallel_loop3A_833, %parallel_loop3A_834, %parallel_loop3A_835] {strides = array<i32>} : memref<31x8x128xf32, #tpu.memory_space<vmem>>, vector<1x1x16xf32>,
      %parallel_loop3A_837 = vector.shape_cast %parallel_loop3A_836 : vector<1x1x16xf32> to vector<16xf32>
      %parallel_loop3A_838 = arith.mulf %parallel_loop3A_837, %parallel_loop3A_837 : vector<16xf32>
      %parallel_loop3A_839 = arith.addf %parallel_loop3A_831, %parallel_loop3A_838 : vector<16xf32>
      %parallel_loop3A_840 = arith.constant 15 : i32
      %parallel_loop3A_841 = arith.index_cast %parallel_loop3A_840 : i32 to index
      %parallel_loop3A_842 = arith.index_cast %parallel_loop3A_200 : i32 to index
      %parallel_loop3A_843 = arith.index_cast %parallel_loop3A_204 : i32 to index
      %parallel_loop3A_844 = tpu.vector_load %arg7[%parallel_loop3A_841, %parallel_loop3A_842, %parallel_loop3A_843] {strides = array<i32>} : memref<31x8x128xf32, #tpu.memory_space<vmem>>, vector<1x1x16xf32>,
      %parallel_loop3A_845 = vector.shape_cast %parallel_loop3A_844 : vector<1x1x16xf32> to vector<16xf32>
      %parallel_loop3A_846 = arith.mulf %parallel_loop3A_845, %parallel_loop3A_845 : vector<16xf32>
      %parallel_loop3A_847 = arith.addf %parallel_loop3A_839, %parallel_loop3A_846 : vector<16xf32>
      %parallel_loop3A_848 = arith.constant 16 : i32
      %parallel_loop3A_849 = arith.index_cast %parallel_loop3A_848 : i32 to index
      %parallel_loop3A_850 = arith.index_cast %parallel_loop3A_200 : i32 to index
      %parallel_loop3A_851 = arith.index_cast %parallel_loop3A_204 : i32 to index
      %parallel_loop3A_852 = tpu.vector_load %arg7[%parallel_loop3A_849, %parallel_loop3A_850, %parallel_loop3A_851] {strides = array<i32>} : memref<31x8x128xf32, #tpu.memory_space<vmem>>, vector<1x1x16xf32>,
      %parallel_loop3A_853 = vector.shape_cast %parallel_loop3A_852 : vector<1x1x16xf32> to vector<16xf32>
      %parallel_loop3A_854 = arith.mulf %parallel_loop3A_853, %parallel_loop3A_853 : vector<16xf32>
      %parallel_loop3A_855 = arith.addf %parallel_loop3A_847, %parallel_loop3A_854 : vector<16xf32>
      %parallel_loop3A_856 = arith.constant 17 : i32
      %parallel_loop3A_857 = arith.index_cast %parallel_loop3A_856 : i32 to index
      %parallel_loop3A_858 = arith.index_cast %parallel_loop3A_200 : i32 to index
      %parallel_loop3A_859 = arith.index_cast %parallel_loop3A_204 : i32 to index
      %parallel_loop3A_860 = tpu.vector_load %arg7[%parallel_loop3A_857, %parallel_loop3A_858, %parallel_loop3A_859] {strides = array<i32>} : memref<31x8x128xf32, #tpu.memory_space<vmem>>, vector<1x1x16xf32>,
      %parallel_loop3A_861 = vector.shape_cast %parallel_loop3A_860 : vector<1x1x16xf32> to vector<16xf32>
      %parallel_loop3A_862 = arith.mulf %parallel_loop3A_861, %parallel_loop3A_861 : vector<16xf32>
      %parallel_loop3A_863 = arith.addf %parallel_loop3A_855, %parallel_loop3A_862 : vector<16xf32>
      %parallel_loop3A_864 = arith.constant 18 : i32
      %parallel_loop3A_865 = arith.index_cast %parallel_loop3A_864 : i32 to index
      %parallel_loop3A_866 = arith.index_cast %parallel_loop3A_200 : i32 to index
      %parallel_loop3A_867 = arith.index_cast %parallel_loop3A_204 : i32 to index
      %parallel_loop3A_868 = tpu.vector_load %arg7[%parallel_loop3A_865, %parallel_loop3A_866, %parallel_loop3A_867] {strides = array<i32>} : memref<31x8x128xf32, #tpu.memory_space<vmem>>, vector<1x1x16xf32>,
      %parallel_loop3A_869 = vector.shape_cast %parallel_loop3A_868 : vector<1x1x16xf32> to vector<16xf32>
      %parallel_loop3A_870 = arith.mulf %parallel_loop3A_869, %parallel_loop3A_869 : vector<16xf32>
      %parallel_loop3A_871 = arith.addf %parallel_loop3A_863, %parallel_loop3A_870 : vector<16xf32>
      %parallel_loop3A_872 = arith.constant 19 : i32
      %parallel_loop3A_873 = arith.index_cast %parallel_loop3A_872 : i32 to index
      %parallel_loop3A_874 = arith.index_cast %parallel_loop3A_200 : i32 to index
      %parallel_loop3A_875 = arith.index_cast %parallel_loop3A_204 : i32 to index
      %parallel_loop3A_876 = tpu.vector_load %arg7[%parallel_loop3A_873, %parallel_loop3A_874, %parallel_loop3A_875] {strides = array<i32>} : memref<31x8x128xf32, #tpu.memory_space<vmem>>, vector<1x1x16xf32>,
      %parallel_loop3A_877 = vector.shape_cast %parallel_loop3A_876 : vector<1x1x16xf32> to vector<16xf32>
      %parallel_loop3A_878 = arith.mulf %parallel_loop3A_877, %parallel_loop3A_877 : vector<16xf32>
      %parallel_loop3A_879 = arith.addf %parallel_loop3A_871, %parallel_loop3A_878 : vector<16xf32>
      %parallel_loop3A_880 = arith.constant 20 : i32
      %parallel_loop3A_881 = arith.index_cast %parallel_loop3A_880 : i32 to index
      %parallel_loop3A_882 = arith.index_cast %parallel_loop3A_200 : i32 to index
      %parallel_loop3A_883 = arith.index_cast %parallel_loop3A_204 : i32 to index
      %parallel_loop3A_884 = tpu.vector_load %arg7[%parallel_loop3A_881, %parallel_loop3A_882, %parallel_loop3A_883] {strides = array<i32>} : memref<31x8x128xf32, #tpu.memory_space<vmem>>, vector<1x1x16xf32>,
      %parallel_loop3A_885 = vector.shape_cast %parallel_loop3A_884 : vector<1x1x16xf32> to vector<16xf32>
      %parallel_loop3A_886 = arith.mulf %parallel_loop3A_885, %parallel_loop3A_885 : vector<16xf32>
      %parallel_loop3A_887 = arith.addf %parallel_loop3A_879, %parallel_loop3A_886 : vector<16xf32>
      %parallel_loop3A_888 = arith.constant 21 : i32
      %parallel_loop3A_889 = arith.index_cast %parallel_loop3A_888 : i32 to index
      %parallel_loop3A_890 = arith.index_cast %parallel_loop3A_200 : i32 to index
      %parallel_loop3A_891 = arith.index_cast %parallel_loop3A_204 : i32 to index
      %parallel_loop3A_892 = tpu.vector_load %arg7[%parallel_loop3A_889, %parallel_loop3A_890, %parallel_loop3A_891] {strides = array<i32>} : memref<31x8x128xf32, #tpu.memory_space<vmem>>, vector<1x1x16xf32>,
      %parallel_loop3A_893 = vector.shape_cast %parallel_loop3A_892 : vector<1x1x16xf32> to vector<16xf32>
      %parallel_loop3A_894 = arith.mulf %parallel_loop3A_893, %parallel_loop3A_893 : vector<16xf32>
      %parallel_loop3A_895 = arith.addf %parallel_loop3A_887, %parallel_loop3A_894 : vector<16xf32>
      %parallel_loop3A_896 = arith.constant 22 : i32
      %parallel_loop3A_897 = arith.index_cast %parallel_loop3A_896 : i32 to index
      %parallel_loop3A_898 = arith.index_cast %parallel_loop3A_200 : i32 to index
      %parallel_loop3A_899 = arith.index_cast %parallel_loop3A_204 : i32 to index
      %parallel_loop3A_900 = tpu.vector_load %arg7[%parallel_loop3A_897, %parallel_loop3A_898, %parallel_loop3A_899] {strides = array<i32>} : memref<31x8x128xf32, #tpu.memory_space<vmem>>, vector<1x1x16xf32>,
      %parallel_loop3A_901 = vector.shape_cast %parallel_loop3A_900 : vector<1x1x16xf32> to vector<16xf32>
      %parallel_loop3A_902 = arith.mulf %parallel_loop3A_901, %parallel_loop3A_901 : vector<16xf32>
      %parallel_loop3A_903 = arith.addf %parallel_loop3A_895, %parallel_loop3A_902 : vector<16xf32>
      %parallel_loop3A_904 = arith.constant 23 : i32
      %parallel_loop3A_905 = arith.index_cast %parallel_loop3A_904 : i32 to index
      %parallel_loop3A_906 = arith.index_cast %parallel_loop3A_200 : i32 to index
      %parallel_loop3A_907 = arith.index_cast %parallel_loop3A_204 : i32 to index
      %parallel_loop3A_908 = tpu.vector_load %arg7[%parallel_loop3A_905, %parallel_loop3A_906, %parallel_loop3A_907] {strides = array<i32>} : memref<31x8x128xf32, #tpu.memory_space<vmem>>, vector<1x1x16xf32>,
      %parallel_loop3A_909 = vector.shape_cast %parallel_loop3A_908 : vector<1x1x16xf32> to vector<16xf32>
      %parallel_loop3A_910 = arith.mulf %parallel_loop3A_909, %parallel_loop3A_909 : vector<16xf32>
      %parallel_loop3A_911 = arith.addf %parallel_loop3A_903, %parallel_loop3A_910 : vector<16xf32>
      %parallel_loop3A_912 = arith.constant 24 : i32
      %parallel_loop3A_913 = arith.index_cast %parallel_loop3A_912 : i32 to index
      %parallel_loop3A_914 = arith.index_cast %parallel_loop3A_200 : i32 to index
      %parallel_loop3A_915 = arith.index_cast %parallel_loop3A_204 : i32 to index
      %parallel_loop3A_916 = tpu.vector_load %arg7[%parallel_loop3A_913, %parallel_loop3A_914, %parallel_loop3A_915] {strides = array<i32>} : memref<31x8x128xf32, #tpu.memory_space<vmem>>, vector<1x1x16xf32>,
      %parallel_loop3A_917 = vector.shape_cast %parallel_loop3A_916 : vector<1x1x16xf32> to vector<16xf32>
      %parallel_loop3A_918 = arith.mulf %parallel_loop3A_917, %parallel_loop3A_917 : vector<16xf32>
      %parallel_loop3A_919 = arith.addf %parallel_loop3A_911, %parallel_loop3A_918 : vector<16xf32>
      %parallel_loop3A_920 = arith.constant 25 : i32
      %parallel_loop3A_921 = arith.index_cast %parallel_loop3A_920 : i32 to index
      %parallel_loop3A_922 = arith.index_cast %parallel_loop3A_200 : i32 to index
      %parallel_loop3A_923 = arith.index_cast %parallel_loop3A_204 : i32 to index
      %parallel_loop3A_924 = tpu.vector_load %arg7[%parallel_loop3A_921, %parallel_loop3A_922, %parallel_loop3A_923] {strides = array<i32>} : memref<31x8x128xf32, #tpu.memory_space<vmem>>, vector<1x1x16xf32>,
      %parallel_loop3A_925 = vector.shape_cast %parallel_loop3A_924 : vector<1x1x16xf32> to vector<16xf32>
      %parallel_loop3A_926 = arith.mulf %parallel_loop3A_925, %parallel_loop3A_925 : vector<16xf32>
      %parallel_loop3A_927 = arith.addf %parallel_loop3A_919, %parallel_loop3A_926 : vector<16xf32>
      %parallel_loop3A_928 = arith.constant 26 : i32
      %parallel_loop3A_929 = arith.index_cast %parallel_loop3A_928 : i32 to index
      %parallel_loop3A_930 = arith.index_cast %parallel_loop3A_200 : i32 to index
      %parallel_loop3A_931 = arith.index_cast %parallel_loop3A_204 : i32 to index
      %parallel_loop3A_932 = tpu.vector_load %arg7[%parallel_loop3A_929, %parallel_loop3A_930, %parallel_loop3A_931] {strides = array<i32>} : memref<31x8x128xf32, #tpu.memory_space<vmem>>, vector<1x1x16xf32>,
      %parallel_loop3A_933 = vector.shape_cast %parallel_loop3A_932 : vector<1x1x16xf32> to vector<16xf32>
      %parallel_loop3A_934 = arith.mulf %parallel_loop3A_933, %parallel_loop3A_933 : vector<16xf32>
      %parallel_loop3A_935 = arith.addf %parallel_loop3A_927, %parallel_loop3A_934 : vector<16xf32>
      %parallel_loop3A_936 = arith.constant 27 : i32
      %parallel_loop3A_937 = arith.index_cast %parallel_loop3A_936 : i32 to index
      %parallel_loop3A_938 = arith.index_cast %parallel_loop3A_200 : i32 to index
      %parallel_loop3A_939 = arith.index_cast %parallel_loop3A_204 : i32 to index
      %parallel_loop3A_940 = tpu.vector_load %arg7[%parallel_loop3A_937, %parallel_loop3A_938, %parallel_loop3A_939] {strides = array<i32>} : memref<31x8x128xf32, #tpu.memory_space<vmem>>, vector<1x1x16xf32>,
      %parallel_loop3A_941 = vector.shape_cast %parallel_loop3A_940 : vector<1x1x16xf32> to vector<16xf32>
      %parallel_loop3A_942 = arith.mulf %parallel_loop3A_941, %parallel_loop3A_941 : vector<16xf32>
      %parallel_loop3A_943 = arith.addf %parallel_loop3A_935, %parallel_loop3A_942 : vector<16xf32>
      %parallel_loop3A_944 = arith.constant 28 : i32
      %parallel_loop3A_945 = arith.index_cast %parallel_loop3A_944 : i32 to index
      %parallel_loop3A_946 = arith.index_cast %parallel_loop3A_200 : i32 to index
      %parallel_loop3A_947 = arith.index_cast %parallel_loop3A_204 : i32 to index
      %parallel_loop3A_948 = tpu.vector_load %arg7[%parallel_loop3A_945, %parallel_loop3A_946, %parallel_loop3A_947] {strides = array<i32>} : memref<31x8x128xf32, #tpu.memory_space<vmem>>, vector<1x1x16xf32>,
      %parallel_loop3A_949 = vector.shape_cast %parallel_loop3A_948 : vector<1x1x16xf32> to vector<16xf32>
      %parallel_loop3A_950 = arith.mulf %parallel_loop3A_949, %parallel_loop3A_949 : vector<16xf32>
      %parallel_loop3A_951 = arith.addf %parallel_loop3A_943, %parallel_loop3A_950 : vector<16xf32>
      %parallel_loop3A_952 = arith.constant 29 : i32
      %parallel_loop3A_953 = arith.index_cast %parallel_loop3A_952 : i32 to index
      %parallel_loop3A_954 = arith.index_cast %parallel_loop3A_200 : i32 to index
      %parallel_loop3A_955 = arith.index_cast %parallel_loop3A_204 : i32 to index
      %parallel_loop3A_956 = tpu.vector_load %arg7[%parallel_loop3A_953, %parallel_loop3A_954, %parallel_loop3A_955] {strides = array<i32>} : memref<31x8x128xf32, #tpu.memory_space<vmem>>, vector<1x1x16xf32>,
      %parallel_loop3A_957 = vector.shape_cast %parallel_loop3A_956 : vector<1x1x16xf32> to vector<16xf32>
      %parallel_loop3A_958 = arith.mulf %parallel_loop3A_957, %parallel_loop3A_957 : vector<16xf32>
      %parallel_loop3A_959 = arith.addf %parallel_loop3A_951, %parallel_loop3A_958 : vector<16xf32>
      %parallel_loop3A_960 = arith.constant 30 : i32
      %parallel_loop3A_961 = arith.index_cast %parallel_loop3A_960 : i32 to index
      %parallel_loop3A_962 = arith.index_cast %parallel_loop3A_200 : i32 to index
      %parallel_loop3A_963 = arith.index_cast %parallel_loop3A_204 : i32 to index
      %parallel_loop3A_964 = tpu.vector_load %arg7[%parallel_loop3A_961, %parallel_loop3A_962, %parallel_loop3A_963] {strides = array<i32>} : memref<31x8x128xf32, #tpu.memory_space<vmem>>, vector<1x1x16xf32>,
      %parallel_loop3A_965 = vector.shape_cast %parallel_loop3A_964 : vector<1x1x16xf32> to vector<16xf32>
      %parallel_loop3A_966 = arith.mulf %parallel_loop3A_965, %parallel_loop3A_965 : vector<16xf32>
      %parallel_loop3A_967 = arith.addf %parallel_loop3A_959, %parallel_loop3A_966 : vector<16xf32>
      %parallel_loop3A_968 = arith.constant 1.000000e-24 : f32
      %parallel_loop3A_969 = vector.broadcast %parallel_loop3A_968 : f32 to vector<16xf32>
      %parallel_loop3A_970 = arith.maximumf %parallel_loop3A_967, %parallel_loop3A_969 : vector<16xf32>
      %parallel_loop3A_971 = tpu.bitcast %parallel_loop3A_970 : vector<16xf32> -> vector<16xi32>
      %parallel_loop3A_972 = arith.constant 1 : i32
      %parallel_loop3A_973 = vector.broadcast %parallel_loop3A_972 : i32 to vector<16xi32>
      %parallel_loop3A_974 = arith.shrsi %parallel_loop3A_971, %parallel_loop3A_973 : vector<16xi32>
      %parallel_loop3A_975 = arith.constant 1597463007 : i32
      %parallel_loop3A_976 = vector.broadcast %parallel_loop3A_975 : i32 to vector<16xi32>
      %parallel_loop3A_977 = arith.subi %parallel_loop3A_976, %parallel_loop3A_974 : vector<16xi32>
      %parallel_loop3A_978 = tpu.bitcast %parallel_loop3A_977 : vector<16xi32> -> vector<16xf32>
      %parallel_loop3A_979 = arith.constant 5.000000e-01 : f32
      %parallel_loop3A_980 = vector.broadcast %parallel_loop3A_979 : f32 to vector<16xf32>
      %parallel_loop3A_981 = arith.mulf %parallel_loop3A_970, %parallel_loop3A_980 : vector<16xf32>
      %parallel_loop3A_982 = arith.mulf %parallel_loop3A_981, %parallel_loop3A_978 : vector<16xf32>
      %parallel_loop3A_983 = arith.mulf %parallel_loop3A_982, %parallel_loop3A_978 : vector<16xf32>
      %parallel_loop3A_984 = arith.constant 1.500000e+00 : f32
      %parallel_loop3A_985 = vector.broadcast %parallel_loop3A_984 : f32 to vector<16xf32>
      %parallel_loop3A_986 = arith.subf %parallel_loop3A_985, %parallel_loop3A_983 : vector<16xf32>
      %parallel_loop3A_987 = arith.mulf %parallel_loop3A_978, %parallel_loop3A_986 : vector<16xf32>
      %parallel_loop3A_988 = arith.mulf %parallel_loop3A_981, %parallel_loop3A_987 : vector<16xf32>
      %parallel_loop3A_989 = arith.mulf %parallel_loop3A_988, %parallel_loop3A_987 : vector<16xf32>
      %parallel_loop3A_990 = arith.constant 1.500000e+00 : f32
      %parallel_loop3A_991 = vector.broadcast %parallel_loop3A_990 : f32 to vector<16xf32>
      %parallel_loop3A_992 = arith.subf %parallel_loop3A_991, %parallel_loop3A_989 : vector<16xf32>
      %parallel_loop3A_993 = arith.mulf %parallel_loop3A_987, %parallel_loop3A_992 : vector<16xf32>
      %parallel_loop3A_994 = arith.mulf %parallel_loop3A_981, %parallel_loop3A_993 : vector<16xf32>
      %parallel_loop3A_995 = arith.mulf %parallel_loop3A_994, %parallel_loop3A_993 : vector<16xf32>
      %parallel_loop3A_996 = arith.constant 1.500000e+00 : f32
      %parallel_loop3A_997 = vector.broadcast %parallel_loop3A_996 : f32 to vector<16xf32>
      %parallel_loop3A_998 = arith.subf %parallel_loop3A_997, %parallel_loop3A_995 : vector<16xf32>
      %parallel_loop3A_999 = arith.mulf %parallel_loop3A_993, %parallel_loop3A_998 : vector<16xf32>
      %parallel_loop3A_1000 = arith.mulf %parallel_loop3A_999, %parallel_loop3A_389 : vector<16xf32>
      %parallel_loop3A_1001 = arith.mulf %parallel_loop3A_726, %parallel_loop3A_1000 : vector<16xf32>
      %parallel_loop3A_1002 = arith.constant 33 : i32
      %parallel_loop3A_1003 = arith.index_cast %parallel_loop3A_200 : i32 to index
      %parallel_loop3A_1004 = arith.index_cast %parallel_loop3A_1002 : i32 to index
      %parallel_loop3A_1005 = arith.index_cast %parallel_loop3A_204 : i32 to index
      %parallel_loop3A_1006 = tpu.vector_load %arg8[%parallel_loop3A_1003, %parallel_loop3A_1004, %parallel_loop3A_1005] {strides = array<i32>} : memref<8x64x128xf32, #tpu.memory_space<vmem>>, vector<1x1x16xf32>,
      %parallel_loop3A_1007 = vector.shape_cast %parallel_loop3A_1006 : vector<1x1x16xf32> to vector<16xf32>
      %parallel_loop3A_1008 = vector.shape_cast %parallel_loop3A_1001 : vector<16xf32> to vector<1x1x16xf32>
      tpu.vector_store %arg8[%parallel_loop3A_1003, %parallel_loop3A_1004, %parallel_loop3A_1005], %parallel_loop3A_1008 {strides = array<i32>} : memref<8x64x128xf32, #tpu.memory_space<vmem>>, vector<1x1x16xf32>,
      %parallel_loop3A_1009 = arith.mulf %parallel_loop3A_733, %parallel_loop3A_1000 : vector<16xf32>
      %parallel_loop3A_1010 = arith.constant 34 : i32
      %parallel_loop3A_1011 = arith.index_cast %parallel_loop3A_200 : i32 to index
      %parallel_loop3A_1012 = arith.index_cast %parallel_loop3A_1010 : i32 to index
      %parallel_loop3A_1013 = arith.index_cast %parallel_loop3A_204 : i32 to index
      %parallel_loop3A_1014 = tpu.vector_load %arg8[%parallel_loop3A_1011, %parallel_loop3A_1012, %parallel_loop3A_1013] {strides = array<i32>} : memref<8x64x128xf32, #tpu.memory_space<vmem>>, vector<1x1x16xf32>,
      %parallel_loop3A_1015 = vector.shape_cast %parallel_loop3A_1014 : vector<1x1x16xf32> to vector<16xf32>
      %parallel_loop3A_1016 = vector.shape_cast %parallel_loop3A_1009 : vector<16xf32> to vector<1x1x16xf32>
      tpu.vector_store %arg8[%parallel_loop3A_1011, %parallel_loop3A_1012, %parallel_loop3A_1013], %parallel_loop3A_1016 {strides = array<i32>} : memref<8x64x128xf32, #tpu.memory_space<vmem>>, vector<1x1x16xf32>,
      %parallel_loop3A_1017 = arith.mulf %parallel_loop3A_741, %parallel_loop3A_1000 : vector<16xf32>
      %parallel_loop3A_1018 = arith.constant 35 : i32
      %parallel_loop3A_1019 = arith.index_cast %parallel_loop3A_200 : i32 to index
      %parallel_loop3A_1020 = arith.index_cast %parallel_loop3A_1018 : i32 to index
      %parallel_loop3A_1021 = arith.index_cast %parallel_loop3A_204 : i32 to index
      %parallel_loop3A_1022 = tpu.vector_load %arg8[%parallel_loop3A_1019, %parallel_loop3A_1020, %parallel_loop3A_1021] {strides = array<i32>} : memref<8x64x128xf32, #tpu.memory_space<vmem>>, vector<1x1x16xf32>,
      %parallel_loop3A_1023 = vector.shape_cast %parallel_loop3A_1022 : vector<1x1x16xf32> to vector<16xf32>
      %parallel_loop3A_1024 = vector.shape_cast %parallel_loop3A_1017 : vector<16xf32> to vector<1x1x16xf32>
      tpu.vector_store %arg8[%parallel_loop3A_1019, %parallel_loop3A_1020, %parallel_loop3A_1021], %parallel_loop3A_1024 {strides = array<i32>} : memref<8x64x128xf32, #tpu.memory_space<vmem>>, vector<1x1x16xf32>,
      %parallel_loop3A_1025 = arith.mulf %parallel_loop3A_749, %parallel_loop3A_1000 : vector<16xf32>
      %parallel_loop3A_1026 = arith.constant 36 : i32
      %parallel_loop3A_1027 = arith.index_cast %parallel_loop3A_200 : i32 to index
      %parallel_loop3A_1028 = arith.index_cast %parallel_loop3A_1026 : i32 to index
      %parallel_loop3A_1029 = arith.index_cast %parallel_loop3A_204 : i32 to index
      %parallel_loop3A_1030 = tpu.vector_load %arg8[%parallel_loop3A_1027, %parallel_loop3A_1028, %parallel_loop3A_1029] {strides = array<i32>} : memref<8x64x128xf32, #tpu.memory_space<vmem>>, vector<1x1x16xf32>,
      %parallel_loop3A_1031 = vector.shape_cast %parallel_loop3A_1030 : vector<1x1x16xf32> to vector<16xf32>
      %parallel_loop3A_1032 = vector.shape_cast %parallel_loop3A_1025 : vector<16xf32> to vector<1x1x16xf32>
      tpu.vector_store %arg8[%parallel_loop3A_1027, %parallel_loop3A_1028, %parallel_loop3A_1029], %parallel_loop3A_1032 {strides = array<i32>} : memref<8x64x128xf32, #tpu.memory_space<vmem>>, vector<1x1x16xf32>,
      %parallel_loop3A_1033 = arith.mulf %parallel_loop3A_757, %parallel_loop3A_1000 : vector<16xf32>
      %parallel_loop3A_1034 = arith.constant 37 : i32
      %parallel_loop3A_1035 = arith.index_cast %parallel_loop3A_200 : i32 to index
      %parallel_loop3A_1036 = arith.index_cast %parallel_loop3A_1034 : i32 to index
      %parallel_loop3A_1037 = arith.index_cast %parallel_loop3A_204 : i32 to index
      %parallel_loop3A_1038 = tpu.vector_load %arg8[%parallel_loop3A_1035, %parallel_loop3A_1036, %parallel_loop3A_1037] {strides = array<i32>} : memref<8x64x128xf32, #tpu.memory_space<vmem>>, vector<1x1x16xf32>,
      %parallel_loop3A_1039 = vector.shape_cast %parallel_loop3A_1038 : vector<1x1x16xf32> to vector<16xf32>
      %parallel_loop3A_1040 = vector.shape_cast %parallel_loop3A_1033 : vector<16xf32> to vector<1x1x16xf32>
      tpu.vector_store %arg8[%parallel_loop3A_1035, %parallel_loop3A_1036, %parallel_loop3A_1037], %parallel_loop3A_1040 {strides = array<i32>} : memref<8x64x128xf32, #tpu.memory_space<vmem>>, vector<1x1x16xf32>,
      %parallel_loop3A_1041 = arith.mulf %parallel_loop3A_765, %parallel_loop3A_1000 : vector<16xf32>
      %parallel_loop3A_1042 = arith.constant 38 : i32
      %parallel_loop3A_1043 = arith.index_cast %parallel_loop3A_200 : i32 to index
      %parallel_loop3A_1044 = arith.index_cast %parallel_loop3A_1042 : i32 to index
      %parallel_loop3A_1045 = arith.index_cast %parallel_loop3A_204 : i32 to index
      %parallel_loop3A_1046 = tpu.vector_load %arg8[%parallel_loop3A_1043, %parallel_loop3A_1044, %parallel_loop3A_1045] {strides = array<i32>} : memref<8x64x128xf32, #tpu.memory_space<vmem>>, vector<1x1x16xf32>,
      %parallel_loop3A_1047 = vector.shape_cast %parallel_loop3A_1046 : vector<1x1x16xf32> to vector<16xf32>
      %parallel_loop3A_1048 = vector.shape_cast %parallel_loop3A_1041 : vector<16xf32> to vector<1x1x16xf32>
      tpu.vector_store %arg8[%parallel_loop3A_1043, %parallel_loop3A_1044, %parallel_loop3A_1045], %parallel_loop3A_1048 {strides = array<i32>} : memref<8x64x128xf32, #tpu.memory_space<vmem>>, vector<1x1x16xf32>,
      %parallel_loop3A_1049 = arith.mulf %parallel_loop3A_773, %parallel_loop3A_1000 : vector<16xf32>
      %parallel_loop3A_1050 = arith.constant 39 : i32
      %parallel_loop3A_1051 = arith.index_cast %parallel_loop3A_200 : i32 to index
      %parallel_loop3A_1052 = arith.index_cast %parallel_loop3A_1050 : i32 to index
      %parallel_loop3A_1053 = arith.index_cast %parallel_loop3A_204 : i32 to index
      %parallel_loop3A_1054 = tpu.vector_load %arg8[%parallel_loop3A_1051, %parallel_loop3A_1052, %parallel_loop3A_1053] {strides = array<i32>} : memref<8x64x128xf32, #tpu.memory_space<vmem>>, vector<1x1x16xf32>,
      %parallel_loop3A_1055 = vector.shape_cast %parallel_loop3A_1054 : vector<1x1x16xf32> to vector<16xf32>
      %parallel_loop3A_1056 = vector.shape_cast %parallel_loop3A_1049 : vector<16xf32> to vector<1x1x16xf32>
      tpu.vector_store %arg8[%parallel_loop3A_1051, %parallel_loop3A_1052, %parallel_loop3A_1053], %parallel_loop3A_1056 {strides = array<i32>} : memref<8x64x128xf32, #tpu.memory_space<vmem>>, vector<1x1x16xf32>,
      %parallel_loop3A_1057 = arith.mulf %parallel_loop3A_781, %parallel_loop3A_1000 : vector<16xf32>
      %parallel_loop3A_1058 = arith.constant 40 : i32
      %parallel_loop3A_1059 = arith.index_cast %parallel_loop3A_200 : i32 to index
      %parallel_loop3A_1060 = arith.index_cast %parallel_loop3A_1058 : i32 to index
      %parallel_loop3A_1061 = arith.index_cast %parallel_loop3A_204 : i32 to index
      %parallel_loop3A_1062 = tpu.vector_load %arg8[%parallel_loop3A_1059, %parallel_loop3A_1060, %parallel_loop3A_1061] {strides = array<i32>} : memref<8x64x128xf32, #tpu.memory_space<vmem>>, vector<1x1x16xf32>,
      %parallel_loop3A_1063 = vector.shape_cast %parallel_loop3A_1062 : vector<1x1x16xf32> to vector<16xf32>
      %parallel_loop3A_1064 = vector.shape_cast %parallel_loop3A_1057 : vector<16xf32> to vector<1x1x16xf32>
      tpu.vector_store %arg8[%parallel_loop3A_1059, %parallel_loop3A_1060, %parallel_loop3A_1061], %parallel_loop3A_1064 {strides = array<i32>} : memref<8x64x128xf32, #tpu.memory_space<vmem>>, vector<1x1x16xf32>,
      %parallel_loop3A_1065 = arith.mulf %parallel_loop3A_789, %parallel_loop3A_1000 : vector<16xf32>
      %parallel_loop3A_1066 = arith.constant 41 : i32
      %parallel_loop3A_1067 = arith.index_cast %parallel_loop3A_200 : i32 to index
      %parallel_loop3A_1068 = arith.index_cast %parallel_loop3A_1066 : i32 to index
      %parallel_loop3A_1069 = arith.index_cast %parallel_loop3A_204 : i32 to index
      %parallel_loop3A_1070 = tpu.vector_load %arg8[%parallel_loop3A_1067, %parallel_loop3A_1068, %parallel_loop3A_1069] {strides = array<i32>} : memref<8x64x128xf32, #tpu.memory_space<vmem>>, vector<1x1x16xf32>,
      %parallel_loop3A_1071 = vector.shape_cast %parallel_loop3A_1070 : vector<1x1x16xf32> to vector<16xf32>
      %parallel_loop3A_1072 = vector.shape_cast %parallel_loop3A_1065 : vector<16xf32> to vector<1x1x16xf32>
      tpu.vector_store %arg8[%parallel_loop3A_1067, %parallel_loop3A_1068, %parallel_loop3A_1069], %parallel_loop3A_1072 {strides = array<i32>} : memref<8x64x128xf32, #tpu.memory_space<vmem>>, vector<1x1x16xf32>,
      %parallel_loop3A_1073 = arith.mulf %parallel_loop3A_797, %parallel_loop3A_1000 : vector<16xf32>
      %parallel_loop3A_1074 = arith.constant 42 : i32
      %parallel_loop3A_1075 = arith.index_cast %parallel_loop3A_200 : i32 to index
      %parallel_loop3A_1076 = arith.index_cast %parallel_loop3A_1074 : i32 to index
      %parallel_loop3A_1077 = arith.index_cast %parallel_loop3A_204 : i32 to index
      %parallel_loop3A_1078 = tpu.vector_load %arg8[%parallel_loop3A_1075, %parallel_loop3A_1076, %parallel_loop3A_1077] {strides = array<i32>} : memref<8x64x128xf32, #tpu.memory_space<vmem>>, vector<1x1x16xf32>,
      %parallel_loop3A_1079 = vector.shape_cast %parallel_loop3A_1078 : vector<1x1x16xf32> to vector<16xf32>
      %parallel_loop3A_1080 = vector.shape_cast %parallel_loop3A_1073 : vector<16xf32> to vector<1x1x16xf32>
      tpu.vector_store %arg8[%parallel_loop3A_1075, %parallel_loop3A_1076, %parallel_loop3A_1077], %parallel_loop3A_1080 {strides = array<i32>} : memref<8x64x128xf32, #tpu.memory_space<vmem>>, vector<1x1x16xf32>,
      %parallel_loop3A_1081 = arith.mulf %parallel_loop3A_805, %parallel_loop3A_1000 : vector<16xf32>
      %parallel_loop3A_1082 = arith.constant 43 : i32
      %parallel_loop3A_1083 = arith.index_cast %parallel_loop3A_200 : i32 to index
      %parallel_loop3A_1084 = arith.index_cast %parallel_loop3A_1082 : i32 to index
      %parallel_loop3A_1085 = arith.index_cast %parallel_loop3A_204 : i32 to index
      %parallel_loop3A_1086 = tpu.vector_load %arg8[%parallel_loop3A_1083, %parallel_loop3A_1084, %parallel_loop3A_1085] {strides = array<i32>} : memref<8x64x128xf32, #tpu.memory_space<vmem>>, vector<1x1x16xf32>,
      %parallel_loop3A_1087 = vector.shape_cast %parallel_loop3A_1086 : vector<1x1x16xf32> to vector<16xf32>
      %parallel_loop3A_1088 = vector.shape_cast %parallel_loop3A_1081 : vector<16xf32> to vector<1x1x16xf32>
      tpu.vector_store %arg8[%parallel_loop3A_1083, %parallel_loop3A_1084, %parallel_loop3A_1085], %parallel_loop3A_1088 {strides = array<i32>} : memref<8x64x128xf32, #tpu.memory_space<vmem>>, vector<1x1x16xf32>,
      %parallel_loop3A_1089 = arith.mulf %parallel_loop3A_813, %parallel_loop3A_1000 : vector<16xf32>
      %parallel_loop3A_1090 = arith.constant 44 : i32
      %parallel_loop3A_1091 = arith.index_cast %parallel_loop3A_200 : i32 to index
      %parallel_loop3A_1092 = arith.index_cast %parallel_loop3A_1090 : i32 to index
      %parallel_loop3A_1093 = arith.index_cast %parallel_loop3A_204 : i32 to index
      %parallel_loop3A_1094 = tpu.vector_load %arg8[%parallel_loop3A_1091, %parallel_loop3A_1092, %parallel_loop3A_1093] {strides = array<i32>} : memref<8x64x128xf32, #tpu.memory_space<vmem>>, vector<1x1x16xf32>,
      %parallel_loop3A_1095 = vector.shape_cast %parallel_loop3A_1094 : vector<1x1x16xf32> to vector<16xf32>
      %parallel_loop3A_1096 = vector.shape_cast %parallel_loop3A_1089 : vector<16xf32> to vector<1x1x16xf32>
      tpu.vector_store %arg8[%parallel_loop3A_1091, %parallel_loop3A_1092, %parallel_loop3A_1093], %parallel_loop3A_1096 {strides = array<i32>} : memref<8x64x128xf32, #tpu.memory_space<vmem>>, vector<1x1x16xf32>,
      %parallel_loop3A_1097 = arith.mulf %parallel_loop3A_821, %parallel_loop3A_1000 : vector<16xf32>
      %parallel_loop3A_1098 = arith.constant 45 : i32
      %parallel_loop3A_1099 = arith.index_cast %parallel_loop3A_200 : i32 to index
      %parallel_loop3A_1100 = arith.index_cast %parallel_loop3A_1098 : i32 to index
      %parallel_loop3A_1101 = arith.index_cast %parallel_loop3A_204 : i32 to index
      %parallel_loop3A_1102 = tpu.vector_load %arg8[%parallel_loop3A_1099, %parallel_loop3A_1100, %parallel_loop3A_1101] {strides = array<i32>} : memref<8x64x128xf32, #tpu.memory_space<vmem>>, vector<1x1x16xf32>,
      %parallel_loop3A_1103 = vector.shape_cast %parallel_loop3A_1102 : vector<1x1x16xf32> to vector<16xf32>
      %parallel_loop3A_1104 = vector.shape_cast %parallel_loop3A_1097 : vector<16xf32> to vector<1x1x16xf32>
      tpu.vector_store %arg8[%parallel_loop3A_1099, %parallel_loop3A_1100, %parallel_loop3A_1101], %parallel_loop3A_1104 {strides = array<i32>} : memref<8x64x128xf32, #tpu.memory_space<vmem>>, vector<1x1x16xf32>,
      %parallel_loop3A_1105 = arith.mulf %parallel_loop3A_829, %parallel_loop3A_1000 : vector<16xf32>
      %parallel_loop3A_1106 = arith.constant 46 : i32
      %parallel_loop3A_1107 = arith.index_cast %parallel_loop3A_200 : i32 to index
      %parallel_loop3A_1108 = arith.index_cast %parallel_loop3A_1106 : i32 to index
      %parallel_loop3A_1109 = arith.index_cast %parallel_loop3A_204 : i32 to index
      %parallel_loop3A_1110 = tpu.vector_load %arg8[%parallel_loop3A_1107, %parallel_loop3A_1108, %parallel_loop3A_1109] {strides = array<i32>} : memref<8x64x128xf32, #tpu.memory_space<vmem>>, vector<1x1x16xf32>,
      %parallel_loop3A_1111 = vector.shape_cast %parallel_loop3A_1110 : vector<1x1x16xf32> to vector<16xf32>
      %parallel_loop3A_1112 = vector.shape_cast %parallel_loop3A_1105 : vector<16xf32> to vector<1x1x16xf32>
      tpu.vector_store %arg8[%parallel_loop3A_1107, %parallel_loop3A_1108, %parallel_loop3A_1109], %parallel_loop3A_1112 {strides = array<i32>} : memref<8x64x128xf32, #tpu.memory_space<vmem>>, vector<1x1x16xf32>,
      %parallel_loop3A_1113 = arith.mulf %parallel_loop3A_837, %parallel_loop3A_1000 : vector<16xf32>
      %parallel_loop3A_1114 = arith.constant 47 : i32
      %parallel_loop3A_1115 = arith.index_cast %parallel_loop3A_200 : i32 to index
      %parallel_loop3A_1116 = arith.index_cast %parallel_loop3A_1114 : i32 to index
      %parallel_loop3A_1117 = arith.index_cast %parallel_loop3A_204 : i32 to index
      %parallel_loop3A_1118 = tpu.vector_load %arg8[%parallel_loop3A_1115, %parallel_loop3A_1116, %parallel_loop3A_1117] {strides = array<i32>} : memref<8x64x128xf32, #tpu.memory_space<vmem>>, vector<1x1x16xf32>,
      %parallel_loop3A_1119 = vector.shape_cast %parallel_loop3A_1118 : vector<1x1x16xf32> to vector<16xf32>
      %parallel_loop3A_1120 = vector.shape_cast %parallel_loop3A_1113 : vector<16xf32> to vector<1x1x16xf32>
      tpu.vector_store %arg8[%parallel_loop3A_1115, %parallel_loop3A_1116, %parallel_loop3A_1117], %parallel_loop3A_1120 {strides = array<i32>} : memref<8x64x128xf32, #tpu.memory_space<vmem>>, vector<1x1x16xf32>,
      %parallel_loop3A_1121 = arith.mulf %parallel_loop3A_845, %parallel_loop3A_1000 : vector<16xf32>
      %parallel_loop3A_1122 = arith.constant 48 : i32
      %parallel_loop3A_1123 = arith.index_cast %parallel_loop3A_200 : i32 to index
      %parallel_loop3A_1124 = arith.index_cast %parallel_loop3A_1122 : i32 to index
      %parallel_loop3A_1125 = arith.index_cast %parallel_loop3A_204 : i32 to index
      %parallel_loop3A_1126 = tpu.vector_load %arg8[%parallel_loop3A_1123, %parallel_loop3A_1124, %parallel_loop3A_1125] {strides = array<i32>} : memref<8x64x128xf32, #tpu.memory_space<vmem>>, vector<1x1x16xf32>,
      %parallel_loop3A_1127 = vector.shape_cast %parallel_loop3A_1126 : vector<1x1x16xf32> to vector<16xf32>
      %parallel_loop3A_1128 = vector.shape_cast %parallel_loop3A_1121 : vector<16xf32> to vector<1x1x16xf32>
      tpu.vector_store %arg8[%parallel_loop3A_1123, %parallel_loop3A_1124, %parallel_loop3A_1125], %parallel_loop3A_1128 {strides = array<i32>} : memref<8x64x128xf32, #tpu.memory_space<vmem>>, vector<1x1x16xf32>,
      %parallel_loop3A_1129 = arith.mulf %parallel_loop3A_853, %parallel_loop3A_1000 : vector<16xf32>
      %parallel_loop3A_1130 = arith.constant 49 : i32
      %parallel_loop3A_1131 = arith.index_cast %parallel_loop3A_200 : i32 to index
      %parallel_loop3A_1132 = arith.index_cast %parallel_loop3A_1130 : i32 to index
      %parallel_loop3A_1133 = arith.index_cast %parallel_loop3A_204 : i32 to index
      %parallel_loop3A_1134 = tpu.vector_load %arg8[%parallel_loop3A_1131, %parallel_loop3A_1132, %parallel_loop3A_1133] {strides = array<i32>} : memref<8x64x128xf32, #tpu.memory_space<vmem>>, vector<1x1x16xf32>,
      %parallel_loop3A_1135 = vector.shape_cast %parallel_loop3A_1134 : vector<1x1x16xf32> to vector<16xf32>
      %parallel_loop3A_1136 = vector.shape_cast %parallel_loop3A_1129 : vector<16xf32> to vector<1x1x16xf32>
      tpu.vector_store %arg8[%parallel_loop3A_1131, %parallel_loop3A_1132, %parallel_loop3A_1133], %parallel_loop3A_1136 {strides = array<i32>} : memref<8x64x128xf32, #tpu.memory_space<vmem>>, vector<1x1x16xf32>,
      %parallel_loop3A_1137 = arith.mulf %parallel_loop3A_861, %parallel_loop3A_1000 : vector<16xf32>
      %parallel_loop3A_1138 = arith.constant 50 : i32
      %parallel_loop3A_1139 = arith.index_cast %parallel_loop3A_200 : i32 to index
      %parallel_loop3A_1140 = arith.index_cast %parallel_loop3A_1138 : i32 to index
      %parallel_loop3A_1141 = arith.index_cast %parallel_loop3A_204 : i32 to index
      %parallel_loop3A_1142 = tpu.vector_load %arg8[%parallel_loop3A_1139, %parallel_loop3A_1140, %parallel_loop3A_1141] {strides = array<i32>} : memref<8x64x128xf32, #tpu.memory_space<vmem>>, vector<1x1x16xf32>,
      %parallel_loop3A_1143 = vector.shape_cast %parallel_loop3A_1142 : vector<1x1x16xf32> to vector<16xf32>
      %parallel_loop3A_1144 = vector.shape_cast %parallel_loop3A_1137 : vector<16xf32> to vector<1x1x16xf32>
      tpu.vector_store %arg8[%parallel_loop3A_1139, %parallel_loop3A_1140, %parallel_loop3A_1141], %parallel_loop3A_1144 {strides = array<i32>} : memref<8x64x128xf32, #tpu.memory_space<vmem>>, vector<1x1x16xf32>,
      %parallel_loop3A_1145 = arith.mulf %parallel_loop3A_869, %parallel_loop3A_1000 : vector<16xf32>
      %parallel_loop3A_1146 = arith.constant 51 : i32
      %parallel_loop3A_1147 = arith.index_cast %parallel_loop3A_200 : i32 to index
      %parallel_loop3A_1148 = arith.index_cast %parallel_loop3A_1146 : i32 to index
      %parallel_loop3A_1149 = arith.index_cast %parallel_loop3A_204 : i32 to index
      %parallel_loop3A_1150 = tpu.vector_load %arg8[%parallel_loop3A_1147, %parallel_loop3A_1148, %parallel_loop3A_1149] {strides = array<i32>} : memref<8x64x128xf32, #tpu.memory_space<vmem>>, vector<1x1x16xf32>,
      %parallel_loop3A_1151 = vector.shape_cast %parallel_loop3A_1150 : vector<1x1x16xf32> to vector<16xf32>
      %parallel_loop3A_1152 = vector.shape_cast %parallel_loop3A_1145 : vector<16xf32> to vector<1x1x16xf32>
      tpu.vector_store %arg8[%parallel_loop3A_1147, %parallel_loop3A_1148, %parallel_loop3A_1149], %parallel_loop3A_1152 {strides = array<i32>} : memref<8x64x128xf32, #tpu.memory_space<vmem>>, vector<1x1x16xf32>,
      %parallel_loop3A_1153 = arith.mulf %parallel_loop3A_877, %parallel_loop3A_1000 : vector<16xf32>
      %parallel_loop3A_1154 = arith.constant 52 : i32
      %parallel_loop3A_1155 = arith.index_cast %parallel_loop3A_200 : i32 to index
      %parallel_loop3A_1156 = arith.index_cast %parallel_loop3A_1154 : i32 to index
      %parallel_loop3A_1157 = arith.index_cast %parallel_loop3A_204 : i32 to index
      %parallel_loop3A_1158 = tpu.vector_load %arg8[%parallel_loop3A_1155, %parallel_loop3A_1156, %parallel_loop3A_1157] {strides = array<i32>} : memref<8x64x128xf32, #tpu.memory_space<vmem>>, vector<1x1x16xf32>,
      %parallel_loop3A_1159 = vector.shape_cast %parallel_loop3A_1158 : vector<1x1x16xf32> to vector<16xf32>
      %parallel_loop3A_1160 = vector.shape_cast %parallel_loop3A_1153 : vector<16xf32> to vector<1x1x16xf32>
      tpu.vector_store %arg8[%parallel_loop3A_1155, %parallel_loop3A_1156, %parallel_loop3A_1157], %parallel_loop3A_1160 {strides = array<i32>} : memref<8x64x128xf32, #tpu.memory_space<vmem>>, vector<1x1x16xf32>,
      %parallel_loop3A_1161 = arith.mulf %parallel_loop3A_885, %parallel_loop3A_1000 : vector<16xf32>
      %parallel_loop3A_1162 = arith.constant 53 : i32
      %parallel_loop3A_1163 = arith.index_cast %parallel_loop3A_200 : i32 to index
      %parallel_loop3A_1164 = arith.index_cast %parallel_loop3A_1162 : i32 to index
      %parallel_loop3A_1165 = arith.index_cast %parallel_loop3A_204 : i32 to index
      %parallel_loop3A_1166 = tpu.vector_load %arg8[%parallel_loop3A_1163, %parallel_loop3A_1164, %parallel_loop3A_1165] {strides = array<i32>} : memref<8x64x128xf32, #tpu.memory_space<vmem>>, vector<1x1x16xf32>,
      %parallel_loop3A_1167 = vector.shape_cast %parallel_loop3A_1166 : vector<1x1x16xf32> to vector<16xf32>
      %parallel_loop3A_1168 = vector.shape_cast %parallel_loop3A_1161 : vector<16xf32> to vector<1x1x16xf32>
      tpu.vector_store %arg8[%parallel_loop3A_1163, %parallel_loop3A_1164, %parallel_loop3A_1165], %parallel_loop3A_1168 {strides = array<i32>} : memref<8x64x128xf32, #tpu.memory_space<vmem>>, vector<1x1x16xf32>,
      %parallel_loop3A_1169 = arith.mulf %parallel_loop3A_893, %parallel_loop3A_1000 : vector<16xf32>
      %parallel_loop3A_1170 = arith.constant 54 : i32
      %parallel_loop3A_1171 = arith.index_cast %parallel_loop3A_200 : i32 to index
      %parallel_loop3A_1172 = arith.index_cast %parallel_loop3A_1170 : i32 to index
      %parallel_loop3A_1173 = arith.index_cast %parallel_loop3A_204 : i32 to index
      %parallel_loop3A_1174 = tpu.vector_load %arg8[%parallel_loop3A_1171, %parallel_loop3A_1172, %parallel_loop3A_1173] {strides = array<i32>} : memref<8x64x128xf32, #tpu.memory_space<vmem>>, vector<1x1x16xf32>,
      %parallel_loop3A_1175 = vector.shape_cast %parallel_loop3A_1174 : vector<1x1x16xf32> to vector<16xf32>
      %parallel_loop3A_1176 = vector.shape_cast %parallel_loop3A_1169 : vector<16xf32> to vector<1x1x16xf32>
      tpu.vector_store %arg8[%parallel_loop3A_1171, %parallel_loop3A_1172, %parallel_loop3A_1173], %parallel_loop3A_1176 {strides = array<i32>} : memref<8x64x128xf32, #tpu.memory_space<vmem>>, vector<1x1x16xf32>,
      %parallel_loop3A_1177 = arith.mulf %parallel_loop3A_901, %parallel_loop3A_1000 : vector<16xf32>
      %parallel_loop3A_1178 = arith.constant 55 : i32
      %parallel_loop3A_1179 = arith.index_cast %parallel_loop3A_200 : i32 to index
      %parallel_loop3A_1180 = arith.index_cast %parallel_loop3A_1178 : i32 to index
      %parallel_loop3A_1181 = arith.index_cast %parallel_loop3A_204 : i32 to index
      %parallel_loop3A_1182 = tpu.vector_load %arg8[%parallel_loop3A_1179, %parallel_loop3A_1180, %parallel_loop3A_1181] {strides = array<i32>} : memref<8x64x128xf32, #tpu.memory_space<vmem>>, vector<1x1x16xf32>,
      %parallel_loop3A_1183 = vector.shape_cast %parallel_loop3A_1182 : vector<1x1x16xf32> to vector<16xf32>
      %parallel_loop3A_1184 = vector.shape_cast %parallel_loop3A_1177 : vector<16xf32> to vector<1x1x16xf32>
      tpu.vector_store %arg8[%parallel_loop3A_1179, %parallel_loop3A_1180, %parallel_loop3A_1181], %parallel_loop3A_1184 {strides = array<i32>} : memref<8x64x128xf32, #tpu.memory_space<vmem>>, vector<1x1x16xf32>,
      %parallel_loop3A_1185 = arith.mulf %parallel_loop3A_909, %parallel_loop3A_1000 : vector<16xf32>
      %parallel_loop3A_1186 = arith.constant 56 : i32
      %parallel_loop3A_1187 = arith.index_cast %parallel_loop3A_200 : i32 to index
      %parallel_loop3A_1188 = arith.index_cast %parallel_loop3A_1186 : i32 to index
      %parallel_loop3A_1189 = arith.index_cast %parallel_loop3A_204 : i32 to index
      %parallel_loop3A_1190 = tpu.vector_load %arg8[%parallel_loop3A_1187, %parallel_loop3A_1188, %parallel_loop3A_1189] {strides = array<i32>} : memref<8x64x128xf32, #tpu.memory_space<vmem>>, vector<1x1x16xf32>,
      %parallel_loop3A_1191 = vector.shape_cast %parallel_loop3A_1190 : vector<1x1x16xf32> to vector<16xf32>
      %parallel_loop3A_1192 = vector.shape_cast %parallel_loop3A_1185 : vector<16xf32> to vector<1x1x16xf32>
      tpu.vector_store %arg8[%parallel_loop3A_1187, %parallel_loop3A_1188, %parallel_loop3A_1189], %parallel_loop3A_1192 {strides = array<i32>} : memref<8x64x128xf32, #tpu.memory_space<vmem>>, vector<1x1x16xf32>,
      %parallel_loop3A_1193 = arith.mulf %parallel_loop3A_917, %parallel_loop3A_1000 : vector<16xf32>
      %parallel_loop3A_1194 = arith.constant 57 : i32
      %parallel_loop3A_1195 = arith.index_cast %parallel_loop3A_200 : i32 to index
      %parallel_loop3A_1196 = arith.index_cast %parallel_loop3A_1194 : i32 to index
      %parallel_loop3A_1197 = arith.index_cast %parallel_loop3A_204 : i32 to index
      %parallel_loop3A_1198 = tpu.vector_load %arg8[%parallel_loop3A_1195, %parallel_loop3A_1196, %parallel_loop3A_1197] {strides = array<i32>} : memref<8x64x128xf32, #tpu.memory_space<vmem>>, vector<1x1x16xf32>,
      %parallel_loop3A_1199 = vector.shape_cast %parallel_loop3A_1198 : vector<1x1x16xf32> to vector<16xf32>
      %parallel_loop3A_1200 = vector.shape_cast %parallel_loop3A_1193 : vector<16xf32> to vector<1x1x16xf32>
      tpu.vector_store %arg8[%parallel_loop3A_1195, %parallel_loop3A_1196, %parallel_loop3A_1197], %parallel_loop3A_1200 {strides = array<i32>} : memref<8x64x128xf32, #tpu.memory_space<vmem>>, vector<1x1x16xf32>,
      %parallel_loop3A_1201 = arith.mulf %parallel_loop3A_925, %parallel_loop3A_1000 : vector<16xf32>
      %parallel_loop3A_1202 = arith.constant 58 : i32
      %parallel_loop3A_1203 = arith.index_cast %parallel_loop3A_200 : i32 to index
      %parallel_loop3A_1204 = arith.index_cast %parallel_loop3A_1202 : i32 to index
      %parallel_loop3A_1205 = arith.index_cast %parallel_loop3A_204 : i32 to index
      %parallel_loop3A_1206 = tpu.vector_load %arg8[%parallel_loop3A_1203, %parallel_loop3A_1204, %parallel_loop3A_1205] {strides = array<i32>} : memref<8x64x128xf32, #tpu.memory_space<vmem>>, vector<1x1x16xf32>,
      %parallel_loop3A_1207 = vector.shape_cast %parallel_loop3A_1206 : vector<1x1x16xf32> to vector<16xf32>
      %parallel_loop3A_1208 = vector.shape_cast %parallel_loop3A_1201 : vector<16xf32> to vector<1x1x16xf32>
      tpu.vector_store %arg8[%parallel_loop3A_1203, %parallel_loop3A_1204, %parallel_loop3A_1205], %parallel_loop3A_1208 {strides = array<i32>} : memref<8x64x128xf32, #tpu.memory_space<vmem>>, vector<1x1x16xf32>,
      %parallel_loop3A_1209 = arith.mulf %parallel_loop3A_933, %parallel_loop3A_1000 : vector<16xf32>
      %parallel_loop3A_1210 = arith.constant 59 : i32
      %parallel_loop3A_1211 = arith.index_cast %parallel_loop3A_200 : i32 to index
      %parallel_loop3A_1212 = arith.index_cast %parallel_loop3A_1210 : i32 to index
      %parallel_loop3A_1213 = arith.index_cast %parallel_loop3A_204 : i32 to index
      %parallel_loop3A_1214 = tpu.vector_load %arg8[%parallel_loop3A_1211, %parallel_loop3A_1212, %parallel_loop3A_1213] {strides = array<i32>} : memref<8x64x128xf32, #tpu.memory_space<vmem>>, vector<1x1x16xf32>,
      %parallel_loop3A_1215 = vector.shape_cast %parallel_loop3A_1214 : vector<1x1x16xf32> to vector<16xf32>
      %parallel_loop3A_1216 = vector.shape_cast %parallel_loop3A_1209 : vector<16xf32> to vector<1x1x16xf32>
      tpu.vector_store %arg8[%parallel_loop3A_1211, %parallel_loop3A_1212, %parallel_loop3A_1213], %parallel_loop3A_1216 {strides = array<i32>} : memref<8x64x128xf32, #tpu.memory_space<vmem>>, vector<1x1x16xf32>,
      %parallel_loop3A_1217 = arith.mulf %parallel_loop3A_941, %parallel_loop3A_1000 : vector<16xf32>
      %parallel_loop3A_1218 = arith.constant 60 : i32
      %parallel_loop3A_1219 = arith.index_cast %parallel_loop3A_200 : i32 to index
      %parallel_loop3A_1220 = arith.index_cast %parallel_loop3A_1218 : i32 to index
      %parallel_loop3A_1221 = arith.index_cast %parallel_loop3A_204 : i32 to index
      %parallel_loop3A_1222 = tpu.vector_load %arg8[%parallel_loop3A_1219, %parallel_loop3A_1220, %parallel_loop3A_1221] {strides = array<i32>} : memref<8x64x128xf32, #tpu.memory_space<vmem>>, vector<1x1x16xf32>,
      %parallel_loop3A_1223 = vector.shape_cast %parallel_loop3A_1222 : vector<1x1x16xf32> to vector<16xf32>
      %parallel_loop3A_1224 = vector.shape_cast %parallel_loop3A_1217 : vector<16xf32> to vector<1x1x16xf32>
      tpu.vector_store %arg8[%parallel_loop3A_1219, %parallel_loop3A_1220, %parallel_loop3A_1221], %parallel_loop3A_1224 {strides = array<i32>} : memref<8x64x128xf32, #tpu.memory_space<vmem>>, vector<1x1x16xf32>,
      %parallel_loop3A_1225 = arith.mulf %parallel_loop3A_949, %parallel_loop3A_1000 : vector<16xf32>
      %parallel_loop3A_1226 = arith.constant 61 : i32
      %parallel_loop3A_1227 = arith.index_cast %parallel_loop3A_200 : i32 to index
      %parallel_loop3A_1228 = arith.index_cast %parallel_loop3A_1226 : i32 to index
      %parallel_loop3A_1229 = arith.index_cast %parallel_loop3A_204 : i32 to index
      %parallel_loop3A_1230 = tpu.vector_load %arg8[%parallel_loop3A_1227, %parallel_loop3A_1228, %parallel_loop3A_1229] {strides = array<i32>} : memref<8x64x128xf32, #tpu.memory_space<vmem>>, vector<1x1x16xf32>,
      %parallel_loop3A_1231 = vector.shape_cast %parallel_loop3A_1230 : vector<1x1x16xf32> to vector<16xf32>
      %parallel_loop3A_1232 = vector.shape_cast %parallel_loop3A_1225 : vector<16xf32> to vector<1x1x16xf32>
      tpu.vector_store %arg8[%parallel_loop3A_1227, %parallel_loop3A_1228, %parallel_loop3A_1229], %parallel_loop3A_1232 {strides = array<i32>} : memref<8x64x128xf32, #tpu.memory_space<vmem>>, vector<1x1x16xf32>,
      %parallel_loop3A_1233 = arith.mulf %parallel_loop3A_957, %parallel_loop3A_1000 : vector<16xf32>
      %parallel_loop3A_1234 = arith.constant 62 : i32
      %parallel_loop3A_1235 = arith.index_cast %parallel_loop3A_200 : i32 to index
      %parallel_loop3A_1236 = arith.index_cast %parallel_loop3A_1234 : i32 to index
      %parallel_loop3A_1237 = arith.index_cast %parallel_loop3A_204 : i32 to index
      %parallel_loop3A_1238 = tpu.vector_load %arg8[%parallel_loop3A_1235, %parallel_loop3A_1236, %parallel_loop3A_1237] {strides = array<i32>} : memref<8x64x128xf32, #tpu.memory_space<vmem>>, vector<1x1x16xf32>,
      %parallel_loop3A_1239 = vector.shape_cast %parallel_loop3A_1238 : vector<1x1x16xf32> to vector<16xf32>
      %parallel_loop3A_1240 = vector.shape_cast %parallel_loop3A_1233 : vector<16xf32> to vector<1x1x16xf32>
      tpu.vector_store %arg8[%parallel_loop3A_1235, %parallel_loop3A_1236, %parallel_loop3A_1237], %parallel_loop3A_1240 {strides = array<i32>} : memref<8x64x128xf32, #tpu.memory_space<vmem>>, vector<1x1x16xf32>,
      %parallel_loop3A_1241 = arith.mulf %parallel_loop3A_965, %parallel_loop3A_1000 : vector<16xf32>
      %parallel_loop3A_1242 = arith.constant 63 : i32
      %parallel_loop3A_1243 = arith.index_cast %parallel_loop3A_200 : i32 to index
      %parallel_loop3A_1244 = arith.index_cast %parallel_loop3A_1242 : i32 to index
      %parallel_loop3A_1245 = arith.index_cast %parallel_loop3A_204 : i32 to index
      %parallel_loop3A_1246 = tpu.vector_load %arg8[%parallel_loop3A_1243, %parallel_loop3A_1244, %parallel_loop3A_1245] {strides = array<i32>} : memref<8x64x128xf32, #tpu.memory_space<vmem>>, vector<1x1x16xf32>,
      %parallel_loop3A_1247 = vector.shape_cast %parallel_loop3A_1246 : vector<1x1x16xf32> to vector<16xf32>
      %parallel_loop3A_1248 = vector.shape_cast %parallel_loop3A_1241 : vector<16xf32> to vector<1x1x16xf32>
      tpu.vector_store %arg8[%parallel_loop3A_1243, %parallel_loop3A_1244, %parallel_loop3A_1245], %parallel_loop3A_1248 {strides = array<i32>} : memref<8x64x128xf32, #tpu.memory_space<vmem>>, vector<1x1x16xf32>,
    } {sc.loop_unroll_factor = 2 : i64, sc.parallel_access}
    %mul3A_174 = arith.constant 32 : i32
    %mul3A_175 = arith.muli %add3A, %mul3A_174 : i32
    %add3A_176 = arith.constant 0 : i32
    %add3A_177 = arith.addi %mul3A_175, %add3A_176 : i32
    %dma_start3A = arith.constant 0 : i32
    %dma_start3A_178 = arith.constant 0 : i32
    %dma_start3A_179 = tpu.memref_slice %arg5[%add3A_177, %dma_start3A, %dma_start3A_178] : memref<1024x64x128xf32, #tpu.memory_space<hbm>> -> memref<8x64x128xf32, #tpu.memory_space<hbm>>
    %dma_start3A_180 = arith.constant 0 : i32
    %dma_start3A_181 = arith.constant 0 : i32
    %dma_start3A_182 = tpu.memref_slice %arg5[%add3A_177, %dma_start3A_180, %dma_start3A_181] : memref<1024x64x128xf32, #tpu.memory_space<hbm>> -> memref<8x64x128xf32, #tpu.memory_space<hbm>>
    tpu.enqueue_dma source(%arg8 : memref<8x64x128xf32, #tpu.memory_space<vmem>>) target(%dma_start3A_182 : memref<8x64x128xf32, #tpu.memory_space<hbm>>) target_semaphore(%arg11 : memref<!tpu.dma_semaphore, #tpu.memory_space<semaphore_mem>>)
    %scan3A = arith.constant 0 : i32
    %scan3A_183 = arith.constant 1 : i32
    %scan3A_184 = arith.constant 3 : i32
    %scan3A_185 = arith.addi %scan3A_183, %scan3A_184 : i32
    %scan3A_186 = arith.constant 1 : i32
    %scan3A_187 = scf.for %scan3A_198 = %scan3A_183 to %scan3A_185 step %scan3A_186 iter_args(%scan3A_199 = %scan3A) -> (i32)  : i32 {
      %mul3A_200 = arith.constant 32 : i32
      %mul3A_201 = arith.muli %add3A, %mul3A_200 : i32
      %mul3A_202 = arith.constant 8 : i32
      %mul3A_203 = arith.muli %scan3A_198, %mul3A_202 : i32
      %add3A_204 = arith.addi %mul3A_201, %mul3A_203 : i32
      "tpu.region"() ({
        %run_scoped3A = tpu.sem_alloc : memref<!tpu.dma_semaphore, #tpu.memory_space<semaphore_mem>>
        %dma_start3A_232 = arith.constant 0 : i32
        %dma_start3A_233 = arith.constant 0 : i32
        %dma_start3A_234 = tpu.memref_slice %arg2[%dma_start3A_232, %add3A_204, %dma_start3A_233] : memref<75x1024x128xf32, #tpu.memory_space<hbm>> -> memref<16x8x128xf32, #tpu.memory_space<hbm>>
        %dma_start3A_235 = arith.constant 0 : i32
        %dma_start3A_236 = arith.constant 0 : i32
        %dma_start3A_237 = tpu.memref_slice %arg2[%dma_start3A_235, %add3A_204, %dma_start3A_236] : memref<75x1024x128xf32, #tpu.memory_space<hbm>> -> memref<16x8x128xf32, #tpu.memory_space<hbm>>
        tpu.enqueue_dma source(%dma_start3A_237 : memref<16x8x128xf32, #tpu.memory_space<hbm>>) target(%arg6 : memref<16x8x128xf32, #tpu.memory_space<vmem>>) target_semaphore(%run_scoped3A : memref<!tpu.dma_semaphore, #tpu.memory_space<semaphore_mem>>)
        %dma_wait3A_238 = arith.constant 0 : i32
        %dma_wait3A_239 = arith.constant 0 : i32
        %dma_wait3A_240 = tpu.memref_slice %arg2[%dma_wait3A_238, %add3A_204, %dma_wait3A_239] : memref<75x1024x128xf32, #tpu.memory_space<hbm>> -> memref<16x8x128xf32, #tpu.memory_space<hbm>>
        %dma_wait3A_241 = arith.constant 0 : i32
        %dma_wait3A_242 = arith.constant 0 : i32
        %dma_wait3A_243 = tpu.memref_slice %arg2[%dma_wait3A_241, %add3A_204, %dma_wait3A_242] : memref<75x1024x128xf32, #tpu.memory_space<hbm>> -> memref<16x8x128xf32, #tpu.memory_space<hbm>>
        tpu.wait_dma2 semaphore(%run_scoped3A : memref<!tpu.dma_semaphore, #tpu.memory_space<semaphore_mem>>) src(%dma_wait3A_243 : memref<16x8x128xf32, #tpu.memory_space<hbm>>) dst(%arg6 : memref<16x8x128xf32, #tpu.memory_space<vmem>>)
        tpu.yield
      }) : () -> ()
      "tpu.region"() ({
        %run_scoped3A = tpu.sem_alloc : memref<!tpu.dma_semaphore, #tpu.memory_space<semaphore_mem>>
        %dma_start3A_232 = arith.constant 44 : i32
        %dma_start3A_233 = arith.constant 0 : i32
        %dma_start3A_234 = tpu.memref_slice %arg2[%dma_start3A_232, %add3A_204, %dma_start3A_233] : memref<75x1024x128xf32, #tpu.memory_space<hbm>> -> memref<31x8x128xf32, #tpu.memory_space<hbm>>
        %dma_start3A_235 = arith.constant 44 : i32
        %dma_start3A_236 = arith.constant 0 : i32
        %dma_start3A_237 = tpu.memref_slice %arg2[%dma_start3A_235, %add3A_204, %dma_start3A_236] : memref<75x1024x128xf32, #tpu.memory_space<hbm>> -> memref<31x8x128xf32, #tpu.memory_space<hbm>>
        tpu.enqueue_dma source(%dma_start3A_237 : memref<31x8x128xf32, #tpu.memory_space<hbm>>) target(%arg7 : memref<31x8x128xf32, #tpu.memory_space<vmem>>) target_semaphore(%run_scoped3A : memref<!tpu.dma_semaphore, #tpu.memory_space<semaphore_mem>>)
        %dma_wait3A_238 = arith.constant 44 : i32
        %dma_wait3A_239 = arith.constant 0 : i32
        %dma_wait3A_240 = tpu.memref_slice %arg2[%dma_wait3A_238, %add3A_204, %dma_wait3A_239] : memref<75x1024x128xf32, #tpu.memory_space<hbm>> -> memref<31x8x128xf32, #tpu.memory_space<hbm>>
        %dma_wait3A_241 = arith.constant 44 : i32
        %dma_wait3A_242 = arith.constant 0 : i32
        %dma_wait3A_243 = tpu.memref_slice %arg2[%dma_wait3A_241, %add3A_204, %dma_wait3A_242] : memref<75x1024x128xf32, #tpu.memory_space<hbm>> -> memref<31x8x128xf32, #tpu.memory_space<hbm>>
        tpu.wait_dma2 semaphore(%run_scoped3A : memref<!tpu.dma_semaphore, #tpu.memory_space<semaphore_mem>>) src(%dma_wait3A_243 : memref<31x8x128xf32, #tpu.memory_space<hbm>>) dst(%arg7 : memref<31x8x128xf32, #tpu.memory_space<vmem>>)
        tpu.yield
      }) : () -> ()
      %sub3A = arith.constant 1 : i32
      %sub3A_205 = arith.subi %scan3A_198, %sub3A : i32
      %mul3A_206 = arith.constant 32 : i32
      %mul3A_207 = arith.muli %add3A, %mul3A_206 : i32
      %mul3A_208 = arith.constant 8 : i32
      %mul3A_209 = arith.muli %sub3A_205, %mul3A_208 : i32
      %add3A_210 = arith.addi %mul3A_207, %mul3A_209 : i32
      %dma_wait3A_211 = arith.constant 0 : i32
      %dma_wait3A_212 = arith.constant 0 : i32
      %dma_wait3A_213 = tpu.memref_slice %arg5[%add3A_210, %dma_wait3A_211, %dma_wait3A_212] : memref<1024x64x128xf32, #tpu.memory_space<hbm>> -> memref<8x64x128xf32, #tpu.memory_space<hbm>>
      %dma_wait3A_214 = arith.constant 0 : i32
      %dma_wait3A_215 = arith.constant 0 : i32
      %dma_wait3A_216 = tpu.memref_slice %arg5[%add3A_210, %dma_wait3A_214, %dma_wait3A_215] : memref<1024x64x128xf32, #tpu.memory_space<hbm>> -> memref<8x64x128xf32, #tpu.memory_space<hbm>>
      tpu.wait_dma2 semaphore(%arg11 : memref<!tpu.dma_semaphore, #tpu.memory_space<semaphore_mem>>) src(%arg8 : memref<8x64x128xf32, #tpu.memory_space<vmem>>) dst(%dma_wait3A_216 : memref<8x64x128xf32, #tpu.memory_space<hbm>>)
      %parallel_loop3A_217 = arith.constant 0 : i32
      %parallel_loop3A_218 = arith.constant 64 : i32
      %parallel_loop3A_219 = arith.constant 1 : i32
      scf.for %parallel_loop3A_232 = %parallel_loop3A_217 to %parallel_loop3A_218 step %parallel_loop3A_219  : i32 {
        %parallel_loop3A_233 = arith.constant 3 : i32
        %parallel_loop3A_234 = arith.shrsi %parallel_loop3A_232, %parallel_loop3A_233 : i32
        %parallel_loop3A_235 = arith.constant 7 : i32
        %parallel_loop3A_236 = arith.andi %parallel_loop3A_232, %parallel_loop3A_235 : i32
        %parallel_loop3A_237 = arith.constant 16 : i32
        %parallel_loop3A_238 = arith.muli %parallel_loop3A_236, %parallel_loop3A_237 : i32
        %parallel_loop3A_239 = arith.constant 0 : i32
        %parallel_loop3A_240 = arith.index_cast %parallel_loop3A_239 : i32 to index
        %parallel_loop3A_241 = arith.index_cast %parallel_loop3A_234 : i32 to index
        %parallel_loop3A_242 = arith.index_cast %parallel_loop3A_238 : i32 to index
        %parallel_loop3A_243 = tpu.vector_load %arg6[%parallel_loop3A_240, %parallel_loop3A_241, %parallel_loop3A_242] {strides = array<i32>} : memref<16x8x128xf32, #tpu.memory_space<vmem>>, vector<1x1x16xf32>,
        %parallel_loop3A_244 = vector.shape_cast %parallel_loop3A_243 : vector<1x1x16xf32> to vector<16xf32>
        %parallel_loop3A_245 = arith.constant 1 : i32
        %parallel_loop3A_246 = arith.index_cast %parallel_loop3A_245 : i32 to index
        %parallel_loop3A_247 = arith.index_cast %parallel_loop3A_234 : i32 to index
        %parallel_loop3A_248 = arith.index_cast %parallel_loop3A_238 : i32 to index
        %parallel_loop3A_249 = tpu.vector_load %arg6[%parallel_loop3A_246, %parallel_loop3A_247, %parallel_loop3A_248] {strides = array<i32>} : memref<16x8x128xf32, #tpu.memory_space<vmem>>, vector<1x1x16xf32>,
        %parallel_loop3A_250 = vector.shape_cast %parallel_loop3A_249 : vector<1x1x16xf32> to vector<16xf32>
        %parallel_loop3A_251 = arith.constant 2 : i32
        %parallel_loop3A_252 = arith.index_cast %parallel_loop3A_251 : i32 to index
        %parallel_loop3A_253 = arith.index_cast %parallel_loop3A_234 : i32 to index
        %parallel_loop3A_254 = arith.index_cast %parallel_loop3A_238 : i32 to index
        %parallel_loop3A_255 = tpu.vector_load %arg6[%parallel_loop3A_252, %parallel_loop3A_253, %parallel_loop3A_254] {strides = array<i32>} : memref<16x8x128xf32, #tpu.memory_space<vmem>>, vector<1x1x16xf32>,
        %parallel_loop3A_256 = vector.shape_cast %parallel_loop3A_255 : vector<1x1x16xf32> to vector<16xf32>
        %parallel_loop3A_257 = arith.constant 3 : i32
        %parallel_loop3A_258 = arith.index_cast %parallel_loop3A_257 : i32 to index
        %parallel_loop3A_259 = arith.index_cast %parallel_loop3A_234 : i32 to index
        %parallel_loop3A_260 = arith.index_cast %parallel_loop3A_238 : i32 to index
        %parallel_loop3A_261 = tpu.vector_load %arg6[%parallel_loop3A_258, %parallel_loop3A_259, %parallel_loop3A_260] {strides = array<i32>} : memref<16x8x128xf32, #tpu.memory_space<vmem>>, vector<1x1x16xf32>,
        %parallel_loop3A_262 = vector.shape_cast %parallel_loop3A_261 : vector<1x1x16xf32> to vector<16xf32>
        %parallel_loop3A_263 = arith.constant 4 : i32
        %parallel_loop3A_264 = arith.index_cast %parallel_loop3A_263 : i32 to index
        %parallel_loop3A_265 = arith.index_cast %parallel_loop3A_234 : i32 to index
        %parallel_loop3A_266 = arith.index_cast %parallel_loop3A_238 : i32 to index
        %parallel_loop3A_267 = tpu.vector_load %arg6[%parallel_loop3A_264, %parallel_loop3A_265, %parallel_loop3A_266] {strides = array<i32>} : memref<16x8x128xf32, #tpu.memory_space<vmem>>, vector<1x1x16xf32>,
        %parallel_loop3A_268 = vector.shape_cast %parallel_loop3A_267 : vector<1x1x16xf32> to vector<16xf32>
        %parallel_loop3A_269 = arith.constant 5 : i32
        %parallel_loop3A_270 = arith.index_cast %parallel_loop3A_269 : i32 to index
        %parallel_loop3A_271 = arith.index_cast %parallel_loop3A_234 : i32 to index
        %parallel_loop3A_272 = arith.index_cast %parallel_loop3A_238 : i32 to index
        %parallel_loop3A_273 = tpu.vector_load %arg6[%parallel_loop3A_270, %parallel_loop3A_271, %parallel_loop3A_272] {strides = array<i32>} : memref<16x8x128xf32, #tpu.memory_space<vmem>>, vector<1x1x16xf32>,
        %parallel_loop3A_274 = vector.shape_cast %parallel_loop3A_273 : vector<1x1x16xf32> to vector<16xf32>
        %parallel_loop3A_275 = arith.constant 6 : i32
        %parallel_loop3A_276 = arith.index_cast %parallel_loop3A_275 : i32 to index
        %parallel_loop3A_277 = arith.index_cast %parallel_loop3A_234 : i32 to index
        %parallel_loop3A_278 = arith.index_cast %parallel_loop3A_238 : i32 to index
        %parallel_loop3A_279 = tpu.vector_load %arg6[%parallel_loop3A_276, %parallel_loop3A_277, %parallel_loop3A_278] {strides = array<i32>} : memref<16x8x128xf32, #tpu.memory_space<vmem>>, vector<1x1x16xf32>,
        %parallel_loop3A_280 = vector.shape_cast %parallel_loop3A_279 : vector<1x1x16xf32> to vector<16xf32>
        %parallel_loop3A_281 = arith.constant 7 : i32
        %parallel_loop3A_282 = arith.index_cast %parallel_loop3A_281 : i32 to index
        %parallel_loop3A_283 = arith.index_cast %parallel_loop3A_234 : i32 to index
        %parallel_loop3A_284 = arith.index_cast %parallel_loop3A_238 : i32 to index
        %parallel_loop3A_285 = tpu.vector_load %arg6[%parallel_loop3A_282, %parallel_loop3A_283, %parallel_loop3A_284] {strides = array<i32>} : memref<16x8x128xf32, #tpu.memory_space<vmem>>, vector<1x1x16xf32>,
        %parallel_loop3A_286 = vector.shape_cast %parallel_loop3A_285 : vector<1x1x16xf32> to vector<16xf32>
        %parallel_loop3A_287 = arith.constant 8 : i32
        %parallel_loop3A_288 = arith.index_cast %parallel_loop3A_287 : i32 to index
        %parallel_loop3A_289 = arith.index_cast %parallel_loop3A_234 : i32 to index
        %parallel_loop3A_290 = arith.index_cast %parallel_loop3A_238 : i32 to index
        %parallel_loop3A_291 = tpu.vector_load %arg6[%parallel_loop3A_288, %parallel_loop3A_289, %parallel_loop3A_290] {strides = array<i32>} : memref<16x8x128xf32, #tpu.memory_space<vmem>>, vector<1x1x16xf32>,
        %parallel_loop3A_292 = vector.shape_cast %parallel_loop3A_291 : vector<1x1x16xf32> to vector<16xf32>
        %parallel_loop3A_293 = arith.constant 9 : i32
        %parallel_loop3A_294 = arith.index_cast %parallel_loop3A_293 : i32 to index
        %parallel_loop3A_295 = arith.index_cast %parallel_loop3A_234 : i32 to index
        %parallel_loop3A_296 = arith.index_cast %parallel_loop3A_238 : i32 to index
        %parallel_loop3A_297 = tpu.vector_load %arg6[%parallel_loop3A_294, %parallel_loop3A_295, %parallel_loop3A_296] {strides = array<i32>} : memref<16x8x128xf32, #tpu.memory_space<vmem>>, vector<1x1x16xf32>,
        %parallel_loop3A_298 = vector.shape_cast %parallel_loop3A_297 : vector<1x1x16xf32> to vector<16xf32>
        %parallel_loop3A_299 = arith.constant 10 : i32
        %parallel_loop3A_300 = arith.index_cast %parallel_loop3A_299 : i32 to index
        %parallel_loop3A_301 = arith.index_cast %parallel_loop3A_234 : i32 to index
        %parallel_loop3A_302 = arith.index_cast %parallel_loop3A_238 : i32 to index
        %parallel_loop3A_303 = tpu.vector_load %arg6[%parallel_loop3A_300, %parallel_loop3A_301, %parallel_loop3A_302] {strides = array<i32>} : memref<16x8x128xf32, #tpu.memory_space<vmem>>, vector<1x1x16xf32>,
        %parallel_loop3A_304 = vector.shape_cast %parallel_loop3A_303 : vector<1x1x16xf32> to vector<16xf32>
        %parallel_loop3A_305 = arith.constant 11 : i32
        %parallel_loop3A_306 = arith.index_cast %parallel_loop3A_305 : i32 to index
        %parallel_loop3A_307 = arith.index_cast %parallel_loop3A_234 : i32 to index
        %parallel_loop3A_308 = arith.index_cast %parallel_loop3A_238 : i32 to index
        %parallel_loop3A_309 = tpu.vector_load %arg6[%parallel_loop3A_306, %parallel_loop3A_307, %parallel_loop3A_308] {strides = array<i32>} : memref<16x8x128xf32, #tpu.memory_space<vmem>>, vector<1x1x16xf32>,
        %parallel_loop3A_310 = vector.shape_cast %parallel_loop3A_309 : vector<1x1x16xf32> to vector<16xf32>
        %parallel_loop3A_311 = arith.constant 12 : i32
        %parallel_loop3A_312 = arith.index_cast %parallel_loop3A_311 : i32 to index
        %parallel_loop3A_313 = arith.index_cast %parallel_loop3A_234 : i32 to index
        %parallel_loop3A_314 = arith.index_cast %parallel_loop3A_238 : i32 to index
        %parallel_loop3A_315 = tpu.vector_load %arg6[%parallel_loop3A_312, %parallel_loop3A_313, %parallel_loop3A_314] {strides = array<i32>} : memref<16x8x128xf32, #tpu.memory_space<vmem>>, vector<1x1x16xf32>,
        %parallel_loop3A_316 = vector.shape_cast %parallel_loop3A_315 : vector<1x1x16xf32> to vector<16xf32>
        %parallel_loop3A_317 = arith.constant 13 : i32
        %parallel_loop3A_318 = arith.index_cast %parallel_loop3A_317 : i32 to index
        %parallel_loop3A_319 = arith.index_cast %parallel_loop3A_234 : i32 to index
        %parallel_loop3A_320 = arith.index_cast %parallel_loop3A_238 : i32 to index
        %parallel_loop3A_321 = tpu.vector_load %arg6[%parallel_loop3A_318, %parallel_loop3A_319, %parallel_loop3A_320] {strides = array<i32>} : memref<16x8x128xf32, #tpu.memory_space<vmem>>, vector<1x1x16xf32>,
        %parallel_loop3A_322 = vector.shape_cast %parallel_loop3A_321 : vector<1x1x16xf32> to vector<16xf32>
        %parallel_loop3A_323 = arith.constant 14 : i32
        %parallel_loop3A_324 = arith.index_cast %parallel_loop3A_323 : i32 to index
        %parallel_loop3A_325 = arith.index_cast %parallel_loop3A_234 : i32 to index
        %parallel_loop3A_326 = arith.index_cast %parallel_loop3A_238 : i32 to index
        %parallel_loop3A_327 = tpu.vector_load %arg6[%parallel_loop3A_324, %parallel_loop3A_325, %parallel_loop3A_326] {strides = array<i32>} : memref<16x8x128xf32, #tpu.memory_space<vmem>>, vector<1x1x16xf32>,
        %parallel_loop3A_328 = vector.shape_cast %parallel_loop3A_327 : vector<1x1x16xf32> to vector<16xf32>
        %parallel_loop3A_329 = arith.constant 15 : i32
        %parallel_loop3A_330 = arith.index_cast %parallel_loop3A_329 : i32 to index
        %parallel_loop3A_331 = arith.index_cast %parallel_loop3A_234 : i32 to index
        %parallel_loop3A_332 = arith.index_cast %parallel_loop3A_238 : i32 to index
        %parallel_loop3A_333 = tpu.vector_load %arg6[%parallel_loop3A_330, %parallel_loop3A_331, %parallel_loop3A_332] {strides = array<i32>} : memref<16x8x128xf32, #tpu.memory_space<vmem>>, vector<1x1x16xf32>,
        %parallel_loop3A_334 = vector.shape_cast %parallel_loop3A_333 : vector<1x1x16xf32> to vector<16xf32>
        %parallel_loop3A_335 = arith.maximumf %parallel_loop3A_244, %parallel_loop3A_250 : vector<16xf32>
        %parallel_loop3A_336 = arith.maximumf %parallel_loop3A_335, %parallel_loop3A_256 : vector<16xf32>
        %parallel_loop3A_337 = arith.maximumf %parallel_loop3A_336, %parallel_loop3A_262 : vector<16xf32>
        %parallel_loop3A_338 = arith.maximumf %parallel_loop3A_337, %parallel_loop3A_268 : vector<16xf32>
        %parallel_loop3A_339 = arith.maximumf %parallel_loop3A_338, %parallel_loop3A_274 : vector<16xf32>
        %parallel_loop3A_340 = arith.maximumf %parallel_loop3A_339, %parallel_loop3A_280 : vector<16xf32>
        %parallel_loop3A_341 = arith.maximumf %parallel_loop3A_340, %parallel_loop3A_286 : vector<16xf32>
        %parallel_loop3A_342 = arith.maximumf %parallel_loop3A_341, %parallel_loop3A_292 : vector<16xf32>
        %parallel_loop3A_343 = arith.maximumf %parallel_loop3A_342, %parallel_loop3A_298 : vector<16xf32>
        %parallel_loop3A_344 = arith.maximumf %parallel_loop3A_343, %parallel_loop3A_304 : vector<16xf32>
        %parallel_loop3A_345 = arith.maximumf %parallel_loop3A_344, %parallel_loop3A_310 : vector<16xf32>
        %parallel_loop3A_346 = arith.maximumf %parallel_loop3A_345, %parallel_loop3A_316 : vector<16xf32>
        %parallel_loop3A_347 = arith.maximumf %parallel_loop3A_346, %parallel_loop3A_322 : vector<16xf32>
        %parallel_loop3A_348 = arith.maximumf %parallel_loop3A_347, %parallel_loop3A_328 : vector<16xf32>
        %parallel_loop3A_349 = arith.maximumf %parallel_loop3A_348, %parallel_loop3A_334 : vector<16xf32>
        %parallel_loop3A_350 = arith.constant 0 : i32
        %parallel_loop3A_351 = vector.broadcast %parallel_loop3A_350 : i32 to vector<16xi32>
        %parallel_loop3A_352 = arith.cmpf oeq, %parallel_loop3A_334, %parallel_loop3A_349 : vector<16xf32>
        %parallel_loop3A_353 = arith.constant 15 : i32
        %parallel_loop3A_354 = vector.broadcast %parallel_loop3A_353 : i32 to vector<16xi32>
        %parallel_loop3A_355 = arith.select %parallel_loop3A_352, %parallel_loop3A_354, %parallel_loop3A_351 : vector<16xi1>, vector<16xi32>
        %parallel_loop3A_356 = arith.cmpf oeq, %parallel_loop3A_328, %parallel_loop3A_349 : vector<16xf32>
        %parallel_loop3A_357 = arith.constant 14 : i32
        %parallel_loop3A_358 = vector.broadcast %parallel_loop3A_357 : i32 to vector<16xi32>
        %parallel_loop3A_359 = arith.select %parallel_loop3A_356, %parallel_loop3A_358, %parallel_loop3A_355 : vector<16xi1>, vector<16xi32>
        %parallel_loop3A_360 = arith.cmpf oeq, %parallel_loop3A_322, %parallel_loop3A_349 : vector<16xf32>
        %parallel_loop3A_361 = arith.constant 13 : i32
        %parallel_loop3A_362 = vector.broadcast %parallel_loop3A_361 : i32 to vector<16xi32>
        %parallel_loop3A_363 = arith.select %parallel_loop3A_360, %parallel_loop3A_362, %parallel_loop3A_359 : vector<16xi1>, vector<16xi32>
        %parallel_loop3A_364 = arith.cmpf oeq, %parallel_loop3A_316, %parallel_loop3A_349 : vector<16xf32>
        %parallel_loop3A_365 = arith.constant 12 : i32
        %parallel_loop3A_366 = vector.broadcast %parallel_loop3A_365 : i32 to vector<16xi32>
        %parallel_loop3A_367 = arith.select %parallel_loop3A_364, %parallel_loop3A_366, %parallel_loop3A_363 : vector<16xi1>, vector<16xi32>
        %parallel_loop3A_368 = arith.cmpf oeq, %parallel_loop3A_310, %parallel_loop3A_349 : vector<16xf32>
        %parallel_loop3A_369 = arith.constant 11 : i32
        %parallel_loop3A_370 = vector.broadcast %parallel_loop3A_369 : i32 to vector<16xi32>
        %parallel_loop3A_371 = arith.select %parallel_loop3A_368, %parallel_loop3A_370, %parallel_loop3A_367 : vector<16xi1>, vector<16xi32>
        %parallel_loop3A_372 = arith.cmpf oeq, %parallel_loop3A_304, %parallel_loop3A_349 : vector<16xf32>
        %parallel_loop3A_373 = arith.constant 10 : i32
        %parallel_loop3A_374 = vector.broadcast %parallel_loop3A_373 : i32 to vector<16xi32>
        %parallel_loop3A_375 = arith.select %parallel_loop3A_372, %parallel_loop3A_374, %parallel_loop3A_371 : vector<16xi1>, vector<16xi32>
        %parallel_loop3A_376 = arith.cmpf oeq, %parallel_loop3A_298, %parallel_loop3A_349 : vector<16xf32>
        %parallel_loop3A_377 = arith.constant 9 : i32
        %parallel_loop3A_378 = vector.broadcast %parallel_loop3A_377 : i32 to vector<16xi32>
        %parallel_loop3A_379 = arith.select %parallel_loop3A_376, %parallel_loop3A_378, %parallel_loop3A_375 : vector<16xi1>, vector<16xi32>
        %parallel_loop3A_380 = arith.cmpf oeq, %parallel_loop3A_292, %parallel_loop3A_349 : vector<16xf32>
        %parallel_loop3A_381 = arith.constant 8 : i32
        %parallel_loop3A_382 = vector.broadcast %parallel_loop3A_381 : i32 to vector<16xi32>
        %parallel_loop3A_383 = arith.select %parallel_loop3A_380, %parallel_loop3A_382, %parallel_loop3A_379 : vector<16xi1>, vector<16xi32>
        %parallel_loop3A_384 = arith.cmpf oeq, %parallel_loop3A_286, %parallel_loop3A_349 : vector<16xf32>
        %parallel_loop3A_385 = arith.constant 7 : i32
        %parallel_loop3A_386 = vector.broadcast %parallel_loop3A_385 : i32 to vector<16xi32>
        %parallel_loop3A_387 = arith.select %parallel_loop3A_384, %parallel_loop3A_386, %parallel_loop3A_383 : vector<16xi1>, vector<16xi32>
        %parallel_loop3A_388 = arith.cmpf oeq, %parallel_loop3A_280, %parallel_loop3A_349 : vector<16xf32>
        %parallel_loop3A_389 = arith.constant 6 : i32
        %parallel_loop3A_390 = vector.broadcast %parallel_loop3A_389 : i32 to vector<16xi32>
        %parallel_loop3A_391 = arith.select %parallel_loop3A_388, %parallel_loop3A_390, %parallel_loop3A_387 : vector<16xi1>, vector<16xi32>
        %parallel_loop3A_392 = arith.cmpf oeq, %parallel_loop3A_274, %parallel_loop3A_349 : vector<16xf32>
        %parallel_loop3A_393 = arith.constant 5 : i32
        %parallel_loop3A_394 = vector.broadcast %parallel_loop3A_393 : i32 to vector<16xi32>
        %parallel_loop3A_395 = arith.select %parallel_loop3A_392, %parallel_loop3A_394, %parallel_loop3A_391 : vector<16xi1>, vector<16xi32>
        %parallel_loop3A_396 = arith.cmpf oeq, %parallel_loop3A_268, %parallel_loop3A_349 : vector<16xf32>
        %parallel_loop3A_397 = arith.constant 4 : i32
        %parallel_loop3A_398 = vector.broadcast %parallel_loop3A_397 : i32 to vector<16xi32>
        %parallel_loop3A_399 = arith.select %parallel_loop3A_396, %parallel_loop3A_398, %parallel_loop3A_395 : vector<16xi1>, vector<16xi32>
        %parallel_loop3A_400 = arith.cmpf oeq, %parallel_loop3A_262, %parallel_loop3A_349 : vector<16xf32>
        %parallel_loop3A_401 = arith.constant 3 : i32
        %parallel_loop3A_402 = vector.broadcast %parallel_loop3A_401 : i32 to vector<16xi32>
        %parallel_loop3A_403 = arith.select %parallel_loop3A_400, %parallel_loop3A_402, %parallel_loop3A_399 : vector<16xi1>, vector<16xi32>
        %parallel_loop3A_404 = arith.cmpf oeq, %parallel_loop3A_256, %parallel_loop3A_349 : vector<16xf32>
        %parallel_loop3A_405 = arith.constant 2 : i32
        %parallel_loop3A_406 = vector.broadcast %parallel_loop3A_405 : i32 to vector<16xi32>
        %parallel_loop3A_407 = arith.select %parallel_loop3A_404, %parallel_loop3A_406, %parallel_loop3A_403 : vector<16xi1>, vector<16xi32>
        %parallel_loop3A_408 = arith.cmpf oeq, %parallel_loop3A_250, %parallel_loop3A_349 : vector<16xf32>
        %parallel_loop3A_409 = arith.constant 1 : i32
        %parallel_loop3A_410 = vector.broadcast %parallel_loop3A_409 : i32 to vector<16xi32>
        %parallel_loop3A_411 = arith.select %parallel_loop3A_408, %parallel_loop3A_410, %parallel_loop3A_407 : vector<16xi1>, vector<16xi32>
        %parallel_loop3A_412 = arith.cmpf oeq, %parallel_loop3A_244, %parallel_loop3A_349 : vector<16xf32>
        %parallel_loop3A_413 = arith.constant 0 : i32
        %parallel_loop3A_414 = vector.broadcast %parallel_loop3A_413 : i32 to vector<16xi32>
        %parallel_loop3A_415 = arith.select %parallel_loop3A_412, %parallel_loop3A_414, %parallel_loop3A_411 : vector<16xi1>, vector<16xi32>
        %parallel_loop3A_416 = arith.addi %add3A_204, %parallel_loop3A_234 : i32
        %parallel_loop3A_417 = vector.broadcast %parallel_loop3A_416 : i32 to vector<16xi32>
        %parallel_loop3A_418 = arith.cmpi slt, %parallel_loop3A_417, %get3A_2 : vector<16xi32>
        %parallel_loop3A_419 = arith.constant 1.000000e+00 : f32
        %parallel_loop3A_420 = arith.constant 0.000000e+00 : f32
        %parallel_loop3A_421 = vector.broadcast %parallel_loop3A_419 : f32 to vector<16xf32>
        %parallel_loop3A_422 = vector.broadcast %parallel_loop3A_420 : f32 to vector<16xf32>
        %parallel_loop3A_423 = arith.select %parallel_loop3A_418, %parallel_loop3A_421, %parallel_loop3A_422 : vector<16xi1>, vector<16xf32>
        %parallel_loop3A_424 = vector.shape_cast %parallel_loop3A_415 : vector<16xi32> to vector<16x1xi32>
        %parallel_loop3A_425 = vector.shape_cast %parallel_loop3A_424 : vector<16x1xi32> to vector<16xi32>
        %parallel_loop3A_426 = tpu.dynamic_gather %get3A_7[%parallel_loop3A_425] in [0] : vector<16xf32>, vector<16xi32> -> vector<16xf32>
        %parallel_loop3A_427 = arith.mulf %parallel_loop3A_426, %parallel_loop3A_423 : vector<16xf32>
        %parallel_loop3A_428 = arith.constant 0 : i32
        %parallel_loop3A_429 = arith.index_cast %parallel_loop3A_234 : i32 to index
        %parallel_loop3A_430 = arith.index_cast %parallel_loop3A_428 : i32 to index
        %parallel_loop3A_431 = arith.index_cast %parallel_loop3A_238 : i32 to index
        %parallel_loop3A_432 = tpu.vector_load %arg8[%parallel_loop3A_429, %parallel_loop3A_430, %parallel_loop3A_431] {strides = array<i32>} : memref<8x64x128xf32, #tpu.memory_space<vmem>>, vector<1x1x16xf32>,
        %parallel_loop3A_433 = vector.shape_cast %parallel_loop3A_432 : vector<1x1x16xf32> to vector<16xf32>
        %parallel_loop3A_434 = vector.shape_cast %parallel_loop3A_427 : vector<16xf32> to vector<1x1x16xf32>
        tpu.vector_store %arg8[%parallel_loop3A_429, %parallel_loop3A_430, %parallel_loop3A_431], %parallel_loop3A_434 {strides = array<i32>} : memref<8x64x128xf32, #tpu.memory_space<vmem>>, vector<1x1x16xf32>,
        %parallel_loop3A_435 = vector.shape_cast %parallel_loop3A_424 : vector<16x1xi32> to vector<16xi32>
        %parallel_loop3A_436 = tpu.dynamic_gather %get3A_12[%parallel_loop3A_435] in [0] : vector<16xf32>, vector<16xi32> -> vector<16xf32>
        %parallel_loop3A_437 = arith.mulf %parallel_loop3A_436, %parallel_loop3A_423 : vector<16xf32>
        %parallel_loop3A_438 = arith.constant 1 : i32
        %parallel_loop3A_439 = arith.index_cast %parallel_loop3A_234 : i32 to index
        %parallel_loop3A_440 = arith.index_cast %parallel_loop3A_438 : i32 to index
        %parallel_loop3A_441 = arith.index_cast %parallel_loop3A_238 : i32 to index
        %parallel_loop3A_442 = tpu.vector_load %arg8[%parallel_loop3A_439, %parallel_loop3A_440, %parallel_loop3A_441] {strides = array<i32>} : memref<8x64x128xf32, #tpu.memory_space<vmem>>, vector<1x1x16xf32>,
        %parallel_loop3A_443 = vector.shape_cast %parallel_loop3A_442 : vector<1x1x16xf32> to vector<16xf32>
        %parallel_loop3A_444 = vector.shape_cast %parallel_loop3A_437 : vector<16xf32> to vector<1x1x16xf32>
        tpu.vector_store %arg8[%parallel_loop3A_439, %parallel_loop3A_440, %parallel_loop3A_441], %parallel_loop3A_444 {strides = array<i32>} : memref<8x64x128xf32, #tpu.memory_space<vmem>>, vector<1x1x16xf32>,
        %parallel_loop3A_445 = vector.shape_cast %parallel_loop3A_424 : vector<16x1xi32> to vector<16xi32>
        %parallel_loop3A_446 = tpu.dynamic_gather %get3A_17[%parallel_loop3A_445] in [0] : vector<16xf32>, vector<16xi32> -> vector<16xf32>
        %parallel_loop3A_447 = arith.mulf %parallel_loop3A_446, %parallel_loop3A_423 : vector<16xf32>
        %parallel_loop3A_448 = arith.constant 2 : i32
        %parallel_loop3A_449 = arith.index_cast %parallel_loop3A_234 : i32 to index
        %parallel_loop3A_450 = arith.index_cast %parallel_loop3A_448 : i32 to index
        %parallel_loop3A_451 = arith.index_cast %parallel_loop3A_238 : i32 to index
        %parallel_loop3A_452 = tpu.vector_load %arg8[%parallel_loop3A_449, %parallel_loop3A_450, %parallel_loop3A_451] {strides = array<i32>} : memref<8x64x128xf32, #tpu.memory_space<vmem>>, vector<1x1x16xf32>,
        %parallel_loop3A_453 = vector.shape_cast %parallel_loop3A_452 : vector<1x1x16xf32> to vector<16xf32>
        %parallel_loop3A_454 = vector.shape_cast %parallel_loop3A_447 : vector<16xf32> to vector<1x1x16xf32>
        tpu.vector_store %arg8[%parallel_loop3A_449, %parallel_loop3A_450, %parallel_loop3A_451], %parallel_loop3A_454 {strides = array<i32>} : memref<8x64x128xf32, #tpu.memory_space<vmem>>, vector<1x1x16xf32>,
        %parallel_loop3A_455 = vector.shape_cast %parallel_loop3A_424 : vector<16x1xi32> to vector<16xi32>
        %parallel_loop3A_456 = tpu.dynamic_gather %get3A_22[%parallel_loop3A_455] in [0] : vector<16xf32>, vector<16xi32> -> vector<16xf32>
        %parallel_loop3A_457 = arith.mulf %parallel_loop3A_456, %parallel_loop3A_423 : vector<16xf32>
        %parallel_loop3A_458 = arith.constant 3 : i32
        %parallel_loop3A_459 = arith.index_cast %parallel_loop3A_234 : i32 to index
        %parallel_loop3A_460 = arith.index_cast %parallel_loop3A_458 : i32 to index
        %parallel_loop3A_461 = arith.index_cast %parallel_loop3A_238 : i32 to index
        %parallel_loop3A_462 = tpu.vector_load %arg8[%parallel_loop3A_459, %parallel_loop3A_460, %parallel_loop3A_461] {strides = array<i32>} : memref<8x64x128xf32, #tpu.memory_space<vmem>>, vector<1x1x16xf32>,
        %parallel_loop3A_463 = vector.shape_cast %parallel_loop3A_462 : vector<1x1x16xf32> to vector<16xf32>
        %parallel_loop3A_464 = vector.shape_cast %parallel_loop3A_457 : vector<16xf32> to vector<1x1x16xf32>
        tpu.vector_store %arg8[%parallel_loop3A_459, %parallel_loop3A_460, %parallel_loop3A_461], %parallel_loop3A_464 {strides = array<i32>} : memref<8x64x128xf32, #tpu.memory_space<vmem>>, vector<1x1x16xf32>,
        %parallel_loop3A_465 = vector.shape_cast %parallel_loop3A_424 : vector<16x1xi32> to vector<16xi32>
        %parallel_loop3A_466 = tpu.dynamic_gather %get3A_27[%parallel_loop3A_465] in [0] : vector<16xf32>, vector<16xi32> -> vector<16xf32>
        %parallel_loop3A_467 = arith.mulf %parallel_loop3A_466, %parallel_loop3A_423 : vector<16xf32>
        %parallel_loop3A_468 = arith.constant 4 : i32
        %parallel_loop3A_469 = arith.index_cast %parallel_loop3A_234 : i32 to index
        %parallel_loop3A_470 = arith.index_cast %parallel_loop3A_468 : i32 to index
        %parallel_loop3A_471 = arith.index_cast %parallel_loop3A_238 : i32 to index
        %parallel_loop3A_472 = tpu.vector_load %arg8[%parallel_loop3A_469, %parallel_loop3A_470, %parallel_loop3A_471] {strides = array<i32>} : memref<8x64x128xf32, #tpu.memory_space<vmem>>, vector<1x1x16xf32>,
        %parallel_loop3A_473 = vector.shape_cast %parallel_loop3A_472 : vector<1x1x16xf32> to vector<16xf32>
        %parallel_loop3A_474 = vector.shape_cast %parallel_loop3A_467 : vector<16xf32> to vector<1x1x16xf32>
        tpu.vector_store %arg8[%parallel_loop3A_469, %parallel_loop3A_470, %parallel_loop3A_471], %parallel_loop3A_474 {strides = array<i32>} : memref<8x64x128xf32, #tpu.memory_space<vmem>>, vector<1x1x16xf32>,
        %parallel_loop3A_475 = vector.shape_cast %parallel_loop3A_424 : vector<16x1xi32> to vector<16xi32>
        %parallel_loop3A_476 = tpu.dynamic_gather %get3A_32[%parallel_loop3A_475] in [0] : vector<16xf32>, vector<16xi32> -> vector<16xf32>
        %parallel_loop3A_477 = arith.mulf %parallel_loop3A_476, %parallel_loop3A_423 : vector<16xf32>
        %parallel_loop3A_478 = arith.constant 5 : i32
        %parallel_loop3A_479 = arith.index_cast %parallel_loop3A_234 : i32 to index
        %parallel_loop3A_480 = arith.index_cast %parallel_loop3A_478 : i32 to index
        %parallel_loop3A_481 = arith.index_cast %parallel_loop3A_238 : i32 to index
        %parallel_loop3A_482 = tpu.vector_load %arg8[%parallel_loop3A_479, %parallel_loop3A_480, %parallel_loop3A_481] {strides = array<i32>} : memref<8x64x128xf32, #tpu.memory_space<vmem>>, vector<1x1x16xf32>,
        %parallel_loop3A_483 = vector.shape_cast %parallel_loop3A_482 : vector<1x1x16xf32> to vector<16xf32>
        %parallel_loop3A_484 = vector.shape_cast %parallel_loop3A_477 : vector<16xf32> to vector<1x1x16xf32>
        tpu.vector_store %arg8[%parallel_loop3A_479, %parallel_loop3A_480, %parallel_loop3A_481], %parallel_loop3A_484 {strides = array<i32>} : memref<8x64x128xf32, #tpu.memory_space<vmem>>, vector<1x1x16xf32>,
        %parallel_loop3A_485 = vector.shape_cast %parallel_loop3A_424 : vector<16x1xi32> to vector<16xi32>
        %parallel_loop3A_486 = tpu.dynamic_gather %get3A_37[%parallel_loop3A_485] in [0] : vector<16xf32>, vector<16xi32> -> vector<16xf32>
        %parallel_loop3A_487 = arith.mulf %parallel_loop3A_486, %parallel_loop3A_423 : vector<16xf32>
        %parallel_loop3A_488 = arith.constant 6 : i32
        %parallel_loop3A_489 = arith.index_cast %parallel_loop3A_234 : i32 to index
        %parallel_loop3A_490 = arith.index_cast %parallel_loop3A_488 : i32 to index
        %parallel_loop3A_491 = arith.index_cast %parallel_loop3A_238 : i32 to index
        %parallel_loop3A_492 = tpu.vector_load %arg8[%parallel_loop3A_489, %parallel_loop3A_490, %parallel_loop3A_491] {strides = array<i32>} : memref<8x64x128xf32, #tpu.memory_space<vmem>>, vector<1x1x16xf32>,
        %parallel_loop3A_493 = vector.shape_cast %parallel_loop3A_492 : vector<1x1x16xf32> to vector<16xf32>
        %parallel_loop3A_494 = vector.shape_cast %parallel_loop3A_487 : vector<16xf32> to vector<1x1x16xf32>
        tpu.vector_store %arg8[%parallel_loop3A_489, %parallel_loop3A_490, %parallel_loop3A_491], %parallel_loop3A_494 {strides = array<i32>} : memref<8x64x128xf32, #tpu.memory_space<vmem>>, vector<1x1x16xf32>,
        %parallel_loop3A_495 = vector.shape_cast %parallel_loop3A_424 : vector<16x1xi32> to vector<16xi32>
        %parallel_loop3A_496 = tpu.dynamic_gather %get3A_42[%parallel_loop3A_495] in [0] : vector<16xf32>, vector<16xi32> -> vector<16xf32>
        %parallel_loop3A_497 = arith.mulf %parallel_loop3A_496, %parallel_loop3A_423 : vector<16xf32>
        %parallel_loop3A_498 = arith.constant 7 : i32
        %parallel_loop3A_499 = arith.index_cast %parallel_loop3A_234 : i32 to index
        %parallel_loop3A_500 = arith.index_cast %parallel_loop3A_498 : i32 to index
        %parallel_loop3A_501 = arith.index_cast %parallel_loop3A_238 : i32 to index
        %parallel_loop3A_502 = tpu.vector_load %arg8[%parallel_loop3A_499, %parallel_loop3A_500, %parallel_loop3A_501] {strides = array<i32>} : memref<8x64x128xf32, #tpu.memory_space<vmem>>, vector<1x1x16xf32>,
        %parallel_loop3A_503 = vector.shape_cast %parallel_loop3A_502 : vector<1x1x16xf32> to vector<16xf32>
        %parallel_loop3A_504 = vector.shape_cast %parallel_loop3A_497 : vector<16xf32> to vector<1x1x16xf32>
        tpu.vector_store %arg8[%parallel_loop3A_499, %parallel_loop3A_500, %parallel_loop3A_501], %parallel_loop3A_504 {strides = array<i32>} : memref<8x64x128xf32, #tpu.memory_space<vmem>>, vector<1x1x16xf32>,
        %parallel_loop3A_505 = vector.shape_cast %parallel_loop3A_424 : vector<16x1xi32> to vector<16xi32>
        %parallel_loop3A_506 = tpu.dynamic_gather %get3A_47[%parallel_loop3A_505] in [0] : vector<16xf32>, vector<16xi32> -> vector<16xf32>
        %parallel_loop3A_507 = arith.mulf %parallel_loop3A_506, %parallel_loop3A_423 : vector<16xf32>
        %parallel_loop3A_508 = arith.constant 8 : i32
        %parallel_loop3A_509 = arith.index_cast %parallel_loop3A_234 : i32 to index
        %parallel_loop3A_510 = arith.index_cast %parallel_loop3A_508 : i32 to index
        %parallel_loop3A_511 = arith.index_cast %parallel_loop3A_238 : i32 to index
        %parallel_loop3A_512 = tpu.vector_load %arg8[%parallel_loop3A_509, %parallel_loop3A_510, %parallel_loop3A_511] {strides = array<i32>} : memref<8x64x128xf32, #tpu.memory_space<vmem>>, vector<1x1x16xf32>,
        %parallel_loop3A_513 = vector.shape_cast %parallel_loop3A_512 : vector<1x1x16xf32> to vector<16xf32>
        %parallel_loop3A_514 = vector.shape_cast %parallel_loop3A_507 : vector<16xf32> to vector<1x1x16xf32>
        tpu.vector_store %arg8[%parallel_loop3A_509, %parallel_loop3A_510, %parallel_loop3A_511], %parallel_loop3A_514 {strides = array<i32>} : memref<8x64x128xf32, #tpu.memory_space<vmem>>, vector<1x1x16xf32>,
        %parallel_loop3A_515 = vector.shape_cast %parallel_loop3A_424 : vector<16x1xi32> to vector<16xi32>
        %parallel_loop3A_516 = tpu.dynamic_gather %get3A_52[%parallel_loop3A_515] in [0] : vector<16xf32>, vector<16xi32> -> vector<16xf32>
        %parallel_loop3A_517 = arith.mulf %parallel_loop3A_516, %parallel_loop3A_423 : vector<16xf32>
        %parallel_loop3A_518 = arith.constant 9 : i32
        %parallel_loop3A_519 = arith.index_cast %parallel_loop3A_234 : i32 to index
        %parallel_loop3A_520 = arith.index_cast %parallel_loop3A_518 : i32 to index
        %parallel_loop3A_521 = arith.index_cast %parallel_loop3A_238 : i32 to index
        %parallel_loop3A_522 = tpu.vector_load %arg8[%parallel_loop3A_519, %parallel_loop3A_520, %parallel_loop3A_521] {strides = array<i32>} : memref<8x64x128xf32, #tpu.memory_space<vmem>>, vector<1x1x16xf32>,
        %parallel_loop3A_523 = vector.shape_cast %parallel_loop3A_522 : vector<1x1x16xf32> to vector<16xf32>
        %parallel_loop3A_524 = vector.shape_cast %parallel_loop3A_517 : vector<16xf32> to vector<1x1x16xf32>
        tpu.vector_store %arg8[%parallel_loop3A_519, %parallel_loop3A_520, %parallel_loop3A_521], %parallel_loop3A_524 {strides = array<i32>} : memref<8x64x128xf32, #tpu.memory_space<vmem>>, vector<1x1x16xf32>,
        %parallel_loop3A_525 = vector.shape_cast %parallel_loop3A_424 : vector<16x1xi32> to vector<16xi32>
        %parallel_loop3A_526 = tpu.dynamic_gather %get3A_57[%parallel_loop3A_525] in [0] : vector<16xf32>, vector<16xi32> -> vector<16xf32>
        %parallel_loop3A_527 = arith.mulf %parallel_loop3A_526, %parallel_loop3A_423 : vector<16xf32>
        %parallel_loop3A_528 = arith.constant 10 : i32
        %parallel_loop3A_529 = arith.index_cast %parallel_loop3A_234 : i32 to index
        %parallel_loop3A_530 = arith.index_cast %parallel_loop3A_528 : i32 to index
        %parallel_loop3A_531 = arith.index_cast %parallel_loop3A_238 : i32 to index
        %parallel_loop3A_532 = tpu.vector_load %arg8[%parallel_loop3A_529, %parallel_loop3A_530, %parallel_loop3A_531] {strides = array<i32>} : memref<8x64x128xf32, #tpu.memory_space<vmem>>, vector<1x1x16xf32>,
        %parallel_loop3A_533 = vector.shape_cast %parallel_loop3A_532 : vector<1x1x16xf32> to vector<16xf32>
        %parallel_loop3A_534 = vector.shape_cast %parallel_loop3A_527 : vector<16xf32> to vector<1x1x16xf32>
        tpu.vector_store %arg8[%parallel_loop3A_529, %parallel_loop3A_530, %parallel_loop3A_531], %parallel_loop3A_534 {strides = array<i32>} : memref<8x64x128xf32, #tpu.memory_space<vmem>>, vector<1x1x16xf32>,
        %parallel_loop3A_535 = vector.shape_cast %parallel_loop3A_424 : vector<16x1xi32> to vector<16xi32>
        %parallel_loop3A_536 = tpu.dynamic_gather %get3A_62[%parallel_loop3A_535] in [0] : vector<16xf32>, vector<16xi32> -> vector<16xf32>
        %parallel_loop3A_537 = arith.mulf %parallel_loop3A_536, %parallel_loop3A_423 : vector<16xf32>
        %parallel_loop3A_538 = arith.constant 11 : i32
        %parallel_loop3A_539 = arith.index_cast %parallel_loop3A_234 : i32 to index
        %parallel_loop3A_540 = arith.index_cast %parallel_loop3A_538 : i32 to index
        %parallel_loop3A_541 = arith.index_cast %parallel_loop3A_238 : i32 to index
        %parallel_loop3A_542 = tpu.vector_load %arg8[%parallel_loop3A_539, %parallel_loop3A_540, %parallel_loop3A_541] {strides = array<i32>} : memref<8x64x128xf32, #tpu.memory_space<vmem>>, vector<1x1x16xf32>,
        %parallel_loop3A_543 = vector.shape_cast %parallel_loop3A_542 : vector<1x1x16xf32> to vector<16xf32>
        %parallel_loop3A_544 = vector.shape_cast %parallel_loop3A_537 : vector<16xf32> to vector<1x1x16xf32>
        tpu.vector_store %arg8[%parallel_loop3A_539, %parallel_loop3A_540, %parallel_loop3A_541], %parallel_loop3A_544 {strides = array<i32>} : memref<8x64x128xf32, #tpu.memory_space<vmem>>, vector<1x1x16xf32>,
        %parallel_loop3A_545 = vector.shape_cast %parallel_loop3A_424 : vector<16x1xi32> to vector<16xi32>
        %parallel_loop3A_546 = tpu.dynamic_gather %get3A_67[%parallel_loop3A_545] in [0] : vector<16xf32>, vector<16xi32> -> vector<16xf32>
        %parallel_loop3A_547 = arith.mulf %parallel_loop3A_546, %parallel_loop3A_423 : vector<16xf32>
        %parallel_loop3A_548 = arith.constant 12 : i32
        %parallel_loop3A_549 = arith.index_cast %parallel_loop3A_234 : i32 to index
        %parallel_loop3A_550 = arith.index_cast %parallel_loop3A_548 : i32 to index
        %parallel_loop3A_551 = arith.index_cast %parallel_loop3A_238 : i32 to index
        %parallel_loop3A_552 = tpu.vector_load %arg8[%parallel_loop3A_549, %parallel_loop3A_550, %parallel_loop3A_551] {strides = array<i32>} : memref<8x64x128xf32, #tpu.memory_space<vmem>>, vector<1x1x16xf32>,
        %parallel_loop3A_553 = vector.shape_cast %parallel_loop3A_552 : vector<1x1x16xf32> to vector<16xf32>
        %parallel_loop3A_554 = vector.shape_cast %parallel_loop3A_547 : vector<16xf32> to vector<1x1x16xf32>
        tpu.vector_store %arg8[%parallel_loop3A_549, %parallel_loop3A_550, %parallel_loop3A_551], %parallel_loop3A_554 {strides = array<i32>} : memref<8x64x128xf32, #tpu.memory_space<vmem>>, vector<1x1x16xf32>,
        %parallel_loop3A_555 = vector.shape_cast %parallel_loop3A_424 : vector<16x1xi32> to vector<16xi32>
        %parallel_loop3A_556 = tpu.dynamic_gather %get3A_72[%parallel_loop3A_555] in [0] : vector<16xf32>, vector<16xi32> -> vector<16xf32>
        %parallel_loop3A_557 = arith.mulf %parallel_loop3A_556, %parallel_loop3A_423 : vector<16xf32>
        %parallel_loop3A_558 = arith.constant 13 : i32
        %parallel_loop3A_559 = arith.index_cast %parallel_loop3A_234 : i32 to index
        %parallel_loop3A_560 = arith.index_cast %parallel_loop3A_558 : i32 to index
        %parallel_loop3A_561 = arith.index_cast %parallel_loop3A_238 : i32 to index
        %parallel_loop3A_562 = tpu.vector_load %arg8[%parallel_loop3A_559, %parallel_loop3A_560, %parallel_loop3A_561] {strides = array<i32>} : memref<8x64x128xf32, #tpu.memory_space<vmem>>, vector<1x1x16xf32>,
        %parallel_loop3A_563 = vector.shape_cast %parallel_loop3A_562 : vector<1x1x16xf32> to vector<16xf32>
        %parallel_loop3A_564 = vector.shape_cast %parallel_loop3A_557 : vector<16xf32> to vector<1x1x16xf32>
        tpu.vector_store %arg8[%parallel_loop3A_559, %parallel_loop3A_560, %parallel_loop3A_561], %parallel_loop3A_564 {strides = array<i32>} : memref<8x64x128xf32, #tpu.memory_space<vmem>>, vector<1x1x16xf32>,
        %parallel_loop3A_565 = vector.shape_cast %parallel_loop3A_424 : vector<16x1xi32> to vector<16xi32>
        %parallel_loop3A_566 = tpu.dynamic_gather %get3A_77[%parallel_loop3A_565] in [0] : vector<16xf32>, vector<16xi32> -> vector<16xf32>
        %parallel_loop3A_567 = arith.mulf %parallel_loop3A_566, %parallel_loop3A_423 : vector<16xf32>
        %parallel_loop3A_568 = arith.constant 14 : i32
        %parallel_loop3A_569 = arith.index_cast %parallel_loop3A_234 : i32 to index
        %parallel_loop3A_570 = arith.index_cast %parallel_loop3A_568 : i32 to index
        %parallel_loop3A_571 = arith.index_cast %parallel_loop3A_238 : i32 to index
        %parallel_loop3A_572 = tpu.vector_load %arg8[%parallel_loop3A_569, %parallel_loop3A_570, %parallel_loop3A_571] {strides = array<i32>} : memref<8x64x128xf32, #tpu.memory_space<vmem>>, vector<1x1x16xf32>,
        %parallel_loop3A_573 = vector.shape_cast %parallel_loop3A_572 : vector<1x1x16xf32> to vector<16xf32>
        %parallel_loop3A_574 = vector.shape_cast %parallel_loop3A_567 : vector<16xf32> to vector<1x1x16xf32>
        tpu.vector_store %arg8[%parallel_loop3A_569, %parallel_loop3A_570, %parallel_loop3A_571], %parallel_loop3A_574 {strides = array<i32>} : memref<8x64x128xf32, #tpu.memory_space<vmem>>, vector<1x1x16xf32>,
        %parallel_loop3A_575 = vector.shape_cast %parallel_loop3A_424 : vector<16x1xi32> to vector<16xi32>
        %parallel_loop3A_576 = tpu.dynamic_gather %get3A_82[%parallel_loop3A_575] in [0] : vector<16xf32>, vector<16xi32> -> vector<16xf32>
        %parallel_loop3A_577 = arith.mulf %parallel_loop3A_576, %parallel_loop3A_423 : vector<16xf32>
        %parallel_loop3A_578 = arith.constant 15 : i32
        %parallel_loop3A_579 = arith.index_cast %parallel_loop3A_234 : i32 to index
        %parallel_loop3A_580 = arith.index_cast %parallel_loop3A_578 : i32 to index
        %parallel_loop3A_581 = arith.index_cast %parallel_loop3A_238 : i32 to index
        %parallel_loop3A_582 = tpu.vector_load %arg8[%parallel_loop3A_579, %parallel_loop3A_580, %parallel_loop3A_581] {strides = array<i32>} : memref<8x64x128xf32, #tpu.memory_space<vmem>>, vector<1x1x16xf32>,
        %parallel_loop3A_583 = vector.shape_cast %parallel_loop3A_582 : vector<1x1x16xf32> to vector<16xf32>
        %parallel_loop3A_584 = vector.shape_cast %parallel_loop3A_577 : vector<16xf32> to vector<1x1x16xf32>
        tpu.vector_store %arg8[%parallel_loop3A_579, %parallel_loop3A_580, %parallel_loop3A_581], %parallel_loop3A_584 {strides = array<i32>} : memref<8x64x128xf32, #tpu.memory_space<vmem>>, vector<1x1x16xf32>,
        %parallel_loop3A_585 = vector.shape_cast %parallel_loop3A_424 : vector<16x1xi32> to vector<16xi32>
        %parallel_loop3A_586 = tpu.dynamic_gather %get3A_87[%parallel_loop3A_585] in [0] : vector<16xf32>, vector<16xi32> -> vector<16xf32>
        %parallel_loop3A_587 = arith.mulf %parallel_loop3A_586, %parallel_loop3A_423 : vector<16xf32>
        %parallel_loop3A_588 = arith.constant 16 : i32
        %parallel_loop3A_589 = arith.index_cast %parallel_loop3A_234 : i32 to index
        %parallel_loop3A_590 = arith.index_cast %parallel_loop3A_588 : i32 to index
        %parallel_loop3A_591 = arith.index_cast %parallel_loop3A_238 : i32 to index
        %parallel_loop3A_592 = tpu.vector_load %arg8[%parallel_loop3A_589, %parallel_loop3A_590, %parallel_loop3A_591] {strides = array<i32>} : memref<8x64x128xf32, #tpu.memory_space<vmem>>, vector<1x1x16xf32>,
        %parallel_loop3A_593 = vector.shape_cast %parallel_loop3A_592 : vector<1x1x16xf32> to vector<16xf32>
        %parallel_loop3A_594 = vector.shape_cast %parallel_loop3A_587 : vector<16xf32> to vector<1x1x16xf32>
        tpu.vector_store %arg8[%parallel_loop3A_589, %parallel_loop3A_590, %parallel_loop3A_591], %parallel_loop3A_594 {strides = array<i32>} : memref<8x64x128xf32, #tpu.memory_space<vmem>>, vector<1x1x16xf32>,
        %parallel_loop3A_595 = vector.shape_cast %parallel_loop3A_424 : vector<16x1xi32> to vector<16xi32>
        %parallel_loop3A_596 = tpu.dynamic_gather %get3A_92[%parallel_loop3A_595] in [0] : vector<16xf32>, vector<16xi32> -> vector<16xf32>
        %parallel_loop3A_597 = arith.mulf %parallel_loop3A_596, %parallel_loop3A_423 : vector<16xf32>
        %parallel_loop3A_598 = arith.constant 17 : i32
        %parallel_loop3A_599 = arith.index_cast %parallel_loop3A_234 : i32 to index
        %parallel_loop3A_600 = arith.index_cast %parallel_loop3A_598 : i32 to index
        %parallel_loop3A_601 = arith.index_cast %parallel_loop3A_238 : i32 to index
        %parallel_loop3A_602 = tpu.vector_load %arg8[%parallel_loop3A_599, %parallel_loop3A_600, %parallel_loop3A_601] {strides = array<i32>} : memref<8x64x128xf32, #tpu.memory_space<vmem>>, vector<1x1x16xf32>,
        %parallel_loop3A_603 = vector.shape_cast %parallel_loop3A_602 : vector<1x1x16xf32> to vector<16xf32>
        %parallel_loop3A_604 = vector.shape_cast %parallel_loop3A_597 : vector<16xf32> to vector<1x1x16xf32>
        tpu.vector_store %arg8[%parallel_loop3A_599, %parallel_loop3A_600, %parallel_loop3A_601], %parallel_loop3A_604 {strides = array<i32>} : memref<8x64x128xf32, #tpu.memory_space<vmem>>, vector<1x1x16xf32>,
        %parallel_loop3A_605 = vector.shape_cast %parallel_loop3A_424 : vector<16x1xi32> to vector<16xi32>
        %parallel_loop3A_606 = tpu.dynamic_gather %get3A_97[%parallel_loop3A_605] in [0] : vector<16xf32>, vector<16xi32> -> vector<16xf32>
        %parallel_loop3A_607 = arith.mulf %parallel_loop3A_606, %parallel_loop3A_423 : vector<16xf32>
        %parallel_loop3A_608 = arith.constant 18 : i32
        %parallel_loop3A_609 = arith.index_cast %parallel_loop3A_234 : i32 to index
        %parallel_loop3A_610 = arith.index_cast %parallel_loop3A_608 : i32 to index
        %parallel_loop3A_611 = arith.index_cast %parallel_loop3A_238 : i32 to index
        %parallel_loop3A_612 = tpu.vector_load %arg8[%parallel_loop3A_609, %parallel_loop3A_610, %parallel_loop3A_611] {strides = array<i32>} : memref<8x64x128xf32, #tpu.memory_space<vmem>>, vector<1x1x16xf32>,
        %parallel_loop3A_613 = vector.shape_cast %parallel_loop3A_612 : vector<1x1x16xf32> to vector<16xf32>
        %parallel_loop3A_614 = vector.shape_cast %parallel_loop3A_607 : vector<16xf32> to vector<1x1x16xf32>
        tpu.vector_store %arg8[%parallel_loop3A_609, %parallel_loop3A_610, %parallel_loop3A_611], %parallel_loop3A_614 {strides = array<i32>} : memref<8x64x128xf32, #tpu.memory_space<vmem>>, vector<1x1x16xf32>,
        %parallel_loop3A_615 = vector.shape_cast %parallel_loop3A_424 : vector<16x1xi32> to vector<16xi32>
        %parallel_loop3A_616 = tpu.dynamic_gather %get3A_102[%parallel_loop3A_615] in [0] : vector<16xf32>, vector<16xi32> -> vector<16xf32>
        %parallel_loop3A_617 = arith.mulf %parallel_loop3A_616, %parallel_loop3A_423 : vector<16xf32>
        %parallel_loop3A_618 = arith.constant 19 : i32
        %parallel_loop3A_619 = arith.index_cast %parallel_loop3A_234 : i32 to index
        %parallel_loop3A_620 = arith.index_cast %parallel_loop3A_618 : i32 to index
        %parallel_loop3A_621 = arith.index_cast %parallel_loop3A_238 : i32 to index
        %parallel_loop3A_622 = tpu.vector_load %arg8[%parallel_loop3A_619, %parallel_loop3A_620, %parallel_loop3A_621] {strides = array<i32>} : memref<8x64x128xf32, #tpu.memory_space<vmem>>, vector<1x1x16xf32>,
        %parallel_loop3A_623 = vector.shape_cast %parallel_loop3A_622 : vector<1x1x16xf32> to vector<16xf32>
        %parallel_loop3A_624 = vector.shape_cast %parallel_loop3A_617 : vector<16xf32> to vector<1x1x16xf32>
        tpu.vector_store %arg8[%parallel_loop3A_619, %parallel_loop3A_620, %parallel_loop3A_621], %parallel_loop3A_624 {strides = array<i32>} : memref<8x64x128xf32, #tpu.memory_space<vmem>>, vector<1x1x16xf32>,
        %parallel_loop3A_625 = vector.shape_cast %parallel_loop3A_424 : vector<16x1xi32> to vector<16xi32>
        %parallel_loop3A_626 = tpu.dynamic_gather %get3A_107[%parallel_loop3A_625] in [0] : vector<16xf32>, vector<16xi32> -> vector<16xf32>
        %parallel_loop3A_627 = arith.mulf %parallel_loop3A_626, %parallel_loop3A_423 : vector<16xf32>
        %parallel_loop3A_628 = arith.constant 20 : i32
        %parallel_loop3A_629 = arith.index_cast %parallel_loop3A_234 : i32 to index
        %parallel_loop3A_630 = arith.index_cast %parallel_loop3A_628 : i32 to index
        %parallel_loop3A_631 = arith.index_cast %parallel_loop3A_238 : i32 to index
        %parallel_loop3A_632 = tpu.vector_load %arg8[%parallel_loop3A_629, %parallel_loop3A_630, %parallel_loop3A_631] {strides = array<i32>} : memref<8x64x128xf32, #tpu.memory_space<vmem>>, vector<1x1x16xf32>,
        %parallel_loop3A_633 = vector.shape_cast %parallel_loop3A_632 : vector<1x1x16xf32> to vector<16xf32>
        %parallel_loop3A_634 = vector.shape_cast %parallel_loop3A_627 : vector<16xf32> to vector<1x1x16xf32>
        tpu.vector_store %arg8[%parallel_loop3A_629, %parallel_loop3A_630, %parallel_loop3A_631], %parallel_loop3A_634 {strides = array<i32>} : memref<8x64x128xf32, #tpu.memory_space<vmem>>, vector<1x1x16xf32>,
        %parallel_loop3A_635 = vector.shape_cast %parallel_loop3A_424 : vector<16x1xi32> to vector<16xi32>
        %parallel_loop3A_636 = tpu.dynamic_gather %get3A_112[%parallel_loop3A_635] in [0] : vector<16xf32>, vector<16xi32> -> vector<16xf32>
        %parallel_loop3A_637 = arith.mulf %parallel_loop3A_636, %parallel_loop3A_423 : vector<16xf32>
        %parallel_loop3A_638 = arith.constant 21 : i32
        %parallel_loop3A_639 = arith.index_cast %parallel_loop3A_234 : i32 to index
        %parallel_loop3A_640 = arith.index_cast %parallel_loop3A_638 : i32 to index
        %parallel_loop3A_641 = arith.index_cast %parallel_loop3A_238 : i32 to index
        %parallel_loop3A_642 = tpu.vector_load %arg8[%parallel_loop3A_639, %parallel_loop3A_640, %parallel_loop3A_641] {strides = array<i32>} : memref<8x64x128xf32, #tpu.memory_space<vmem>>, vector<1x1x16xf32>,
        %parallel_loop3A_643 = vector.shape_cast %parallel_loop3A_642 : vector<1x1x16xf32> to vector<16xf32>
        %parallel_loop3A_644 = vector.shape_cast %parallel_loop3A_637 : vector<16xf32> to vector<1x1x16xf32>
        tpu.vector_store %arg8[%parallel_loop3A_639, %parallel_loop3A_640, %parallel_loop3A_641], %parallel_loop3A_644 {strides = array<i32>} : memref<8x64x128xf32, #tpu.memory_space<vmem>>, vector<1x1x16xf32>,
        %parallel_loop3A_645 = vector.shape_cast %parallel_loop3A_424 : vector<16x1xi32> to vector<16xi32>
        %parallel_loop3A_646 = tpu.dynamic_gather %get3A_117[%parallel_loop3A_645] in [0] : vector<16xf32>, vector<16xi32> -> vector<16xf32>
        %parallel_loop3A_647 = arith.mulf %parallel_loop3A_646, %parallel_loop3A_423 : vector<16xf32>
        %parallel_loop3A_648 = arith.constant 22 : i32
        %parallel_loop3A_649 = arith.index_cast %parallel_loop3A_234 : i32 to index
        %parallel_loop3A_650 = arith.index_cast %parallel_loop3A_648 : i32 to index
        %parallel_loop3A_651 = arith.index_cast %parallel_loop3A_238 : i32 to index
        %parallel_loop3A_652 = tpu.vector_load %arg8[%parallel_loop3A_649, %parallel_loop3A_650, %parallel_loop3A_651] {strides = array<i32>} : memref<8x64x128xf32, #tpu.memory_space<vmem>>, vector<1x1x16xf32>,
        %parallel_loop3A_653 = vector.shape_cast %parallel_loop3A_652 : vector<1x1x16xf32> to vector<16xf32>
        %parallel_loop3A_654 = vector.shape_cast %parallel_loop3A_647 : vector<16xf32> to vector<1x1x16xf32>
        tpu.vector_store %arg8[%parallel_loop3A_649, %parallel_loop3A_650, %parallel_loop3A_651], %parallel_loop3A_654 {strides = array<i32>} : memref<8x64x128xf32, #tpu.memory_space<vmem>>, vector<1x1x16xf32>,
        %parallel_loop3A_655 = vector.shape_cast %parallel_loop3A_424 : vector<16x1xi32> to vector<16xi32>
        %parallel_loop3A_656 = tpu.dynamic_gather %get3A_122[%parallel_loop3A_655] in [0] : vector<16xf32>, vector<16xi32> -> vector<16xf32>
        %parallel_loop3A_657 = arith.mulf %parallel_loop3A_656, %parallel_loop3A_423 : vector<16xf32>
        %parallel_loop3A_658 = arith.constant 23 : i32
        %parallel_loop3A_659 = arith.index_cast %parallel_loop3A_234 : i32 to index
        %parallel_loop3A_660 = arith.index_cast %parallel_loop3A_658 : i32 to index
        %parallel_loop3A_661 = arith.index_cast %parallel_loop3A_238 : i32 to index
        %parallel_loop3A_662 = tpu.vector_load %arg8[%parallel_loop3A_659, %parallel_loop3A_660, %parallel_loop3A_661] {strides = array<i32>} : memref<8x64x128xf32, #tpu.memory_space<vmem>>, vector<1x1x16xf32>,
        %parallel_loop3A_663 = vector.shape_cast %parallel_loop3A_662 : vector<1x1x16xf32> to vector<16xf32>
        %parallel_loop3A_664 = vector.shape_cast %parallel_loop3A_657 : vector<16xf32> to vector<1x1x16xf32>
        tpu.vector_store %arg8[%parallel_loop3A_659, %parallel_loop3A_660, %parallel_loop3A_661], %parallel_loop3A_664 {strides = array<i32>} : memref<8x64x128xf32, #tpu.memory_space<vmem>>, vector<1x1x16xf32>,
        %parallel_loop3A_665 = vector.shape_cast %parallel_loop3A_424 : vector<16x1xi32> to vector<16xi32>
        %parallel_loop3A_666 = tpu.dynamic_gather %get3A_127[%parallel_loop3A_665] in [0] : vector<16xf32>, vector<16xi32> -> vector<16xf32>
        %parallel_loop3A_667 = arith.mulf %parallel_loop3A_666, %parallel_loop3A_423 : vector<16xf32>
        %parallel_loop3A_668 = arith.constant 24 : i32
        %parallel_loop3A_669 = arith.index_cast %parallel_loop3A_234 : i32 to index
        %parallel_loop3A_670 = arith.index_cast %parallel_loop3A_668 : i32 to index
        %parallel_loop3A_671 = arith.index_cast %parallel_loop3A_238 : i32 to index
        %parallel_loop3A_672 = tpu.vector_load %arg8[%parallel_loop3A_669, %parallel_loop3A_670, %parallel_loop3A_671] {strides = array<i32>} : memref<8x64x128xf32, #tpu.memory_space<vmem>>, vector<1x1x16xf32>,
        %parallel_loop3A_673 = vector.shape_cast %parallel_loop3A_672 : vector<1x1x16xf32> to vector<16xf32>
        %parallel_loop3A_674 = vector.shape_cast %parallel_loop3A_667 : vector<16xf32> to vector<1x1x16xf32>
        tpu.vector_store %arg8[%parallel_loop3A_669, %parallel_loop3A_670, %parallel_loop3A_671], %parallel_loop3A_674 {strides = array<i32>} : memref<8x64x128xf32, #tpu.memory_space<vmem>>, vector<1x1x16xf32>,
        %parallel_loop3A_675 = vector.shape_cast %parallel_loop3A_424 : vector<16x1xi32> to vector<16xi32>
        %parallel_loop3A_676 = tpu.dynamic_gather %get3A_132[%parallel_loop3A_675] in [0] : vector<16xf32>, vector<16xi32> -> vector<16xf32>
        %parallel_loop3A_677 = arith.mulf %parallel_loop3A_676, %parallel_loop3A_423 : vector<16xf32>
        %parallel_loop3A_678 = arith.constant 25 : i32
        %parallel_loop3A_679 = arith.index_cast %parallel_loop3A_234 : i32 to index
        %parallel_loop3A_680 = arith.index_cast %parallel_loop3A_678 : i32 to index
        %parallel_loop3A_681 = arith.index_cast %parallel_loop3A_238 : i32 to index
        %parallel_loop3A_682 = tpu.vector_load %arg8[%parallel_loop3A_679, %parallel_loop3A_680, %parallel_loop3A_681] {strides = array<i32>} : memref<8x64x128xf32, #tpu.memory_space<vmem>>, vector<1x1x16xf32>,
        %parallel_loop3A_683 = vector.shape_cast %parallel_loop3A_682 : vector<1x1x16xf32> to vector<16xf32>
        %parallel_loop3A_684 = vector.shape_cast %parallel_loop3A_677 : vector<16xf32> to vector<1x1x16xf32>
        tpu.vector_store %arg8[%parallel_loop3A_679, %parallel_loop3A_680, %parallel_loop3A_681], %parallel_loop3A_684 {strides = array<i32>} : memref<8x64x128xf32, #tpu.memory_space<vmem>>, vector<1x1x16xf32>,
        %parallel_loop3A_685 = vector.shape_cast %parallel_loop3A_424 : vector<16x1xi32> to vector<16xi32>
        %parallel_loop3A_686 = tpu.dynamic_gather %get3A_137[%parallel_loop3A_685] in [0] : vector<16xf32>, vector<16xi32> -> vector<16xf32>
        %parallel_loop3A_687 = arith.mulf %parallel_loop3A_686, %parallel_loop3A_423 : vector<16xf32>
        %parallel_loop3A_688 = arith.constant 26 : i32
        %parallel_loop3A_689 = arith.index_cast %parallel_loop3A_234 : i32 to index
        %parallel_loop3A_690 = arith.index_cast %parallel_loop3A_688 : i32 to index
        %parallel_loop3A_691 = arith.index_cast %parallel_loop3A_238 : i32 to index
        %parallel_loop3A_692 = tpu.vector_load %arg8[%parallel_loop3A_689, %parallel_loop3A_690, %parallel_loop3A_691] {strides = array<i32>} : memref<8x64x128xf32, #tpu.memory_space<vmem>>, vector<1x1x16xf32>,
        %parallel_loop3A_693 = vector.shape_cast %parallel_loop3A_692 : vector<1x1x16xf32> to vector<16xf32>
        %parallel_loop3A_694 = vector.shape_cast %parallel_loop3A_687 : vector<16xf32> to vector<1x1x16xf32>
        tpu.vector_store %arg8[%parallel_loop3A_689, %parallel_loop3A_690, %parallel_loop3A_691], %parallel_loop3A_694 {strides = array<i32>} : memref<8x64x128xf32, #tpu.memory_space<vmem>>, vector<1x1x16xf32>,
        %parallel_loop3A_695 = vector.shape_cast %parallel_loop3A_424 : vector<16x1xi32> to vector<16xi32>
        %parallel_loop3A_696 = tpu.dynamic_gather %get3A_142[%parallel_loop3A_695] in [0] : vector<16xf32>, vector<16xi32> -> vector<16xf32>
        %parallel_loop3A_697 = arith.mulf %parallel_loop3A_696, %parallel_loop3A_423 : vector<16xf32>
        %parallel_loop3A_698 = arith.constant 27 : i32
        %parallel_loop3A_699 = arith.index_cast %parallel_loop3A_234 : i32 to index
        %parallel_loop3A_700 = arith.index_cast %parallel_loop3A_698 : i32 to index
        %parallel_loop3A_701 = arith.index_cast %parallel_loop3A_238 : i32 to index
        %parallel_loop3A_702 = tpu.vector_load %arg8[%parallel_loop3A_699, %parallel_loop3A_700, %parallel_loop3A_701] {strides = array<i32>} : memref<8x64x128xf32, #tpu.memory_space<vmem>>, vector<1x1x16xf32>,
        %parallel_loop3A_703 = vector.shape_cast %parallel_loop3A_702 : vector<1x1x16xf32> to vector<16xf32>
        %parallel_loop3A_704 = vector.shape_cast %parallel_loop3A_697 : vector<16xf32> to vector<1x1x16xf32>
        tpu.vector_store %arg8[%parallel_loop3A_699, %parallel_loop3A_700, %parallel_loop3A_701], %parallel_loop3A_704 {strides = array<i32>} : memref<8x64x128xf32, #tpu.memory_space<vmem>>, vector<1x1x16xf32>,
        %parallel_loop3A_705 = vector.shape_cast %parallel_loop3A_424 : vector<16x1xi32> to vector<16xi32>
        %parallel_loop3A_706 = tpu.dynamic_gather %get3A_147[%parallel_loop3A_705] in [0] : vector<16xf32>, vector<16xi32> -> vector<16xf32>
        %parallel_loop3A_707 = arith.mulf %parallel_loop3A_706, %parallel_loop3A_423 : vector<16xf32>
        %parallel_loop3A_708 = arith.constant 28 : i32
        %parallel_loop3A_709 = arith.index_cast %parallel_loop3A_234 : i32 to index
        %parallel_loop3A_710 = arith.index_cast %parallel_loop3A_708 : i32 to index
        %parallel_loop3A_711 = arith.index_cast %parallel_loop3A_238 : i32 to index
        %parallel_loop3A_712 = tpu.vector_load %arg8[%parallel_loop3A_709, %parallel_loop3A_710, %parallel_loop3A_711] {strides = array<i32>} : memref<8x64x128xf32, #tpu.memory_space<vmem>>, vector<1x1x16xf32>,
        %parallel_loop3A_713 = vector.shape_cast %parallel_loop3A_712 : vector<1x1x16xf32> to vector<16xf32>
        %parallel_loop3A_714 = vector.shape_cast %parallel_loop3A_707 : vector<16xf32> to vector<1x1x16xf32>
        tpu.vector_store %arg8[%parallel_loop3A_709, %parallel_loop3A_710, %parallel_loop3A_711], %parallel_loop3A_714 {strides = array<i32>} : memref<8x64x128xf32, #tpu.memory_space<vmem>>, vector<1x1x16xf32>,
        %parallel_loop3A_715 = vector.shape_cast %parallel_loop3A_424 : vector<16x1xi32> to vector<16xi32>
        %parallel_loop3A_716 = tpu.dynamic_gather %get3A_152[%parallel_loop3A_715] in [0] : vector<16xf32>, vector<16xi32> -> vector<16xf32>
        %parallel_loop3A_717 = arith.mulf %parallel_loop3A_716, %parallel_loop3A_423 : vector<16xf32>
        %parallel_loop3A_718 = arith.constant 29 : i32
        %parallel_loop3A_719 = arith.index_cast %parallel_loop3A_234 : i32 to index
        %parallel_loop3A_720 = arith.index_cast %parallel_loop3A_718 : i32 to index
        %parallel_loop3A_721 = arith.index_cast %parallel_loop3A_238 : i32 to index
        %parallel_loop3A_722 = tpu.vector_load %arg8[%parallel_loop3A_719, %parallel_loop3A_720, %parallel_loop3A_721] {strides = array<i32>} : memref<8x64x128xf32, #tpu.memory_space<vmem>>, vector<1x1x16xf32>,
        %parallel_loop3A_723 = vector.shape_cast %parallel_loop3A_722 : vector<1x1x16xf32> to vector<16xf32>
        %parallel_loop3A_724 = vector.shape_cast %parallel_loop3A_717 : vector<16xf32> to vector<1x1x16xf32>
        tpu.vector_store %arg8[%parallel_loop3A_719, %parallel_loop3A_720, %parallel_loop3A_721], %parallel_loop3A_724 {strides = array<i32>} : memref<8x64x128xf32, #tpu.memory_space<vmem>>, vector<1x1x16xf32>,
        %parallel_loop3A_725 = vector.shape_cast %parallel_loop3A_424 : vector<16x1xi32> to vector<16xi32>
        %parallel_loop3A_726 = tpu.dynamic_gather %get3A_157[%parallel_loop3A_725] in [0] : vector<16xf32>, vector<16xi32> -> vector<16xf32>
        %parallel_loop3A_727 = arith.mulf %parallel_loop3A_726, %parallel_loop3A_423 : vector<16xf32>
        %parallel_loop3A_728 = arith.constant 30 : i32
        %parallel_loop3A_729 = arith.index_cast %parallel_loop3A_234 : i32 to index
        %parallel_loop3A_730 = arith.index_cast %parallel_loop3A_728 : i32 to index
        %parallel_loop3A_731 = arith.index_cast %parallel_loop3A_238 : i32 to index
        %parallel_loop3A_732 = tpu.vector_load %arg8[%parallel_loop3A_729, %parallel_loop3A_730, %parallel_loop3A_731] {strides = array<i32>} : memref<8x64x128xf32, #tpu.memory_space<vmem>>, vector<1x1x16xf32>,
        %parallel_loop3A_733 = vector.shape_cast %parallel_loop3A_732 : vector<1x1x16xf32> to vector<16xf32>
        %parallel_loop3A_734 = vector.shape_cast %parallel_loop3A_727 : vector<16xf32> to vector<1x1x16xf32>
        tpu.vector_store %arg8[%parallel_loop3A_729, %parallel_loop3A_730, %parallel_loop3A_731], %parallel_loop3A_734 {strides = array<i32>} : memref<8x64x128xf32, #tpu.memory_space<vmem>>, vector<1x1x16xf32>,
        %parallel_loop3A_735 = vector.shape_cast %parallel_loop3A_424 : vector<16x1xi32> to vector<16xi32>
        %parallel_loop3A_736 = tpu.dynamic_gather %get3A_162[%parallel_loop3A_735] in [0] : vector<16xf32>, vector<16xi32> -> vector<16xf32>
        %parallel_loop3A_737 = arith.mulf %parallel_loop3A_736, %parallel_loop3A_423 : vector<16xf32>
        %parallel_loop3A_738 = arith.constant 31 : i32
        %parallel_loop3A_739 = arith.index_cast %parallel_loop3A_234 : i32 to index
        %parallel_loop3A_740 = arith.index_cast %parallel_loop3A_738 : i32 to index
        %parallel_loop3A_741 = arith.index_cast %parallel_loop3A_238 : i32 to index
        %parallel_loop3A_742 = tpu.vector_load %arg8[%parallel_loop3A_739, %parallel_loop3A_740, %parallel_loop3A_741] {strides = array<i32>} : memref<8x64x128xf32, #tpu.memory_space<vmem>>, vector<1x1x16xf32>,
        %parallel_loop3A_743 = vector.shape_cast %parallel_loop3A_742 : vector<1x1x16xf32> to vector<16xf32>
        %parallel_loop3A_744 = vector.shape_cast %parallel_loop3A_737 : vector<16xf32> to vector<1x1x16xf32>
        tpu.vector_store %arg8[%parallel_loop3A_739, %parallel_loop3A_740, %parallel_loop3A_741], %parallel_loop3A_744 {strides = array<i32>} : memref<8x64x128xf32, #tpu.memory_space<vmem>>, vector<1x1x16xf32>,
        %parallel_loop3A_745 = vector.shape_cast %parallel_loop3A_424 : vector<16x1xi32> to vector<16xi32>
        %parallel_loop3A_746 = tpu.dynamic_gather %get3A_167[%parallel_loop3A_745] in [0] : vector<16xf32>, vector<16xi32> -> vector<16xf32>
        %parallel_loop3A_747 = arith.mulf %parallel_loop3A_746, %parallel_loop3A_423 : vector<16xf32>
        %parallel_loop3A_748 = arith.constant 32 : i32
        %parallel_loop3A_749 = arith.index_cast %parallel_loop3A_234 : i32 to index
        %parallel_loop3A_750 = arith.index_cast %parallel_loop3A_748 : i32 to index
        %parallel_loop3A_751 = arith.index_cast %parallel_loop3A_238 : i32 to index
        %parallel_loop3A_752 = tpu.vector_load %arg8[%parallel_loop3A_749, %parallel_loop3A_750, %parallel_loop3A_751] {strides = array<i32>} : memref<8x64x128xf32, #tpu.memory_space<vmem>>, vector<1x1x16xf32>,
        %parallel_loop3A_753 = vector.shape_cast %parallel_loop3A_752 : vector<1x1x16xf32> to vector<16xf32>
        %parallel_loop3A_754 = vector.shape_cast %parallel_loop3A_747 : vector<16xf32> to vector<1x1x16xf32>
        tpu.vector_store %arg8[%parallel_loop3A_749, %parallel_loop3A_750, %parallel_loop3A_751], %parallel_loop3A_754 {strides = array<i32>} : memref<8x64x128xf32, #tpu.memory_space<vmem>>, vector<1x1x16xf32>,
        %parallel_loop3A_755 = arith.constant 0 : i32
        %parallel_loop3A_756 = arith.index_cast %parallel_loop3A_755 : i32 to index
        %parallel_loop3A_757 = arith.index_cast %parallel_loop3A_234 : i32 to index
        %parallel_loop3A_758 = arith.index_cast %parallel_loop3A_238 : i32 to index
        %parallel_loop3A_759 = tpu.vector_load %arg7[%parallel_loop3A_756, %parallel_loop3A_757, %parallel_loop3A_758] {strides = array<i32>} : memref<31x8x128xf32, #tpu.memory_space<vmem>>, vector<1x1x16xf32>,
        %parallel_loop3A_760 = vector.shape_cast %parallel_loop3A_759 : vector<1x1x16xf32> to vector<16xf32>
        %parallel_loop3A_761 = arith.mulf %parallel_loop3A_760, %parallel_loop3A_760 : vector<16xf32>
        %parallel_loop3A_762 = arith.constant 1 : i32
        %parallel_loop3A_763 = arith.index_cast %parallel_loop3A_762 : i32 to index
        %parallel_loop3A_764 = arith.index_cast %parallel_loop3A_234 : i32 to index
        %parallel_loop3A_765 = arith.index_cast %parallel_loop3A_238 : i32 to index
        %parallel_loop3A_766 = tpu.vector_load %arg7[%parallel_loop3A_763, %parallel_loop3A_764, %parallel_loop3A_765] {strides = array<i32>} : memref<31x8x128xf32, #tpu.memory_space<vmem>>, vector<1x1x16xf32>,
        %parallel_loop3A_767 = vector.shape_cast %parallel_loop3A_766 : vector<1x1x16xf32> to vector<16xf32>
        %parallel_loop3A_768 = arith.mulf %parallel_loop3A_767, %parallel_loop3A_767 : vector<16xf32>
        %parallel_loop3A_769 = arith.addf %parallel_loop3A_761, %parallel_loop3A_768 : vector<16xf32>
        %parallel_loop3A_770 = arith.constant 2 : i32
        %parallel_loop3A_771 = arith.index_cast %parallel_loop3A_770 : i32 to index
        %parallel_loop3A_772 = arith.index_cast %parallel_loop3A_234 : i32 to index
        %parallel_loop3A_773 = arith.index_cast %parallel_loop3A_238 : i32 to index
        %parallel_loop3A_774 = tpu.vector_load %arg7[%parallel_loop3A_771, %parallel_loop3A_772, %parallel_loop3A_773] {strides = array<i32>} : memref<31x8x128xf32, #tpu.memory_space<vmem>>, vector<1x1x16xf32>,
        %parallel_loop3A_775 = vector.shape_cast %parallel_loop3A_774 : vector<1x1x16xf32> to vector<16xf32>
        %parallel_loop3A_776 = arith.mulf %parallel_loop3A_775, %parallel_loop3A_775 : vector<16xf32>
        %parallel_loop3A_777 = arith.addf %parallel_loop3A_769, %parallel_loop3A_776 : vector<16xf32>
        %parallel_loop3A_778 = arith.constant 3 : i32
        %parallel_loop3A_779 = arith.index_cast %parallel_loop3A_778 : i32 to index
        %parallel_loop3A_780 = arith.index_cast %parallel_loop3A_234 : i32 to index
        %parallel_loop3A_781 = arith.index_cast %parallel_loop3A_238 : i32 to index
        %parallel_loop3A_782 = tpu.vector_load %arg7[%parallel_loop3A_779, %parallel_loop3A_780, %parallel_loop3A_781] {strides = array<i32>} : memref<31x8x128xf32, #tpu.memory_space<vmem>>, vector<1x1x16xf32>,
        %parallel_loop3A_783 = vector.shape_cast %parallel_loop3A_782 : vector<1x1x16xf32> to vector<16xf32>
        %parallel_loop3A_784 = arith.mulf %parallel_loop3A_783, %parallel_loop3A_783 : vector<16xf32>
        %parallel_loop3A_785 = arith.addf %parallel_loop3A_777, %parallel_loop3A_784 : vector<16xf32>
        %parallel_loop3A_786 = arith.constant 4 : i32
        %parallel_loop3A_787 = arith.index_cast %parallel_loop3A_786 : i32 to index
        %parallel_loop3A_788 = arith.index_cast %parallel_loop3A_234 : i32 to index
        %parallel_loop3A_789 = arith.index_cast %parallel_loop3A_238 : i32 to index
        %parallel_loop3A_790 = tpu.vector_load %arg7[%parallel_loop3A_787, %parallel_loop3A_788, %parallel_loop3A_789] {strides = array<i32>} : memref<31x8x128xf32, #tpu.memory_space<vmem>>, vector<1x1x16xf32>,
        %parallel_loop3A_791 = vector.shape_cast %parallel_loop3A_790 : vector<1x1x16xf32> to vector<16xf32>
        %parallel_loop3A_792 = arith.mulf %parallel_loop3A_791, %parallel_loop3A_791 : vector<16xf32>
        %parallel_loop3A_793 = arith.addf %parallel_loop3A_785, %parallel_loop3A_792 : vector<16xf32>
        %parallel_loop3A_794 = arith.constant 5 : i32
        %parallel_loop3A_795 = arith.index_cast %parallel_loop3A_794 : i32 to index
        %parallel_loop3A_796 = arith.index_cast %parallel_loop3A_234 : i32 to index
        %parallel_loop3A_797 = arith.index_cast %parallel_loop3A_238 : i32 to index
        %parallel_loop3A_798 = tpu.vector_load %arg7[%parallel_loop3A_795, %parallel_loop3A_796, %parallel_loop3A_797] {strides = array<i32>} : memref<31x8x128xf32, #tpu.memory_space<vmem>>, vector<1x1x16xf32>,
        %parallel_loop3A_799 = vector.shape_cast %parallel_loop3A_798 : vector<1x1x16xf32> to vector<16xf32>
        %parallel_loop3A_800 = arith.mulf %parallel_loop3A_799, %parallel_loop3A_799 : vector<16xf32>
        %parallel_loop3A_801 = arith.addf %parallel_loop3A_793, %parallel_loop3A_800 : vector<16xf32>
        %parallel_loop3A_802 = arith.constant 6 : i32
        %parallel_loop3A_803 = arith.index_cast %parallel_loop3A_802 : i32 to index
        %parallel_loop3A_804 = arith.index_cast %parallel_loop3A_234 : i32 to index
        %parallel_loop3A_805 = arith.index_cast %parallel_loop3A_238 : i32 to index
        %parallel_loop3A_806 = tpu.vector_load %arg7[%parallel_loop3A_803, %parallel_loop3A_804, %parallel_loop3A_805] {strides = array<i32>} : memref<31x8x128xf32, #tpu.memory_space<vmem>>, vector<1x1x16xf32>,
        %parallel_loop3A_807 = vector.shape_cast %parallel_loop3A_806 : vector<1x1x16xf32> to vector<16xf32>
        %parallel_loop3A_808 = arith.mulf %parallel_loop3A_807, %parallel_loop3A_807 : vector<16xf32>
        %parallel_loop3A_809 = arith.addf %parallel_loop3A_801, %parallel_loop3A_808 : vector<16xf32>
        %parallel_loop3A_810 = arith.constant 7 : i32
        %parallel_loop3A_811 = arith.index_cast %parallel_loop3A_810 : i32 to index
        %parallel_loop3A_812 = arith.index_cast %parallel_loop3A_234 : i32 to index
        %parallel_loop3A_813 = arith.index_cast %parallel_loop3A_238 : i32 to index
        %parallel_loop3A_814 = tpu.vector_load %arg7[%parallel_loop3A_811, %parallel_loop3A_812, %parallel_loop3A_813] {strides = array<i32>} : memref<31x8x128xf32, #tpu.memory_space<vmem>>, vector<1x1x16xf32>,
        %parallel_loop3A_815 = vector.shape_cast %parallel_loop3A_814 : vector<1x1x16xf32> to vector<16xf32>
        %parallel_loop3A_816 = arith.mulf %parallel_loop3A_815, %parallel_loop3A_815 : vector<16xf32>
        %parallel_loop3A_817 = arith.addf %parallel_loop3A_809, %parallel_loop3A_816 : vector<16xf32>
        %parallel_loop3A_818 = arith.constant 8 : i32
        %parallel_loop3A_819 = arith.index_cast %parallel_loop3A_818 : i32 to index
        %parallel_loop3A_820 = arith.index_cast %parallel_loop3A_234 : i32 to index
        %parallel_loop3A_821 = arith.index_cast %parallel_loop3A_238 : i32 to index
        %parallel_loop3A_822 = tpu.vector_load %arg7[%parallel_loop3A_819, %parallel_loop3A_820, %parallel_loop3A_821] {strides = array<i32>} : memref<31x8x128xf32, #tpu.memory_space<vmem>>, vector<1x1x16xf32>,
        %parallel_loop3A_823 = vector.shape_cast %parallel_loop3A_822 : vector<1x1x16xf32> to vector<16xf32>
        %parallel_loop3A_824 = arith.mulf %parallel_loop3A_823, %parallel_loop3A_823 : vector<16xf32>
        %parallel_loop3A_825 = arith.addf %parallel_loop3A_817, %parallel_loop3A_824 : vector<16xf32>
        %parallel_loop3A_826 = arith.constant 9 : i32
        %parallel_loop3A_827 = arith.index_cast %parallel_loop3A_826 : i32 to index
        %parallel_loop3A_828 = arith.index_cast %parallel_loop3A_234 : i32 to index
        %parallel_loop3A_829 = arith.index_cast %parallel_loop3A_238 : i32 to index
        %parallel_loop3A_830 = tpu.vector_load %arg7[%parallel_loop3A_827, %parallel_loop3A_828, %parallel_loop3A_829] {strides = array<i32>} : memref<31x8x128xf32, #tpu.memory_space<vmem>>, vector<1x1x16xf32>,
        %parallel_loop3A_831 = vector.shape_cast %parallel_loop3A_830 : vector<1x1x16xf32> to vector<16xf32>
        %parallel_loop3A_832 = arith.mulf %parallel_loop3A_831, %parallel_loop3A_831 : vector<16xf32>
        %parallel_loop3A_833 = arith.addf %parallel_loop3A_825, %parallel_loop3A_832 : vector<16xf32>
        %parallel_loop3A_834 = arith.constant 10 : i32
        %parallel_loop3A_835 = arith.index_cast %parallel_loop3A_834 : i32 to index
        %parallel_loop3A_836 = arith.index_cast %parallel_loop3A_234 : i32 to index
        %parallel_loop3A_837 = arith.index_cast %parallel_loop3A_238 : i32 to index
        %parallel_loop3A_838 = tpu.vector_load %arg7[%parallel_loop3A_835, %parallel_loop3A_836, %parallel_loop3A_837] {strides = array<i32>} : memref<31x8x128xf32, #tpu.memory_space<vmem>>, vector<1x1x16xf32>,
        %parallel_loop3A_839 = vector.shape_cast %parallel_loop3A_838 : vector<1x1x16xf32> to vector<16xf32>
        %parallel_loop3A_840 = arith.mulf %parallel_loop3A_839, %parallel_loop3A_839 : vector<16xf32>
        %parallel_loop3A_841 = arith.addf %parallel_loop3A_833, %parallel_loop3A_840 : vector<16xf32>
        %parallel_loop3A_842 = arith.constant 11 : i32
        %parallel_loop3A_843 = arith.index_cast %parallel_loop3A_842 : i32 to index
        %parallel_loop3A_844 = arith.index_cast %parallel_loop3A_234 : i32 to index
        %parallel_loop3A_845 = arith.index_cast %parallel_loop3A_238 : i32 to index
        %parallel_loop3A_846 = tpu.vector_load %arg7[%parallel_loop3A_843, %parallel_loop3A_844, %parallel_loop3A_845] {strides = array<i32>} : memref<31x8x128xf32, #tpu.memory_space<vmem>>, vector<1x1x16xf32>,
        %parallel_loop3A_847 = vector.shape_cast %parallel_loop3A_846 : vector<1x1x16xf32> to vector<16xf32>
        %parallel_loop3A_848 = arith.mulf %parallel_loop3A_847, %parallel_loop3A_847 : vector<16xf32>
        %parallel_loop3A_849 = arith.addf %parallel_loop3A_841, %parallel_loop3A_848 : vector<16xf32>
        %parallel_loop3A_850 = arith.constant 12 : i32
        %parallel_loop3A_851 = arith.index_cast %parallel_loop3A_850 : i32 to index
        %parallel_loop3A_852 = arith.index_cast %parallel_loop3A_234 : i32 to index
        %parallel_loop3A_853 = arith.index_cast %parallel_loop3A_238 : i32 to index
        %parallel_loop3A_854 = tpu.vector_load %arg7[%parallel_loop3A_851, %parallel_loop3A_852, %parallel_loop3A_853] {strides = array<i32>} : memref<31x8x128xf32, #tpu.memory_space<vmem>>, vector<1x1x16xf32>,
        %parallel_loop3A_855 = vector.shape_cast %parallel_loop3A_854 : vector<1x1x16xf32> to vector<16xf32>
        %parallel_loop3A_856 = arith.mulf %parallel_loop3A_855, %parallel_loop3A_855 : vector<16xf32>
        %parallel_loop3A_857 = arith.addf %parallel_loop3A_849, %parallel_loop3A_856 : vector<16xf32>
        %parallel_loop3A_858 = arith.constant 13 : i32
        %parallel_loop3A_859 = arith.index_cast %parallel_loop3A_858 : i32 to index
        %parallel_loop3A_860 = arith.index_cast %parallel_loop3A_234 : i32 to index
        %parallel_loop3A_861 = arith.index_cast %parallel_loop3A_238 : i32 to index
        %parallel_loop3A_862 = tpu.vector_load %arg7[%parallel_loop3A_859, %parallel_loop3A_860, %parallel_loop3A_861] {strides = array<i32>} : memref<31x8x128xf32, #tpu.memory_space<vmem>>, vector<1x1x16xf32>,
        %parallel_loop3A_863 = vector.shape_cast %parallel_loop3A_862 : vector<1x1x16xf32> to vector<16xf32>
        %parallel_loop3A_864 = arith.mulf %parallel_loop3A_863, %parallel_loop3A_863 : vector<16xf32>
        %parallel_loop3A_865 = arith.addf %parallel_loop3A_857, %parallel_loop3A_864 : vector<16xf32>
        %parallel_loop3A_866 = arith.constant 14 : i32
        %parallel_loop3A_867 = arith.index_cast %parallel_loop3A_866 : i32 to index
        %parallel_loop3A_868 = arith.index_cast %parallel_loop3A_234 : i32 to index
        %parallel_loop3A_869 = arith.index_cast %parallel_loop3A_238 : i32 to index
        %parallel_loop3A_870 = tpu.vector_load %arg7[%parallel_loop3A_867, %parallel_loop3A_868, %parallel_loop3A_869] {strides = array<i32>} : memref<31x8x128xf32, #tpu.memory_space<vmem>>, vector<1x1x16xf32>,
        %parallel_loop3A_871 = vector.shape_cast %parallel_loop3A_870 : vector<1x1x16xf32> to vector<16xf32>
        %parallel_loop3A_872 = arith.mulf %parallel_loop3A_871, %parallel_loop3A_871 : vector<16xf32>
        %parallel_loop3A_873 = arith.addf %parallel_loop3A_865, %parallel_loop3A_872 : vector<16xf32>
        %parallel_loop3A_874 = arith.constant 15 : i32
        %parallel_loop3A_875 = arith.index_cast %parallel_loop3A_874 : i32 to index
        %parallel_loop3A_876 = arith.index_cast %parallel_loop3A_234 : i32 to index
        %parallel_loop3A_877 = arith.index_cast %parallel_loop3A_238 : i32 to index
        %parallel_loop3A_878 = tpu.vector_load %arg7[%parallel_loop3A_875, %parallel_loop3A_876, %parallel_loop3A_877] {strides = array<i32>} : memref<31x8x128xf32, #tpu.memory_space<vmem>>, vector<1x1x16xf32>,
        %parallel_loop3A_879 = vector.shape_cast %parallel_loop3A_878 : vector<1x1x16xf32> to vector<16xf32>
        %parallel_loop3A_880 = arith.mulf %parallel_loop3A_879, %parallel_loop3A_879 : vector<16xf32>
        %parallel_loop3A_881 = arith.addf %parallel_loop3A_873, %parallel_loop3A_880 : vector<16xf32>
        %parallel_loop3A_882 = arith.constant 16 : i32
        %parallel_loop3A_883 = arith.index_cast %parallel_loop3A_882 : i32 to index
        %parallel_loop3A_884 = arith.index_cast %parallel_loop3A_234 : i32 to index
        %parallel_loop3A_885 = arith.index_cast %parallel_loop3A_238 : i32 to index
        %parallel_loop3A_886 = tpu.vector_load %arg7[%parallel_loop3A_883, %parallel_loop3A_884, %parallel_loop3A_885] {strides = array<i32>} : memref<31x8x128xf32, #tpu.memory_space<vmem>>, vector<1x1x16xf32>,
        %parallel_loop3A_887 = vector.shape_cast %parallel_loop3A_886 : vector<1x1x16xf32> to vector<16xf32>
        %parallel_loop3A_888 = arith.mulf %parallel_loop3A_887, %parallel_loop3A_887 : vector<16xf32>
        %parallel_loop3A_889 = arith.addf %parallel_loop3A_881, %parallel_loop3A_888 : vector<16xf32>
        %parallel_loop3A_890 = arith.constant 17 : i32
        %parallel_loop3A_891 = arith.index_cast %parallel_loop3A_890 : i32 to index
        %parallel_loop3A_892 = arith.index_cast %parallel_loop3A_234 : i32 to index
        %parallel_loop3A_893 = arith.index_cast %parallel_loop3A_238 : i32 to index
        %parallel_loop3A_894 = tpu.vector_load %arg7[%parallel_loop3A_891, %parallel_loop3A_892, %parallel_loop3A_893] {strides = array<i32>} : memref<31x8x128xf32, #tpu.memory_space<vmem>>, vector<1x1x16xf32>,
        %parallel_loop3A_895 = vector.shape_cast %parallel_loop3A_894 : vector<1x1x16xf32> to vector<16xf32>
        %parallel_loop3A_896 = arith.mulf %parallel_loop3A_895, %parallel_loop3A_895 : vector<16xf32>
        %parallel_loop3A_897 = arith.addf %parallel_loop3A_889, %parallel_loop3A_896 : vector<16xf32>
        %parallel_loop3A_898 = arith.constant 18 : i32
        %parallel_loop3A_899 = arith.index_cast %parallel_loop3A_898 : i32 to index
        %parallel_loop3A_900 = arith.index_cast %parallel_loop3A_234 : i32 to index
        %parallel_loop3A_901 = arith.index_cast %parallel_loop3A_238 : i32 to index
        %parallel_loop3A_902 = tpu.vector_load %arg7[%parallel_loop3A_899, %parallel_loop3A_900, %parallel_loop3A_901] {strides = array<i32>} : memref<31x8x128xf32, #tpu.memory_space<vmem>>, vector<1x1x16xf32>,
        %parallel_loop3A_903 = vector.shape_cast %parallel_loop3A_902 : vector<1x1x16xf32> to vector<16xf32>
        %parallel_loop3A_904 = arith.mulf %parallel_loop3A_903, %parallel_loop3A_903 : vector<16xf32>
        %parallel_loop3A_905 = arith.addf %parallel_loop3A_897, %parallel_loop3A_904 : vector<16xf32>
        %parallel_loop3A_906 = arith.constant 19 : i32
        %parallel_loop3A_907 = arith.index_cast %parallel_loop3A_906 : i32 to index
        %parallel_loop3A_908 = arith.index_cast %parallel_loop3A_234 : i32 to index
        %parallel_loop3A_909 = arith.index_cast %parallel_loop3A_238 : i32 to index
        %parallel_loop3A_910 = tpu.vector_load %arg7[%parallel_loop3A_907, %parallel_loop3A_908, %parallel_loop3A_909] {strides = array<i32>} : memref<31x8x128xf32, #tpu.memory_space<vmem>>, vector<1x1x16xf32>,
        %parallel_loop3A_911 = vector.shape_cast %parallel_loop3A_910 : vector<1x1x16xf32> to vector<16xf32>
        %parallel_loop3A_912 = arith.mulf %parallel_loop3A_911, %parallel_loop3A_911 : vector<16xf32>
        %parallel_loop3A_913 = arith.addf %parallel_loop3A_905, %parallel_loop3A_912 : vector<16xf32>
        %parallel_loop3A_914 = arith.constant 20 : i32
        %parallel_loop3A_915 = arith.index_cast %parallel_loop3A_914 : i32 to index
        %parallel_loop3A_916 = arith.index_cast %parallel_loop3A_234 : i32 to index
        %parallel_loop3A_917 = arith.index_cast %parallel_loop3A_238 : i32 to index
        %parallel_loop3A_918 = tpu.vector_load %arg7[%parallel_loop3A_915, %parallel_loop3A_916, %parallel_loop3A_917] {strides = array<i32>} : memref<31x8x128xf32, #tpu.memory_space<vmem>>, vector<1x1x16xf32>,
        %parallel_loop3A_919 = vector.shape_cast %parallel_loop3A_918 : vector<1x1x16xf32> to vector<16xf32>
        %parallel_loop3A_920 = arith.mulf %parallel_loop3A_919, %parallel_loop3A_919 : vector<16xf32>
        %parallel_loop3A_921 = arith.addf %parallel_loop3A_913, %parallel_loop3A_920 : vector<16xf32>
        %parallel_loop3A_922 = arith.constant 21 : i32
        %parallel_loop3A_923 = arith.index_cast %parallel_loop3A_922 : i32 to index
        %parallel_loop3A_924 = arith.index_cast %parallel_loop3A_234 : i32 to index
        %parallel_loop3A_925 = arith.index_cast %parallel_loop3A_238 : i32 to index
        %parallel_loop3A_926 = tpu.vector_load %arg7[%parallel_loop3A_923, %parallel_loop3A_924, %parallel_loop3A_925] {strides = array<i32>} : memref<31x8x128xf32, #tpu.memory_space<vmem>>, vector<1x1x16xf32>,
        %parallel_loop3A_927 = vector.shape_cast %parallel_loop3A_926 : vector<1x1x16xf32> to vector<16xf32>
        %parallel_loop3A_928 = arith.mulf %parallel_loop3A_927, %parallel_loop3A_927 : vector<16xf32>
        %parallel_loop3A_929 = arith.addf %parallel_loop3A_921, %parallel_loop3A_928 : vector<16xf32>
        %parallel_loop3A_930 = arith.constant 22 : i32
        %parallel_loop3A_931 = arith.index_cast %parallel_loop3A_930 : i32 to index
        %parallel_loop3A_932 = arith.index_cast %parallel_loop3A_234 : i32 to index
        %parallel_loop3A_933 = arith.index_cast %parallel_loop3A_238 : i32 to index
        %parallel_loop3A_934 = tpu.vector_load %arg7[%parallel_loop3A_931, %parallel_loop3A_932, %parallel_loop3A_933] {strides = array<i32>} : memref<31x8x128xf32, #tpu.memory_space<vmem>>, vector<1x1x16xf32>,
        %parallel_loop3A_935 = vector.shape_cast %parallel_loop3A_934 : vector<1x1x16xf32> to vector<16xf32>
        %parallel_loop3A_936 = arith.mulf %parallel_loop3A_935, %parallel_loop3A_935 : vector<16xf32>
        %parallel_loop3A_937 = arith.addf %parallel_loop3A_929, %parallel_loop3A_936 : vector<16xf32>
        %parallel_loop3A_938 = arith.constant 23 : i32
        %parallel_loop3A_939 = arith.index_cast %parallel_loop3A_938 : i32 to index
        %parallel_loop3A_940 = arith.index_cast %parallel_loop3A_234 : i32 to index
        %parallel_loop3A_941 = arith.index_cast %parallel_loop3A_238 : i32 to index
        %parallel_loop3A_942 = tpu.vector_load %arg7[%parallel_loop3A_939, %parallel_loop3A_940, %parallel_loop3A_941] {strides = array<i32>} : memref<31x8x128xf32, #tpu.memory_space<vmem>>, vector<1x1x16xf32>,
        %parallel_loop3A_943 = vector.shape_cast %parallel_loop3A_942 : vector<1x1x16xf32> to vector<16xf32>
        %parallel_loop3A_944 = arith.mulf %parallel_loop3A_943, %parallel_loop3A_943 : vector<16xf32>
        %parallel_loop3A_945 = arith.addf %parallel_loop3A_937, %parallel_loop3A_944 : vector<16xf32>
        %parallel_loop3A_946 = arith.constant 24 : i32
        %parallel_loop3A_947 = arith.index_cast %parallel_loop3A_946 : i32 to index
        %parallel_loop3A_948 = arith.index_cast %parallel_loop3A_234 : i32 to index
        %parallel_loop3A_949 = arith.index_cast %parallel_loop3A_238 : i32 to index
        %parallel_loop3A_950 = tpu.vector_load %arg7[%parallel_loop3A_947, %parallel_loop3A_948, %parallel_loop3A_949] {strides = array<i32>} : memref<31x8x128xf32, #tpu.memory_space<vmem>>, vector<1x1x16xf32>,
        %parallel_loop3A_951 = vector.shape_cast %parallel_loop3A_950 : vector<1x1x16xf32> to vector<16xf32>
        %parallel_loop3A_952 = arith.mulf %parallel_loop3A_951, %parallel_loop3A_951 : vector<16xf32>
        %parallel_loop3A_953 = arith.addf %parallel_loop3A_945, %parallel_loop3A_952 : vector<16xf32>
        %parallel_loop3A_954 = arith.constant 25 : i32
        %parallel_loop3A_955 = arith.index_cast %parallel_loop3A_954 : i32 to index
        %parallel_loop3A_956 = arith.index_cast %parallel_loop3A_234 : i32 to index
        %parallel_loop3A_957 = arith.index_cast %parallel_loop3A_238 : i32 to index
        %parallel_loop3A_958 = tpu.vector_load %arg7[%parallel_loop3A_955, %parallel_loop3A_956, %parallel_loop3A_957] {strides = array<i32>} : memref<31x8x128xf32, #tpu.memory_space<vmem>>, vector<1x1x16xf32>,
        %parallel_loop3A_959 = vector.shape_cast %parallel_loop3A_958 : vector<1x1x16xf32> to vector<16xf32>
        %parallel_loop3A_960 = arith.mulf %parallel_loop3A_959, %parallel_loop3A_959 : vector<16xf32>
        %parallel_loop3A_961 = arith.addf %parallel_loop3A_953, %parallel_loop3A_960 : vector<16xf32>
        %parallel_loop3A_962 = arith.constant 26 : i32
        %parallel_loop3A_963 = arith.index_cast %parallel_loop3A_962 : i32 to index
        %parallel_loop3A_964 = arith.index_cast %parallel_loop3A_234 : i32 to index
        %parallel_loop3A_965 = arith.index_cast %parallel_loop3A_238 : i32 to index
        %parallel_loop3A_966 = tpu.vector_load %arg7[%parallel_loop3A_963, %parallel_loop3A_964, %parallel_loop3A_965] {strides = array<i32>} : memref<31x8x128xf32, #tpu.memory_space<vmem>>, vector<1x1x16xf32>,
        %parallel_loop3A_967 = vector.shape_cast %parallel_loop3A_966 : vector<1x1x16xf32> to vector<16xf32>
        %parallel_loop3A_968 = arith.mulf %parallel_loop3A_967, %parallel_loop3A_967 : vector<16xf32>
        %parallel_loop3A_969 = arith.addf %parallel_loop3A_961, %parallel_loop3A_968 : vector<16xf32>
        %parallel_loop3A_970 = arith.constant 27 : i32
        %parallel_loop3A_971 = arith.index_cast %parallel_loop3A_970 : i32 to index
        %parallel_loop3A_972 = arith.index_cast %parallel_loop3A_234 : i32 to index
        %parallel_loop3A_973 = arith.index_cast %parallel_loop3A_238 : i32 to index
        %parallel_loop3A_974 = tpu.vector_load %arg7[%parallel_loop3A_971, %parallel_loop3A_972, %parallel_loop3A_973] {strides = array<i32>} : memref<31x8x128xf32, #tpu.memory_space<vmem>>, vector<1x1x16xf32>,
        %parallel_loop3A_975 = vector.shape_cast %parallel_loop3A_974 : vector<1x1x16xf32> to vector<16xf32>
        %parallel_loop3A_976 = arith.mulf %parallel_loop3A_975, %parallel_loop3A_975 : vector<16xf32>
        %parallel_loop3A_977 = arith.addf %parallel_loop3A_969, %parallel_loop3A_976 : vector<16xf32>
        %parallel_loop3A_978 = arith.constant 28 : i32
        %parallel_loop3A_979 = arith.index_cast %parallel_loop3A_978 : i32 to index
        %parallel_loop3A_980 = arith.index_cast %parallel_loop3A_234 : i32 to index
        %parallel_loop3A_981 = arith.index_cast %parallel_loop3A_238 : i32 to index
        %parallel_loop3A_982 = tpu.vector_load %arg7[%parallel_loop3A_979, %parallel_loop3A_980, %parallel_loop3A_981] {strides = array<i32>} : memref<31x8x128xf32, #tpu.memory_space<vmem>>, vector<1x1x16xf32>,
        %parallel_loop3A_983 = vector.shape_cast %parallel_loop3A_982 : vector<1x1x16xf32> to vector<16xf32>
        %parallel_loop3A_984 = arith.mulf %parallel_loop3A_983, %parallel_loop3A_983 : vector<16xf32>
        %parallel_loop3A_985 = arith.addf %parallel_loop3A_977, %parallel_loop3A_984 : vector<16xf32>
        %parallel_loop3A_986 = arith.constant 29 : i32
        %parallel_loop3A_987 = arith.index_cast %parallel_loop3A_986 : i32 to index
        %parallel_loop3A_988 = arith.index_cast %parallel_loop3A_234 : i32 to index
        %parallel_loop3A_989 = arith.index_cast %parallel_loop3A_238 : i32 to index
        %parallel_loop3A_990 = tpu.vector_load %arg7[%parallel_loop3A_987, %parallel_loop3A_988, %parallel_loop3A_989] {strides = array<i32>} : memref<31x8x128xf32, #tpu.memory_space<vmem>>, vector<1x1x16xf32>,
        %parallel_loop3A_991 = vector.shape_cast %parallel_loop3A_990 : vector<1x1x16xf32> to vector<16xf32>
        %parallel_loop3A_992 = arith.mulf %parallel_loop3A_991, %parallel_loop3A_991 : vector<16xf32>
        %parallel_loop3A_993 = arith.addf %parallel_loop3A_985, %parallel_loop3A_992 : vector<16xf32>
        %parallel_loop3A_994 = arith.constant 30 : i32
        %parallel_loop3A_995 = arith.index_cast %parallel_loop3A_994 : i32 to index
        %parallel_loop3A_996 = arith.index_cast %parallel_loop3A_234 : i32 to index
        %parallel_loop3A_997 = arith.index_cast %parallel_loop3A_238 : i32 to index
        %parallel_loop3A_998 = tpu.vector_load %arg7[%parallel_loop3A_995, %parallel_loop3A_996, %parallel_loop3A_997] {strides = array<i32>} : memref<31x8x128xf32, #tpu.memory_space<vmem>>, vector<1x1x16xf32>,
        %parallel_loop3A_999 = vector.shape_cast %parallel_loop3A_998 : vector<1x1x16xf32> to vector<16xf32>
        %parallel_loop3A_1000 = arith.mulf %parallel_loop3A_999, %parallel_loop3A_999 : vector<16xf32>
        %parallel_loop3A_1001 = arith.addf %parallel_loop3A_993, %parallel_loop3A_1000 : vector<16xf32>
        %parallel_loop3A_1002 = arith.constant 1.000000e-24 : f32
        %parallel_loop3A_1003 = vector.broadcast %parallel_loop3A_1002 : f32 to vector<16xf32>
        %parallel_loop3A_1004 = arith.maximumf %parallel_loop3A_1001, %parallel_loop3A_1003 : vector<16xf32>
        %parallel_loop3A_1005 = tpu.bitcast %parallel_loop3A_1004 : vector<16xf32> -> vector<16xi32>
        %parallel_loop3A_1006 = arith.constant 1 : i32
        %parallel_loop3A_1007 = vector.broadcast %parallel_loop3A_1006 : i32 to vector<16xi32>
        %parallel_loop3A_1008 = arith.shrsi %parallel_loop3A_1005, %parallel_loop3A_1007 : vector<16xi32>
        %parallel_loop3A_1009 = arith.constant 1597463007 : i32
        %parallel_loop3A_1010 = vector.broadcast %parallel_loop3A_1009 : i32 to vector<16xi32>
        %parallel_loop3A_1011 = arith.subi %parallel_loop3A_1010, %parallel_loop3A_1008 : vector<16xi32>
        %parallel_loop3A_1012 = tpu.bitcast %parallel_loop3A_1011 : vector<16xi32> -> vector<16xf32>
        %parallel_loop3A_1013 = arith.constant 5.000000e-01 : f32
        %parallel_loop3A_1014 = vector.broadcast %parallel_loop3A_1013 : f32 to vector<16xf32>
        %parallel_loop3A_1015 = arith.mulf %parallel_loop3A_1004, %parallel_loop3A_1014 : vector<16xf32>
        %parallel_loop3A_1016 = arith.mulf %parallel_loop3A_1015, %parallel_loop3A_1012 : vector<16xf32>
        %parallel_loop3A_1017 = arith.mulf %parallel_loop3A_1016, %parallel_loop3A_1012 : vector<16xf32>
        %parallel_loop3A_1018 = arith.constant 1.500000e+00 : f32
        %parallel_loop3A_1019 = vector.broadcast %parallel_loop3A_1018 : f32 to vector<16xf32>
        %parallel_loop3A_1020 = arith.subf %parallel_loop3A_1019, %parallel_loop3A_1017 : vector<16xf32>
        %parallel_loop3A_1021 = arith.mulf %parallel_loop3A_1012, %parallel_loop3A_1020 : vector<16xf32>
        %parallel_loop3A_1022 = arith.mulf %parallel_loop3A_1015, %parallel_loop3A_1021 : vector<16xf32>
        %parallel_loop3A_1023 = arith.mulf %parallel_loop3A_1022, %parallel_loop3A_1021 : vector<16xf32>
        %parallel_loop3A_1024 = arith.constant 1.500000e+00 : f32
        %parallel_loop3A_1025 = vector.broadcast %parallel_loop3A_1024 : f32 to vector<16xf32>
        %parallel_loop3A_1026 = arith.subf %parallel_loop3A_1025, %parallel_loop3A_1023 : vector<16xf32>
        %parallel_loop3A_1027 = arith.mulf %parallel_loop3A_1021, %parallel_loop3A_1026 : vector<16xf32>
        %parallel_loop3A_1028 = arith.mulf %parallel_loop3A_1015, %parallel_loop3A_1027 : vector<16xf32>
        %parallel_loop3A_1029 = arith.mulf %parallel_loop3A_1028, %parallel_loop3A_1027 : vector<16xf32>
        %parallel_loop3A_1030 = arith.constant 1.500000e+00 : f32
        %parallel_loop3A_1031 = vector.broadcast %parallel_loop3A_1030 : f32 to vector<16xf32>
        %parallel_loop3A_1032 = arith.subf %parallel_loop3A_1031, %parallel_loop3A_1029 : vector<16xf32>
        %parallel_loop3A_1033 = arith.mulf %parallel_loop3A_1027, %parallel_loop3A_1032 : vector<16xf32>
        %parallel_loop3A_1034 = arith.mulf %parallel_loop3A_1033, %parallel_loop3A_423 : vector<16xf32>
        %parallel_loop3A_1035 = arith.mulf %parallel_loop3A_760, %parallel_loop3A_1034 : vector<16xf32>
        %parallel_loop3A_1036 = arith.constant 33 : i32
        %parallel_loop3A_1037 = arith.index_cast %parallel_loop3A_234 : i32 to index
        %parallel_loop3A_1038 = arith.index_cast %parallel_loop3A_1036 : i32 to index
        %parallel_loop3A_1039 = arith.index_cast %parallel_loop3A_238 : i32 to index
        %parallel_loop3A_1040 = tpu.vector_load %arg8[%parallel_loop3A_1037, %parallel_loop3A_1038, %parallel_loop3A_1039] {strides = array<i32>} : memref<8x64x128xf32, #tpu.memory_space<vmem>>, vector<1x1x16xf32>,
        %parallel_loop3A_1041 = vector.shape_cast %parallel_loop3A_1040 : vector<1x1x16xf32> to vector<16xf32>
        %parallel_loop3A_1042 = vector.shape_cast %parallel_loop3A_1035 : vector<16xf32> to vector<1x1x16xf32>
        tpu.vector_store %arg8[%parallel_loop3A_1037, %parallel_loop3A_1038, %parallel_loop3A_1039], %parallel_loop3A_1042 {strides = array<i32>} : memref<8x64x128xf32, #tpu.memory_space<vmem>>, vector<1x1x16xf32>,
        %parallel_loop3A_1043 = arith.mulf %parallel_loop3A_767, %parallel_loop3A_1034 : vector<16xf32>
        %parallel_loop3A_1044 = arith.constant 34 : i32
        %parallel_loop3A_1045 = arith.index_cast %parallel_loop3A_234 : i32 to index
        %parallel_loop3A_1046 = arith.index_cast %parallel_loop3A_1044 : i32 to index
        %parallel_loop3A_1047 = arith.index_cast %parallel_loop3A_238 : i32 to index
        %parallel_loop3A_1048 = tpu.vector_load %arg8[%parallel_loop3A_1045, %parallel_loop3A_1046, %parallel_loop3A_1047] {strides = array<i32>} : memref<8x64x128xf32, #tpu.memory_space<vmem>>, vector<1x1x16xf32>,
        %parallel_loop3A_1049 = vector.shape_cast %parallel_loop3A_1048 : vector<1x1x16xf32> to vector<16xf32>
        %parallel_loop3A_1050 = vector.shape_cast %parallel_loop3A_1043 : vector<16xf32> to vector<1x1x16xf32>
        tpu.vector_store %arg8[%parallel_loop3A_1045, %parallel_loop3A_1046, %parallel_loop3A_1047], %parallel_loop3A_1050 {strides = array<i32>} : memref<8x64x128xf32, #tpu.memory_space<vmem>>, vector<1x1x16xf32>,
        %parallel_loop3A_1051 = arith.mulf %parallel_loop3A_775, %parallel_loop3A_1034 : vector<16xf32>
        %parallel_loop3A_1052 = arith.constant 35 : i32
        %parallel_loop3A_1053 = arith.index_cast %parallel_loop3A_234 : i32 to index
        %parallel_loop3A_1054 = arith.index_cast %parallel_loop3A_1052 : i32 to index
        %parallel_loop3A_1055 = arith.index_cast %parallel_loop3A_238 : i32 to index
        %parallel_loop3A_1056 = tpu.vector_load %arg8[%parallel_loop3A_1053, %parallel_loop3A_1054, %parallel_loop3A_1055] {strides = array<i32>} : memref<8x64x128xf32, #tpu.memory_space<vmem>>, vector<1x1x16xf32>,
        %parallel_loop3A_1057 = vector.shape_cast %parallel_loop3A_1056 : vector<1x1x16xf32> to vector<16xf32>
        %parallel_loop3A_1058 = vector.shape_cast %parallel_loop3A_1051 : vector<16xf32> to vector<1x1x16xf32>
        tpu.vector_store %arg8[%parallel_loop3A_1053, %parallel_loop3A_1054, %parallel_loop3A_1055], %parallel_loop3A_1058 {strides = array<i32>} : memref<8x64x128xf32, #tpu.memory_space<vmem>>, vector<1x1x16xf32>,
        %parallel_loop3A_1059 = arith.mulf %parallel_loop3A_783, %parallel_loop3A_1034 : vector<16xf32>
        %parallel_loop3A_1060 = arith.constant 36 : i32
        %parallel_loop3A_1061 = arith.index_cast %parallel_loop3A_234 : i32 to index
        %parallel_loop3A_1062 = arith.index_cast %parallel_loop3A_1060 : i32 to index
        %parallel_loop3A_1063 = arith.index_cast %parallel_loop3A_238 : i32 to index
        %parallel_loop3A_1064 = tpu.vector_load %arg8[%parallel_loop3A_1061, %parallel_loop3A_1062, %parallel_loop3A_1063] {strides = array<i32>} : memref<8x64x128xf32, #tpu.memory_space<vmem>>, vector<1x1x16xf32>,
        %parallel_loop3A_1065 = vector.shape_cast %parallel_loop3A_1064 : vector<1x1x16xf32> to vector<16xf32>
        %parallel_loop3A_1066 = vector.shape_cast %parallel_loop3A_1059 : vector<16xf32> to vector<1x1x16xf32>
        tpu.vector_store %arg8[%parallel_loop3A_1061, %parallel_loop3A_1062, %parallel_loop3A_1063], %parallel_loop3A_1066 {strides = array<i32>} : memref<8x64x128xf32, #tpu.memory_space<vmem>>, vector<1x1x16xf32>,
        %parallel_loop3A_1067 = arith.mulf %parallel_loop3A_791, %parallel_loop3A_1034 : vector<16xf32>
        %parallel_loop3A_1068 = arith.constant 37 : i32
        %parallel_loop3A_1069 = arith.index_cast %parallel_loop3A_234 : i32 to index
        %parallel_loop3A_1070 = arith.index_cast %parallel_loop3A_1068 : i32 to index
        %parallel_loop3A_1071 = arith.index_cast %parallel_loop3A_238 : i32 to index
        %parallel_loop3A_1072 = tpu.vector_load %arg8[%parallel_loop3A_1069, %parallel_loop3A_1070, %parallel_loop3A_1071] {strides = array<i32>} : memref<8x64x128xf32, #tpu.memory_space<vmem>>, vector<1x1x16xf32>,
        %parallel_loop3A_1073 = vector.shape_cast %parallel_loop3A_1072 : vector<1x1x16xf32> to vector<16xf32>
        %parallel_loop3A_1074 = vector.shape_cast %parallel_loop3A_1067 : vector<16xf32> to vector<1x1x16xf32>
        tpu.vector_store %arg8[%parallel_loop3A_1069, %parallel_loop3A_1070, %parallel_loop3A_1071], %parallel_loop3A_1074 {strides = array<i32>} : memref<8x64x128xf32, #tpu.memory_space<vmem>>, vector<1x1x16xf32>,
        %parallel_loop3A_1075 = arith.mulf %parallel_loop3A_799, %parallel_loop3A_1034 : vector<16xf32>
        %parallel_loop3A_1076 = arith.constant 38 : i32
        %parallel_loop3A_1077 = arith.index_cast %parallel_loop3A_234 : i32 to index
        %parallel_loop3A_1078 = arith.index_cast %parallel_loop3A_1076 : i32 to index
        %parallel_loop3A_1079 = arith.index_cast %parallel_loop3A_238 : i32 to index
        %parallel_loop3A_1080 = tpu.vector_load %arg8[%parallel_loop3A_1077, %parallel_loop3A_1078, %parallel_loop3A_1079] {strides = array<i32>} : memref<8x64x128xf32, #tpu.memory_space<vmem>>, vector<1x1x16xf32>,
        %parallel_loop3A_1081 = vector.shape_cast %parallel_loop3A_1080 : vector<1x1x16xf32> to vector<16xf32>
        %parallel_loop3A_1082 = vector.shape_cast %parallel_loop3A_1075 : vector<16xf32> to vector<1x1x16xf32>
        tpu.vector_store %arg8[%parallel_loop3A_1077, %parallel_loop3A_1078, %parallel_loop3A_1079], %parallel_loop3A_1082 {strides = array<i32>} : memref<8x64x128xf32, #tpu.memory_space<vmem>>, vector<1x1x16xf32>,
        %parallel_loop3A_1083 = arith.mulf %parallel_loop3A_807, %parallel_loop3A_1034 : vector<16xf32>
        %parallel_loop3A_1084 = arith.constant 39 : i32
        %parallel_loop3A_1085 = arith.index_cast %parallel_loop3A_234 : i32 to index
        %parallel_loop3A_1086 = arith.index_cast %parallel_loop3A_1084 : i32 to index
        %parallel_loop3A_1087 = arith.index_cast %parallel_loop3A_238 : i32 to index
        %parallel_loop3A_1088 = tpu.vector_load %arg8[%parallel_loop3A_1085, %parallel_loop3A_1086, %parallel_loop3A_1087] {strides = array<i32>} : memref<8x64x128xf32, #tpu.memory_space<vmem>>, vector<1x1x16xf32>,
        %parallel_loop3A_1089 = vector.shape_cast %parallel_loop3A_1088 : vector<1x1x16xf32> to vector<16xf32>
        %parallel_loop3A_1090 = vector.shape_cast %parallel_loop3A_1083 : vector<16xf32> to vector<1x1x16xf32>
        tpu.vector_store %arg8[%parallel_loop3A_1085, %parallel_loop3A_1086, %parallel_loop3A_1087], %parallel_loop3A_1090 {strides = array<i32>} : memref<8x64x128xf32, #tpu.memory_space<vmem>>, vector<1x1x16xf32>,
        %parallel_loop3A_1091 = arith.mulf %parallel_loop3A_815, %parallel_loop3A_1034 : vector<16xf32>
        %parallel_loop3A_1092 = arith.constant 40 : i32
        %parallel_loop3A_1093 = arith.index_cast %parallel_loop3A_234 : i32 to index
        %parallel_loop3A_1094 = arith.index_cast %parallel_loop3A_1092 : i32 to index
        %parallel_loop3A_1095 = arith.index_cast %parallel_loop3A_238 : i32 to index
        %parallel_loop3A_1096 = tpu.vector_load %arg8[%parallel_loop3A_1093, %parallel_loop3A_1094, %parallel_loop3A_1095] {strides = array<i32>} : memref<8x64x128xf32, #tpu.memory_space<vmem>>, vector<1x1x16xf32>,
        %parallel_loop3A_1097 = vector.shape_cast %parallel_loop3A_1096 : vector<1x1x16xf32> to vector<16xf32>
        %parallel_loop3A_1098 = vector.shape_cast %parallel_loop3A_1091 : vector<16xf32> to vector<1x1x16xf32>
        tpu.vector_store %arg8[%parallel_loop3A_1093, %parallel_loop3A_1094, %parallel_loop3A_1095], %parallel_loop3A_1098 {strides = array<i32>} : memref<8x64x128xf32, #tpu.memory_space<vmem>>, vector<1x1x16xf32>,
        %parallel_loop3A_1099 = arith.mulf %parallel_loop3A_823, %parallel_loop3A_1034 : vector<16xf32>
        %parallel_loop3A_1100 = arith.constant 41 : i32
        %parallel_loop3A_1101 = arith.index_cast %parallel_loop3A_234 : i32 to index
        %parallel_loop3A_1102 = arith.index_cast %parallel_loop3A_1100 : i32 to index
        %parallel_loop3A_1103 = arith.index_cast %parallel_loop3A_238 : i32 to index
        %parallel_loop3A_1104 = tpu.vector_load %arg8[%parallel_loop3A_1101, %parallel_loop3A_1102, %parallel_loop3A_1103] {strides = array<i32>} : memref<8x64x128xf32, #tpu.memory_space<vmem>>, vector<1x1x16xf32>,
        %parallel_loop3A_1105 = vector.shape_cast %parallel_loop3A_1104 : vector<1x1x16xf32> to vector<16xf32>
        %parallel_loop3A_1106 = vector.shape_cast %parallel_loop3A_1099 : vector<16xf32> to vector<1x1x16xf32>
        tpu.vector_store %arg8[%parallel_loop3A_1101, %parallel_loop3A_1102, %parallel_loop3A_1103], %parallel_loop3A_1106 {strides = array<i32>} : memref<8x64x128xf32, #tpu.memory_space<vmem>>, vector<1x1x16xf32>,
        %parallel_loop3A_1107 = arith.mulf %parallel_loop3A_831, %parallel_loop3A_1034 : vector<16xf32>
        %parallel_loop3A_1108 = arith.constant 42 : i32
        %parallel_loop3A_1109 = arith.index_cast %parallel_loop3A_234 : i32 to index
        %parallel_loop3A_1110 = arith.index_cast %parallel_loop3A_1108 : i32 to index
        %parallel_loop3A_1111 = arith.index_cast %parallel_loop3A_238 : i32 to index
        %parallel_loop3A_1112 = tpu.vector_load %arg8[%parallel_loop3A_1109, %parallel_loop3A_1110, %parallel_loop3A_1111] {strides = array<i32>} : memref<8x64x128xf32, #tpu.memory_space<vmem>>, vector<1x1x16xf32>,
        %parallel_loop3A_1113 = vector.shape_cast %parallel_loop3A_1112 : vector<1x1x16xf32> to vector<16xf32>
        %parallel_loop3A_1114 = vector.shape_cast %parallel_loop3A_1107 : vector<16xf32> to vector<1x1x16xf32>
        tpu.vector_store %arg8[%parallel_loop3A_1109, %parallel_loop3A_1110, %parallel_loop3A_1111], %parallel_loop3A_1114 {strides = array<i32>} : memref<8x64x128xf32, #tpu.memory_space<vmem>>, vector<1x1x16xf32>,
        %parallel_loop3A_1115 = arith.mulf %parallel_loop3A_839, %parallel_loop3A_1034 : vector<16xf32>
        %parallel_loop3A_1116 = arith.constant 43 : i32
        %parallel_loop3A_1117 = arith.index_cast %parallel_loop3A_234 : i32 to index
        %parallel_loop3A_1118 = arith.index_cast %parallel_loop3A_1116 : i32 to index
        %parallel_loop3A_1119 = arith.index_cast %parallel_loop3A_238 : i32 to index
        %parallel_loop3A_1120 = tpu.vector_load %arg8[%parallel_loop3A_1117, %parallel_loop3A_1118, %parallel_loop3A_1119] {strides = array<i32>} : memref<8x64x128xf32, #tpu.memory_space<vmem>>, vector<1x1x16xf32>,
        %parallel_loop3A_1121 = vector.shape_cast %parallel_loop3A_1120 : vector<1x1x16xf32> to vector<16xf32>
        %parallel_loop3A_1122 = vector.shape_cast %parallel_loop3A_1115 : vector<16xf32> to vector<1x1x16xf32>
        tpu.vector_store %arg8[%parallel_loop3A_1117, %parallel_loop3A_1118, %parallel_loop3A_1119], %parallel_loop3A_1122 {strides = array<i32>} : memref<8x64x128xf32, #tpu.memory_space<vmem>>, vector<1x1x16xf32>,
        %parallel_loop3A_1123 = arith.mulf %parallel_loop3A_847, %parallel_loop3A_1034 : vector<16xf32>
        %parallel_loop3A_1124 = arith.constant 44 : i32
        %parallel_loop3A_1125 = arith.index_cast %parallel_loop3A_234 : i32 to index
        %parallel_loop3A_1126 = arith.index_cast %parallel_loop3A_1124 : i32 to index
        %parallel_loop3A_1127 = arith.index_cast %parallel_loop3A_238 : i32 to index
        %parallel_loop3A_1128 = tpu.vector_load %arg8[%parallel_loop3A_1125, %parallel_loop3A_1126, %parallel_loop3A_1127] {strides = array<i32>} : memref<8x64x128xf32, #tpu.memory_space<vmem>>, vector<1x1x16xf32>,
        %parallel_loop3A_1129 = vector.shape_cast %parallel_loop3A_1128 : vector<1x1x16xf32> to vector<16xf32>
        %parallel_loop3A_1130 = vector.shape_cast %parallel_loop3A_1123 : vector<16xf32> to vector<1x1x16xf32>
        tpu.vector_store %arg8[%parallel_loop3A_1125, %parallel_loop3A_1126, %parallel_loop3A_1127], %parallel_loop3A_1130 {strides = array<i32>} : memref<8x64x128xf32, #tpu.memory_space<vmem>>, vector<1x1x16xf32>,
        %parallel_loop3A_1131 = arith.mulf %parallel_loop3A_855, %parallel_loop3A_1034 : vector<16xf32>
        %parallel_loop3A_1132 = arith.constant 45 : i32
        %parallel_loop3A_1133 = arith.index_cast %parallel_loop3A_234 : i32 to index
        %parallel_loop3A_1134 = arith.index_cast %parallel_loop3A_1132 : i32 to index
        %parallel_loop3A_1135 = arith.index_cast %parallel_loop3A_238 : i32 to index
        %parallel_loop3A_1136 = tpu.vector_load %arg8[%parallel_loop3A_1133, %parallel_loop3A_1134, %parallel_loop3A_1135] {strides = array<i32>} : memref<8x64x128xf32, #tpu.memory_space<vmem>>, vector<1x1x16xf32>,
        %parallel_loop3A_1137 = vector.shape_cast %parallel_loop3A_1136 : vector<1x1x16xf32> to vector<16xf32>
        %parallel_loop3A_1138 = vector.shape_cast %parallel_loop3A_1131 : vector<16xf32> to vector<1x1x16xf32>
        tpu.vector_store %arg8[%parallel_loop3A_1133, %parallel_loop3A_1134, %parallel_loop3A_1135], %parallel_loop3A_1138 {strides = array<i32>} : memref<8x64x128xf32, #tpu.memory_space<vmem>>, vector<1x1x16xf32>,
        %parallel_loop3A_1139 = arith.mulf %parallel_loop3A_863, %parallel_loop3A_1034 : vector<16xf32>
        %parallel_loop3A_1140 = arith.constant 46 : i32
        %parallel_loop3A_1141 = arith.index_cast %parallel_loop3A_234 : i32 to index
        %parallel_loop3A_1142 = arith.index_cast %parallel_loop3A_1140 : i32 to index
        %parallel_loop3A_1143 = arith.index_cast %parallel_loop3A_238 : i32 to index
        %parallel_loop3A_1144 = tpu.vector_load %arg8[%parallel_loop3A_1141, %parallel_loop3A_1142, %parallel_loop3A_1143] {strides = array<i32>} : memref<8x64x128xf32, #tpu.memory_space<vmem>>, vector<1x1x16xf32>,
        %parallel_loop3A_1145 = vector.shape_cast %parallel_loop3A_1144 : vector<1x1x16xf32> to vector<16xf32>
        %parallel_loop3A_1146 = vector.shape_cast %parallel_loop3A_1139 : vector<16xf32> to vector<1x1x16xf32>
        tpu.vector_store %arg8[%parallel_loop3A_1141, %parallel_loop3A_1142, %parallel_loop3A_1143], %parallel_loop3A_1146 {strides = array<i32>} : memref<8x64x128xf32, #tpu.memory_space<vmem>>, vector<1x1x16xf32>,
        %parallel_loop3A_1147 = arith.mulf %parallel_loop3A_871, %parallel_loop3A_1034 : vector<16xf32>
        %parallel_loop3A_1148 = arith.constant 47 : i32
        %parallel_loop3A_1149 = arith.index_cast %parallel_loop3A_234 : i32 to index
        %parallel_loop3A_1150 = arith.index_cast %parallel_loop3A_1148 : i32 to index
        %parallel_loop3A_1151 = arith.index_cast %parallel_loop3A_238 : i32 to index
        %parallel_loop3A_1152 = tpu.vector_load %arg8[%parallel_loop3A_1149, %parallel_loop3A_1150, %parallel_loop3A_1151] {strides = array<i32>} : memref<8x64x128xf32, #tpu.memory_space<vmem>>, vector<1x1x16xf32>,
        %parallel_loop3A_1153 = vector.shape_cast %parallel_loop3A_1152 : vector<1x1x16xf32> to vector<16xf32>
        %parallel_loop3A_1154 = vector.shape_cast %parallel_loop3A_1147 : vector<16xf32> to vector<1x1x16xf32>
        tpu.vector_store %arg8[%parallel_loop3A_1149, %parallel_loop3A_1150, %parallel_loop3A_1151], %parallel_loop3A_1154 {strides = array<i32>} : memref<8x64x128xf32, #tpu.memory_space<vmem>>, vector<1x1x16xf32>,
        %parallel_loop3A_1155 = arith.mulf %parallel_loop3A_879, %parallel_loop3A_1034 : vector<16xf32>
        %parallel_loop3A_1156 = arith.constant 48 : i32
        %parallel_loop3A_1157 = arith.index_cast %parallel_loop3A_234 : i32 to index
        %parallel_loop3A_1158 = arith.index_cast %parallel_loop3A_1156 : i32 to index
        %parallel_loop3A_1159 = arith.index_cast %parallel_loop3A_238 : i32 to index
        %parallel_loop3A_1160 = tpu.vector_load %arg8[%parallel_loop3A_1157, %parallel_loop3A_1158, %parallel_loop3A_1159] {strides = array<i32>} : memref<8x64x128xf32, #tpu.memory_space<vmem>>, vector<1x1x16xf32>,
        %parallel_loop3A_1161 = vector.shape_cast %parallel_loop3A_1160 : vector<1x1x16xf32> to vector<16xf32>
        %parallel_loop3A_1162 = vector.shape_cast %parallel_loop3A_1155 : vector<16xf32> to vector<1x1x16xf32>
        tpu.vector_store %arg8[%parallel_loop3A_1157, %parallel_loop3A_1158, %parallel_loop3A_1159], %parallel_loop3A_1162 {strides = array<i32>} : memref<8x64x128xf32, #tpu.memory_space<vmem>>, vector<1x1x16xf32>,
        %parallel_loop3A_1163 = arith.mulf %parallel_loop3A_887, %parallel_loop3A_1034 : vector<16xf32>
        %parallel_loop3A_1164 = arith.constant 49 : i32
        %parallel_loop3A_1165 = arith.index_cast %parallel_loop3A_234 : i32 to index
        %parallel_loop3A_1166 = arith.index_cast %parallel_loop3A_1164 : i32 to index
        %parallel_loop3A_1167 = arith.index_cast %parallel_loop3A_238 : i32 to index
        %parallel_loop3A_1168 = tpu.vector_load %arg8[%parallel_loop3A_1165, %parallel_loop3A_1166, %parallel_loop3A_1167] {strides = array<i32>} : memref<8x64x128xf32, #tpu.memory_space<vmem>>, vector<1x1x16xf32>,
        %parallel_loop3A_1169 = vector.shape_cast %parallel_loop3A_1168 : vector<1x1x16xf32> to vector<16xf32>
        %parallel_loop3A_1170 = vector.shape_cast %parallel_loop3A_1163 : vector<16xf32> to vector<1x1x16xf32>
        tpu.vector_store %arg8[%parallel_loop3A_1165, %parallel_loop3A_1166, %parallel_loop3A_1167], %parallel_loop3A_1170 {strides = array<i32>} : memref<8x64x128xf32, #tpu.memory_space<vmem>>, vector<1x1x16xf32>,
        %parallel_loop3A_1171 = arith.mulf %parallel_loop3A_895, %parallel_loop3A_1034 : vector<16xf32>
        %parallel_loop3A_1172 = arith.constant 50 : i32
        %parallel_loop3A_1173 = arith.index_cast %parallel_loop3A_234 : i32 to index
        %parallel_loop3A_1174 = arith.index_cast %parallel_loop3A_1172 : i32 to index
        %parallel_loop3A_1175 = arith.index_cast %parallel_loop3A_238 : i32 to index
        %parallel_loop3A_1176 = tpu.vector_load %arg8[%parallel_loop3A_1173, %parallel_loop3A_1174, %parallel_loop3A_1175] {strides = array<i32>} : memref<8x64x128xf32, #tpu.memory_space<vmem>>, vector<1x1x16xf32>,
        %parallel_loop3A_1177 = vector.shape_cast %parallel_loop3A_1176 : vector<1x1x16xf32> to vector<16xf32>
        %parallel_loop3A_1178 = vector.shape_cast %parallel_loop3A_1171 : vector<16xf32> to vector<1x1x16xf32>
        tpu.vector_store %arg8[%parallel_loop3A_1173, %parallel_loop3A_1174, %parallel_loop3A_1175], %parallel_loop3A_1178 {strides = array<i32>} : memref<8x64x128xf32, #tpu.memory_space<vmem>>, vector<1x1x16xf32>,
        %parallel_loop3A_1179 = arith.mulf %parallel_loop3A_903, %parallel_loop3A_1034 : vector<16xf32>
        %parallel_loop3A_1180 = arith.constant 51 : i32
        %parallel_loop3A_1181 = arith.index_cast %parallel_loop3A_234 : i32 to index
        %parallel_loop3A_1182 = arith.index_cast %parallel_loop3A_1180 : i32 to index
        %parallel_loop3A_1183 = arith.index_cast %parallel_loop3A_238 : i32 to index
        %parallel_loop3A_1184 = tpu.vector_load %arg8[%parallel_loop3A_1181, %parallel_loop3A_1182, %parallel_loop3A_1183] {strides = array<i32>} : memref<8x64x128xf32, #tpu.memory_space<vmem>>, vector<1x1x16xf32>,
        %parallel_loop3A_1185 = vector.shape_cast %parallel_loop3A_1184 : vector<1x1x16xf32> to vector<16xf32>
        %parallel_loop3A_1186 = vector.shape_cast %parallel_loop3A_1179 : vector<16xf32> to vector<1x1x16xf32>
        tpu.vector_store %arg8[%parallel_loop3A_1181, %parallel_loop3A_1182, %parallel_loop3A_1183], %parallel_loop3A_1186 {strides = array<i32>} : memref<8x64x128xf32, #tpu.memory_space<vmem>>, vector<1x1x16xf32>,
        %parallel_loop3A_1187 = arith.mulf %parallel_loop3A_911, %parallel_loop3A_1034 : vector<16xf32>
        %parallel_loop3A_1188 = arith.constant 52 : i32
        %parallel_loop3A_1189 = arith.index_cast %parallel_loop3A_234 : i32 to index
        %parallel_loop3A_1190 = arith.index_cast %parallel_loop3A_1188 : i32 to index
        %parallel_loop3A_1191 = arith.index_cast %parallel_loop3A_238 : i32 to index
        %parallel_loop3A_1192 = tpu.vector_load %arg8[%parallel_loop3A_1189, %parallel_loop3A_1190, %parallel_loop3A_1191] {strides = array<i32>} : memref<8x64x128xf32, #tpu.memory_space<vmem>>, vector<1x1x16xf32>,
        %parallel_loop3A_1193 = vector.shape_cast %parallel_loop3A_1192 : vector<1x1x16xf32> to vector<16xf32>
        %parallel_loop3A_1194 = vector.shape_cast %parallel_loop3A_1187 : vector<16xf32> to vector<1x1x16xf32>
        tpu.vector_store %arg8[%parallel_loop3A_1189, %parallel_loop3A_1190, %parallel_loop3A_1191], %parallel_loop3A_1194 {strides = array<i32>} : memref<8x64x128xf32, #tpu.memory_space<vmem>>, vector<1x1x16xf32>,
        %parallel_loop3A_1195 = arith.mulf %parallel_loop3A_919, %parallel_loop3A_1034 : vector<16xf32>
        %parallel_loop3A_1196 = arith.constant 53 : i32
        %parallel_loop3A_1197 = arith.index_cast %parallel_loop3A_234 : i32 to index
        %parallel_loop3A_1198 = arith.index_cast %parallel_loop3A_1196 : i32 to index
        %parallel_loop3A_1199 = arith.index_cast %parallel_loop3A_238 : i32 to index
        %parallel_loop3A_1200 = tpu.vector_load %arg8[%parallel_loop3A_1197, %parallel_loop3A_1198, %parallel_loop3A_1199] {strides = array<i32>} : memref<8x64x128xf32, #tpu.memory_space<vmem>>, vector<1x1x16xf32>,
        %parallel_loop3A_1201 = vector.shape_cast %parallel_loop3A_1200 : vector<1x1x16xf32> to vector<16xf32>
        %parallel_loop3A_1202 = vector.shape_cast %parallel_loop3A_1195 : vector<16xf32> to vector<1x1x16xf32>
        tpu.vector_store %arg8[%parallel_loop3A_1197, %parallel_loop3A_1198, %parallel_loop3A_1199], %parallel_loop3A_1202 {strides = array<i32>} : memref<8x64x128xf32, #tpu.memory_space<vmem>>, vector<1x1x16xf32>,
        %parallel_loop3A_1203 = arith.mulf %parallel_loop3A_927, %parallel_loop3A_1034 : vector<16xf32>
        %parallel_loop3A_1204 = arith.constant 54 : i32
        %parallel_loop3A_1205 = arith.index_cast %parallel_loop3A_234 : i32 to index
        %parallel_loop3A_1206 = arith.index_cast %parallel_loop3A_1204 : i32 to index
        %parallel_loop3A_1207 = arith.index_cast %parallel_loop3A_238 : i32 to index
        %parallel_loop3A_1208 = tpu.vector_load %arg8[%parallel_loop3A_1205, %parallel_loop3A_1206, %parallel_loop3A_1207] {strides = array<i32>} : memref<8x64x128xf32, #tpu.memory_space<vmem>>, vector<1x1x16xf32>,
        %parallel_loop3A_1209 = vector.shape_cast %parallel_loop3A_1208 : vector<1x1x16xf32> to vector<16xf32>
        %parallel_loop3A_1210 = vector.shape_cast %parallel_loop3A_1203 : vector<16xf32> to vector<1x1x16xf32>
        tpu.vector_store %arg8[%parallel_loop3A_1205, %parallel_loop3A_1206, %parallel_loop3A_1207], %parallel_loop3A_1210 {strides = array<i32>} : memref<8x64x128xf32, #tpu.memory_space<vmem>>, vector<1x1x16xf32>,
        %parallel_loop3A_1211 = arith.mulf %parallel_loop3A_935, %parallel_loop3A_1034 : vector<16xf32>
        %parallel_loop3A_1212 = arith.constant 55 : i32
        %parallel_loop3A_1213 = arith.index_cast %parallel_loop3A_234 : i32 to index
        %parallel_loop3A_1214 = arith.index_cast %parallel_loop3A_1212 : i32 to index
        %parallel_loop3A_1215 = arith.index_cast %parallel_loop3A_238 : i32 to index
        %parallel_loop3A_1216 = tpu.vector_load %arg8[%parallel_loop3A_1213, %parallel_loop3A_1214, %parallel_loop3A_1215] {strides = array<i32>} : memref<8x64x128xf32, #tpu.memory_space<vmem>>, vector<1x1x16xf32>,
        %parallel_loop3A_1217 = vector.shape_cast %parallel_loop3A_1216 : vector<1x1x16xf32> to vector<16xf32>
        %parallel_loop3A_1218 = vector.shape_cast %parallel_loop3A_1211 : vector<16xf32> to vector<1x1x16xf32>
        tpu.vector_store %arg8[%parallel_loop3A_1213, %parallel_loop3A_1214, %parallel_loop3A_1215], %parallel_loop3A_1218 {strides = array<i32>} : memref<8x64x128xf32, #tpu.memory_space<vmem>>, vector<1x1x16xf32>,
        %parallel_loop3A_1219 = arith.mulf %parallel_loop3A_943, %parallel_loop3A_1034 : vector<16xf32>
        %parallel_loop3A_1220 = arith.constant 56 : i32
        %parallel_loop3A_1221 = arith.index_cast %parallel_loop3A_234 : i32 to index
        %parallel_loop3A_1222 = arith.index_cast %parallel_loop3A_1220 : i32 to index
        %parallel_loop3A_1223 = arith.index_cast %parallel_loop3A_238 : i32 to index
        %parallel_loop3A_1224 = tpu.vector_load %arg8[%parallel_loop3A_1221, %parallel_loop3A_1222, %parallel_loop3A_1223] {strides = array<i32>} : memref<8x64x128xf32, #tpu.memory_space<vmem>>, vector<1x1x16xf32>,
        %parallel_loop3A_1225 = vector.shape_cast %parallel_loop3A_1224 : vector<1x1x16xf32> to vector<16xf32>
        %parallel_loop3A_1226 = vector.shape_cast %parallel_loop3A_1219 : vector<16xf32> to vector<1x1x16xf32>
        tpu.vector_store %arg8[%parallel_loop3A_1221, %parallel_loop3A_1222, %parallel_loop3A_1223], %parallel_loop3A_1226 {strides = array<i32>} : memref<8x64x128xf32, #tpu.memory_space<vmem>>, vector<1x1x16xf32>,
        %parallel_loop3A_1227 = arith.mulf %parallel_loop3A_951, %parallel_loop3A_1034 : vector<16xf32>
        %parallel_loop3A_1228 = arith.constant 57 : i32
        %parallel_loop3A_1229 = arith.index_cast %parallel_loop3A_234 : i32 to index
        %parallel_loop3A_1230 = arith.index_cast %parallel_loop3A_1228 : i32 to index
        %parallel_loop3A_1231 = arith.index_cast %parallel_loop3A_238 : i32 to index
        %parallel_loop3A_1232 = tpu.vector_load %arg8[%parallel_loop3A_1229, %parallel_loop3A_1230, %parallel_loop3A_1231] {strides = array<i32>} : memref<8x64x128xf32, #tpu.memory_space<vmem>>, vector<1x1x16xf32>,
        %parallel_loop3A_1233 = vector.shape_cast %parallel_loop3A_1232 : vector<1x1x16xf32> to vector<16xf32>
        %parallel_loop3A_1234 = vector.shape_cast %parallel_loop3A_1227 : vector<16xf32> to vector<1x1x16xf32>
        tpu.vector_store %arg8[%parallel_loop3A_1229, %parallel_loop3A_1230, %parallel_loop3A_1231], %parallel_loop3A_1234 {strides = array<i32>} : memref<8x64x128xf32, #tpu.memory_space<vmem>>, vector<1x1x16xf32>,
        %parallel_loop3A_1235 = arith.mulf %parallel_loop3A_959, %parallel_loop3A_1034 : vector<16xf32>
        %parallel_loop3A_1236 = arith.constant 58 : i32
        %parallel_loop3A_1237 = arith.index_cast %parallel_loop3A_234 : i32 to index
        %parallel_loop3A_1238 = arith.index_cast %parallel_loop3A_1236 : i32 to index
        %parallel_loop3A_1239 = arith.index_cast %parallel_loop3A_238 : i32 to index
        %parallel_loop3A_1240 = tpu.vector_load %arg8[%parallel_loop3A_1237, %parallel_loop3A_1238, %parallel_loop3A_1239] {strides = array<i32>} : memref<8x64x128xf32, #tpu.memory_space<vmem>>, vector<1x1x16xf32>,
        %parallel_loop3A_1241 = vector.shape_cast %parallel_loop3A_1240 : vector<1x1x16xf32> to vector<16xf32>
        %parallel_loop3A_1242 = vector.shape_cast %parallel_loop3A_1235 : vector<16xf32> to vector<1x1x16xf32>
        tpu.vector_store %arg8[%parallel_loop3A_1237, %parallel_loop3A_1238, %parallel_loop3A_1239], %parallel_loop3A_1242 {strides = array<i32>} : memref<8x64x128xf32, #tpu.memory_space<vmem>>, vector<1x1x16xf32>,
        %parallel_loop3A_1243 = arith.mulf %parallel_loop3A_967, %parallel_loop3A_1034 : vector<16xf32>
        %parallel_loop3A_1244 = arith.constant 59 : i32
        %parallel_loop3A_1245 = arith.index_cast %parallel_loop3A_234 : i32 to index
        %parallel_loop3A_1246 = arith.index_cast %parallel_loop3A_1244 : i32 to index
        %parallel_loop3A_1247 = arith.index_cast %parallel_loop3A_238 : i32 to index
        %parallel_loop3A_1248 = tpu.vector_load %arg8[%parallel_loop3A_1245, %parallel_loop3A_1246, %parallel_loop3A_1247] {strides = array<i32>} : memref<8x64x128xf32, #tpu.memory_space<vmem>>, vector<1x1x16xf32>,
        %parallel_loop3A_1249 = vector.shape_cast %parallel_loop3A_1248 : vector<1x1x16xf32> to vector<16xf32>
        %parallel_loop3A_1250 = vector.shape_cast %parallel_loop3A_1243 : vector<16xf32> to vector<1x1x16xf32>
        tpu.vector_store %arg8[%parallel_loop3A_1245, %parallel_loop3A_1246, %parallel_loop3A_1247], %parallel_loop3A_1250 {strides = array<i32>} : memref<8x64x128xf32, #tpu.memory_space<vmem>>, vector<1x1x16xf32>,
        %parallel_loop3A_1251 = arith.mulf %parallel_loop3A_975, %parallel_loop3A_1034 : vector<16xf32>
        %parallel_loop3A_1252 = arith.constant 60 : i32
        %parallel_loop3A_1253 = arith.index_cast %parallel_loop3A_234 : i32 to index
        %parallel_loop3A_1254 = arith.index_cast %parallel_loop3A_1252 : i32 to index
        %parallel_loop3A_1255 = arith.index_cast %parallel_loop3A_238 : i32 to index
        %parallel_loop3A_1256 = tpu.vector_load %arg8[%parallel_loop3A_1253, %parallel_loop3A_1254, %parallel_loop3A_1255] {strides = array<i32>} : memref<8x64x128xf32, #tpu.memory_space<vmem>>, vector<1x1x16xf32>,
        %parallel_loop3A_1257 = vector.shape_cast %parallel_loop3A_1256 : vector<1x1x16xf32> to vector<16xf32>
        %parallel_loop3A_1258 = vector.shape_cast %parallel_loop3A_1251 : vector<16xf32> to vector<1x1x16xf32>
        tpu.vector_store %arg8[%parallel_loop3A_1253, %parallel_loop3A_1254, %parallel_loop3A_1255], %parallel_loop3A_1258 {strides = array<i32>} : memref<8x64x128xf32, #tpu.memory_space<vmem>>, vector<1x1x16xf32>,
        %parallel_loop3A_1259 = arith.mulf %parallel_loop3A_983, %parallel_loop3A_1034 : vector<16xf32>
        %parallel_loop3A_1260 = arith.constant 61 : i32
        %parallel_loop3A_1261 = arith.index_cast %parallel_loop3A_234 : i32 to index
        %parallel_loop3A_1262 = arith.index_cast %parallel_loop3A_1260 : i32 to index
        %parallel_loop3A_1263 = arith.index_cast %parallel_loop3A_238 : i32 to index
        %parallel_loop3A_1264 = tpu.vector_load %arg8[%parallel_loop3A_1261, %parallel_loop3A_1262, %parallel_loop3A_1263] {strides = array<i32>} : memref<8x64x128xf32, #tpu.memory_space<vmem>>, vector<1x1x16xf32>,
        %parallel_loop3A_1265 = vector.shape_cast %parallel_loop3A_1264 : vector<1x1x16xf32> to vector<16xf32>
        %parallel_loop3A_1266 = vector.shape_cast %parallel_loop3A_1259 : vector<16xf32> to vector<1x1x16xf32>
        tpu.vector_store %arg8[%parallel_loop3A_1261, %parallel_loop3A_1262, %parallel_loop3A_1263], %parallel_loop3A_1266 {strides = array<i32>} : memref<8x64x128xf32, #tpu.memory_space<vmem>>, vector<1x1x16xf32>,
        %parallel_loop3A_1267 = arith.mulf %parallel_loop3A_991, %parallel_loop3A_1034 : vector<16xf32>
        %parallel_loop3A_1268 = arith.constant 62 : i32
        %parallel_loop3A_1269 = arith.index_cast %parallel_loop3A_234 : i32 to index
        %parallel_loop3A_1270 = arith.index_cast %parallel_loop3A_1268 : i32 to index
        %parallel_loop3A_1271 = arith.index_cast %parallel_loop3A_238 : i32 to index
        %parallel_loop3A_1272 = tpu.vector_load %arg8[%parallel_loop3A_1269, %parallel_loop3A_1270, %parallel_loop3A_1271] {strides = array<i32>} : memref<8x64x128xf32, #tpu.memory_space<vmem>>, vector<1x1x16xf32>,
        %parallel_loop3A_1273 = vector.shape_cast %parallel_loop3A_1272 : vector<1x1x16xf32> to vector<16xf32>
        %parallel_loop3A_1274 = vector.shape_cast %parallel_loop3A_1267 : vector<16xf32> to vector<1x1x16xf32>
        tpu.vector_store %arg8[%parallel_loop3A_1269, %parallel_loop3A_1270, %parallel_loop3A_1271], %parallel_loop3A_1274 {strides = array<i32>} : memref<8x64x128xf32, #tpu.memory_space<vmem>>, vector<1x1x16xf32>,
        %parallel_loop3A_1275 = arith.mulf %parallel_loop3A_999, %parallel_loop3A_1034 : vector<16xf32>
        %parallel_loop3A_1276 = arith.constant 63 : i32
        %parallel_loop3A_1277 = arith.index_cast %parallel_loop3A_234 : i32 to index
        %parallel_loop3A_1278 = arith.index_cast %parallel_loop3A_1276 : i32 to index
        %parallel_loop3A_1279 = arith.index_cast %parallel_loop3A_238 : i32 to index
        %parallel_loop3A_1280 = tpu.vector_load %arg8[%parallel_loop3A_1277, %parallel_loop3A_1278, %parallel_loop3A_1279] {strides = array<i32>} : memref<8x64x128xf32, #tpu.memory_space<vmem>>, vector<1x1x16xf32>,
        %parallel_loop3A_1281 = vector.shape_cast %parallel_loop3A_1280 : vector<1x1x16xf32> to vector<16xf32>
        %parallel_loop3A_1282 = vector.shape_cast %parallel_loop3A_1275 : vector<16xf32> to vector<1x1x16xf32>
        tpu.vector_store %arg8[%parallel_loop3A_1277, %parallel_loop3A_1278, %parallel_loop3A_1279], %parallel_loop3A_1282 {strides = array<i32>} : memref<8x64x128xf32, #tpu.memory_space<vmem>>, vector<1x1x16xf32>,
      } {sc.loop_unroll_factor = 2 : i64, sc.parallel_access}
      %mul3A_220 = arith.constant 32 : i32
      %mul3A_221 = arith.muli %add3A, %mul3A_220 : i32
      %mul3A_222 = arith.constant 8 : i32
      %mul3A_223 = arith.muli %scan3A_198, %mul3A_222 : i32
      %add3A_224 = arith.addi %mul3A_221, %mul3A_223 : i32
      %dma_start3A_225 = arith.constant 0 : i32
      %dma_start3A_226 = arith.constant 0 : i32
      %dma_start3A_227 = tpu.memref_slice %arg5[%add3A_224, %dma_start3A_225, %dma_start3A_226] : memref<1024x64x128xf32, #tpu.memory_space<hbm>> -> memref<8x64x128xf32, #tpu.memory_space<hbm>>
      %dma_start3A_228 = arith.constant 0 : i32
      %dma_start3A_229 = arith.constant 0 : i32
      %dma_start3A_230 = tpu.memref_slice %arg5[%add3A_224, %dma_start3A_228, %dma_start3A_229] : memref<1024x64x128xf32, #tpu.memory_space<hbm>> -> memref<8x64x128xf32, #tpu.memory_space<hbm>>
      tpu.enqueue_dma source(%arg8 : memref<8x64x128xf32, #tpu.memory_space<vmem>>) target(%dma_start3A_230 : memref<8x64x128xf32, #tpu.memory_space<hbm>>) target_semaphore(%arg11 : memref<!tpu.dma_semaphore, #tpu.memory_space<semaphore_mem>>)
      %scan3A_231 = arith.constant 0 : i32
      scf.yield %scan3A_231 : i32
    }
    %scan3A_188 = arith.constant 3 : i32
    %mul3A_189 = arith.constant 32 : i32
    %mul3A_190 = arith.muli %add3A, %mul3A_189 : i32
    %add3A_191 = arith.constant 24 : i32
    %add3A_192 = arith.addi %mul3A_190, %add3A_191 : i32
    %dma_wait3A = arith.constant 0 : i32
    %dma_wait3A_193 = arith.constant 0 : i32
    %dma_wait3A_194 = tpu.memref_slice %arg5[%add3A_192, %dma_wait3A, %dma_wait3A_193] : memref<1024x64x128xf32, #tpu.memory_space<hbm>> -> memref<8x64x128xf32, #tpu.memory_space<hbm>>
    %dma_wait3A_195 = arith.constant 0 : i32
    %dma_wait3A_196 = arith.constant 0 : i32
    %dma_wait3A_197 = tpu.memref_slice %arg5[%add3A_192, %dma_wait3A_195, %dma_wait3A_196] : memref<1024x64x128xf32, #tpu.memory_space<hbm>> -> memref<8x64x128xf32, #tpu.memory_space<hbm>>
    tpu.wait_dma2 semaphore(%arg11 : memref<!tpu.dma_semaphore, #tpu.memory_space<semaphore_mem>>) src(%arg8 : memref<8x64x128xf32, #tpu.memory_space<vmem>>) dst(%dma_wait3A_197 : memref<8x64x128xf32, #tpu.memory_space<hbm>>)
    return
  }
}

</mosaic_0001>

<sc_bundles>
// kernel: kernel.3.cloned.1.call-start
scs
__scs_entry_jumppad:
0x0: {  	(pc) =	sbr.rel $0x88, $3  }
0x1: {  	(tag) =	ssettag $0x0;
	lr =	simm.s32 $0x1  }
0x2: {  	[smem:$0x3F9E] =	sst lr;
	_ =	strace $0xD0000000  }
0x3: {  	_ = 	snop  }
0x4: {  	_ = 	snop  }
0x5: {  	_ = 	snop  }
0x6: {  	_ = 	snop  }
0x7: {  	_ = 	snop  }
__scs_overlays_trampoline_lowered:
0x8: {  	[smem:$0x3FAD] =	sst s0  }
0x9: {  	[smem:$0x3FAE] =	sst s1  }
0xa: {  	[smem:$0x3FAF] =	sst s2  }
0xb: {  	[smem:$0x3FB0] =	sst s3  }
0xc: {  	[smem:$0x3FB1] =	sst s4  }
0xd: {  	[smem:$0x3FB2] =	sst s5  }
0xe: {  	[smem:$0x3FB3] =	sst s6  }
0xf: {  	[smem:$0x3FB4] =	sst s7  }
0x10: {  	[smem:$0x3FB5] =	sst s8  }
0x11: {  	[smem:$0x3FB6] =	sst s9;
	s0 =	simm.s32 @!p0 $0x0  }
0x12: {  	s1 =	sld [smem:$0x3F9C];
	s0 =	simm.s32 @p0 $0x1  }
0x13: {  	[smem:$0x3FB7] =	sst s0;
	s0 =	simm.s32 @!p1 $0x0  }
0x14: {  	s2 =	sld [smem:$0x3F9B];
	s0 =	simm.s32 @p1 $0x1  }
0x15: {  	[smem:$0x3FB8] =	sst s0;
	s0 =	simm.s32 @!p2 $0x0  }
0x16: {  	s3 =	sld [smem:$0x3FDB];
	s0 =	simm.s32 @p2 $0x1  }
0x17: {  	s4 =	simm.s32 $0x1BF5;
	[smem:$0x3FBA] =	sst s0  }
0x18: {  	s0 =	sld [smem:$0x3F9D];
	_ =	swait.ge [sflag:s4], $0x0  }
0x19: {  	s7 =	sld [smem:$0x3F9E]  }
0x1a: {  	s8 =	sadd.s32 $0xFFFFE003, lr  }
0x1b: {  	s9 =	sadd.s32 $0xFFFFFEF7, lr;
	s5 =	simm.s32 $0xFFFFFFFF;
	p2 =	slt.u32 s8, $0xFFFFF086  }
0x1c: {  	p1 =	slt.u32 s9, $0xF7A;
	s5 =	simm.s32 @!p2 $0x0  }
0x1d: {  	s5 =	simm.s32 @p1 $0x1;
	p0 =	seq.s32 s7, s2  }
0x1e: {  	s7 =	smul.u32 @!p0 $0xF7A, s2;
	p2 =	seq.s32 @!p0 s5, $0x0  }
0x1f: {  	s9 =	smul.u32 $0xF7A, s1;
	s8 =	simm.s32 @!p0 $0x1BF5;
	p2 =	por !p2, p0  }
0x20: {  	[sflag:s8] =	ssyncset.s32 @!p0 $0xFFFFF086;
	s6 =	sadd.s32 @!p0 s3, s7;
	s7 =	simm.s32 @!p0 $0x108  }
0x21: {  	s3 =	sadd.s32 s3, s9;
	s6 =	sadd.s32 @!p0 $0x88, s6;
	s7 =	simm.s32 @p2 $0x1082  }
0x22: {  	[simem:s7], [sflag:s8] =	dma.local @!p0 [hbm:s6], $0xF7A  }
0x23: {  	s9 =	sor.u32 $0xD0000000, s2;
	s6 =	simm.s32 $0x108;
	_ =	swait.ge @!p0 [sflag:s8], $0x0  }
0x24: {  	s3 =	sadd.s32 $0x88, s3;
	s6 =	simm.s32 @!p1 $0x1082;
	[sflag:s4] =	ssyncset.s32 $0xFFFFF086  }
0x25: {  	[simem:s6], [sflag:s4] =	dma.local [hbm:s3], $0xF7A  }
0x26: {  	[smem:$0x3F9E] =	sst s1;
	(tag) =	ssettag s2;
	_ =	strace s9  }
0x27: {  	s1 =	sld [smem:$0x3FAE]  }
0x28: {  	s2 =	sld [smem:$0x3FAF]  }
0x29: {  	s4 =	sld [smem:$0x3FB1]  }
0x2a: {  	p0 =	seq.s32 s5, $0x0;
	s5 =	sld [smem:$0x3FB2]  }
0x2b: {  	s6 =	sld [smem:$0x3FB3]  }
0x2c: {  	s7 =	sld [smem:$0x3FB4]  }
0x2d: {  	s3 =	simm.s32 $0x108;
	s8 =	sld [smem:$0x3FB5]  }
0x2e: {  	s3 =	simm.s32 @!p0 $0x1082;
	s9 =	sld [smem:$0x3FB6]  }
0x2f: {  	lr =	sadd.s32 s0, s3;
	s0 =	sld [smem:$0x3FAD]  }
0x30: {  	s3 =	sld [smem:$0x3FB0]  }
0x31: {  	[smem:$0x3FB9] =	sst s10  }
0x32: {  	s10 =	sld [smem:$0x3FB7];
	_ =	sdelay $0x3  }
0x33: {  	p0 =	seq.s32 s10, $0x1;
	s10 =	sld [smem:$0x3FB9];
	_ =	sdelay $0x3  }
0x34: {  	[smem:$0x3FB9] =	sst s10  }
0x35: {  	s10 =	sld [smem:$0x3FB8];
	_ =	sdelay $0x3  }
0x36: {  	p1 =	seq.s32 s10, $0x1;
	s10 =	sld [smem:$0x3FB9];
	_ =	sdelay $0x3  }
0x37: {  	[smem:$0x3FB9] =	sst s10  }
0x38: {  	s10 =	sld [smem:$0x3FBA]  }
0x39: {  	_ = 	snop;
	(pc) =	sbr.ind lr, $3  }
0x3a: {  	_ = 	snop  }
0x3b: {  	_ = 	snop  }
0x3c: {  	p2 =	seq.s32 s10, $0x1;
	s10 =	sld [smem:$0x3FB9]  }
0x3d: {  	_ =	shalt  }
0x3e: {  	_ =	shalt  }
0x3f: {  	_ =	shalt  }
0x40: {  	_ =	shalt  }
0x41: {  	_ =	shalt  }
0x42: {  	_ =	shalt  }
0x43: {  	_ =	shalt  }
0x44: {  	_ =	shalt  }
0x45: {  	_ =	shalt  }
0x46: {  	_ =	shalt  }
0x47: {  	_ =	shalt  }
0x48: {  	_ =	shalt  }
0x49: {  	_ =	shalt  }
0x4a: {  	_ =	shalt  }
0x4b: {  	_ =	shalt  }
0x4c: {  	_ =	shalt  }
0x4d: {  	_ =	shalt  }
0x4e: {  	_ =	shalt  }
0x4f: {  	_ =	shalt  }
0x50: {  	_ =	shalt  }
0x51: {  	_ =	shalt  }
0x52: {  	_ =	shalt  }
0x53: {  	_ =	shalt  }
0x54: {  	_ =	shalt  }
0x55: {  	_ =	shalt  }
0x56: {  	_ =	shalt  }
0x57: {  	_ =	shalt  }
0x58: {  	_ =	shalt  }
0x59: {  	_ =	shalt  }
0x5a: {  	_ =	shalt  }
0x5b: {  	_ =	shalt  }
0x5c: {  	_ =	shalt  }
0x5d: {  	_ =	shalt  }
0x5e: {  	_ =	shalt  }
0x5f: {  	_ =	shalt  }
0x60: {  	_ =	shalt  }
0x61: {  	_ =	shalt  }
0x62: {  	_ =	shalt  }
0x63: {  	_ =	shalt  }
0x64: {  	_ =	shalt  }
0x65: {  	_ =	shalt  }
0x66: {  	_ =	shalt  }
0x67: {  	_ =	shalt  }
0x68: {  	_ =	shalt  }
0x69: {  	_ =	shalt  }
0x6a: {  	_ =	shalt  }
0x6b: {  	_ =	shalt  }
0x6c: {  	_ =	shalt  }
0x6d: {  	_ =	shalt  }
0x6e: {  	_ =	shalt  }
0x6f: {  	_ =	shalt  }
0x70: {  	_ =	shalt  }
0x71: {  	_ =	shalt  }
0x72: {  	_ =	shalt  }
0x73: {  	_ =	shalt  }
0x74: {  	_ =	shalt  }
0x75: {  	_ =	shalt  }
0x76: {  	_ =	shalt  }
0x77: {  	_ =	shalt  }
0x78: {  	_ =	shalt  }
0x79: {  	_ =	shalt  }
0x7a: {  	_ =	shalt  }
0x7b: {  	_ =	shalt  }
0x7c: {  	_ =	shalt  }
0x7d: {  	_ =	shalt  }
0x7e: {  	_ =	shalt  }
0x7f: {  	_ =	shalt  }
0x80: {  	_ =	shalt  }
0x81: {  	_ =	shalt  }
0x82: {  	_ =	shalt  }
0x83: {  	_ =	shalt  }
0x84: {  	_ =	shalt  }
0x85: {  	_ =	shalt  }
0x86: {  	_ =	shalt  }
0x87: {  	_ =	shalt  }
.Lfunc_end0:
.L_simem_size_0:
called_computation_lowered:
.L_overlay_start_0:
0x88: {  	s2 =	sld [smem:$0x3FD9]  }
0x89: {  	s3 =	sld [smem:$0x3FFE];
	_ =	sdelay $0x1  }
0x8a: {  	s1 =	srdreg.scid  }
0x8b: {  	s0 =	sand.u32 $0x1, s1  }
0x8c: {  	s17 =	sshll.u32 s0, $0xA;
	s2 =	sadd.s32 s3, s2  }
0x8d: {  	s2 =	sadd.s32 s2, s17  }
0x8e: {  	[smem:$0x3FC5] =	sst s2  }
0x8f: {  	_ = 	snop  }
0x90: {  	s2 =	sld [smem:$0x3FC9]  }
0x91: {  	s18 =	sld [smem:$0x3FD0];
	(tm) =	ssettm $0x1  }
0x92: {  	s4 =	sld [smem:$0x3FFB];
	_ =	sdelay $0x3  }
0x93: {  	_ =	strace s4  }
0x94: {  	s4 =	sld [smem:$0x3FFC];
	_ =	sdelay $0x3  }
0x95: {  	_ =	strace s4  }
0x96: {  	s4 =	sld [smem:$0x3FFD];
	_ =	sdelay $0x3  }
0x97: {  	_ =	strace s4  }
0x98: {  	_ =	strace $0x8FFFFFFF  }
0x99: {  	s19 =	sld [smem:$0x3FDB];
	_ =	sdelay $0x1  }
0x9a: {  	s5 =	simm.s32 $_scs_section_size  }
0x9b: {  	s6 =	simm.s32 $_size__tile_overlayer_lowered;
	s7 =	simm.s32 $_tile_overlayer_lowered  }
0x9c: {  	s22 =	simm.s32 $0x1BFF;
	s21 =	sshll.u32 s7, $0x1;
	s4 =	sadd.s32 s5, s19  }
0x9d: {  	s8 =	simm.s32 $0x0;
	s20 =	sshll.u32 s6, $0x1;
	s6 =	sadd.s32 s21, s4  }
0x9e: {  	[timem:s8], [sflag:s22] =	dma.local [hbm:s6], s20  }
0x9f: {  	_ =	swait.ge [sflag:s22], s20  }
0xa0: {  	s5 =	ssub.s32 $0x0, s20;
	[sflag:s22] =	ssyncset.done $0x0  }
0xa1: {  	[sflag:s22] =	ssyncadd.s32 s5;
	_ =	sdelay $0x1  }
0xa2: {  	s23 =	simm.s32 $0x1B8B  }
0xa3: {  	_ =	swait.ge [sflag:s23], $0x1  }
0xa4: {  	[sflag:s23] =	ssyncset.done $0x0  }
0xa5: {  	s25 =	simm.s32 $0x1B8E;
	s24 =	sld [smem:$0x3FFE];
	[sflag:s23] =	ssyncadd.s32 $0xFFFFFFFF  }
0xa6: {  	s26 =	simm.s32 $execute0_lowered;
	[smem:$0x3FD2] =	sst s25  }
0xa7: {  	s6 =	sshll.u32 s26, $0x1;
	_ =	strace $0x80000046;
	[dreg:$0x1] =	wrdreg $0xFFFFFFFF  }
0xa8: {  	s28 =	simm.s32 $_size_execute0_lowered;
	s4 =	sadd.s32 s4, s6;
	[dreg:$0x0] =	wrdreg $0x0  }
0xa9: {  	s6 =	sshll.u32 s28, $0x1;
	[dreg:$0x2] =	wrdreg s4  }
0xaa: {  	[dreg:$0x3] =	wrdreg s6  }
0xab: {  	[dreg:$0x4] =	wrdreg $0xC0  }
0xac: {  	_ =	task [dreg:s8], $0x5FFFF  }
0xad: {  	[dreg:$0x1] =	wrdreg $0xFFFFFFFF  }
0xae: {  	[dreg:$0x0] =	wrdreg $0x60  }
0xaf: {  	[dreg:$0x2] =	wrdreg s2  }
0xb0: {  	[dreg:$0x3] =	wrdreg s24  }
0xb1: {  	[dreg:$0x4] =	wrdreg s18  }
0xb2: {  	[dreg:$0x5] =	wrdreg $0x9  }
0xb3: {  	_ =	task.clear_ibuf [dreg:s8], $0x6FFFF;
	_ =	strace $0x90000046  }
0xb4: {  	s29 =	simm.s32 $0x9;
	_ =	strace $0x80000048  }
0xb5: {  	_ =	swait.ge [sflag:s29], $0x1  }
0xb6: {  	[sflag:s29] =	ssyncadd.s32 $0xFFFFFFFF  }
0xb7: {  	_ =	strace $0x90000048  }
0xb8: {  	_ =	sfence  }
0xb9: {  	s30 =	sld [smem:$0x0];
	_ =	sdelay $0x2  }
0xba: {  	s31 =	sshll.u32 s1, $0xD;
	s1 =	sshrl.u32 s1, $0x2  }
0xbb: {  	s3 =	sand.u32 $0x4000, s31;
	s1 =	sadd.s32 s1, s30  }
0xbc: {  	s0 =	sor.u32 s3, s0;
	s1 =	sshll.u32 s1, $0x11  }
0xbd: {  	s0 =	sor.u32 s1, s0  }
0xbe: {  	s0 =	sadd.s32 $0x8F2B, s0  }
0xbf: {  	[sflag:s0] =	ssyncadd.remote.s32 $0x1  }
0xc0: {  	_ =	sfence.sel $0xFFFF  }
0xc1: {  	[dreg:$0x0] =	wrdreg $0xFFFFFFFF;
	(pc) =	sbr.abs _section_cstart, $3  }
0xc2: {  	[dreg:$0x1] =	wrdreg $0xFFFFFFFF  }
0xc3: {  	_ =	task.clear_ibuf [dreg:s8], $0x2FFFF;
	_ =	strace $0x9FFFFFFF  }
0xc4: {  	(tm) =	ssettm $0x7FFFFFFF  }
0xc5: {  	_ =	shalt  }
tec
execute0_lowered:
.L_overlay_start_1:
0x0: {  	(tag) =	ssettag $0x1  }
0x1: {  	s5 =	rddreg [dreg:$0x0]  }
0x2: {  	s0 =	rddreg [dreg:$0x1]  }
0x3: {  	s7 =	rddreg [dreg:$0x2];
	s1 =	simm.s32 $0x0;
	s24 =	srdreg.scid  }
0x4: {  	s3 =	stileid.u32;
	[smem:$0x7FF] =	sst s1  }
0x5: {  	s1 =	sand.u32 $0x1, s24;
	s3 =	sshll.u32 s3, $0x6;
	s4 =	sadd.s32 $0x400, s0  }
0x6: {  	s0 =	sadd.s32 $0x800, s0;
	s2 =	ssub.s32 $0x2, s1;
	s1 =	sshll.u32 s1, $0x5  }
0x7: {  	_ =	strace $0x80000047;
	[dreg:$0x4] =	wrdreg s4;
	s6 =	sor.u32 s1, s3  }
0x8: {  	s29 =	sadd.s32 $0xB0000, s5;
	[dreg:$0x5] =	wrdreg s0;
	s1 =	sshll.u32 s6, $0x4  }
0x9: {  	[dreg:$0x7] =	wrdreg s29;
	s25 =	sshrl.u32 s2, $0x1;
	s28 =	sadd.s32 s5, s1  }
0xa: {  	s30 =	sshll.u32 s6, $0xA;
	s1 =	sadd.s32 s1, s29;
	[dreg:$0x6] =	wrdreg s28  }
0xb: {  	s26 =	ssub.s32 s2, s25;
	s31 =	sadd.s32 s7, s30;
	[dreg:$0x8] =	wrdreg s1  }
0xc: {  	s0 =	smax.u32 s26, $0x1;
	[dreg:$0x9] =	wrdreg s31  }
0xd: {  	s14 =	simm.s32 $0x2;
	v43 =	vimm.s32 $0x0;
	v61 =	vimm.f32 $0.0e+00;
	s2 =	simm.s32 $0x0;
	[dreg:$0xa] =	wrdreg s0  }
.LBB2_1:
0xe: {  	[dreg:$0xb] =	wrdreg s2  }
0xf: {  	s0 =	simm.s32 $0x0;
	s1 =	rddreg [dreg:$0x4];
	s16 =	simm.s32 $0x1BC00  }
0x10: {  	[tilespmem:s16], [sflag:$0x2] =	stream.linear.gather [hbm4b:s1+s0], $0x1080, $0x38;
	[tilespmem:$0x1D080] =	vst v63  }
0x11: {  	_ =	swait.ge [sflag:s14], $0x1080  }
0x12: {  	[sflag:s14] =	ssyncset.done $0x0  }
0x13: {  	s18 =	simm.s32 $0x1D000;
	s17 =	rddreg [dreg:$0x5];
	[sflag:s14] =	ssyncadd.s32 $0xFFFFEF80  }
0x14: {  	[tilespmem:s18], [sflag:$0x2] =	stream.linear.gather [hbm4b:s17+s0], $0x80, $0x38;
	[tilespmem:$0x1D080] =	vst v63  }
0x15: {  	_ =	swait.ge [sflag:s14], $0x80  }
0x16: {  	[sflag:s14] =	ssyncset.done $0x0  }
0x17: {  	[sflag:s14] =	ssyncadd.s32 $0xFFFFFF80  }
0x18: {  	v63 =	vld [tilespmem:$0x1D000]  }
0x19: {  	v45 =	vld [tilespmem:$0x1BC00]  }
0x1a: {  	v59 =	vld [tilespmem:$0x1BC80]  }
0x1b: {  	v46 =	vld [tilespmem:$0x1BD00]  }
0x1c: {  	v47 =	vld [tilespmem:$0x1BD80]  }
0x1d: {  	v48 =	vld [tilespmem:$0x1BE00]  }
0x1e: {  	v49 =	vld [tilespmem:$0x1BE80]  }
0x1f: {  	v50 =	vld [tilespmem:$0x1BF00]  }
0x20: {  	v51 =	vld [tilespmem:$0x1BF80]  }
0x21: {  	v52 =	vld [tilespmem:$0x1C000]  }
0x22: {  	v53 =	vld [tilespmem:$0x1C080]  }
0x23: {  	v54 =	vld [tilespmem:$0x1C100]  }
0x24: {  	v55 =	vld [tilespmem:$0x1C180]  }
0x25: {  	v56 =	vld [tilespmem:$0x1C200]  }
0x26: {  	v57 =	vld [tilespmem:$0x1C280]  }
0x27: {  	v58 =	vld [tilespmem:$0x1C300]  }
0x28: {  	v60 =	vld [tilespmem:$0x1C380]  }
0x29: {  	v62 =	vld [tilespmem:$0x1C400]  }
0x2a: {  	v24 =	vld [tilespmem:$0x1C480]  }
0x2b: {  	v25 =	vld [tilespmem:$0x1C500]  }
0x2c: {  	v26 =	vld [tilespmem:$0x1C580]  }
0x2d: {  	v34 =	vld [tilespmem:$0x1C600]  }
0x2e: {  	v35 =	vld [tilespmem:$0x1C680]  }
0x2f: {  	v39 =	vld [tilespmem:$0x1C700]  }
0x30: {  	v37 =	vld [tilespmem:$0x1C780]  }
0x31: {  	v38 =	vld [tilespmem:$0x1C800]  }
0x32: {  	v36 =	vld [tilespmem:$0x1C880]  }
0x33: {  	v32 =	vld [tilespmem:$0x1C900]  }
0x34: {  	v33 =	vld [tilespmem:$0x1C980]  }
0x35: {  	v31 =	vld [tilespmem:$0x1CA00]  }
0x36: {  	v29 =	vld [tilespmem:$0x1CA80]  }
0x37: {  	v30 =	vld [tilespmem:$0x1CB00]  }
0x38: {  	s20 =	simm.s32 $0x400;
	s3 =	simm.s32 $0x20000;
	s19 =	rddreg [dreg:$0x6];
	v28 =	vld [tilespmem:$0x1CB80]  }
0x39: {  	v27 =	vld [tilespmem:$0x1CC00];
	[tilespmem:s0], [sflag:$0x2] =	stream.strided.gather [hbm4b:s19+s20], $0x4000, s3, s20, $0x38  }
0x3a: {  	_ =	swait.ge [sflag:s14], $0x4000  }
0x3b: {  	[sflag:s14] =	ssyncset.done $0x0  }
0x3c: {  	s4 =	simm.s32 $0x4000;
	s21 =	rddreg [dreg:$0x8];
	[sflag:s14] =	ssyncadd.s32 $0xFFFFC000  }
0x3d: {  	[tilespmem:s4], [sflag:$0x2] =	stream.strided.gather [hbm4b:s21+s20], $0x7C00, s3, s20, $0x38;
	[tilespmem:$0x1D080] =	vst v63  }
0x3e: {  	s0 =	sand.u32 $0x60, s0;
	_ =	swait.ge [sflag:s14], $0x7C00  }
0x3f: {  	s22 =	simm.s32 $0x0;
	s3 =	sor.u32 $0x10, s0;
	[sflag:s14] =	ssyncset.done $0x0  }
0x40: {  	s15 =	sor.u32 s22, s3;
	[sflag:s14] =	ssyncadd.s32 $0xFFFF8400  }
0x41: {  	s23 =	sor.u32 $0x400, s15;
	v7 =	vld [tilespmem:s15+$0x0]  }
0x42: {  	s24 =	sor.u32 $0x800, s15;
	v8 =	vld [tilespmem:s23+$0x0]  }
0x43: {  	s25 =	sor.u32 $0xC00, s15;
	v9 =	vld [tilespmem:s24+$0x0]  }
0x44: {  	s26 =	sor.u32 $0x1000, s15;
	v10 =	vld [tilespmem:s25+$0x0]  }
0x45: {  	s28 =	sor.u32 $0x1400, s15;
	v11 =	vld [tilespmem:s26+$0x0]  }
0x46: {  	s29 =	sor.u32 $0x1800, s15;
	v12 =	vld [tilespmem:s28+$0x0]  }
0x47: {  	s30 =	sor.u32 $0x1C00, s15;
	v13 =	vld [tilespmem:s29+$0x0];
	v0 =	vmax.f32 v7, v8  }
0x48: {  	s31 =	sor.u32 $0x2000, s15;
	v14 =	vld [tilespmem:s30+$0x0];
	v0 =	vmax.f32 v0, v9  }
0x49: {  	s4 =	sor.u32 $0x2400, s15;
	v15 =	vld [tilespmem:s31+$0x0];
	v0 =	vmax.f32 v0, v10  }
0x4a: {  	s5 =	sor.u32 $0x2800, s15;
	v16 =	vld [tilespmem:s4+$0x0];
	v0 =	vmax.f32 v0, v11  }
0x4b: {  	s7 =	sor.u32 $0x2C00, s15;
	v17 =	vld [tilespmem:s5+$0x0];
	v0 =	vmax.f32 v0, v12  }
0x4c: {  	s8 =	sor.u32 $0x3000, s15;
	v18 =	vld [tilespmem:s7+$0x0];
	v0 =	vmax.f32 v0, v13  }
0x4d: {  	s9 =	sor.u32 $0x3400, s15;
	v19 =	vld [tilespmem:s8+$0x0];
	v0 =	vmax.f32 v0, v14  }
0x4e: {  	s10 =	sor.u32 $0x3800, s15;
	v6 =	vld [tilespmem:s9+$0x0];
	v0 =	vmax.f32 v0, v15  }
0x4f: {  	s11 =	sor.u32 $0x3C00, s15;
	v5 =	vld [tilespmem:s10+$0x0];
	v0 =	vmax.f32 v0, v16  }
0x50: {  	v4 =	vld [tilespmem:s11+$0x0];
	v0 =	vmax.f32 v0, v17  }
0x51: {  	s13 =	sor.u32 s0, s22;
	v0 =	vmax.f32 v0, v18  }
0x52: {  	s1 =	sor.u32 $0x400, s13;
	v0 =	vmax.f32 v0, v19  }
0x53: {  	v1 =	vld [tilespmem:s1+$0x0];
	v2 =	vmax.f32 v0, v6  }
0x54: {  	s12 =	sor.u32 $0x800, s13;
	v0 =	vld [tilespmem:s13+$0x0];
	v3 =	vmax.f32 v2, v5  }
0x55: {  	s16 =	sor.u32 $0xC00, s13;
	v2 =	vld [tilespmem:s12+$0x0];
	v20 =	vmax.f32 v3, v4  }
0x56: {  	s17 =	sor.u32 $0x1000, s13;
	v3 =	vld [tilespmem:s16+$0x0];
	vm0 =	veq.f32 v4, v20  }
0x57: {  	s18 =	sor.u32 $0x1400, s13;
	v4 =	vld [tilespmem:s17+$0x0];
	vm12 =	veq.f32 v5, v20;
	v21 =	vsel vm0, $0xF, v43  }
0x58: {  	s19 =	sor.u32 $0x1800, s13;
	v5 =	vld [tilespmem:s18+$0x0];
	vm13 =	veq.f32 v6, v20;
	v21 =	vsel vm12, $0xE, v21  }
0x59: {  	s20 =	sor.u32 $0x1C00, s13;
	v6 =	vld [tilespmem:s19+$0x0];
	vm14 =	veq.f32 v19, v20;
	v22 =	vmax.f32 v0, v1;
	v21 =	vsel vm13, $0xD, v21  }
0x5a: {  	s21 =	sor.u32 $0x2000, s13;
	v19 =	vld [tilespmem:s20+$0x0];
	vm15 =	veq.f32 v18, v20;
	v22 =	vmax.f32 v22, v2;
	v21 =	vsel vm14, $0xC, v21  }
0x5b: {  	s22 =	sor.u32 $0x2400, s13;
	v18 =	vld [tilespmem:s21+$0x0];
	vm4 =	veq.f32 v17, v20;
	v22 =	vmax.f32 v22, v3;
	v21 =	vsel vm15, $0xB, v21  }
0x5c: {  	s23 =	sor.u32 $0x2800, s13;
	v17 =	vld [tilespmem:s22+$0x0];
	vm5 =	veq.f32 v16, v20;
	v22 =	vmax.f32 v22, v4;
	v21 =	vsel vm4, $0xA, v21  }
0x5d: {  	s24 =	sor.u32 $0x2C00, s13;
	v23 =	vld [tilespmem:s23+$0x0];
	vm6 =	veq.f32 v15, v20;
	v16 =	vmax.f32 v22, v5;
	v21 =	vsel vm5, $0x9, v21  }
0x5e: {  	s25 =	sor.u32 $0x3000, s13;
	v15 =	vld [tilespmem:s24+$0x0];
	vm7 =	veq.f32 v14, v20;
	v16 =	vmax.f32 v16, v6;
	v21 =	vsel vm6, $0x8, v21  }
0x5f: {  	s26 =	sor.u32 $0x3400, s13;
	v14 =	vld [tilespmem:s25+$0x0];
	vm1 =	veq.f32 v13, v20;
	v16 =	vmax.f32 v16, v19;
	v13 =	vsel vm7, $0x7, v21  }
0x60: {  	s28 =	sor.u32 $0x3800, s13;
	vm8 =	veq.f32 v12, v20;
	v21 =	vld [tilespmem:s26+$0x0];
	v16 =	vmax.f32 v16, v18;
	v12 =	vsel vm1, $0x6, v13  }
0x61: {  	s29 =	sor.u32 $0x3C00, s13;
	vm9 =	veq.f32 v11, v20;
	v13 =	vld [tilespmem:s28+$0x0];
	v16 =	vmax.f32 v16, v17;
	v11 =	vsel vm8, $0x5, v12  }
0x62: {  	vm10 =	veq.f32 v10, v20;
	v12 =	vld [tilespmem:s29+$0x0];
	v16 =	vmax.f32 v16, v23;
	v10 =	vsel vm9, $0x4, v11  }
0x63: {  	vm11 =	veq.f32 v9, v20;
	v11 =	vmax.f32 v16, v15;
	v9 =	vsel vm10, $0x3, v10  }
0x64: {  	s30 =	simm.s32 $0x0;
	vm12 =	veq.f32 v8, v20;
	v10 =	vmax.f32 v11, v14;
	v8 =	vsel vm11, $0x2, v9  }
0x65: {  	s1 =	sor.u32 s6, s30;
	vm13 =	veq.f32 v7, v20;
	v9 =	vmax.f32 v10, v21;
	v7 =	vsel vm12, $0x1, v8  }
0x66: {  	v8 =	vmax.f32 v9, v13;
	v9 =	vmov s1;
	v7 =	vsel vm13, $0x0, v7  }
0x67: {  	v8 =	vmax.f32 v8, v12;
	vm14 =	vlt.s32 v9, v63;
	v9 =	vperm.xlane v45, v7  }
0x68: {  	s31 =	simm.s32 $0x0;
	vm15 =	veq.f32 v12, v8;
	v16 =	vsel vm14, $0x3F800000, v61;
	v10 =	vperm.xlane v59, v7  }
0x69: {  	s1 =	sand.u32 $0x3FFFE000, s31;
	v12 =	vperm.xlane v46, v7;
	vm4 =	veq.f32 v13, v8;
	v13 =	vperm.xlane v47, v7  }
0x6a: {  	s1 =	sadd.s32 $0xBC00, s1;
	v20 =	vperm.xlane v48, v7;
	v9 =	vmul.f32 v9, v16  }
0x6b: {  	vm5 =	veq.f32 v21, v8;
	v21 =	vperm.xlane v49, v7;
	s26 =	sor.u32 s3, s1;
	v10 =	vmul.f32 v10, v16  }
0x6c: {  	v22 =	vperm.xlane v50, v7;
	v12 =	vmul.f32 v12, v16;
	[tilespmem:s26+$0x0] =	vst v9  }
0x6d: {  	vm6 =	veq.f32 v14, v8;
	v11 =	vsel vm15, $0xF, v43;
	v13 =	vmul.f32 v13, v16;
	[tilespmem:s26+$0x80] =	vst v10  }
0x6e: {  	vm7 =	veq.f32 v15, v8;
	v11 =	vsel vm4, $0xE, v11;
	v20 =	vmul.f32 v20, v16;
	[tilespmem:s26+$0x100] =	vst v12  }
0x6f: {  	v14 =	vmul.f32 v21, v16;
	v21 =	vperm.xlane v51, v7;
	v11 =	vsel vm5, $0xD, v11;
	[tilespmem:s26+$0x180] =	vst v13  }
0x70: {  	v15 =	vperm.xlane v53, v7;
	v9 =	vsel vm6, $0xC, v11;
	v11 =	vmul.f32 v22, v16;
	[tilespmem:s26+$0x200] =	vst v20  }
0x71: {  	v22 =	vperm.xlane v52, v7;
	v10 =	vmul.f32 v21, v16;
	[tilespmem:s26+$0x280] =	vst v14  }
0x72: {  	v21 =	vperm.xlane v54, v7;
	v13 =	vmul.f32 v15, v16;
	[tilespmem:s26+$0x300] =	vst v11  }
0x73: {  	v15 =	vperm.xlane v55, v7;
	v12 =	vmul.f32 v22, v16;
	[tilespmem:s26+$0x380] =	vst v10  }
0x74: {  	v20 =	vmul.f32 v21, v16;
	v21 =	vperm.xlane v56, v7;
	[tilespmem:s26+$0x480] =	vst v13  }
0x75: {  	v14 =	vmul.f32 v15, v16;
	v15 =	vperm.xlane v57, v7;
	[tilespmem:s26+$0x400] =	vst v12  }
0x76: {  	vm9 =	veq.f32 v17, v8;
	v17 =	vperm.xlane v58, v7;
	v11 =	vmul.f32 v21, v16;
	[tilespmem:s26+$0x500] =	vst v20  }
0x77: {  	v10 =	vmul.f32 v15, v16;
	[tilespmem:s26+$0x580] =	vst v14  }
0x78: {  	v15 =	vperm.xlane v60, v7;
	v12 =	vmul.f32 v17, v16;
	[tilespmem:s26+$0x600] =	vst v11  }
0x79: {  	v17 =	vperm.xlane v62, v7;
	[tilespmem:s26+$0x680] =	vst v10  }
0x7a: {  	v13 =	vmul.f32 v15, v16;
	v15 =	vperm.xlane v24, v7;
	[tilespmem:s26+$0x700] =	vst v12  }
0x7b: {  	vm10 =	veq.f32 v18, v8;
	v17 =	vmul.f32 v17, v16;
	[tilespmem:$0x1FA30] =	vst v39  }
0x7c: {  	v18 =	vperm.xlane v25, v7;
	vm12 =	veq.f32 v6, v8;
	v6 =	vmul.f32 v15, v16;
	[tilespmem:s26+$0x780] =	vst v13  }
0x7d: {  	[tilespmem:s26+$0x800] =	vst v17  }
0x7e: {  	v14 =	vperm.xlane v26, v7;
	v11 =	vmul.f32 v18, v16;
	[tilespmem:s26+$0x880] =	vst v6  }
0x7f: {  	vm8 =	veq.f32 v23, v8;
	vm11 =	veq.f32 v19, v8;
	v15 =	vperm.xlane v34, v7;
	[tilespmem:$0x1FA40] =	vst v36  }
0x80: {  	vm13 =	veq.f32 v5, v8;
	v9 =	vsel vm7, $0xB, v9;
	v5 =	vmul.f32 v14, v16;
	[tilespmem:s26+$0x900] =	vst v11  }
0x81: {  	v9 =	vsel vm8, $0xA, v9;
	v10 =	vperm.xlane v35, v7;
	v12 =	vmul.f32 v15, v16;
	[tilespmem:$0x1FA50] =	vst v32  }
0x82: {  	vm14 =	veq.f32 v4, v8;
	vm15 =	veq.f32 v3, v8;
	v9 =	vsel vm9, $0x9, v9;
	[tilespmem:s26+$0x980] =	vst v5  }
0x83: {  	v9 =	vsel vm10, $0x8, v9;
	v14 =	vperm.xlane v39, v7;
	v4 =	vmul.f32 v10, v16;
	[tilespmem:s26+$0xA00] =	vst v12  }
0x84: {  	vm4 =	veq.f32 v2, v8;
	v9 =	vsel vm11, $0x7, v9;
	v10 =	vperm.xlane v37, v7;
	[tilespmem:$0x1FA60] =	vst v31  }
0x85: {  	v9 =	vsel vm12, $0x6, v9;
	v13 =	vmul.f32 v14, v16;
	v14 =	vperm.xlane v38, v7;
	[tilespmem:s26+$0xA80] =	vst v4  }
0x86: {  	v9 =	vsel vm13, $0x5, v9;
	v3 =	vmul.f32 v10, v16;
	v6 =	vperm.xlane v36, v7;
	[tilespmem:$0x1FA70] =	vst v29  }
0x87: {  	v9 =	vsel vm14, $0x4, v9;
	v10 =	vmul.f32 v14, v16;
	v11 =	vperm.xlane v32, v7;
	[tilespmem:s26+$0xB00] =	vst v13  }
0x88: {  	v9 =	vsel vm15, $0x3, v9;
	v2 =	vmul.f32 v6, v16;
	v5 =	vperm.xlane v33, v7;
	[tilespmem:s26+$0xB80] =	vst v3  }
0x89: {  	v6 =	vsel vm4, $0x2, v9;
	v9 =	vmul.f32 v11, v16;
	v11 =	vperm.xlane v31, v7;
	[tilespmem:s26+$0xC00] =	vst v10  }
0x8a: {  	vm5 =	veq.f32 v1, v8;
	v1 =	vperm.xlane v29, v7;
	v4 =	vmul.f32 v5, v16;
	[tilespmem:s26+$0xC80] =	vst v2  }
0x8b: {  	v5 =	vsel vm5, $0x1, v6;
	v6 =	vmul.f32 v11, v16;
	v11 =	vperm.xlane v30, v7;
	[tilespmem:s26+$0xD00] =	vst v9  }
0x8c: {  	vm6 =	veq.f32 v0, v8;
	v0 =	vmul.f32 v1, v16;
	v3 =	vperm.xlane v28, v7;
	[tilespmem:s26+$0xD80] =	vst v4  }
0x8d: {  	v1 =	vsel vm6, $0x0, v5;
	v5 =	vmul.f32 v11, v16;
	v7 =	vperm.xlane v27, v7;
	[tilespmem:s26+$0xE00] =	vst v6  }
0x8e: {  	v2 =	vperm.xlane v45, v1;
	[tilespmem:s26+$0xE80] =	vst v0;
	v3 =	vmul.f32 v3, v16  }
0x8f: {  	v7 =	vmul.f32 v7, v16;
	[tilespmem:s26+$0xF00] =	vst v5  }
0x90: {  	v0 =	vmul.f32 v2, v16;
	[tilespmem:s26+$0xF80] =	vst v3  }
0x91: {  	s22 =	sor.u32 s0, s1;
	[tilespmem:s26+$0x1000] =	vst v7  }
0x92: {  	v8 =	vperm.xlane v59, v1;
	[tilespmem:s22+$0x0] =	vst v0;
	v0 =	vld [tilespmem:s15+$0x4400];
	_ =	sdelay $0x1  }
0x93: {  	v7 =	vmul.f32 v8, v16  }
0x94: {  	v4 =	vperm.xlane v46, v1  }
0x95: {  	v9 =	vperm.xlane v47, v1;
	[tilespmem:s22+$0x80] =	vst v7  }
0x96: {  	v6 =	vperm.xlane v48, v1;
	v4 =	vmul.f32 v4, v16;
	v15 =	vld [tilespmem:s15+$0x4000];
	[tilespmem:$0x1FD30] =	vst v0  }
0x97: {  	v10 =	vperm.xlane v49, v1;
	v9 =	vmul.f32 v9, v16;
	v17 =	vld [tilespmem:s15+$0x4800]  }
0x98: {  	v6 =	vmul.f32 v6, v16;
	[tilespmem:s22+$0x100] =	vst v4  }
0x99: {  	v11 =	vperm.xlane v50, v1;
	v10 =	vmul.f32 v10, v16;
	[tilespmem:s22+$0x180] =	vst v9  }
0x9a: {  	[tilespmem:s22+$0x200] =	vst v6  }
0x9b: {  	v12 =	vperm.xlane v51, v1;
	v11 =	vmul.f32 v11, v16;
	[tilespmem:s22+$0x280] =	vst v10  }
0x9c: {  	v13 =	vperm.xlane v53, v1;
	v5 =	vperm.xlane v52, v1;
	[tilespmem:$0x1FD50] =	vst v17  }
0x9d: {  	v12 =	vmul.f32 v12, v16;
	[tilespmem:s22+$0x300] =	vst v11;
	v11 =	vmul.f32 v0, v0;
	v0 =	vld [tilespmem:s15+$0x4C00]  }
0x9e: {  	v5 =	vmul.f32 v5, v16  }
0x9f: {  	v13 =	vmul.f32 v13, v16;
	v3 =	vperm.xlane v54, v1;
	[tilespmem:s22+$0x380] =	vst v12  }
0xa0: {  	[tilespmem:s22+$0x400] =	vst v5  }
0xa1: {  	v2 =	vperm.xlane v55, v1;
	v3 =	vmul.f32 v3, v16;
	[tilespmem:s22+$0x480] =	vst v13  }
0xa2: {  	v14 =	vperm.xlane v57, v1;
	v8 =	vperm.xlane v56, v1;
	[tilespmem:$0x1FD60] =	vst v0  }
0xa3: {  	v2 =	vmul.f32 v2, v16;
	[tilespmem:s22+$0x500] =	vst v3;
	v3 =	vmul.f32 v17, v17;
	v17 =	vld [tilespmem:s15+$0x5000]  }
0xa4: {  	v8 =	vmul.f32 v8, v16  }
0xa5: {  	v14 =	vmul.f32 v14, v16;
	[tilespmem:s22+$0x580] =	vst v2  }
0xa6: {  	[tilespmem:s22+$0x600] =	vst v8  }
0xa7: {  	[tilespmem:s22+$0x680] =	vst v14  }
0xa8: {  	v7 =	vperm.xlane v58, v1;
	[tilespmem:$0x1FD80] =	vst v17  }
0xa9: {  	v4 =	vperm.xlane v60, v1;
	v21 =	vld [tilespmem:s15+$0x5400]  }
0xaa: {  	v7 =	vmul.f32 v7, v16  }
0xab: {  	v4 =	vmul.f32 v4, v16  }
0xac: {  	[tilespmem:s22+$0x700] =	vst v7  }
0xad: {  	[tilespmem:s22+$0x780] =	vst v4  }
0xae: {  	[tilespmem:$0x1FD90] =	vst v21  }
0xaf: {  	v9 =	vperm.xlane v62, v1;
	v19 =	vld [tilespmem:s15+$0x5800];
	_ =	sdelay $0x1  }
0xb0: {  	v9 =	vmul.f32 v9, v16;
	_ =	sdelay $0x1  }
0xb1: {  	[tilespmem:s22+$0x800] =	vst v9  }
0xb2: {  	[tilespmem:$0x1FDB0] =	vst v19  }
0xb3: {  	v6 =	vperm.xlane v24, v1;
	v41 =	vld [tilespmem:s15+$0x5C00];
	_ =	sdelay $0x1  }
0xb4: {  	v6 =	vmul.f32 v6, v16;
	_ =	sdelay $0x1  }
0xb5: {  	[tilespmem:s22+$0x880] =	vst v6  }
0xb6: {  	[tilespmem:$0x1FDC0] =	vst v41  }
0xb7: {  	v12 =	vperm.xlane v25, v1;
	v7 =	vmul.f32 v0, v0;
	v0 =	vld [tilespmem:s15+$0x6000];
	_ =	sdelay $0x1  }
0xb8: {  	v12 =	vmul.f32 v12, v16;
	_ =	sdelay $0x1  }
0xb9: {  	[tilespmem:s22+$0x900] =	vst v12  }
0xba: {  	[tilespmem:$0x1FDD0] =	vst v0  }
0xbb: {  	v5 =	vperm.xlane v26, v1;
	v42 =	vld [tilespmem:s15+$0x6400];
	_ =	sdelay $0x1  }
0xbc: {  	v10 =	vmul.f32 v15, v15;
	v5 =	vmul.f32 v5, v16;
	_ =	sdelay $0x1  }
0xbd: {  	v8 =	vperm.xlane v39, v1;
	v6 =	vadd.f32 v11, v10;
	[tilespmem:s22+$0x980] =	vst v5  }
0xbe: {  	v13 =	vperm.xlane v34, v1;
	[tilespmem:$0x1FDE0] =	vst v42  }
0xbf: {  	v3 =	vadd.f32 v3, v6;
	v6 =	vmul.f32 v8, v16;
	v8 =	vperm.xlane v31, v1;
	v31 =	vld [tilespmem:s15+$0x6800];
	_ =	sdelay $0x1  }
0xc0: {  	v11 =	vmul.f32 v13, v16;
	_ =	sdelay $0x1  }
0xc1: {  	[tilespmem:s22+$0xA00] =	vst v11  }
0xc2: {  	[tilespmem:$0x1FDF0] =	vst v31  }
0xc3: {  	v2 =	vperm.xlane v35, v1;
	v13 =	vld [tilespmem:s15+$0x6C00];
	_ =	sdelay $0x1  }
0xc4: {  	v2 =	vmul.f32 v2, v16;
	_ =	sdelay $0x1  }
0xc5: {  	v14 =	vperm.xlane v37, v1;
	[tilespmem:s22+$0xA80] =	vst v2  }
0xc6: {  	[tilespmem:$0x1FE30] =	vst v13  }
0xc7: {  	v11 =	vmul.f32 v14, v16;
	v14 =	vld [tilespmem:s15+$0x7000];
	_ =	sdelay $0x3  }
0xc8: {  	[tilespmem:s22+$0xB00] =	vst v6  }
0xc9: {  	[tilespmem:$0x1FE40] =	vst v14  }
0xca: {  	[tilespmem:s22+$0xB80] =	vst v11;
	v11 =	vld [tilespmem:s15+$0x7400];
	_ =	sdelay $0x3  }
0xcb: {  	v12 =	vmul.f32 v17, v17;
	v2 =	vadd.f32 v7, v3  }
0xcc: {  	[tilespmem:$0x1FE60] =	vst v11  }
0xcd: {  	v4 =	vperm.xlane v38, v1;
	v2 =	vadd.f32 v12, v2;
	v12 =	vld [tilespmem:s15+$0x7800];
	_ =	sdelay $0x1  }
0xce: {  	v4 =	vmul.f32 v4, v16;
	_ =	sdelay $0x1  }
0xcf: {  	v6 =	vmul.f32 v21, v21;
	[tilespmem:s22+$0xC00] =	vst v4  }
0xd0: {  	[tilespmem:$0x1FE70] =	vst v12  }
0xd1: {  	v9 =	vperm.xlane v36, v1;
	v2 =	vadd.f32 v6, v2;
	v6 =	vmul.f32 v19, v19;
	v19 =	vld [tilespmem:s15+$0x7C00];
	_ =	sdelay $0x1  }
0xd2: {  	v7 =	vmul.f32 v9, v16;
	_ =	sdelay $0x1  }
0xd3: {  	s9 =	simm.s32 $0x8000;
	[tilespmem:s22+$0xC80] =	vst v7  }
0xd4: {  	s2 =	sor.u32 s3, s9;
	[tilespmem:$0x1FE80] =	vst v19  }
0xd5: {  	v10 =	vperm.xlane v32, v1;
	v7 =	vmul.f32 v8, v16;
	v8 =	vld [tilespmem:s2+$0x0];
	_ =	sdelay $0x1  }
0xd6: {  	v10 =	vmul.f32 v10, v16;
	_ =	sdelay $0x1  }
0xd7: {  	s10 =	simm.s32 $0x8400;
	[tilespmem:s22+$0xD00] =	vst v10  }
0xd8: {  	s4 =	sor.u32 s3, s10;
	[tilespmem:$0x1FE90] =	vst v8  }
0xd9: {  	v5 =	vperm.xlane v33, v1;
	v10 =	vld [tilespmem:s4+$0x0];
	_ =	sdelay $0x1  }
0xda: {  	v5 =	vmul.f32 v5, v16;
	_ =	sdelay $0x1  }
0xdb: {  	s11 =	simm.s32 $0x8800;
	v9 =	vperm.xlane v30, v1;
	[tilespmem:s22+$0xD80] =	vst v5  }
0xdc: {  	s5 =	sor.u32 s3, s11;
	[tilespmem:$0x1FEA0] =	vst v10  }
0xdd: {  	v2 =	vadd.f32 v6, v2;
	v6 =	vmul.f32 v9, v16;
	v9 =	vld [tilespmem:s5+$0x0];
	_ =	sdelay $0x3  }
0xde: {  	s12 =	simm.s32 $0x8C00;
	[tilespmem:s22+$0xE00] =	vst v7  }
0xdf: {  	s7 =	sor.u32 s3, s12;
	v3 =	vperm.xlane v29, v1;
	[tilespmem:$0x1FEB0] =	vst v9  }
0xe0: {  	v17 =	vmov v27;
	v4 =	vperm.xlane v28, v1;
	v1 =	vperm.xlane v27, v1;
	v27 =	vld [tilespmem:s7+$0x0];
	_ =	sdelay $0x1  }
0xe1: {  	v3 =	vmul.f32 v3, v16;
	_ =	sdelay $0x1  }
0xe2: {  	s15 =	simm.s32 $0x9000;
	[tilespmem:s22+$0xE80] =	vst v3  }
0xe3: {  	s8 =	sor.u32 s3, s15;
	[tilespmem:$0x1FEC0] =	vst v27  }
0xe4: {  	v23 =	vmov v28;
	v28 =	vld [tilespmem:s8+$0x0];
	_ =	sdelay $0x3  }
0xe5: {  	s16 =	simm.s32 $0x9400;
	[tilespmem:s22+$0xF00] =	vst v6  }
0xe6: {  	s17 =	sor.u32 s3, s16;
	[tilespmem:$0x1FED0] =	vst v28  }
0xe7: {  	v29 =	vld [tilespmem:s17+$0x0];
	_ =	sdelay $0x1  }
0xe8: {  	v4 =	vmul.f32 v4, v16;
	_ =	sdelay $0x1  }
0xe9: {  	v1 =	vmul.f32 v1, v16;
	[tilespmem:s22+$0xF80] =	vst v4  }
0xea: {  	[tilespmem:$0x1FEE0] =	vst v29  }
0xeb: {  	[tilespmem:s22+$0x1000] =	vst v1  }
0xec: {  	v4 =	vld [tilespmem:s13+$0x4000];
	_ =	sdelay $0x4  }
0xed: {  	[tilespmem:$0x1FF70] =	vst v4  }
0xee: {  	v3 =	vmul.f32 v0, v0;
	v0 =	vld [tilespmem:s13+$0x4400];
	_ =	sdelay $0x3  }
0xef: {  	s17 =	simm.s32 $0x9800  }
0xf0: {  	s18 =	sor.u32 s3, s17;
	[tilespmem:$0x1FF80] =	vst v0  }
0xf1: {  	v21 =	vmov v30;
	v30 =	vld [tilespmem:s18+$0x0];
	_ =	sdelay $0x3  }
0xf2: {  	v5 =	vmul.f32 v41, v41  }
0xf3: {  	[tilespmem:$0x1FEF0] =	vst v30  }
0xf4: {  	v2 =	vadd.f32 v5, v2;
	v5 =	vld [tilespmem:s13+$0x4800];
	_ =	sdelay $0x3  }
0xf5: {  	s4 =	simm.s32 $0x9C00;
	v2 =	vadd.f32 v3, v2;
	v3 =	vmul.f32 v42, v42  }
0xf6: {  	s19 =	sor.u32 s3, s4;
	[tilespmem:$0x1FF90] =	vst v5  }
0xf7: {  	v1 =	vadd.f32 v3, v2;
	v2 =	vmul.f32 v31, v31;
	v31 =	vld [tilespmem:s19+$0x0];
	_ =	sdelay $0x4  }
0xf8: {  	[tilespmem:$0x1FF00] =	vst v31  }
0xf9: {  	v6 =	vld [tilespmem:s13+$0x4C00];
	_ =	sdelay $0x3  }
0xfa: {  	s1 =	simm.s32 $0xA000;
	v1 =	vadd.f32 v2, v1;
	v2 =	vmul.f32 v13, v13  }
0xfb: {  	s5 =	sor.u32 s3, s1;
	[tilespmem:$0x1FFA0] =	vst v6  }
0xfc: {  	v1 =	vadd.f32 v2, v1;
	v2 =	vmul.f32 v14, v14;
	v14 =	vld [tilespmem:s5+$0x0];
	_ =	sdelay $0x4  }
0xfd: {  	[tilespmem:$0x1FF10] =	vst v14  }
0xfe: {  	v3 =	vmul.f32 v4, v4;
	v4 =	vmul.f32 v0, v0;
	v0 =	vld [tilespmem:s13+$0x5000];
	_ =	sdelay $0x3  }
0xff: {  	s2 =	simm.s32 $0xA400  }
0x100: {  	s20 =	sor.u32 s3, s2;
	[tilespmem:$0x1FFB0] =	vst v0  }
0x101: {  	v44 =	vld [tilespmem:s20+$0x0];
	_ =	sdelay $0x4  }
0x102: {  	[tilespmem:$0x1FF20] =	vst v44  }
0x103: {  	v3 =	vadd.f32 v4, v3;
	v4 =	vmul.f32 v5, v5;
	v5 =	vld [tilespmem:s13+$0x5400];
	_ =	sdelay $0x3  }
0x104: {  	s8 =	simm.s32 $0xA800  }
0x105: {  	s21 =	sor.u32 s3, s8;
	[tilespmem:$0x1FFC0] =	vst v5  }
0x106: {  	v36 =	vld [tilespmem:s21+$0x0];
	_ =	sdelay $0x4  }
0x107: {  	[tilespmem:$0x1FF30] =	vst v36  }
0x108: {  	v7 =	vld [tilespmem:s13+$0x5800];
	_ =	sdelay $0x3  }
0x109: {  	s7 =	simm.s32 $0xAC00  }
0x10a: {  	s18 =	sor.u32 s3, s7;
	[tilespmem:$0x1FFD0] =	vst v7  }
0x10b: {  	v18 =	vmov v38;
	v38 =	vld [tilespmem:s18+$0x0];
	_ =	sdelay $0x3  }
0x10c: {  	v3 =	vadd.f32 v4, v3;
	v4 =	vmul.f32 v6, v6  }
0x10d: {  	[tilespmem:$0x1FF40] =	vst v38  }
0x10e: {  	v3 =	vadd.f32 v4, v3;
	v4 =	vmul.f32 v0, v0;
	v0 =	vld [tilespmem:s13+$0x5C00];
	_ =	sdelay $0x3  }
0x10f: {  	s5 =	simm.s32 $0xB000  }
0x110: {  	s23 =	sor.u32 s3, s5;
	[tilespmem:$0x1FFE0] =	vst v0  }
0x111: {  	v39 =	vld [tilespmem:s23+$0x0];
	_ =	sdelay $0x1  }
0x112: {  	v1 =	vadd.f32 v2, v1;
	v2 =	vmul.f32 v11, v11;
	_ =	sdelay $0x1  }
0x113: {  	s29 =	simm.s32 $0xB400;
	v1 =	vadd.f32 v2, v1;
	v2 =	vmul.f32 v12, v12  }
0x114: {  	s24 =	sor.u32 s3, s29;
	[tilespmem:$0x1FF50] =	vst v39  }
0x115: {  	v1 =	vadd.f32 v2, v1;
	v2 =	vmul.f32 v19, v19;
	v40 =	vld [tilespmem:s24+$0x0];
	_ =	sdelay $0x1  }
0x116: {  	v1 =	vadd.f32 v2, v1;
	v2 =	vmul.f32 v8, v8  }
0x117: {  	v3 =	vadd.f32 v4, v3;
	v4 =	vmul.f32 v5, v5  }
0x118: {  	v1 =	vadd.f32 v2, v1;
	v2 =	vmul.f32 v10, v10;
	v6 =	vld [tilespmem:s13+$0x6000]  }
0x119: {  	v3 =	vadd.f32 v4, v3;
	v4 =	vmul.f32 v7, v7;
	[tilespmem:$0x1FF60] =	vst v40  }
0x11a: {  	s25 =	simm.s32 $0xB800;
	v2 =	vadd.f32 v2, v1;
	v5 =	vmul.f32 v9, v9;
	v7 =	vld [tilespmem:s13+$0x6400]  }
0x11b: {  	s3 =	sor.u32 s3, s25;
	v3 =	vadd.f32 v4, v3;
	v4 =	vmul.f32 v0, v0;
	v10 =	vld [tilespmem:s13+$0x6800]  }
0x11c: {  	v2 =	vadd.f32 v5, v2;
	v5 =	vmul.f32 v27, v27;
	v1 =	vld [tilespmem:s3+$0x0]  }
0x11d: {  	v3 =	vadd.f32 v4, v3;
	v4 =	vmul.f32 v6, v6;
	v9 =	vld [tilespmem:s13+$0x6C00];
	[tilespmem:$0x1F8C0] =	vst v6  }
0x11e: {  	v2 =	vadd.f32 v5, v2;
	v5 =	vmul.f32 v28, v28;
	v11 =	vld [tilespmem:s13+$0x7000]  }
0x11f: {  	v3 =	vadd.f32 v4, v3;
	v8 =	vld [tilespmem:s13+$0x7400];
	[tilespmem:$0x1F8D0] =	vst v7;
	v4 =	vmul.f32 v7, v7  }
0x120: {  	v2 =	vadd.f32 v5, v2;
	v5 =	vmul.f32 v29, v29;
	v6 =	vld [tilespmem:s13+$0x7800];
	[tilespmem:$0x1F8E0] =	vst v10  }
0x121: {  	s28 =	sor.u32 s0, s9;
	v3 =	vadd.f32 v4, v3;
	v4 =	vmul.f32 v10, v10;
	v10 =	vld [tilespmem:s13+$0x7C00]  }
0x122: {  	s30 =	sor.u32 s0, s10;
	v2 =	vadd.f32 v5, v2;
	v5 =	vmul.f32 v30, v30;
	v13 =	vld [tilespmem:s28+$0x0];
	[tilespmem:$0x1F8F0] =	vst v9  }
0x123: {  	s31 =	sor.u32 s0, s11;
	v12 =	vld [tilespmem:s30+$0x0];
	v3 =	vadd.f32 v4, v3;
	v4 =	vmul.f32 v9, v9  }
0x124: {  	s10 =	sor.u32 s0, s12;
	v2 =	vadd.f32 v5, v2;
	v5 =	vmul.f32 v31, v31;
	s23 =	simm.s32 $0x20;
	v19 =	vld [tilespmem:s31+$0x0];
	[tilespmem:$0x1F900] =	vst v11  }
0x125: {  	s11 =	sor.u32 s0, s15;
	s3 =	sand.u32 $0x60, s23;
	v28 =	vld [tilespmem:s10+$0x0];
	v3 =	vadd.f32 v4, v3;
	v4 =	vmul.f32 v11, v11  }
0x126: {  	s12 =	sor.u32 s0, s16;
	s9 =	simm.s32 $0x0;
	v2 =	vadd.f32 v5, v2;
	v5 =	vmul.f32 v14, v14;
	s13 =	sor.u32 $0x10, s3;
	v29 =	vld [tilespmem:s11+$0x0];
	[tilespmem:$0x1F910] =	vst v8  }
0x127: {  	s15 =	sor.u32 s0, s17;
	s28 =	sor.u32 s9, s13;
	v42 =	vld [tilespmem:s12+$0x0];
	v3 =	vadd.f32 v4, v3;
	v4 =	vmul.f32 v8, v8  }
0x128: {  	v2 =	vadd.f32 v5, v2;
	v5 =	vmul.f32 v44, v44;
	s16 =	sor.u32 $0x400, s28;
	v44 =	vld [tilespmem:s15+$0x0];
	[tilespmem:$0x1F920] =	vst v6  }
0x129: {  	v7 =	vld [tilespmem:s16+$0x0];
	v3 =	vadd.f32 v4, v3;
	v4 =	vmul.f32 v6, v6  }
0x12a: {  	v2 =	vadd.f32 v5, v2;
	v5 =	vmul.f32 v36, v36;
	s17 =	sor.u32 $0x800, s28;
	v6 =	vld [tilespmem:s28+$0x0];
	[tilespmem:$0x1F930] =	vst v10  }
0x12b: {  	s18 =	sor.u32 $0xC00, s28;
	v8 =	vld [tilespmem:s17+$0x0];
	v3 =	vadd.f32 v4, v3;
	v4 =	vmul.f32 v10, v10  }
0x12c: {  	v2 =	vadd.f32 v5, v2;
	v5 =	vmul.f32 v38, v38;
	s19 =	sor.u32 $0x1000, s28;
	v9 =	vld [tilespmem:s18+$0x0];
	[tilespmem:$0x1F940] =	vst v13  }
0x12d: {  	s20 =	sor.u32 $0x1400, s28;
	v10 =	vld [tilespmem:s19+$0x0];
	v3 =	vadd.f32 v4, v3;
	v4 =	vmul.f32 v13, v13  }
0x12e: {  	v2 =	vadd.f32 v5, v2;
	v5 =	vmul.f32 v39, v39;
	s21 =	sor.u32 $0x1800, s28;
	v11 =	vld [tilespmem:s20+$0x0];
	[tilespmem:$0x1F950] =	vst v12  }
0x12f: {  	s24 =	sor.u32 $0x1C00, s28;
	v13 =	vmax.f32 v6, v7;
	v3 =	vadd.f32 v4, v3;
	v4 =	vmul.f32 v12, v12;
	v12 =	vld [tilespmem:s21+$0x0]  }
0x130: {  	v2 =	vadd.f32 v5, v2;
	s30 =	sor.u32 $0x2000, s28;
	v14 =	vld [tilespmem:s24+$0x0];
	v5 =	vmax.f32 v13, v8;
	v13 =	vmul.f32 v40, v40;
	[tilespmem:$0x1F960] =	vst v19  }
0x131: {  	s31 =	sor.u32 $0x2400, s28;
	v3 =	vadd.f32 v4, v3;
	v4 =	vmax.f32 v5, v9;
	v5 =	vmul.f32 v19, v19;
	v19 =	vld [tilespmem:s30+$0x0]  }
0x132: {  	s12 =	sor.u32 $0x2800, s28;
	v27 =	vld [tilespmem:s31+$0x0];
	v2 =	vadd.f32 v13, v2;
	v13 =	vmul.f32 v1, v1;
	[tilespmem:$0x1F970] =	vst v28;
	v4 =	vmax.f32 v4, v10  }
0x133: {  	s15 =	sor.u32 $0x2C00, s28;
	v3 =	vadd.f32 v5, v3;
	v4 =	vmax.f32 v4, v11;
	v5 =	vmul.f32 v28, v28;
	v28 =	vld [tilespmem:s12+$0x0]  }
0x134: {  	s16 =	sor.u32 $0x3000, s28;
	v2 =	vadd.f32 v13, v2;
	v13 =	vld [tilespmem:s15+$0x0];
	[tilespmem:$0x1F980] =	vst v29;
	v4 =	vmax.f32 v4, v12  }
0x135: {  	s17 =	sor.u32 $0x3400, s28;
	v3 =	vadd.f32 v5, v3;
	v4 =	vmax.f32 v4, v14;
	v5 =	vmul.f32 v29, v29;
	v29 =	vld [tilespmem:s16+$0x0]  }
0x136: {  	s18 =	sor.u32 $0x3800, s28;
	v30 =	vld [tilespmem:s17+$0x0];
	v4 =	vmax.f32 v4, v19  }
0x137: {  	s19 =	sor.u32 $0x3C00, s28;
	v2 =	vmax.f32 v2, $1.000000020e-24;
	v3 =	vadd.f32 v5, v3;
	v4 =	vmax.f32 v4, v27;
	v5 =	vld [tilespmem:s18+$0x0]  }
0x138: {  	v31 =	vshra.s32 v2, $0x1;
	v32 =	vmul.f32 $5.000000000e-01, v2;
	v2 =	vmax.f32 v4, v28;
	v4 =	vld [tilespmem:s19+$0x0]  }
0x139: {  	v20 =	vmovc v33;
	s4 =	sor.u32 s0, s4;
	v33 =	vmul.f32 v42, v42;
	v31 =	vsub.s32 $0x5F3759DF, v31;
	[tilespmem:$0x1F990] =	vst v42;
	v2 =	vmax.f32 v2, v13  }
0x13a: {  	v40 =	vmul.f32 v31, v32;
	v41 =	vld [tilespmem:s4+$0x0];
	v2 =	vmax.f32 v2, v29  }
0x13b: {  	v3 =	vadd.f32 v33, v3;
	v2 =	vmax.f32 v2, v30  }
0x13c: {  	[tilespmem:$0x1F9A0] =	vst v44;
	v44 =	vmul.f32 v44, v44;
	v42 =	vmul.f32 v31, v40;
	v2 =	vmax.f32 v2, v5  }
0x13d: {  	v40 =	vmax.f32 v2, v4  }
0x13e: {  	v2 =	vadd.f32 v44, v3;
	v3 =	vsub.f32 $1.500000000e+00, v42;
	vm7 =	veq.f32 v4, v40  }
0x13f: {  	vm8 =	veq.f32 v5, v40;
	v4 =	vmul.f32 v41, v41;
	v5 =	vsel vm7, $0xF, v43  }
0x140: {  	vm9 =	veq.f32 v30, v40;
	v31 =	vmul.f32 v31, v3;
	v3 =	vsel vm8, $0xE, v5  }
0x141: {  	s1 =	sor.u32 s0, s1;
	[tilespmem:$0x1F9B0] =	vst v41;
	vm10 =	veq.f32 v29, v40;
	v30 =	vadd.f32 v4, v2;
	v2 =	vsel vm9, $0xD, v3  }
0x142: {  	vm11 =	veq.f32 v13, v40;
	vm2 =	veq.f32 v28, v40;
	v13 =	vld [tilespmem:s1+$0x0];
	v2 =	vsel vm10, $0xC, v2  }
0x143: {  	s2 =	sor.u32 s0, s2;
	s15 =	sor.u32 s3, s9;
	vm12 =	veq.f32 v27, v40;
	vm3 =	veq.f32 v19, v40;
	v2 =	vsel vm11, $0xB, v2  }
0x144: {  	s20 =	sor.u32 $0x400, s15;
	vm13 =	veq.f32 v14, v40;
	vm4 =	veq.f32 v12, v40;
	v12 =	vld [tilespmem:s2+$0x0];
	v2 =	vsel vm2, $0xA, v2  }
0x145: {  	vm14 =	veq.f32 v11, v40;
	v4 =	vmul.f32 v31, v32;
	v3 =	vsel vm12, $0x9, v2;
	v2 =	vld [tilespmem:s20+$0x0]  }
0x146: {  	s21 =	sor.u32 $0x800, s15;
	vm15 =	veq.f32 v10, v40;
	vm5 =	veq.f32 v9, v40;
	v5 =	vsel vm3, $0x8, v3;
	v3 =	vld [tilespmem:s15+$0x0]  }
0x147: {  	s24 =	sor.u32 $0xC00, s15;
	vm8 =	veq.f32 v8, v40;
	v8 =	vmul.f32 v4, v31;
	v4 =	vld [tilespmem:s21+$0x0];
	[tilespmem:$0x1F9C0] =	vst v13;
	v5 =	vsel vm13, $0x7, v5  }
0x148: {  	s30 =	sor.u32 $0x1000, s15;
	vm9 =	veq.f32 v7, v40;
	v9 =	vmul.f32 v13, v13;
	v7 =	vsel vm4, $0x6, v5;
	v5 =	vld [tilespmem:s24+$0x0]  }
0x149: {  	s31 =	sor.u32 $0x1400, s15;
	vm10 =	veq.f32 v6, v40;
	v10 =	vsub.f32 $1.500000000e+00, v8;
	v6 =	vsel vm14, $0x5, v7;
	v7 =	vld [tilespmem:s30+$0x0];
	[tilespmem:$0x1F9D0] =	vst v12  }
0x14a: {  	s4 =	sor.u32 $0x1800, s15;
	v9 =	vadd.f32 v9, v30;
	v13 =	vmul.f32 v12, v12;
	v11 =	vsel vm15, $0x4, v6;
	v8 =	vld [tilespmem:s31+$0x0]  }
0x14b: {  	s9 =	simm.s32 $0x0;
	s10 =	sor.u32 $0x1C00, s15;
	v6 =	vmul.f32 v10, v31;
	v12 =	vld [tilespmem:s4+$0x0];
	v10 =	vsel vm5, $0x3, v11;
	v11 =	vmax.f32 v3, v2  }
0x14c: {  	s11 =	sor.u32 $0x2000, s15;
	s2 =	sor.u32 s6, s9;
	v13 =	vadd.f32 v13, v9;
	v14 =	vld [tilespmem:s10+$0x0];
	v9 =	vsel vm8, $0x2, v10;
	v10 =	vmax.f32 v11, v4  }
0x14d: {  	s12 =	sor.u32 $0x2400, s15;
	v19 =	vld [tilespmem:s11+$0x0];
	v9 =	vsel vm9, $0x1, v9;
	v11 =	vmax.f32 v10, v5;
	v10 =	vmov s2  }
0x14e: {  	s16 =	sor.u32 $0x2800, s15;
	v27 =	vld [tilespmem:s12+$0x0];
	vm11 =	vlt.s32 v10, v63;
	v10 =	vsel vm10, $0x0, v9;
	v11 =	vmax.f32 v11, v7  }
0x14f: {  	s17 =	sor.u32 $0x2C00, s15;
	v28 =	vld [tilespmem:s16+$0x0];
	v9 =	vmul.f32 v6, v32;
	v11 =	vmax.f32 v11, v8;
	v29 =	vperm.xlane v45, v10  }
0x150: {  	s18 =	sor.u32 $0x3000, s15;
	s24 =	simm.s32 $0x800;
	v30 =	vld [tilespmem:s17+$0x0];
	v61 =	vsel vm11, $0x3F800000, v61;
	v31 =	vperm.xlane v59, v10;
	v11 =	vmax.f32 v11, v12  }
0x151: {  	s19 =	sor.u32 $0x3400, s15;
	s30 =	sand.u32 $0x3FFFE000, s24;
	v32 =	vld [tilespmem:s18+$0x0];
	v41 =	vperm.xlane v46, v10;
	v42 =	vperm.xlane v47, v10;
	v11 =	vmax.f32 v11, v14  }
0x152: {  	s20 =	sor.u32 $0x3800, s15;
	v36 =	vld [tilespmem:s19+$0x0];
	s1 =	sadd.s32 $0xBC00, s30;
	v44 =	vperm.xlane v48, v10;
	v29 =	vmul.f32 v29, v61;
	v11 =	vmax.f32 v11, v19  }
0x153: {  	v22 =	vmovc v37;
	s21 =	sor.u32 $0x3C00, s15;
	v38 =	vld [tilespmem:s20+$0x0];
	s24 =	sor.u32 s13, s1;
	v31 =	vmul.f32 v31, v61;
	v33 =	vmul.f32 v41, v61;
	v11 =	vmax.f32 v11, v27  }
0x154: {  	v40 =	vld [tilespmem:s21+$0x0];
	v37 =	vmul.f32 v42, v61;
	v42 =	vperm.xlane v50, v10;
	[tilespmem:s24+$0x0] =	vst v29;
	v11 =	vmax.f32 v11, v28  }
0x155: {  	v41 =	vperm.xlane v49, v10;
	v39 =	vmul.f32 v44, v61;
	[tilespmem:s24+$0x80] =	vst v31;
	v11 =	vmax.f32 v11, v30  }
0x156: {  	s31 =	sor.u32 s0, s8;
	v29 =	vmul.f32 v42, v61;
	v42 =	vperm.xlane v52, v10;
	[tilespmem:s24+$0x100] =	vst v33;
	v11 =	vmax.f32 v11, v32  }
0x157: {  	v0 =	vld [tilespmem:s31+$0x0];
	v44 =	vperm.xlane v51, v10;
	v41 =	vmul.f32 v41, v61;
	[tilespmem:s24+$0x180] =	vst v37;
	v11 =	vmax.f32 v11, v36  }
0x158: {  	[tilespmem:s24+$0x200] =	vst v39;
	v33 =	vmul.f32 v42, v61;
	v42 =	vperm.xlane v54, v10;
	v11 =	vmax.f32 v11, v38  }
0x159: {  	s4 =	sor.u32 s0, s7;
	v31 =	vmul.f32 v44, v61;
	[tilespmem:s24+$0x280] =	vst v41;
	v11 =	vmax.f32 v11, v40  }
0x15a: {  	v44 =	vperm.xlane v53, v10;
	[tilespmem:s24+$0x300] =	vst v29;
	vm7 =	veq.f32 v38, v11;
	v38 =	vmul.f32 v42, v61;
	v42 =	vld [tilespmem:s4+$0x0]  }
0x15b: {  	s7 =	sor.u32 s0, s5;
	[tilespmem:s24+$0x380] =	vst v31;
	vm5 =	veq.f32 v40, v11;
	v40 =	vperm.xlane v55, v10  }
0x15c: {  	v39 =	vld [tilespmem:s7+$0x0];
	v37 =	vmul.f32 v44, v61;
	[tilespmem:$0x1F9E0] =	vst v0  }
0x15d: {  	vm0 =	veq.f32 v36, v11;
	[tilespmem:s24+$0x400] =	vst v33;
	v36 =	vmul.f32 v40, v61;
	v40 =	vperm.xlane v57, v10  }
0x15e: {  	s8 =	sor.u32 s0, s29;
	[tilespmem:s24+$0x480] =	vst v37  }
0x15f: {  	v44 =	vperm.xlane v56, v10;
	vm13 =	veq.f32 v30, v11;
	v30 =	vmul.f32 v40, v61;
	v40 =	vld [tilespmem:s8+$0x0];
	[tilespmem:$0x1F9F0] =	vst v42  }
0x160: {  	[tilespmem:s24+$0x500] =	vst v38  }
0x161: {  	s0 =	sor.u32 s0, s25;
	v31 =	vmul.f32 v0, v0;
	v29 =	vmul.f32 v44, v61;
	[tilespmem:s24+$0x580] =	vst v36  }
0x162: {  	v44 =	vperm.xlane v58, v10;
	v37 =	vld [tilespmem:s0+$0x0];
	[tilespmem:$0x1FA00] =	vst v39  }
0x163: {  	v41 =	vperm.xlane v60, v10;
	v13 =	vadd.f32 v31, v13;
	[tilespmem:s24+$0x600] =	vst v29  }
0x164: {  	vm14 =	veq.f32 v28, v11;
	v28 =	vmul.f32 v44, v61;
	v44 =	vperm.xlane v62, v10;
	[tilespmem:s24+$0x680] =	vst v30  }
0x165: {  	vm15 =	veq.f32 v27, v11;
	v27 =	vmul.f32 v41, v61;
	v31 =	vmul.f32 v42, v42;
	[tilespmem:$0x1FA10] =	vst v40  }
0x166: {  	v41 =	vperm.xlane v24, v10;
	[tilespmem:s24+$0x700] =	vst v28  }
0x167: {  	v13 =	vadd.f32 v31, v13;
	v31 =	vmul.f32 v44, v61;
	v29 =	vperm.xlane v25, v10;
	[tilespmem:s24+$0x780] =	vst v27  }
0x168: {  	vm6 =	veq.f32 v19, v11;
	v19 =	vmul.f32 v41, v61;
	v44 =	vperm.xlane v26, v10;
	[tilespmem:$0x1FA20] =	vst v37  }
0x169: {  	vm8 =	veq.f32 v14, v11;
	v14 =	vmul.f32 v29, v61;
	v28 =	vperm.xlane v34, v10;
	[tilespmem:s24+$0x800] =	vst v31  }
0x16a: {  	v42 =	vmul.f32 v39, v39;
	v27 =	vmul.f32 v44, v61;
	[tilespmem:s24+$0x880] =	vst v19  }
0x16b: {  	vm9 =	veq.f32 v12, v11;
	v12 =	vmul.f32 v28, v61;
	v44 =	vld [tilespmem:$0x1FA30];
	[tilespmem:s24+$0x900] =	vst v14  }
0x16c: {  	v13 =	vadd.f32 v42, v13;
	v30 =	vmul.f32 v40, v40;
	[tilespmem:s24+$0x980] =	vst v27  }
0x16d: {  	[tilespmem:s24+$0xA00] =	vst v12  }
0x16e: {  	v13 =	vadd.f32 v30, v13;
	v29 =	vmul.f32 v37, v37;
	v41 =	vld [tilespmem:$0x1FA40]  }
0x16f: {  	v28 =	vperm.xlane v35, v10  }
0x170: {  	v13 =	vadd.f32 v29, v13;
	v29 =	vperm.xlane v22, v10  }
0x171: {  	v14 =	vmul.f32 v28, v61;
	v28 =	vsel vm5, $0xF, v43;
	v19 =	vperm.xlane v44, v10  }
0x172: {  	v30 =	vperm.xlane v18, v10;
	v27 =	vsel vm7, $0xE, v28;
	v28 =	vmul.f32 v29, v61  }
0x173: {  	[tilespmem:s24+$0xA80] =	vst v14;
	v19 =	vmul.f32 v19, v61;
	v29 =	vperm.xlane v41, v10  }
0x174: {  	v12 =	vmul.f32 v30, v61;
	v42 =	vld [tilespmem:$0x1FA50];
	[tilespmem:s24+$0xB80] =	vst v28  }
0x175: {  	[tilespmem:s24+$0xB00] =	vst v19;
	v19 =	vmul.f32 v29, v61  }
0x176: {  	[tilespmem:s24+$0xC00] =	vst v12  }
0x177: {  	v39 =	vld [tilespmem:$0x1FA60];
	[tilespmem:s24+$0xC80] =	vst v19  }
0x178: {  	v13 =	vmax.f32 v13, $1.000000020e-24;
	v40 =	vld [tilespmem:$0x1FA70]  }
0x179: {  	v30 =	vshra.s32 v13, $0x1;
	v14 =	vmul.f32 $5.000000000e-01, v13;
	v13 =	vperm.xlane v42, v10  }
0x17a: {  	vm12 =	veq.f32 v32, v11;
	v29 =	vsub.s32 $0x5F3759DF, v30;
	v30 =	vperm.xlane v20, v10  }
0x17b: {  	v27 =	vsel vm0, $0xD, v27;
	v28 =	vmul.f32 v29, v14;
	v13 =	vmul.f32 v13, v61  }
0x17c: {  	v12 =	vsel vm12, $0xC, v27;
	v27 =	vmul.f32 v30, v61;
	v30 =	vperm.xlane v39, v10  }
0x17d: {  	v19 =	vmul.f32 v29, v28;
	v28 =	vperm.xlane v40, v10  }
0x17e: {  	[tilespmem:s24+$0xD00] =	vst v13;
	v13 =	vmul.f32 v30, v61;
	v30 =	vperm.xlane v21, v10  }
0x17f: {  	[tilespmem:s24+$0xD80] =	vst v27;
	v27 =	vmul.f32 v28, v61;
	v28 =	vperm.xlane v23, v10  }
0x180: {  	[tilespmem:s24+$0xE00] =	vst v13;
	v13 =	vmul.f32 v30, v61;
	v10 =	vperm.xlane v17, v10  }
0x181: {  	[tilespmem:s24+$0xE80] =	vst v27;
	v27 =	vmul.f32 v28, v61  }
0x182: {  	[tilespmem:s24+$0xF00] =	vst v13;
	v10 =	vmul.f32 v10, v61  }
0x183: {  	v12 =	vsel vm13, $0xB, v12;
	[tilespmem:s24+$0xF80] =	vst v27  }
0x184: {  	v12 =	vsel vm14, $0xA, v12;
	v19 =	vsub.f32 $1.500000000e+00, v19;
	[tilespmem:s24+$0x1000] =	vst v10  }
0x185: {  	v12 =	vsel vm15, $0x9, v12;
	v27 =	vld [tilespmem:s28+$0x4000]  }
0x186: {  	v12 =	vsel vm6, $0x8, v12;
	v19 =	vmul.f32 v29, v19;
	v28 =	vld [tilespmem:s28+$0x4400]  }
0x187: {  	v9 =	vmul.f32 v9, v6;
	vm10 =	veq.f32 v8, v11;
	v12 =	vsel vm8, $0x7, v12;
	v29 =	vld [tilespmem:s28+$0x4800];
	[tilespmem:$0x1FA80] =	vst v45  }
0x188: {  	vm11 =	veq.f32 v7, v11;
	v8 =	vsel vm9, $0x6, v12;
	v12 =	vmul.f32 v19, v14;
	v30 =	vld [tilespmem:s28+$0x4C00]  }
0x189: {  	vm12 =	veq.f32 v5, v11;
	vm13 =	veq.f32 v4, v11;
	v7 =	vsel vm10, $0x5, v8;
	v31 =	vld [tilespmem:s28+$0x5000];
	[tilespmem:$0x1FA90] =	vst v46  }
0x18a: {  	v8 =	vsub.f32 $1.500000000e+00, v9;
	v5 =	vsel vm11, $0x4, v7;
	v7 =	vmul.f32 v12, v19;
	[tilespmem:$0x1FAA0] =	vst v47  }
0x18b: {  	vm14 =	veq.f32 v2, v11;
	vm15 =	veq.f32 v3, v11;
	v4 =	vsel vm12, $0x3, v5;
	v32 =	vld [tilespmem:s28+$0x5400]  }
0x18c: {  	v6 =	vmul.f32 v8, v6;
	v2 =	vsel vm13, $0x2, v4;
	v4 =	vsub.f32 $1.500000000e+00, v7;
	v11 =	vld [tilespmem:s28+$0x5800];
	[tilespmem:$0x1FAB0] =	vst v48  }
0x18d: {  	[tilespmem:$0x1FAC0] =	vst v49  }
0x18e: {  	v37 =	vmul.f32 v6, v16;
	v33 =	vmul.f32 v4, v19;
	[tilespmem:$0x1FAD0] =	vst v50  }
0x18f: {  	v36 =	vld [tilespmem:s28+$0x5C00];
	v3 =	vmul.f32 v27, v27;
	v4 =	vmul.f32 v28, v28  }
0x190: {  	v0 =	vmul.f32 v37, v15;
	v15 =	vld [tilespmem:s28+$0x6000];
	[tilespmem:$0x1FAE0] =	vst v51  }
0x191: {  	[tilespmem:$0x1FB00] =	vst v52;
	v5 =	vmul.f32 v29, v29;
	v3 =	vadd.f32 v4, v3  }
0x192: {  	v2 =	vsel vm14, $0x1, v2;
	v1 =	vmul.f32 v37, v1;
	[tilespmem:$0x1FB10] =	vst v53  }
0x193: {  	v13 =	vsel vm15, $0x0, v2;
	[tilespmem:$0x1FAF0] =	vst v11;
	v3 =	vadd.f32 v5, v3;
	v5 =	vmul.f32 v30, v30  }
0x194: {  	v2 =	vperm.xlane v45, v13;
	v38 =	vld [tilespmem:s28+$0x6400];
	[tilespmem:$0x1FB20] =	vst v36  }
0x195: {  	v8 =	vmul.f32 v31, v31;
	[tilespmem:s26+$0x1F80] =	vst v1;
	v3 =	vadd.f32 v5, v3  }
0x196: {  	v2 =	vmul.f32 v2, v61;
	[tilespmem:s26+$0x1080] =	vst v0  }
0x197: {  	v19 =	vperm.xlane v53, v13;
	v53 =	vld [tilespmem:s28+$0x6800];
	[tilespmem:$0x1FB30] =	vst v54;
	v3 =	vadd.f32 v8, v3;
	v8 =	vmul.f32 v32, v32  }
0x198: {  	s25 =	sor.u32 s3, s1;
	v6 =	vperm.xlane v46, v13;
	v4 =	vperm.xlane v59, v13;
	[tilespmem:$0x1FB40] =	vst v15  }
0x199: {  	v7 =	vperm.xlane v47, v13;
	v11 =	vmul.f32 v11, v11;
	[tilespmem:s25+$0x0] =	vst v2;
	v3 =	vadd.f32 v8, v3  }
0x19a: {  	v12 =	vperm.xlane v52, v13;
	v4 =	vmul.f32 v4, v61;
	[tilespmem:$0x1FB50] =	vst v55  }
0x19b: {  	v6 =	vmul.f32 v6, v61;
	[tilespmem:$0x1FB60] =	vst v56;
	v3 =	vadd.f32 v11, v3;
	v11 =	vmul.f32 v36, v36  }
0x19c: {  	v7 =	vmul.f32 v7, v61;
	v1 =	vmul.f32 v12, v61;
	[tilespmem:s25+$0x80] =	vst v4  }
0x19d: {  	v12 =	vmul.f32 v19, v61;
	v0 =	vadd.f32 v11, v3;
	v11 =	vmul.f32 v15, v15;
	v15 =	vld [tilespmem:s28+$0x6C00];
	[tilespmem:$0x1FB70] =	vst v38  }
0x19e: {  	v19 =	vperm.xlane v56, v13;
	v5 =	vperm.xlane v48, v13;
	[tilespmem:s25+$0x100] =	vst v6  }
0x19f: {  	[tilespmem:s25+$0x180] =	vst v7  }
0x1a0: {  	v5 =	vmul.f32 v5, v61;
	v6 =	vmul.f32 v19, v61;
	v19 =	vld [tilespmem:s28+$0x7000];
	[tilespmem:$0x1FB80] =	vst v57  }
0x1a1: {  	v9 =	vperm.xlane v49, v13;
	[tilespmem:$0x1FB90] =	vst v53  }
0x1a2: {  	[tilespmem:s25+$0x200] =	vst v5  }
0x1a3: {  	v10 =	vperm.xlane v50, v13;
	v9 =	vmul.f32 v9, v61;
	[tilespmem:$0x1FBA0] =	vst v58  }
0x1a4: {  	v8 =	vperm.xlane v51, v13;
	[tilespmem:$0x1FBB0] =	vst v60  }
0x1a5: {  	v10 =	vmul.f32 v10, v61;
	[tilespmem:s25+$0x280] =	vst v9  }
0x1a6: {  	v8 =	vmul.f32 v8, v61;
	v0 =	vadd.f32 v11, v0;
	v11 =	vperm.xlane v60, v13;
	v60 =	vld [tilespmem:s28+$0x7400];
	[tilespmem:$0x1FBC0] =	vst v15  }
0x1a7: {  	[tilespmem:s25+$0x300] =	vst v10  }
0x1a8: {  	[tilespmem:s25+$0x380] =	vst v8  }
0x1a9: {  	v9 =	vmul.f32 v11, v61;
	v11 =	vld [tilespmem:s28+$0x7800];
	[tilespmem:$0x1FBD0] =	vst v62  }
0x1aa: {  	[tilespmem:$0x1FBE0] =	vst v19  }
0x1ab: {  	v3 =	vperm.xlane v54, v13;
	[tilespmem:s25+$0x400] =	vst v1  }
0x1ac: {  	v2 =	vperm.xlane v55, v13;
	v4 =	vmul.f32 v38, v38;
	[tilespmem:$0x1FBF0] =	vst v24  }
0x1ad: {  	v3 =	vmul.f32 v3, v61;
	[tilespmem:$0x1FC00] =	vst v25  }
0x1ae: {  	v2 =	vmul.f32 v2, v61;
	v7 =	vmul.f32 v53, v53;
	v0 =	vadd.f32 v4, v0;
	[tilespmem:s25+$0x480] =	vst v12  }
0x1af: {  	s0 =	simm.s32 $0x8000;
	[tilespmem:s25+$0x500] =	vst v3  }
0x1b0: {  	s9 =	sor.u32 s13, s0;
	v0 =	vadd.f32 v7, v0;
	v7 =	vmul.f32 v15, v15;
	v15 =	vld [tilespmem:s28+$0x7C00];
	[tilespmem:s25+$0x580] =	vst v2  }
0x1b1: {  	v12 =	vld [tilespmem:s9+$0x0];
	[tilespmem:$0x1FC10] =	vst v26  }
0x1b2: {  	v4 =	vperm.xlane v57, v13;
	[tilespmem:$0x1FC20] =	vst v11  }
0x1b3: {  	v8 =	vmul.f32 v19, v19;
	v0 =	vadd.f32 v7, v0;
	[tilespmem:s25+$0x600] =	vst v6  }
0x1b4: {  	v5 =	vperm.xlane v58, v13;
	v4 =	vmul.f32 v4, v61;
	[tilespmem:$0x1FC30] =	vst v34  }
0x1b5: {  	s1 =	simm.s32 $0x8400;
	v10 =	vperm.xlane v25, v13;
	v0 =	vadd.f32 v8, v0;
	v8 =	vmul.f32 v60, v60;
	[tilespmem:$0x1FC40] =	vst v35  }
0x1b6: {  	s10 =	sor.u32 s13, s1;
	v5 =	vmul.f32 v5, v61;
	v7 =	vperm.xlane v62, v13;
	[tilespmem:s25+$0x680] =	vst v4  }
0x1b7: {  	v3 =	vmul.f32 v10, v61;
	v0 =	vadd.f32 v8, v0;
	v8 =	vmul.f32 v11, v11;
	v11 =	vld [tilespmem:s10+$0x0];
	[tilespmem:$0x1FC50] =	vst v15  }
0x1b8: {  	s2 =	simm.s32 $0x8800;
	v10 =	vperm.xlane v35, v13;
	v6 =	vperm.xlane v34, v13;
	[tilespmem:s25+$0x700] =	vst v5  }
0x1b9: {  	s11 =	sor.u32 s13, s2;
	v1 =	vperm.xlane v24, v13;
	v7 =	vmul.f32 v7, v61;
	[tilespmem:s25+$0x780] =	vst v9  }
0x1ba: {  	v5 =	vmul.f32 v6, v61;
	v6 =	vmul.f32 v10, v61;
	v10 =	vld [tilespmem:s11+$0x0];
	[tilespmem:$0x1FC60] =	vst v12  }
0x1bb: {  	[tilespmem:s25+$0x800] =	vst v7  }
0x1bc: {  	v1 =	vmul.f32 v1, v61;
	[tilespmem:$0x1FC70] =	vst v22  }
0x1bd: {  	s4 =	simm.s32 $0x8C00;
	v2 =	vperm.xlane v26, v13;
	[tilespmem:$0x1FC80] =	vst v18  }
0x1be: {  	s12 =	sor.u32 s13, s4;
	[tilespmem:s25+$0x880] =	vst v1  }
0x1bf: {  	v2 =	vmul.f32 v2, v61;
	v0 =	vadd.f32 v8, v0;
	v8 =	vmul.f32 v12, v12;
	v12 =	vld [tilespmem:s12+$0x0];
	[tilespmem:$0x1FC90] =	vst v11  }
0x1c0: {  	s5 =	simm.s32 $0x9000;
	[tilespmem:s25+$0x900] =	vst v3  }
0x1c1: {  	s16 =	sor.u32 s13, s5;
	v4 =	vmul.f32 v15, v15;
	[tilespmem:s25+$0x980] =	vst v2  }
0x1c2: {  	v43 =	vld [tilespmem:s16+$0x0];
	[tilespmem:$0x1FCA0] =	vst v10  }
0x1c3: {  	v0 =	vadd.f32 v4, v0;
	v4 =	vperm.xlane v44, v13;
	[tilespmem:s25+$0xA00] =	vst v5  }
0x1c4: {  	s7 =	simm.s32 $0x9400;
	v9 =	vperm.xlane v18, v13;
	v7 =	vperm.xlane v22, v13;
	[tilespmem:$0x1FCB0] =	vst v20  }
0x1c5: {  	s17 =	sor.u32 s13, s7;
	v1 =	vmul.f32 v4, v61;
	[tilespmem:s25+$0xA80] =	vst v6  }
0x1c6: {  	v3 =	vmul.f32 v7, v61;
	v7 =	vmul.f32 v9, v61;
	v9 =	vld [tilespmem:s17+$0x0];
	[tilespmem:$0x1FCC0] =	vst v12  }
0x1c7: {  	v0 =	vadd.f32 v8, v0;
	v4 =	vmul.f32 v11, v11;
	v2 =	vperm.xlane v41, v13;
	[tilespmem:s25+$0xB00] =	vst v1  }
0x1c8: {  	s8 =	simm.s32 $0x9800;
	v8 =	vperm.xlane v20, v13;
	v5 =	vperm.xlane v42, v13;
	[tilespmem:s25+$0xB80] =	vst v3  }
0x1c9: {  	s18 =	sor.u32 s13, s8;
	v0 =	vadd.f32 v4, v0;
	v4 =	vmul.f32 v10, v10;
	v2 =	vmul.f32 v2, v61;
	[tilespmem:s25+$0xC00] =	vst v7  }
0x1ca: {  	s9 =	simm.s32 $0x9C00;
	v1 =	vmul.f32 v5, v61;
	v5 =	vmul.f32 v8, v61;
	v8 =	vld [tilespmem:s18+$0x0];
	[tilespmem:$0x1FCD0] =	vst v21  }
0x1cb: {  	s19 =	sor.u32 s13, s9;
	v0 =	vadd.f32 v4, v0;
	v4 =	vmul.f32 v12, v12;
	[tilespmem:s25+$0xC80] =	vst v2  }
0x1cc: {  	v10 =	vld [tilespmem:s19+$0x0];
	[tilespmem:$0x1FCE0] =	vst v23  }
0x1cd: {  	v0 =	vadd.f32 v4, v0;
	v4 =	vmul.f32 v43, v43;
	[tilespmem:$0x1FCF0] =	vst v9  }
0x1ce: {  	v3 =	vperm.xlane v39, v13;
	[tilespmem:s25+$0xD00] =	vst v1  }
0x1cf: {  	s10 =	simm.s32 $0xA000;
	v6 =	vperm.xlane v40, v13;
	v0 =	vadd.f32 v4, v0;
	v4 =	vmul.f32 v9, v9;
	[tilespmem:$0x1FD00] =	vst v17  }
0x1d0: {  	s20 =	sor.u32 s13, s10;
	v3 =	vmul.f32 v3, v61;
	[tilespmem:s25+$0xD80] =	vst v5  }
0x1d1: {  	v7 =	vperm.xlane v21, v13;
	v0 =	vadd.f32 v4, v0;
	v4 =	vmul.f32 v6, v61;
	v9 =	vld [tilespmem:s20+$0x0];
	[tilespmem:$0x1FD10] =	vst v8  }
0x1d2: {  	s11 =	simm.s32 $0xA400;
	v2 =	vperm.xlane v23, v13;
	[tilespmem:s25+$0xE00] =	vst v3  }
0x1d3: {  	s21 =	sor.u32 s13, s11;
	v1 =	vperm.xlane v17, v13;
	v3 =	vmul.f32 v7, v61;
	[tilespmem:s25+$0xE80] =	vst v4  }
0x1d4: {  	s12 =	simm.s32 $0xA800;
	v2 =	vmul.f32 v2, v61;
	v6 =	vmul.f32 v33, v14;
	v7 =	vld [tilespmem:s21+$0x0];
	[tilespmem:$0x1FD20] =	vst v10  }
0x1d5: {  	s28 =	sor.u32 s13, s12;
	[tilespmem:s25+$0xF00] =	vst v3  }
0x1d6: {  	v1 =	vmul.f32 v1, v61;
	v3 =	vmul.f32 v6, v33;
	v6 =	vld [tilespmem:s28+$0x0];
	[tilespmem:s25+$0xF80] =	vst v2  }
0x1d7: {  	v2 =	vld [tilespmem:$0x1FD30];
	[tilespmem:$0x1FD40] =	vst v9  }
0x1d8: {  	[tilespmem:s25+$0x1000] =	vst v1  }
0x1d9: {  	v1 =	vld [tilespmem:$0x1FD50];
	_ =	sdelay $0x1  }
0x1da: {  	s16 =	simm.s32 $0xAC00  }
0x1db: {  	s29 =	sor.u32 s13, s16;
	v5 =	vmul.f32 v8, v8;
	v2 =	vmul.f32 v37, v2  }
0x1dc: {  	v8 =	vld [tilespmem:s29+$0x0]  }
0x1dd: {  	v0 =	vadd.f32 v5, v0;
	v5 =	vld [tilespmem:s15+$0x4000];
	v1 =	vmul.f32 v37, v1;
	[tilespmem:s26+$0x1100] =	vst v2  }
0x1de: {  	v3 =	vsub.f32 $1.500000000e+00, v3;
	v2 =	vld [tilespmem:$0x1FD60];
	[tilespmem:$0x1FD70] =	vst v7  }
0x1df: {  	[tilespmem:s26+$0x1180] =	vst v1  }
0x1e0: {  	v1 =	vmul.f32 v3, v33;
	v3 =	vld [tilespmem:$0x1FD80]  }
0x1e1: {  	v4 =	vmul.f32 v10, v10  }
0x1e2: {  	s18 =	simm.s32 $0xB000  }
0x1e3: {  	s30 =	sor.u32 s13, s18;
	v0 =	vadd.f32 v4, v0;
	v4 =	vmul.f32 v9, v9;
	v2 =	vmul.f32 v37, v2  }
0x1e4: {  	v9 =	vld [tilespmem:s30+$0x0]  }
0x1e5: {  	v0 =	vadd.f32 v4, v0;
	v4 =	vmul.f32 v7, v7;
	v7 =	vld [tilespmem:s15+$0x4400];
	v3 =	vmul.f32 v37, v3;
	[tilespmem:s26+$0x1200] =	vst v2  }
0x1e6: {  	v2 =	vld [tilespmem:$0x1FD90];
	[tilespmem:$0x1FDA0] =	vst v6  }
0x1e7: {  	[tilespmem:s26+$0x1280] =	vst v3  }
0x1e8: {  	v44 =	vmul.f32 v1, v16;
	v1 =	vld [tilespmem:$0x1FDB0];
	_ =	sdelay $0x2  }
0x1e9: {  	v2 =	vmul.f32 v37, v2;
	_ =	sdelay $0x1  }
0x1ea: {  	v1 =	vmul.f32 v37, v1;
	[tilespmem:s26+$0x1300] =	vst v2  }
0x1eb: {  	v2 =	vld [tilespmem:$0x1FDC0]  }
0x1ec: {  	s19 =	simm.s32 $0xB400;
	[tilespmem:s26+$0x1380] =	vst v1  }
0x1ed: {  	s31 =	sor.u32 s13, s19;
	v1 =	vld [tilespmem:$0x1FDD0]  }
0x1ee: {  	v0 =	vadd.f32 v4, v0;
	v4 =	vmul.f32 v6, v6;
	v10 =	vld [tilespmem:s31+$0x0]  }
0x1ef: {  	s21 =	simm.s32 $0xB800;
	v6 =	vld [tilespmem:s15+$0x4800]  }
0x1f0: {  	s13 =	sor.u32 s13, s21;
	v0 =	vadd.f32 v4, v0;
	v4 =	vld [tilespmem:$0x1FDE0];
	v2 =	vmul.f32 v37, v2  }
0x1f1: {  	v50 =	vld [tilespmem:s13+$0x0]  }
0x1f2: {  	v14 =	vld [tilespmem:s15+$0x4C00];
	v1 =	vmul.f32 v37, v1;
	[tilespmem:s26+$0x1400] =	vst v2  }
0x1f3: {  	v2 =	vld [tilespmem:$0x1FDF0];
	[tilespmem:$0x1FE00] =	vst v9  }
0x1f4: {  	v3 =	vmul.f32 v8, v8;
	[tilespmem:s26+$0x1480] =	vst v1  }
0x1f5: {  	v4 =	vmul.f32 v37, v4;
	[tilespmem:$0x1FE10] =	vst v5  }
0x1f6: {  	v0 =	vadd.f32 v3, v0;
	v3 =	vmul.f32 v9, v9;
	[tilespmem:$0x1FE20] =	vst v7  }
0x1f7: {  	[tilespmem:s26+$0x1500] =	vst v4  }
0x1f8: {  	v0 =	vadd.f32 v3, v0;
	v3 =	vld [tilespmem:$0x1FE30];
	v2 =	vmul.f32 v37, v2;
	_ =	sdelay $0x1  }
0x1f9: {  	[tilespmem:s26+$0x1580] =	vst v2  }
0x1fa: {  	v2 =	vld [tilespmem:$0x1FE40];
	_ =	sdelay $0x1  }
0x1fb: {  	v3 =	vmul.f32 v37, v3  }
0x1fc: {  	[tilespmem:$0x1FE50] =	vst v6  }
0x1fd: {  	[tilespmem:s26+$0x1600] =	vst v3  }
0x1fe: {  	v3 =	vld [tilespmem:$0x1FE60];
	v2 =	vmul.f32 v37, v2;
	_ =	sdelay $0x1  }
0x1ff: {  	[tilespmem:s26+$0x1680] =	vst v2  }
0x200: {  	v2 =	vld [tilespmem:$0x1FE70];
	_ =	sdelay $0x1  }
0x201: {  	v3 =	vmul.f32 v37, v3  }
0x202: {  	v4 =	vmul.f32 v10, v10  }
0x203: {  	[tilespmem:s26+$0x1700] =	vst v3  }
0x204: {  	v0 =	vadd.f32 v4, v0;
	v4 =	vmul.f32 v50, v50;
	v3 =	vld [tilespmem:$0x1FE80];
	v2 =	vmul.f32 v37, v2  }
0x205: {  	v1 =	vmul.f32 v5, v5;
	v5 =	vmul.f32 v7, v7  }
0x206: {  	v0 =	vadd.f32 v4, v0;
	v4 =	vld [tilespmem:$0x1FE90];
	[tilespmem:s26+$0x1780] =	vst v2  }
0x207: {  	v1 =	vadd.f32 v5, v1;
	v5 =	vmul.f32 v6, v6;
	v2 =	vld [tilespmem:$0x1FEA0];
	_ =	sdelay $0x1  }
0x208: {  	v1 =	vadd.f32 v5, v1;
	v5 =	vmul.f32 v14, v14;
	v3 =	vmul.f32 v37, v3;
	_ =	sdelay $0x1  }
0x209: {  	v1 =	vadd.f32 v5, v1;
	v5 =	vld [tilespmem:$0x1FEB0];
	v4 =	vmul.f32 v37, v4;
	[tilespmem:s26+$0x1800] =	vst v3  }
0x20a: {  	v3 =	vld [tilespmem:$0x1FEC0];
	v2 =	vmul.f32 v37, v2  }
0x20b: {  	v6 =	vld [tilespmem:$0x1FED0];
	[tilespmem:s26+$0x1880] =	vst v4  }
0x20c: {  	v0 =	vmax.f32 v0, $1.000000020e-24;
	v4 =	vld [tilespmem:$0x1FEE0];
	[tilespmem:s26+$0x1900] =	vst v2  }
0x20d: {  	v7 =	vshra.s32 v0, $0x1;
	v58 =	vmul.f32 $5.000000000e-01, v0;
	v0 =	vld [tilespmem:$0x1FEF0]  }
0x20e: {  	v5 =	vmul.f32 v37, v5  }
0x20f: {  	v3 =	vmul.f32 v37, v3  }
0x210: {  	[tilespmem:s26+$0x1980] =	vst v5;
	v6 =	vmul.f32 v37, v6  }
0x211: {  	v5 =	vld [tilespmem:$0x1FF00];
	v4 =	vmul.f32 v37, v4;
	[tilespmem:s26+$0x1A00] =	vst v3  }
0x212: {  	v3 =	vld [tilespmem:$0x1FF10];
	[tilespmem:s26+$0x1A80] =	vst v6;
	v0 =	vmul.f32 v37, v0  }
0x213: {  	v6 =	vld [tilespmem:$0x1FF20];
	[tilespmem:s26+$0x1B00] =	vst v4  }
0x214: {  	v4 =	vld [tilespmem:$0x1FF30];
	[tilespmem:s26+$0x1B80] =	vst v0  }
0x215: {  	v0 =	vld [tilespmem:$0x1FF40];
	_ =	sdelay $0x3  }
0x216: {  	v16 =	vld [tilespmem:s15+$0x5000]  }
0x217: {  	v2 =	vsub.s32 $0x5F3759DF, v7;
	v9 =	vmul.f32 v37, v0;
	v0 =	vld [tilespmem:$0x1FF50]  }
0x218: {  	v26 =	vmov v8;
	v8 =	vmul.f32 v2, v58  }
0x219: {  	v12 =	vld [tilespmem:s15+$0x5400]  }
0x21a: {  	v15 =	vld [tilespmem:s15+$0x5800];
	v8 =	vmul.f32 v2, v8;
	v5 =	vmul.f32 v37, v5  }
0x21b: {  	v17 =	vld [tilespmem:s15+$0x5C00];
	v7 =	vmul.f32 v16, v16;
	v3 =	vmul.f32 v37, v3  }
0x21c: {  	v25 =	vmovc v10;
	v6 =	vmul.f32 v37, v6;
	v10 =	vmul.f32 v37, v0;
	v0 =	vsub.f32 $1.500000000e+00, v8;
	v8 =	vld [tilespmem:$0x1FF60];
	[tilespmem:s26+$0x1C00] =	vst v5  }
0x21d: {  	v56 =	vld [tilespmem:s15+$0x6000];
	[tilespmem:s26+$0x1C80] =	vst v3  }
0x21e: {  	v1 =	vadd.f32 v7, v1;
	v7 =	vmul.f32 v12, v12;
	v0 =	vmul.f32 v2, v0;
	v2 =	vld [tilespmem:$0x1FF70];
	[tilespmem:s26+$0x1D00] =	vst v6  }
0x21f: {  	v3 =	vld [tilespmem:$0x1FF80]  }
0x220: {  	v55 =	vld [tilespmem:s15+$0x6400];
	v1 =	vadd.f32 v7, v1;
	v7 =	vmul.f32 v15, v15  }
0x221: {  	v54 =	vld [tilespmem:s15+$0x6800];
	v4 =	vmul.f32 v37, v4  }
0x222: {  	v51 =	vld [tilespmem:s15+$0x6C00];
	v1 =	vadd.f32 v7, v1;
	v5 =	vmul.f32 v17, v17  }
0x223: {  	v33 =	vld [tilespmem:s15+$0x7000];
	[tilespmem:s26+$0x1D80] =	vst v4  }
0x224: {  	v1 =	vadd.f32 v5, v1;
	v4 =	vld [tilespmem:$0x1FF90];
	v5 =	vmul.f32 v44, v3;
	v3 =	vmul.f32 v56, v56  }
0x225: {  	v6 =	vld [tilespmem:$0x1FFA0];
	[tilespmem:s26+$0x1E00] =	vst v9  }
0x226: {  	v1 =	vadd.f32 v3, v1;
	v3 =	vld [tilespmem:$0x1FFB0]  }
0x227: {  	v52 =	vld [tilespmem:s15+$0x7400]  }
0x228: {  	v53 =	vld [tilespmem:s15+$0x7800]  }
0x229: {  	s0 =	sor.u32 s3, s0;
	v34 =	vld [tilespmem:s15+$0x7C00]  }
0x22a: {  	s2 =	sor.u32 s3, s2;
	v35 =	vld [tilespmem:s0+$0x0];
	v8 =	vmul.f32 v37, v8  }
0x22b: {  	v38 =	vld [tilespmem:s2+$0x0];
	[tilespmem:s26+$0x1E80] =	vst v10;
	v7 =	vmul.f32 v44, v3;
	v3 =	vmul.f32 v55, v55  }
0x22c: {  	v9 =	vld [tilespmem:$0x1FFC0];
	[tilespmem:s26+$0x1F00] =	vst v8  }
0x22d: {  	s13 =	sor.u32 s3, s4;
	v1 =	vadd.f32 v3, v1;
	v3 =	vld [tilespmem:$0x1FFD0]  }
0x22e: {  	s20 =	sor.u32 s3, s8;
	v39 =	vld [tilespmem:s13+$0x0];
	v48 =	vmul.f32 v33, v33  }
0x22f: {  	s1 =	sor.u32 s3, s1;
	v42 =	vld [tilespmem:s20+$0x0];
	v57 =	vmul.f32 v53, v53;
	v2 =	vmul.f32 v44, v2  }
0x230: {  	v24 =	vmov v60;
	s15 =	sor.u32 s3, s5;
	v60 =	vmul.f32 v34, v34;
	v62 =	vmul.f32 v35, v35;
	v37 =	vld [tilespmem:s1+$0x0]  }
0x231: {  	v40 =	vld [tilespmem:s15+$0x0];
	v4 =	vmul.f32 v44, v4;
	v6 =	vmul.f32 v44, v6;
	[tilespmem:s22+$0x1080] =	vst v2  }
0x232: {  	s17 =	sor.u32 s3, s7;
	v8 =	vmul.f32 v54, v54;
	v49 =	vmul.f32 v44, v3;
	v3 =	vld [tilespmem:$0x1FFE0];
	[tilespmem:s22+$0x1100] =	vst v5  }
0x233: {  	s28 =	sor.u32 s3, s10;
	v41 =	vld [tilespmem:s17+$0x0];
	v36 =	vmul.f32 v44, v9;
	v9 =	vmul.f32 v0, v58;
	[tilespmem:s22+$0x1180] =	vst v4  }
0x234: {  	s29 =	sor.u32 s3, s11;
	v46 =	vld [tilespmem:s28+$0x0];
	v10 =	vmul.f32 v38, v38;
	v5 =	vadd.f32 v8, v1;
	v8 =	vmul.f32 v51, v51;
	[tilespmem:s22+$0x1200] =	vst v6  }
0x235: {  	v47 =	vld [tilespmem:s29+$0x0];
	s26 =	sor.u32 s3, s9;
	v2 =	vmul.f32 v9, v0;
	v9 =	vmul.f32 v37, v37;
	[tilespmem:s22+$0x1280] =	vst v7  }
0x236: {  	s31 =	sor.u32 s3, s16;
	v45 =	vld [tilespmem:s26+$0x0];
	v1 =	vmul.f32 v52, v52;
	[tilespmem:s22+$0x1300] =	vst v36;
	v7 =	vmul.f32 v40, v40;
	v4 =	vadd.f32 v8, v5  }
0x237: {  	v22 =	vmovc v61;
	s30 =	sor.u32 s3, s12;
	s12 =	sor.u32 s3, s18;
	v36 =	vsub.f32 $1.500000000e+00, v2;
	v2 =	vmul.f32 v42, v42;
	v8 =	vmul.f32 v39, v39;
	[tilespmem:s22+$0x1380] =	vst v49;
	v49 =	vld [tilespmem:s31+$0x0]  }
0x238: {  	s2 =	sor.u32 s3, s19;
	s1 =	sor.u32 s3, s21;
	s26 =	simm.s32 $0x2;
	v5 =	vadd.f32 v48, v4;
	v48 =	vld [tilespmem:s30+$0x0];
	v4 =	vmul.f32 v41, v41;
	[tilespmem:$0x1FFF0] =	vst v63;
	v3 =	vmul.f32 v44, v3  }
.LBB2_2:
0x239: {  	_ = 	snop  }
0x23a: {  	[tilespmem:$0x1F850] =	vst v43;
	v43 =	vmul.f32 v36, v0;
	v0 =	vld [tilespmem:$0x1F8D0];
	_ =	sdelay $0x2  }
0x23b: {  	v63 =	vld [tilespmem:s12+$0x0]  }
0x23c: {  	[tilespmem:s22+$0x1400] =	vst v3;
	v3 =	vld [tilespmem:$0x1F8C0]  }
0x23d: {  	v61 =	vadd.f32 v1, v5;
	v1 =	vld [tilespmem:s2+$0x0];
	v0 =	vmul.f32 v44, v0  }
0x23e: {  	v36 =	vld [tilespmem:s1+$0x0]  }
0x23f: {  	[tilespmem:s22+$0x1500] =	vst v0;
	v0 =	vld [tilespmem:$0x1F8E0];
	_ =	sdelay $0x1  }
0x240: {  	[tilespmem:$0x1F880] =	vst v16;
	s26 =	sadd.s32 $0x2, s26;
	s23 =	sadd.s32 $0x20, s23;
	v16 =	vld [tilespmem:$0x1F970]  }
0x241: {  	[tilespmem:$0x1F8B0] =	vst v17;
	v17 =	vld [tilespmem:$0x1F9B0];
	s3 =	sshrl.u32 s26, $0x3;
	s29 =	sand.u32 $0x60, s23  }
0x242: {  	[tilespmem:$0x1F840] =	vst v24;
	v24 =	vmovc v59;
	v19 =	vld [tilespmem:$0x1F9D0];
	s0 =	sshll.u32 s3, $0x7;
	s30 =	sor.u32 $0x10, s29;
	v59 =	vmul.f32 v44, v3;
	v3 =	vmov v56;
	v56 =	vadd.f32 v57, v61  }
0x243: {  	v11 =	vmov v54;
	v20 =	vld [tilespmem:$0x1F9E0];
	s13 =	sor.u32 s0, s30;
	v0 =	vmul.f32 v44, v0  }
0x244: {  	v61 =	vmul.f32 v43, v58;
	v58 =	vld [tilespmem:s13+$0x0];
	[tilespmem:$0x1F8E0] =	vst v11;
	v11 =	vadd.f32 v60, v56  }
0x245: {  	s20 =	sor.u32 $0x400, s13;
	[tilespmem:s22+$0x1580] =	vst v0;
	v0 =	vld [tilespmem:$0x1F8F0]  }
0x246: {  	s31 =	sor.u32 $0x800, s13;
	[tilespmem:s22+$0x1480] =	vst v59;
	v59 =	vld [tilespmem:s20+$0x0];
	v11 =	vadd.f32 v62, v11  }
0x247: {  	v60 =	vld [tilespmem:s31+$0x0]  }
0x248: {  	[tilespmem:$0x1F890] =	vst v12;
	v12 =	vmov v55;
	s2 =	sor.u32 $0xC00, s13;
	v11 =	vadd.f32 v9, v11;
	v9 =	vld [tilespmem:$0x1F920]  }
0x249: {  	[tilespmem:$0x1F8D0] =	vst v12;
	s4 =	sor.u32 $0x1000, s13;
	v12 =	vmul.f32 v61, v43;
	v61 =	vld [tilespmem:s2+$0x0]  }
0x24a: {  	s20 =	sor.u32 $0x2000, s13;
	v62 =	vld [tilespmem:s4+$0x0];
	v0 =	vmul.f32 v44, v0  }
0x24b: {  	[tilespmem:$0x1F8A0] =	vst v15;
	v12 =	vsub.f32 $1.500000000e+00, v12;
	v11 =	vadd.f32 v10, v11;
	v10 =	vld [tilespmem:s20+$0x0]  }
0x24c: {  	s17 =	sor.u32 $0x1800, s13;
	[tilespmem:s22+$0x1600] =	vst v0;
	v0 =	vld [tilespmem:$0x1F900]  }
0x24d: {  	v12 =	vmul.f32 v12, v43;
	v8 =	vadd.f32 v8, v11;
	v43 =	vmul.f32 v44, v9;
	v9 =	vmovc v53;
	v53 =	vld [tilespmem:s17+$0x0]  }
0x24e: {  	v13 =	vmov v51;
	[tilespmem:$0x1F920] =	vst v9;
	v9 =	vld [tilespmem:$0x1F930]  }
0x24f: {  	s31 =	sor.u32 $0x2400, s13;
	[tilespmem:$0x1F8F0] =	vst v13;
	v7 =	vadd.f32 v7, v8;
	v8 =	vld [tilespmem:$0x1F990]  }
0x250: {  	v15 =	vmov v33;
	v33 =	vmax.f32 v58, v59;
	[tilespmem:s22+$0x1780] =	vst v43;
	v43 =	vld [tilespmem:s31+$0x0]  }
0x251: {  	[tilespmem:$0x1F900] =	vst v15;
	v15 =	vmax.f32 v33, v60;
	v13 =	vmul.f32 v44, v0;
	v0 =	vld [tilespmem:$0x1F910]  }
0x252: {  	v4 =	vadd.f32 v4, v7;
	v33 =	vmul.f32 v12, v22;
	v12 =	vmax.f32 v15, v61;
	v15 =	vld [tilespmem:$0x1F960]  }
0x253: {  	v7 =	vld [tilespmem:$0x1F9C0]  }
0x254: {  	[tilespmem:$0x1F860] =	vst v22;
	v2 =	vadd.f32 v2, v4;
	v4 =	vld [tilespmem:$0x1F9F0];
	v11 =	vmul.f32 v33, v50  }
0x255: {  	v50 =	vmul.f32 v44, v16;
	[tilespmem:s22+$0x1680] =	vst v13;
	v13 =	vmul.f32 v44, v9;
	v9 =	vld [tilespmem:$0x1F940]  }
0x256: {  	[tilespmem:$0x1F870] =	vst v14;
	v22 =	vld [tilespmem:$0x1FA10];
	v14 =	vmul.f32 v44, v0  }
0x257: {  	v6 =	vmul.f32 v45, v45;
	v16 =	vld [tilespmem:$0x1F980];
	[tilespmem:s22+$0x1A00] =	vst v50;
	v15 =	vmul.f32 v44, v15  }
0x258: {  	[tilespmem:s22+$0x1700] =	vst v14;
	v14 =	vld [tilespmem:$0x1F950]  }
0x259: {  	s20 =	sor.u32 $0x2800, s13;
	v2 =	vadd.f32 v6, v2;
	v6 =	vld [tilespmem:$0x1FA20];
	[tilespmem:s22+$0x1980] =	vst v15  }
0x25a: {  	s5 =	sor.u32 $0x1400, s13;
	[tilespmem:s22+$0x1800] =	vst v13;
	v13 =	vld [tilespmem:s20+$0x0];
	v0 =	vmov v52;
	v52 =	vmul.f32 v44, v9  }
0x25b: {  	s17 =	sor.u32 $0x1C00, s13;
	[tilespmem:$0x1F910] =	vst v0;
	v0 =	vld [tilespmem:s5+$0x0]  }
0x25c: {  	s31 =	sor.u32 $0x2C00, s13;
	v9 =	vld [tilespmem:s17+$0x0];
	[tilespmem:s22+$0x1880] =	vst v52;
	v52 =	vmul.f32 v44, v16  }
0x25d: {  	s20 =	sor.u32 $0x3000, s13;
	v16 =	vld [tilespmem:s31+$0x0];
	[tilespmem:s24+$0x1F80] =	vst v11;
	v14 =	vmul.f32 v44, v14  }
0x25e: {  	v5 =	vmul.f32 v46, v46;
	s28 =	sor.u32 s29, s0;
	v11 =	vld [tilespmem:s20+$0x0];
	[tilespmem:s22+$0x1A80] =	vst v52  }
0x25f: {  	s21 =	sor.u32 $0x400, s28;
	v8 =	vmul.f32 v44, v8;
	[tilespmem:s22+$0x1900] =	vst v14;
	v14 =	vld [tilespmem:$0x1F9A0]  }
0x260: {  	v12 =	vmax.f32 v12, v62;
	v2 =	vadd.f32 v5, v2;
	v5 =	vmul.f32 v33, v29;
	v52 =	vld [tilespmem:s21+$0x0]  }
0x261: {  	v17 =	vmul.f32 v44, v17;
	s31 =	sor.u32 $0x3400, s13;
	v12 =	vmax.f32 v12, v0;
	[tilespmem:s22+$0x1B00] =	vst v8;
	v8 =	vld [tilespmem:$0x1FA00]  }
0x262: {  	v19 =	vmul.f32 v44, v19;
	v20 =	vmul.f32 v44, v20;
	v18 =	vld [tilespmem:s31+$0x0];
	s20 =	sor.u32 $0x3800, s13;
	v12 =	vmax.f32 v12, v53  }
0x263: {  	[tilespmem:$0x1F8C0] =	vst v3;
	v3 =	vmul.f32 v47, v47;
	v7 =	vmul.f32 v44, v7;
	s31 =	sor.u32 $0x3C00, s13;
	v15 =	vld [tilespmem:s20+$0x0];
	v12 =	vmax.f32 v12, v9  }
0x264: {  	v21 =	vld [tilespmem:s31+$0x0];
	[tilespmem:s24+$0x1180] =	vst v5;
	v5 =	vmov v38;
	v12 =	vmax.f32 v12, v10;
	v14 =	vmul.f32 v44, v14  }
0x265: {  	v4 =	vmul.f32 v44, v4;
	v22 =	vmul.f32 v44, v22;
	[tilespmem:$0x1F960] =	vst v5;
	v12 =	vmax.f32 v12, v43  }
0x266: {  	s18 =	sor.u32 $0x800, s28;
	v6 =	vmul.f32 v44, v6;
	v12 =	vmax.f32 v12, v13;
	v50 =	vld [tilespmem:s28+$0x0];
	v8 =	vmul.f32 v44, v8;
	[tilespmem:s22+$0x1B80] =	vst v14  }
0x267: {  	v14 =	vmul.f32 v33, v27;
	v27 =	vadd.f32 v3, v2;
	v2 =	vmov v1;
	v44 =	vld [tilespmem:s18+$0x0];
	[tilespmem:s22+$0x1C00] =	vst v17  }
0x268: {  	s19 =	sor.u32 $0xC00, s28;
	v12 =	vmax.f32 v12, v16;
	[tilespmem:$0x1FA10] =	vst v2  }
0x269: {  	v23 =	vmul.f32 v33, v28;
	v12 =	vmax.f32 v12, v11;
	v28 =	vld [tilespmem:s19+$0x0];
	[tilespmem:s22+$0x1C80] =	vst v7  }
0x26a: {  	s15 =	sor.u32 $0x1000, s28;
	v12 =	vmax.f32 v12, v18;
	v17 =	vmul.f32 v33, v31;
	[tilespmem:s24+$0x1080] =	vst v14  }
0x26b: {  	v12 =	vmax.f32 v12, v15;
	v29 =	vld [tilespmem:s15+$0x0];
	[tilespmem:s22+$0x1D00] =	vst v19  }
0x26c: {  	s16 =	sor.u32 $0x1400, s28;
	v7 =	vmax.f32 v12, v21;
	[tilespmem:s24+$0x1280] =	vst v17  }
0x26d: {  	s11 =	sor.u32 $0x1800, s28;
	v12 =	vmul.f32 v33, v30;
	vm0 =	veq.f32 v21, v7;
	v30 =	vld [tilespmem:s16+$0x0];
	[tilespmem:s22+$0x1D80] =	vst v20;
	v20 =	vimm.s32 $0x0  }
0x26e: {  	v54 =	vmul.f32 v1, v1;
	v31 =	vld [tilespmem:s11+$0x0];
	v3 =	vsel vm0, $0xF, v20;
	[tilespmem:s22+$0x1E00] =	vst v4;
	v4 =	vmov v63  }
0x26f: {  	s12 =	sor.u32 $0x1C00, s28;
	v19 =	vmul.f32 v33, v32;
	v21 =	vmax.f32 v50, v52;
	vm9 =	veq.f32 v15, v7;
	[tilespmem:$0x1FA00] =	vst v4  }
0x270: {  	s9 =	sor.u32 $0x2000, s28;
	vm10 =	veq.f32 v18, v7;
	v32 =	vld [tilespmem:s12+$0x0];
	v4 =	vmax.f32 v21, v44;
	v15 =	vsel vm9, $0xE, v3;
	[tilespmem:s22+$0x1E80] =	vst v8  }
0x271: {  	vm11 =	veq.f32 v11, v7;
	v2 =	vld [tilespmem:s9+$0x0];
	v1 =	vmax.f32 v4, v28;
	v4 =	vsel vm10, $0xD, v15;
	[tilespmem:s22+$0x1F00] =	vst v22;
	v3 =	vmovc v36  }
0x272: {  	s10 =	sor.u32 $0x2400, s28;
	v56 =	vmul.f32 v63, v63;
	vm12 =	veq.f32 v16, v7;
	v4 =	vsel vm11, $0xC, v4;
	[tilespmem:$0x1FA20] =	vst v3  }
0x273: {  	s7 =	sor.u32 $0x2800, s28;
	vm13 =	veq.f32 v13, v7;
	v1 =	vmax.f32 v1, v29;
	v3 =	vld [tilespmem:s10+$0x0];
	[tilespmem:s22+$0x1F80] =	vst v6;
	v6 =	vmovc v34;
	v4 =	vsel vm12, $0xB, v4  }
0x274: {  	s8 =	sor.u32 $0x2C00, s28;
	vm14 =	veq.f32 v43, v7;
	v8 =	vmovc v35;
	v1 =	vmax.f32 v1, v30;
	[tilespmem:$0x1F930] =	vst v6;
	v6 =	vld [tilespmem:s7+$0x0];
	v4 =	vsel vm13, $0xA, v4  }
0x275: {  	s4 =	sor.u32 $0x3000, s28;
	v11 =	vmovc v37;
	vm15 =	veq.f32 v10, v7;
	[tilespmem:$0x1F940] =	vst v8;
	v8 =	vld [tilespmem:s8+$0x0];
	v1 =	vmax.f32 v1, v31;
	v4 =	vsel vm14, $0x9, v4  }
0x276: {  	s5 =	sor.u32 $0x3400, s28;
	vm4 =	veq.f32 v9, v7;
	v9 =	vmovc v39;
	[tilespmem:$0x1F950] =	vst v11;
	v11 =	vld [tilespmem:s4+$0x0];
	v1 =	vmax.f32 v1, v32;
	v4 =	vsel vm15, $0x8, v4  }
0x277: {  	s1 =	sor.u32 $0x3800, s28;
	vm1 =	veq.f32 v53, v7;
	v10 =	vmovc v40;
	[tilespmem:s24+$0x1200] =	vst v12;
	v5 =	vld [tilespmem:s5+$0x0];
	v1 =	vmax.f32 v1, v2;
	v4 =	vsel vm4, $0x7, v4  }
0x278: {  	s2 =	sor.u32 $0x3C00, s28;
	vm5 =	veq.f32 v0, v7;
	vm6 =	veq.f32 v62, v7;
	[tilespmem:$0x1F970] =	vst v9;
	v9 =	vld [tilespmem:s1+$0x0];
	v1 =	vmax.f32 v1, v3  }
0x279: {  	vm7 =	veq.f32 v61, v7;
	v13 =	vmovc v47;
	[tilespmem:$0x1F980] =	vst v10;
	v10 =	vld [tilespmem:s2+$0x0];
	v0 =	vsel vm1, $0x6, v4;
	v1 =	vmax.f32 v1, v6  }
0x27a: {  	v61 =	vimm.f32 $0.0e+00;
	[tilespmem:$0x1F9D0] =	vst v13;
	v63 =	vld [tilespmem:$0x1FFF0];
	v12 =	vmovc v48;
	v0 =	vsel vm5, $0x5, v0;
	v4 =	vmovc v41;
	v1 =	vmax.f32 v1, v8  }
0x27b: {  	vm8 =	veq.f32 v60, v7;
	v14 =	vmovc v46;
	[tilespmem:$0x1F9E0] =	vst v12;
	v12 =	vld [tilespmem:$0x1FA80];
	v0 =	vsel vm6, $0x4, v0;
	v1 =	vmax.f32 v1, v11  }
0x27c: {  	v13 =	vld [tilespmem:$0x1FA90];
	[tilespmem:$0x1F9C0] =	vst v14;
	vm9 =	veq.f32 v59, v7;
	v0 =	vsel vm7, $0x3, v0;
	v1 =	vmax.f32 v1, v5  }
0x27d: {  	v17 =	vld [tilespmem:$0x1FAE0];
	vm10 =	veq.f32 v58, v7;
	s4 =	sor.u32 s6, s3;
	[tilespmem:$0x1F990] =	vst v4;
	v0 =	vsel vm8, $0x2, v0;
	v4 =	vmovc v49;
	v1 =	vmax.f32 v1, v9  }
0x27e: {  	v14 =	vld [tilespmem:$0x1FAA0];
	v15 =	vmovc v45;
	v0 =	vsel vm9, $0x1, v0;
	[tilespmem:$0x1F9F0] =	vst v4;
	v1 =	vmax.f32 v1, v10;
	v4 =	vmov s4  }
0x27f: {  	[tilespmem:$0x1F9B0] =	vst v15;
	v15 =	vld [tilespmem:$0x1FAB0];
	v0 =	vsel vm10, $0x0, v0;
	vm11 =	veq.f32 v10, v1;
	vm12 =	vlt.s32 v4, v63  }
0x280: {  	v16 =	vmovc v42;
	s5 =	sshll.u32 s26, $0xA;
	v4 =	vperm.xlane v12, v0;
	vm13 =	veq.f32 v9, v1;
	vm15 =	veq.f32 v11, v1;
	v11 =	vld [tilespmem:$0x1FAC0]  }
0x281: {  	[tilespmem:$0x1F9A0] =	vst v16;
	v16 =	vld [tilespmem:$0x1FAD0];
	s1 =	sand.u32 $0x3FFFE000, s5;
	v9 =	vperm.xlane v24, v0;
	v10 =	vperm.xlane v13, v0;
	v34 =	vsel vm12, $0x3F800000, v61  }
0x282: {  	[tilespmem:s24+$0x1300] =	vst v19;
	v19 =	vld [tilespmem:$0x1FB10];
	s1 =	sadd.s32 $0xBC00, s1;
	vm4 =	veq.f32 v8, v1;
	v8 =	vperm.xlane v17, v0;
	v4 =	vmul.f32 v4, v34  }
0x283: {  	[tilespmem:s24+$0x1100] =	vst v23;
	v18 =	vld [tilespmem:$0x1FB00];
	s3 =	sor.u32 s30, s1;
	vm14 =	veq.f32 v5, v1;
	v5 =	vmul.f32 v9, v34;
	v9 =	vperm.xlane v14, v0  }
0x284: {  	vm5 =	veq.f32 v6, v1;
	[tilespmem:s3+$0x0] =	vst v4;
	v4 =	vmul.f32 v10, v34;
	v10 =	vperm.xlane v15, v0  }
0x285: {  	v7 =	vsel vm11, $0xF, v20;
	v20 =	vld [tilespmem:$0x1FB30];
	[tilespmem:s3+$0x80] =	vst v5;
	v5 =	vmul.f32 v9, v34;
	v9 =	vperm.xlane v11, v0  }
0x286: {  	v22 =	vld [tilespmem:$0x1FB60];
	v7 =	vsel vm13, $0xE, v7;
	[tilespmem:s3+$0x100] =	vst v4;
	v4 =	vmul.f32 v10, v34;
	v10 =	vperm.xlane v16, v0  }
0x287: {  	v21 =	vld [tilespmem:$0x1FB50];
	v6 =	vperm.xlane v19, v0;
	v7 =	vsel vm14, $0xD, v7;
	[tilespmem:s3+$0x180] =	vst v5;
	v5 =	vmul.f32 v9, v34  }
0x288: {  	v23 =	vld [tilespmem:$0x1FB80];
	v7 =	vsel vm15, $0xC, v7;
	v9 =	vperm.xlane v18, v0;
	[tilespmem:s3+$0x200] =	vst v4;
	v4 =	vmul.f32 v10, v34  }
0x289: {  	vm6 =	veq.f32 v3, v1;
	v7 =	vsel vm4, $0xB, v7;
	[tilespmem:s3+$0x280] =	vst v5;
	v5 =	vmul.f32 v8, v34  }
0x28a: {  	v7 =	vsel vm5, $0xA, v7;
	v8 =	vperm.xlane v20, v0;
	[tilespmem:s3+$0x300] =	vst v4;
	v4 =	vmul.f32 v9, v34  }
0x28b: {  	v59 =	vmovc v24;
	v24 =	vld [tilespmem:$0x1FBB0];
	v3 =	vmul.f32 v6, v34;
	v6 =	vsel vm6, $0x9, v7;
	v7 =	vperm.xlane v22, v0;
	[tilespmem:s3+$0x380] =	vst v5  }
0x28c: {  	v5 =	vperm.xlane v21, v0;
	[tilespmem:s3+$0x400] =	vst v4;
	v4 =	vmul.f32 v8, v34  }
0x28d: {  	vm9 =	veq.f32 v31, v1;
	v31 =	vld [tilespmem:$0x1FBF0];
	[tilespmem:s3+$0x480] =	vst v3;
	v3 =	vperm.xlane v23, v0  }
0x28e: {  	vm7 =	veq.f32 v2, v1;
	v2 =	vmul.f32 v5, v34;
	[tilespmem:s3+$0x500] =	vst v4;
	v4 =	vmul.f32 v7, v34;
	v7 =	vld [tilespmem:$0x1FBA0]  }
0x28f: {  	v55 =	vmul.f32 v49, v49;
	v37 =	vld [tilespmem:$0x1FC10]  }
0x290: {  	vm8 =	veq.f32 v32, v1;
	v32 =	vld [tilespmem:$0x1FBD0];
	[tilespmem:s3+$0x580] =	vst v2;
	v2 =	vmul.f32 v3, v34;
	v3 =	vperm.xlane v24, v0  }
0x291: {  	v57 =	vmul.f32 v48, v48;
	v51 =	vmul.f32 v36, v36;
	v39 =	vld [tilespmem:$0x1FC40];
	vm10 =	veq.f32 v30, v1  }
0x292: {  	v36 =	vld [tilespmem:$0x1FC00];
	vm11 =	veq.f32 v29, v1;
	[tilespmem:s3+$0x680] =	vst v2;
	v2 =	vmul.f32 v3, v34;
	v3 =	vperm.xlane v31, v0  }
0x293: {  	v41 =	vld [tilespmem:$0x1FC70];
	vm12 =	veq.f32 v28, v1;
	v5 =	vsel vm7, $0x8, v6;
	v6 =	vperm.xlane v7, v0  }
0x294: {  	v38 =	vld [tilespmem:$0x1FC30];
	vm13 =	veq.f32 v44, v1;
	[tilespmem:s3+$0x780] =	vst v2;
	v2 =	vmul.f32 v3, v34;
	v3 =	vperm.xlane v37, v0  }
0x295: {  	v43 =	vld [tilespmem:$0x1FA40];
	vm14 =	veq.f32 v52, v1;
	[tilespmem:s3+$0x600] =	vst v4;
	v4 =	vmul.f32 v6, v34;
	v6 =	vperm.xlane v32, v0  }
0x296: {  	v40 =	vld [tilespmem:$0x1FA30];
	vm15 =	veq.f32 v50, v1;
	[tilespmem:s3+$0x880] =	vst v2;
	v2 =	vmul.f32 v3, v34;
	v3 =	vperm.xlane v39, v0  }
0x297: {  	v45 =	vld [tilespmem:$0x1FCB0];
	v5 =	vsel vm8, $0x7, v5;
	[tilespmem:s3+$0x700] =	vst v4;
	v4 =	vmul.f32 v6, v34;
	v6 =	vperm.xlane v36, v0  }
0x298: {  	v42 =	vld [tilespmem:$0x1FC80];
	v5 =	vsel vm9, $0x6, v5;
	[tilespmem:s3+$0x980] =	vst v2;
	v2 =	vmul.f32 v3, v34;
	v3 =	vperm.xlane v41, v0  }
0x299: {  	v58 =	vld [tilespmem:$0x1FA70];
	v5 =	vsel vm10, $0x5, v5;
	[tilespmem:s3+$0x800] =	vst v4;
	v4 =	vmul.f32 v6, v34;
	v6 =	vperm.xlane v38, v0  }
0x29a: {  	v49 =	vld [tilespmem:$0x1FCD0];
	v5 =	vsel vm11, $0x4, v5;
	[tilespmem:s3+$0xA80] =	vst v2;
	v2 =	vmul.f32 v3, v34;
	v3 =	vperm.xlane v43, v0  }
0x29b: {  	v5 =	vsel vm12, $0x3, v5;
	[tilespmem:s3+$0x900] =	vst v4;
	v4 =	vmul.f32 v6, v34;
	v6 =	vperm.xlane v40, v0  }
0x29c: {  	v5 =	vsel vm13, $0x2, v5;
	[tilespmem:s3+$0xB80] =	vst v2;
	v2 =	vmul.f32 v3, v34;
	v3 =	vperm.xlane v45, v0  }
0x29d: {  	v5 =	vsel vm14, $0x1, v5;
	[tilespmem:s3+$0xA00] =	vst v4;
	v4 =	vmul.f32 v6, v34;
	v6 =	vperm.xlane v42, v0  }
0x29e: {  	[tilespmem:s3+$0xC80] =	vst v2;
	v1 =	vmul.f32 v3, v34;
	v2 =	vperm.xlane v58, v0;
	v3 =	vsel vm15, $0x0, v5  }
0x29f: {  	v5 =	vperm.xlane v49, v0;
	v8 =	vperm.xlane v59, v3  }
0x2a0: {  	v60 =	vld [tilespmem:$0x1FCE0];
	v9 =	vperm.xlane v14, v3;
	v10 =	vperm.xlane v11, v3  }
0x2a1: {  	v44 =	vld [tilespmem:$0x1FA50];
	v11 =	vperm.xlane v16, v3;
	v14 =	vperm.xlane v19, v3  }
0x2a2: {  	v16 =	vperm.xlane v21, v3;
	v19 =	vperm.xlane v7, v3  }
0x2a3: {  	v46 =	vld [tilespmem:$0x1FA60];
	v21 =	vperm.xlane v32, v3;
	v45 =	vperm.xlane v45, v3  }
0x2a4: {  	v47 =	vperm.xlane v58, v3;
	v49 =	vperm.xlane v49, v3  }
0x2a5: {  	v62 =	vld [tilespmem:$0x1FD00];
	v50 =	vperm.xlane v60, v3;
	[tilespmem:s3+$0xB00] =	vst v4;
	v4 =	vmul.f32 v6, v34  }
0x2a6: {  	v6 =	vperm.xlane v44, v0;
	[tilespmem:s3+$0xD80] =	vst v1;
	v1 =	vmul.f32 v2, v34  }
0x2a7: {  	v2 =	vperm.xlane v60, v0;
	v11 =	vmul.f32 v11, v34  }
0x2a8: {  	[tilespmem:s3+$0xC00] =	vst v4;
	v4 =	vmul.f32 v6, v34;
	v6 =	vperm.xlane v46, v0  }
0x2a9: {  	v14 =	vmul.f32 v14, v34;
	v16 =	vmul.f32 v16, v34  }
0x2aa: {  	v0 =	vperm.xlane v62, v0;
	[tilespmem:s3+$0xD00] =	vst v4;
	v4 =	vmul.f32 v6, v34  }
0x2ab: {  	[tilespmem:s3+$0xE80] =	vst v1;
	v1 =	vmul.f32 v2, v34;
	v46 =	vperm.xlane v46, v3;
	v6 =	vadd.f32 v57, v27  }
0x2ac: {  	v0 =	vmul.f32 v0, v34;
	[tilespmem:s3+$0xE00] =	vst v4;
	v4 =	vmul.f32 v5, v34  }
0x2ad: {  	v5 =	vperm.xlane v12, v3;
	v2 =	vadd.f32 v55, v6;
	v12 =	vperm.xlane v17, v3  }
0x2ae: {  	[tilespmem:s3+$0xF80] =	vst v1;
	v17 =	vperm.xlane v22, v3;
	v22 =	vperm.xlane v31, v3  }
0x2af: {  	s22 =	smov.u32 s25;
	s25 =	sor.u32 s29, s1;
	[tilespmem:s3+$0xF00] =	vst v4;
	v4 =	vperm.xlane v13, v3;
	v1 =	vadd.f32 v56, v2;
	v2 =	vperm.xlane v15, v3  }
0x2b0: {  	[tilespmem:s25+$0x300] =	vst v11;
	v13 =	vperm.xlane v18, v3;
	v15 =	vperm.xlane v20, v3  }
0x2b1: {  	[tilespmem:s3+$0x1000] =	vst v0;
	v18 =	vperm.xlane v23, v3;
	v20 =	vperm.xlane v24, v3  }
0x2b2: {  	[tilespmem:s25+$0x480] =	vst v14;
	v56 =	vperm.xlane v37, v3;
	v5 =	vmul.f32 v5, v34;
	v27 =	vld [tilespmem:s13+$0x4000]  }
0x2b3: {  	[tilespmem:s25+$0x580] =	vst v16;
	v37 =	vperm.xlane v38, v3;
	v12 =	vmul.f32 v12, v34;
	v28 =	vld [tilespmem:s13+$0x4400]  }
0x2b4: {  	v38 =	vperm.xlane v39, v3;
	v11 =	vmul.f32 v17, v34;
	v0 =	vadd.f32 v54, v1;
	[tilespmem:s25+$0x0] =	vst v5  }
0x2b5: {  	v39 =	vperm.xlane v40, v3;
	v14 =	vmul.f32 v22, v34;
	v29 =	vld [tilespmem:s13+$0x4800];
	[tilespmem:s25+$0x380] =	vst v12  }
0x2b6: {  	v40 =	vperm.xlane v41, v3;
	v4 =	vmul.f32 v4, v34;
	[tilespmem:s25+$0x600] =	vst v11;
	v0 =	vadd.f32 v51, v0  }
0x2b7: {  	v30 =	vld [tilespmem:s13+$0x4C00];
	v5 =	vmul.f32 v9, v34;
	v2 =	vmul.f32 v2, v34;
	[tilespmem:s25+$0x880] =	vst v14  }
0x2b8: {  	[tilespmem:s25+$0x100] =	vst v4;
	v0 =	vmax.f32 v0, $1.000000020e-24;
	v6 =	vmul.f32 v27, v27;
	v7 =	vmul.f32 v28, v28  }
0x2b9: {  	v31 =	vld [tilespmem:s13+$0x5000];
	v9 =	vmul.f32 v10, v34;
	v15 =	vmul.f32 v15, v34;
	[tilespmem:s25+$0x180] =	vst v5;
	v1 =	vshra.s32 v0, $0x1  }
0x2ba: {  	[tilespmem:s25+$0x200] =	vst v2;
	v35 =	vsub.s32 $0x5F3759DF, v1;
	v1 =	vadd.f32 v7, v6;
	v6 =	vmul.f32 v29, v29  }
0x2bb: {  	v41 =	vperm.xlane v42, v3;
	v32 =	vld [tilespmem:s13+$0x5400];
	v17 =	vmul.f32 v18, v34;
	[tilespmem:s25+$0x280] =	vst v9  }
0x2bc: {  	v53 =	vld [tilespmem:$0x1FCC0];
	v12 =	vmul.f32 v19, v34;
	[tilespmem:s25+$0x500] =	vst v15;
	v7 =	vmul.f32 v30, v30;
	v1 =	vadd.f32 v6, v1  }
0x2bd: {  	v42 =	vperm.xlane v43, v3;
	v18 =	vmul.f32 v20, v34;
	[tilespmem:s25+$0x680] =	vst v17;
	v6 =	vld [tilespmem:s13+$0x5800]  }
0x2be: {  	s12 =	sadd.s32 $0x8C00, s0;
	v24 =	vld [tilespmem:$0x1FAF0];
	v19 =	vmul.f32 v21, v34;
	[tilespmem:s25+$0x700] =	vst v12;
	v57 =	vmul.f32 v31, v31;
	v7 =	vadd.f32 v7, v1  }
0x2bf: {  	s15 =	sor.u32 s30, s12;
	v43 =	vperm.xlane v44, v3;
	v20 =	vmul.f32 v56, v34;
	[tilespmem:s25+$0x780] =	vst v18;
	v1 =	vld [tilespmem:s13+$0x5C00]  }
0x2c0: {  	v48 =	vld [tilespmem:s15+$0x0];
	v16 =	vmul.f32 v37, v34;
	[tilespmem:s25+$0x800] =	vst v19;
	v58 =	vmul.f32 v32, v32;
	v44 =	vadd.f32 v57, v7  }
0x2c1: {  	v23 =	vperm.xlane v36, v3;
	v11 =	vmul.f32 v38, v34;
	[tilespmem:s25+$0x980] =	vst v20;
	v7 =	vld [tilespmem:s13+$0x6000]  }
0x2c2: {  	v56 =	vld [tilespmem:s13+$0x7C00];
	v22 =	vmul.f32 v39, v34;
	[tilespmem:s25+$0xA00] =	vst v16;
	v60 =	vmul.f32 v6, v6;
	v44 =	vadd.f32 v58, v44  }
0x2c3: {  	v14 =	vmul.f32 v47, v34;
	v51 =	vperm.xlane v62, v3;
	v3 =	vld [tilespmem:s13+$0x6400];
	[tilespmem:s25+$0xA80] =	vst v11  }
0x2c4: {  	v62 =	vmul.f32 v8, v34;
	v8 =	vld [tilespmem:s13+$0x6800];
	[tilespmem:s25+$0xB00] =	vst v22;
	v54 =	vmul.f32 v1, v1;
	v44 =	vadd.f32 v60, v44  }
0x2c5: {  	v4 =	vld [tilespmem:s13+$0x6C00];
	v5 =	vmul.f32 v13, v34;
	[tilespmem:s25+$0xE80] =	vst v14  }
0x2c6: {  	s16 =	sadd.s32 $0x9000, s0;
	v2 =	vld [tilespmem:s13+$0x7000];
	v15 =	vmul.f32 v23, v34;
	[tilespmem:s25+$0x80] =	vst v62;
	v55 =	vmul.f32 v7, v7;
	v10 =	vadd.f32 v54, v44  }
0x2c7: {  	s17 =	sor.u32 s30, s16;
	v9 =	vld [tilespmem:s13+$0x7400];
	v17 =	vmul.f32 v40, v34;
	[tilespmem:s25+$0x400] =	vst v5  }
0x2c8: {  	v12 =	vmul.f32 v41, v34;
	v16 =	vld [tilespmem:s17+$0x0];
	[tilespmem:s25+$0x900] =	vst v15;
	v13 =	vmul.f32 v3, v3;
	v10 =	vadd.f32 v55, v10  }
0x2c9: {  	v18 =	vmul.f32 v43, v34;
	v5 =	vld [tilespmem:s13+$0x7800];
	[tilespmem:s25+$0xB80] =	vst v17  }
0x2ca: {  	v15 =	vmul.f32 v49, v34;
	[tilespmem:s25+$0xC00] =	vst v12;
	v17 =	vld [tilespmem:$0x1FB90];
	v10 =	vadd.f32 v13, v10;
	v13 =	vmul.f32 v8, v8  }
0x2cb: {  	v23 =	vmul.f32 v42, v34;
	v19 =	vmul.f32 v45, v34;
	[tilespmem:s25+$0xD00] =	vst v18;
	v18 =	vld [tilespmem:$0x1FBE0]  }
0x2cc: {  	s8 =	sadd.s32 $0x8400, s0;
	[tilespmem:s25+$0xF00] =	vst v15;
	v15 =	vld [tilespmem:$0x1FC90];
	v22 =	vmovc v3;
	v3 =	vmov v8;
	v10 =	vadd.f32 v13, v10;
	v13 =	vmul.f32 v4, v4  }
0x2cd: {  	s9 =	sor.u32 s30, s8;
	s4 =	sadd.s32 $0xA000, s0;
	v0 =	vmul.f32 $5.000000000e-01, v0;
	v43 =	vmov v16;
	[tilespmem:$0x1FB90] =	vst v3;
	v3 =	vmul.f32 v16, v16;
	v16 =	vld [tilespmem:$0x1FD70]  }
0x2ce: {  	v62 =	vmul.f32 v50, v34;
	[tilespmem:s25+$0xC80] =	vst v23;
	v57 =	vld [tilespmem:s9+$0x0];
	s9 =	sor.u32 s30, s4;
	v10 =	vadd.f32 v13, v10;
	v13 =	vmul.f32 v2, v2  }
0x2cf: {  	s7 =	sadd.s32 $0x8000, s0;
	v49 =	vmul.f32 v33, v24;
	[tilespmem:s25+$0xD80] =	vst v19;
	v50 =	vmul.f32 v35, v0;
	v24 =	vmov v6;
	v19 =	vld [tilespmem:s9+$0x0]  }
0x2d0: {  	s10 =	sadd.s32 $0x8800, s0;
	s1 =	sor.u32 s30, s7;
	v20 =	vmul.f32 v51, v34;
	v21 =	vmul.f32 v9, v9;
	[tilespmem:$0x1FAF0] =	vst v24;
	v24 =	vld [tilespmem:$0x1FB40];
	v13 =	vadd.f32 v13, v10  }
0x2d1: {  	s20 =	sadd.s32 $0x9800, s0;
	s11 =	sor.u32 s30, s10;
	s17 =	sadd.s32 $0xA800, s0;
	[tilespmem:s25+$0xF80] =	vst v62;
	v12 =	vmul.f32 v35, v50;
	v58 =	vmul.f32 v46, v34;
	v10 =	vld [tilespmem:s1+$0x0]  }
0x2d2: {  	s21 =	sor.u32 s30, s20;
	[tilespmem:s25+$0x1000] =	vst v20;
	v60 =	vld [tilespmem:s11+$0x0];
	s11 =	sor.u32 s29, s20;
	s20 =	sor.u32 s30, s17;
	v13 =	vadd.f32 v21, v13;
	v21 =	vmul.f32 v5, v5  }
0x2d3: {  	v12 =	vsub.f32 $1.500000000e+00, v12;
	[tilespmem:s25+$0xE00] =	vst v58;
	v20 =	vld [tilespmem:s20+$0x0]  }
0x2d4: {  	v38 =	vld [tilespmem:s28+$0x4400];
	v13 =	vadd.f32 v21, v13;
	v21 =	vmul.f32 v56, v56  }
0x2d5: {  	v12 =	vmul.f32 v35, v12;
	v51 =	vmul.f32 v33, v24;
	v24 =	vmovc v1;
	v1 =	vmov v7;
	v7 =	vld [tilespmem:$0x1FB70]  }
0x2d6: {  	[tilespmem:$0x1FB70] =	vst v22;
	v22 =	vld [tilespmem:$0x1F840];
	v13 =	vadd.f32 v21, v13;
	v21 =	vmul.f32 v10, v10  }
0x2d7: {  	s31 =	sadd.s32 $0x9C00, s0;
	v14 =	vmul.f32 v12, v0;
	v55 =	vld [tilespmem:$0x1F850]  }
0x2d8: {  	s2 =	sor.u32 s30, s31;
	v11 =	vmul.f32 v60, v60;
	v58 =	vmovc v60;
	v60 =	vld [tilespmem:$0x1FD20];
	v13 =	vadd.f32 v21, v13;
	v21 =	vmul.f32 v57, v57  }
0x2d9: {  	s18 =	sadd.s32 $0x9400, s0;
	v8 =	vld [tilespmem:s2+$0x0]  }
0x2da: {  	s19 =	sor.u32 s30, s18;
	v23 =	vmov v4;
	v14 =	vmul.f32 v14, v12;
	v4 =	vld [tilespmem:$0x1FC20];
	v6 =	vadd.f32 v21, v13  }
0x2db: {  	v52 =	vmov v5;
	[tilespmem:$0x1FB40] =	vst v1;
	v21 =	vld [tilespmem:s19+$0x0]  }
0x2dc: {  	[tilespmem:$0x1FC20] =	vst v52;
	v52 =	vld [tilespmem:s28+$0x7400];
	v1 =	vadd.f32 v11, v6;
	v6 =	vmul.f32 v48, v48  }
0x2dd: {  	v11 =	vld [tilespmem:s21+$0x0]  }
0x2de: {  	v36 =	vmul.f32 v33, v55;
	v55 =	vld [tilespmem:s28+$0x6400];
	v5 =	vmovc v56;
	v56 =	vsub.f32 $1.500000000e+00, v14;
	v14 =	vmovc v48;
	v1 =	vadd.f32 v6, v1  }
0x2df: {  	v2 =	vmov v2;
	[tilespmem:$0x1FCC0] =	vst v14;
	v14 =	vld [tilespmem:s28+$0x4800]  }
0x2e0: {  	[tilespmem:$0x1FBE0] =	vst v2;
	v54 =	vmovc v10;
	v10 =	vmov v57;
	v13 =	vld [tilespmem:$0x1FB20];
	v1 =	vadd.f32 v3, v1;
	v3 =	vmul.f32 v21, v21  }
0x2e1: {  	s13 =	sor.u32 s29, s12;
	s12 =	sadd.s32 $0xA400, s0;
	v12 =	vmul.f32 v56, v12;
	v56 =	vld [tilespmem:s28+$0x6000];
	[tilespmem:$0x1FC90] =	vst v10  }
0x2e2: {  	s15 =	sor.u32 s29, s16;
	s16 =	sor.u32 s30, s12;
	[tilespmem:$0x1FB20] =	vst v24;
	v6 =	vld [tilespmem:$0x1FBC0];
	v2 =	vmul.f32 v11, v11;
	v1 =	vadd.f32 v3, v1  }
0x2e3: {  	v24 =	vmov v9;
	v9 =	vld [tilespmem:s16+$0x0];
	[tilespmem:s24+$0x1380] =	vst v49  }
0x2e4: {  	s5 =	sor.u32 s29, s7;
	v10 =	vld [tilespmem:s28+$0x4000];
	s21 =	sor.u32 s29, s31;
	s31 =	sadd.s32 $0xAC00, s0;
	[tilespmem:$0x1FBC0] =	vst v23;
	v1 =	vadd.f32 v2, v1;
	v2 =	vmul.f32 v8, v8  }
0x2e5: {  	s7 =	sor.u32 s29, s8;
	s19 =	sor.u32 s29, s12;
	s12 =	sor.u32 s30, s31;
	v23 =	vld [tilespmem:$0x1FC50];
	[tilespmem:$0x1FC50] =	vst v5;
	v13 =	vmul.f32 v33, v13  }
0x2e6: {  	s8 =	sor.u32 s29, s10;
	s10 =	sor.u32 s29, s18;
	v7 =	vmul.f32 v33, v7;
	s16 =	sadd.s32 $0xB000, s0;
	v39 =	vld [tilespmem:s12+$0x0];
	[tilespmem:s24+$0x1480] =	vst v51;
	v1 =	vadd.f32 v2, v1;
	v2 =	vmul.f32 v19, v19  }
0x2e7: {  	s18 =	sor.u32 s29, s4;
	v17 =	vmul.f32 v33, v17;
	s4 =	sor.u32 s29, s17;
	v57 =	vld [tilespmem:$0x1FD10];
	s17 =	sor.u32 s30, s16;
	[tilespmem:s24+$0x1400] =	vst v13;
	v6 =	vmul.f32 v33, v6  }
0x2e8: {  	v18 =	vmul.f32 v33, v18;
	s20 =	sadd.s32 $0xB400, s0;
	v42 =	vld [tilespmem:s17+$0x0];
	[tilespmem:s24+$0x1500] =	vst v7;
	v1 =	vadd.f32 v2, v1;
	v2 =	vmul.f32 v9, v9  }
0x2e9: {  	v22 =	vmul.f32 v33, v22;
	s9 =	sor.u32 s29, s31;
	s31 =	sor.u32 s30, s20;
	v5 =	vld [tilespmem:$0x1FCA0];
	[tilespmem:s24+$0x1580] =	vst v17  }
0x2ea: {  	v62 =	vld [tilespmem:s31+$0x0];
	[tilespmem:s24+$0x1680] =	vst v18;
	v1 =	vadd.f32 v2, v1;
	v2 =	vmul.f32 v20, v20  }
0x2eb: {  	v15 =	vmul.f32 v33, v15;
	v35 =	vmul.f32 v33, v53;
	s0 =	sadd.s32 $0xB800, s0;
	v7 =	vld [tilespmem:$0x1FD40];
	[tilespmem:s24+$0x1600] =	vst v6;
	v6 =	vmov v11  }
0x2ec: {  	v0 =	vmul.f32 v12, v0;
	s1 =	sor.u32 s29, s0;
	s0 =	sor.u32 s30, s0;
	[tilespmem:$0x1FD10] =	vst v6;
	v6 =	vld [tilespmem:s28+$0x4C00];
	v1 =	vadd.f32 v2, v1;
	v2 =	vmul.f32 v39, v39  }
0x2ed: {  	v17 =	vmul.f32 v10, v10;
	v18 =	vmul.f32 v38, v38;
	v50 =	vld [tilespmem:s0+$0x0];
	[tilespmem:s24+$0x1700] =	vst v22;
	v22 =	vmovc v8;
	v8 =	vmov v19  }
0x2ee: {  	v21 =	vmov v21;
	[tilespmem:$0x1FD40] =	vst v8;
	v8 =	vld [tilespmem:s28+$0x5000];
	v1 =	vadd.f32 v2, v1;
	v2 =	vmul.f32 v42, v42  }
0x2ef: {  	v0 =	vmul.f32 v0, v12;
	v13 =	vld [tilespmem:$0x1FCF0];
	v17 =	vadd.f32 v18, v17;
	v18 =	vmul.f32 v14, v14  }
0x2f0: {  	v16 =	vmul.f32 v33, v16;
	[tilespmem:$0x1FCF0] =	vst v21;
	v3 =	vld [tilespmem:$0x1FC60];
	v1 =	vadd.f32 v2, v1;
	v2 =	vmul.f32 v62, v62  }
0x2f1: {  	v0 =	vsub.f32 $1.500000000e+00, v0;
	v21 =	vmovc v9;
	[tilespmem:s24+$0x1900] =	vst v15;
	v15 =	vld [tilespmem:$0x1F860];
	v9 =	vadd.f32 v18, v17;
	v17 =	vmul.f32 v6, v6  }
0x2f2: {  	v41 =	vmul.f32 v33, v60;
	v4 =	vmul.f32 v33, v4;
	[tilespmem:$0x1FCA0] =	vst v58;
	v19 =	vld [tilespmem:s28+$0x5400]  }
0x2f3: {  	v0 =	vmul.f32 v0, v12;
	[tilespmem:$0x1FD70] =	vst v21;
	v21 =	vld [tilespmem:s28+$0x5800];
	v12 =	vmul.f32 v8, v8;
	v9 =	vadd.f32 v17, v9  }
0x2f4: {  	v40 =	vmul.f32 v33, v57;
	[tilespmem:$0x1FC60] =	vst v54;
	v11 =	vld [tilespmem:$0x1FDA0];
	v1 =	vadd.f32 v2, v1;
	v2 =	vmov v20  }
0x2f5: {  	v23 =	vmul.f32 v33, v23;
	v3 =	vmul.f32 v33, v3;
	[tilespmem:$0x1FDA0] =	vst v2;
	v2 =	vadd.f32 v12, v9;
	v12 =	vld [tilespmem:$0x1FE10]  }
0x2f6: {  	v5 =	vmul.f32 v33, v5;
	[tilespmem:s24+$0x1780] =	vst v4;
	v44 =	vmul.f32 v0, v15;
	v15 =	vld [tilespmem:$0x1FE20]  }
0x2f7: {  	v13 =	vmul.f32 v33, v13;
	[tilespmem:s24+$0x1880] =	vst v3;
	v3 =	vld [tilespmem:$0x1FE00];
	v0 =	vmul.f32 v19, v19  }
0x2f8: {  	v51 =	vld [tilespmem:s28+$0x6C00];
	v4 =	vmul.f32 v33, v26;
	[tilespmem:s24+$0x1980] =	vst v5;
	v5 =	vmul.f32 v33, v25  }
0x2f9: {  	v54 =	vld [tilespmem:s28+$0x6800];
	[tilespmem:s24+$0x1800] =	vst v23;
	v23 =	vmul.f32 v50, v50;
	v9 =	vmul.f32 v21, v21;
	v0 =	vadd.f32 v0, v2  }
0x2fa: {  	[tilespmem:s24+$0x1A00] =	vst v35;
	v7 =	vmul.f32 v33, v7;
	v18 =	vld [tilespmem:s28+$0x5C00];
	v12 =	vmul.f32 v44, v12  }
0x2fb: {  	[tilespmem:$0x1FD20] =	vst v22;
	v15 =	vmul.f32 v44, v15;
	v1 =	vadd.f32 v23, v1;
	v0 =	vadd.f32 v9, v0;
	v9 =	vld [tilespmem:$0x1FE50]  }
0x2fc: {  	v11 =	vmul.f32 v33, v11;
	v3 =	vmul.f32 v33, v3;
	v33 =	vld [tilespmem:s28+$0x7000];
	[tilespmem:s22+$0x1080] =	vst v12  }
0x2fd: {  	v20 =	vmax.f32 v1, $1.000000020e-24;
	v53 =	vld [tilespmem:s28+$0x7800];
	[tilespmem:s22+$0x1100] =	vst v15  }
0x2fe: {  	[tilespmem:s24+$0x1B00] =	vst v13;
	v22 =	vmov v34;
	v2 =	vshra.s32 v20, $0x1;
	v58 =	vmul.f32 $5.000000000e-01, v20;
	v34 =	vld [tilespmem:s28+$0x7C00]  }
0x2ff: {  	[tilespmem:s24+$0x1C80] =	vst v7;
	v2 =	vsub.s32 $0x5F3759DF, v2;
	v1 =	vmov v42;
	v35 =	vld [tilespmem:s5+$0x0]  }
0x300: {  	v7 =	vmov v14;
	[tilespmem:$0x1FE00] =	vst v1;
	v1 =	vmul.f32 v2, v58;
	v9 =	vmul.f32 v44, v9;
	v37 =	vld [tilespmem:s7+$0x0]  }
0x301: {  	v13 =	vmul.f32 v18, v18;
	v17 =	vmov v38;
	[tilespmem:$0x1FE50] =	vst v7;
	v38 =	vld [tilespmem:s8+$0x0]  }
0x302: {  	v10 =	vmov v10;
	v7 =	vmul.f32 v2, v1;
	[tilespmem:s22+$0x1180] =	vst v9;
	v9 =	vld [tilespmem:$0x1F870]  }
0x303: {  	[tilespmem:$0x1FE10] =	vst v10;
	v10 =	vmul.f32 v56, v56;
	v0 =	vadd.f32 v13, v0  }
0x304: {  	v14 =	vmov v6;
	v6 =	vsub.f32 $1.500000000e+00, v7;
	v7 =	vld [tilespmem:$0x1F880]  }
0x305: {  	v12 =	vmul.f32 v55, v55;
	v0 =	vadd.f32 v10, v0  }
0x306: {  	[tilespmem:s24+$0x1D00] =	vst v16  }
0x307: {  	v16 =	vmovc v8;
	v8 =	vadd.f32 v12, v0;
	v0 =	vmul.f32 v2, v6;
	v2 =	vld [tilespmem:$0x1F890];
	v9 =	vmul.f32 v44, v9  }
0x308: {  	[tilespmem:s24+$0x1B80] =	vst v40;
	v26 =	vmov v39;
	v39 =	vld [tilespmem:s13+$0x0]  }
0x309: {  	v40 =	vld [tilespmem:s15+$0x0];
	v7 =	vmul.f32 v44, v7;
	[tilespmem:s22+$0x1200] =	vst v9  }
0x30a: {  	[tilespmem:s24+$0x1C00] =	vst v41;
	v41 =	vld [tilespmem:s10+$0x0]  }
0x30b: {  	v42 =	vld [tilespmem:s11+$0x0];
	[tilespmem:s22+$0x1280] =	vst v7  }
0x30c: {  	v2 =	vmul.f32 v44, v2;
	v45 =	vld [tilespmem:s21+$0x0]  }
0x30d: {  	v46 =	vld [tilespmem:s18+$0x0]  }
0x30e: {  	[tilespmem:s22+$0x1300] =	vst v2;
	v2 =	vld [tilespmem:$0x1F8A0];
	_ =	sdelay $0x3  }
0x30f: {  	[tilespmem:$0x1FE20] =	vst v17;
	v17 =	vmul.f32 v51, v51  }
0x310: {  	[tilespmem:s24+$0x1A80] =	vst v36;
	v15 =	vmul.f32 v54, v54;
	v47 =	vld [tilespmem:s19+$0x0];
	v2 =	vmul.f32 v44, v2  }
0x311: {  	[tilespmem:s24+$0x1E00] =	vst v4;
	v13 =	vmul.f32 v33, v33;
	v1 =	vmul.f32 v52, v52;
	v48 =	vld [tilespmem:s4+$0x0]  }
0x312: {  	p0 =	slt.u32 s26, $0x3E;
	v4 =	vadd.f32 v15, v8;
	v6 =	vmul.f32 v0, v58;
	v57 =	vmul.f32 v53, v53;
	[tilespmem:s22+$0x1380] =	vst v2;
	v2 =	vld [tilespmem:$0x1F8B0]  }
.Ltmp0:
0x313: {  	v25 =	vmov v62;
	[tilespmem:s24+$0x1F00] =	vst v5;
	v60 =	vmul.f32 v34, v34;
	v62 =	vmul.f32 v35, v35;
	(pc) =	sbr.rel @p0 .LBB2_2-.Ltmp0, $4  }
0x314: {  	[tilespmem:s24+$0x1D80] =	vst v11;
	v10 =	vmul.f32 v38, v38;
	v11 =	vadd.f32 v17, v4;
	v6 =	vmul.f32 v6, v0  }
0x315: {  	[tilespmem:s24+$0x1E80] =	vst v3;
	v8 =	vmul.f32 v39, v39;
	v9 =	vmul.f32 v37, v37  }
0x316: {  	v12 =	vmovc v19;
	v5 =	vadd.f32 v13, v11;
	v7 =	vmul.f32 v40, v40;
	v4 =	vmul.f32 v41, v41  }
0x317: {  	s2 =	sor.u32 s29, s20;
	s12 =	sor.u32 s29, s16;
	s24 =	smov.u32 s3;
	v15 =	vmovc v21;
	v17 =	vmovc v18;
	v36 =	vsub.f32 $1.500000000e+00, v6;
	v49 =	vld [tilespmem:s9+$0x0];
	v3 =	vmul.f32 v44, v2;
	v2 =	vmul.f32 v42, v42  }
0x318: {  	v1 =	vadd.f32 v1, v5;
	_ =	sdelay $0x1  }
0x319: {  	v1 =	vadd.f32 v57, v1;
	_ =	sdelay $0x1  }
0x31a: {  	v1 =	vadd.f32 v60, v1;
	_ =	sdelay $0x1  }
0x31b: {  	v1 =	vadd.f32 v62, v1;
	_ =	sdelay $0x1  }
0x31c: {  	v1 =	vadd.f32 v9, v1;
	_ =	sdelay $0x1  }
0x31d: {  	v1 =	vadd.f32 v10, v1;
	_ =	sdelay $0x1  }
0x31e: {  	v1 =	vadd.f32 v8, v1  }
0x31f: {  	v8 =	vld [tilespmem:$0x1F8C0]  }
0x320: {  	v1 =	vadd.f32 v7, v1;
	_ =	sdelay $0x1  }
0x321: {  	v1 =	vadd.f32 v4, v1;
	_ =	sdelay $0x1  }
0x322: {  	v1 =	vadd.f32 v2, v1;
	v2 =	vmul.f32 v44, v8  }
0x323: {  	[tilespmem:s22+$0x1400] =	vst v3  }
0x324: {  	v3 =	vld [tilespmem:$0x1F8D0];
	[tilespmem:s22+$0x1480] =	vst v2  }
0x325: {  	v2 =	vld [tilespmem:$0x1F8E0];
	_ =	sdelay $0x3  }
0x326: {  	v3 =	vmul.f32 v44, v3  }
0x327: {  	v2 =	vmul.f32 v44, v2  }
0x328: {  	[tilespmem:s22+$0x1500] =	vst v3  }
0x329: {  	v3 =	vld [tilespmem:$0x1F8F0];
	[tilespmem:s22+$0x1580] =	vst v2  }
0x32a: {  	v13 =	vld [tilespmem:$0x1F900];
	_ =	sdelay $0x3  }
0x32b: {  	v3 =	vmul.f32 v44, v3  }
0x32c: {  	v18 =	vmul.f32 v44, v13  }
0x32d: {  	[tilespmem:s22+$0x1600] =	vst v3  }
0x32e: {  	v19 =	vld [tilespmem:$0x1F910];
	[tilespmem:s22+$0x1680] =	vst v18  }
0x32f: {  	v23 =	vld [tilespmem:$0x1F920];
	_ =	sdelay $0x3  }
0x330: {  	v0 =	vmul.f32 v36, v0;
	v20 =	vmul.f32 v44, v19  }
0x331: {  	v36 =	vmul.f32 v44, v23  }
0x332: {  	v62 =	vmul.f32 v0, v58;
	[tilespmem:s22+$0x1700] =	vst v20  }
0x333: {  	v58 =	vld [tilespmem:$0x1F930];
	[tilespmem:s22+$0x1780] =	vst v36  }
0x334: {  	v4 =	vmul.f32 v62, v0;
	v5 =	vld [tilespmem:$0x1F940];
	_ =	sdelay $0x1  }
0x335: {  	v4 =	vsub.f32 $1.500000000e+00, v4;
	_ =	sdelay $0x1  }
0x336: {  	v0 =	vmul.f32 v4, v0;
	v60 =	vmul.f32 v44, v58  }
0x337: {  	v5 =	vmul.f32 v44, v5  }
0x338: {  	v9 =	vmul.f32 v45, v45;
	v2 =	vmul.f32 v0, v22;
	[tilespmem:s22+$0x1800] =	vst v60  }
0x339: {  	[tilespmem:s22+$0x1880] =	vst v5  }
0x33a: {  	v1 =	vadd.f32 v9, v1;
	v9 =	vmul.f32 v2, v50;
	v5 =	vld [tilespmem:$0x1F950];
	_ =	sdelay $0x1  }
0x33b: {  	[tilespmem:s24+$0x1F80] =	vst v9  }
0x33c: {  	v3 =	vld [tilespmem:$0x1F960];
	_ =	sdelay $0x1  }
0x33d: {  	v5 =	vmul.f32 v44, v5;
	_ =	sdelay $0x1  }
0x33e: {  	[tilespmem:s22+$0x1900] =	vst v5  }
0x33f: {  	v3 =	vmul.f32 v44, v3;
	v5 =	vld [tilespmem:$0x1F970];
	_ =	sdelay $0x1  }
0x340: {  	[tilespmem:s22+$0x1980] =	vst v3  }
0x341: {  	v3 =	vld [tilespmem:$0x1F980];
	_ =	sdelay $0x1  }
0x342: {  	v5 =	vmul.f32 v44, v5;
	_ =	sdelay $0x1  }
0x343: {  	[tilespmem:s22+$0x1A00] =	vst v5  }
0x344: {  	v3 =	vmul.f32 v44, v3;
	v5 =	vld [tilespmem:$0x1F990];
	_ =	sdelay $0x1  }
0x345: {  	[tilespmem:s22+$0x1A80] =	vst v3  }
0x346: {  	v3 =	vld [tilespmem:$0x1F9A0];
	_ =	sdelay $0x1  }
0x347: {  	v5 =	vmul.f32 v44, v5;
	_ =	sdelay $0x1  }
0x348: {  	[tilespmem:s22+$0x1B00] =	vst v5  }
0x349: {  	v3 =	vmul.f32 v44, v3;
	v5 =	vld [tilespmem:$0x1F9B0];
	_ =	sdelay $0x1  }
0x34a: {  	[tilespmem:s22+$0x1B80] =	vst v3  }
0x34b: {  	v3 =	vld [tilespmem:$0x1F9C0];
	_ =	sdelay $0x1  }
0x34c: {  	v5 =	vmul.f32 v44, v5;
	_ =	sdelay $0x1  }
0x34d: {  	[tilespmem:s22+$0x1C00] =	vst v5  }
0x34e: {  	v3 =	vmul.f32 v44, v3;
	v5 =	vld [tilespmem:$0x1F9D0];
	_ =	sdelay $0x1  }
0x34f: {  	[tilespmem:s22+$0x1C80] =	vst v3  }
0x350: {  	v3 =	vld [tilespmem:$0x1F9E0];
	_ =	sdelay $0x1  }
0x351: {  	v5 =	vmul.f32 v44, v5;
	_ =	sdelay $0x1  }
0x352: {  	[tilespmem:s22+$0x1D00] =	vst v5  }
0x353: {  	v3 =	vmul.f32 v44, v3;
	v5 =	vld [tilespmem:$0x1F9F0];
	_ =	sdelay $0x1  }
0x354: {  	[tilespmem:s22+$0x1D80] =	vst v3  }
0x355: {  	v3 =	vld [tilespmem:$0x1FA00];
	_ =	sdelay $0x1  }
0x356: {  	v10 =	vmul.f32 v46, v46;
	v5 =	vmul.f32 v44, v5;
	_ =	sdelay $0x1  }
0x357: {  	v6 =	vmul.f32 v47, v47;
	v11 =	vadd.f32 v10, v1;
	[tilespmem:s22+$0x1E00] =	vst v5  }
0x358: {  	v3 =	vmul.f32 v44, v3;
	v5 =	vld [tilespmem:$0x1FA10]  }
0x359: {  	v57 =	vmul.f32 v48, v48;
	v21 =	vadd.f32 v6, v11;
	v23 =	vmul.f32 v2, v27;
	v20 =	vld [tilespmem:$0x1FA20]  }
0x35a: {  	v50 =	vmul.f32 v2, v29;
	[tilespmem:s22+$0x1E80] =	vst v3  }
0x35b: {  	v4 =	vadd.f32 v57, v21;
	v57 =	vmul.f32 v2, v30;
	[tilespmem:s24+$0x1080] =	vst v23  }
0x35c: {  	v58 =	vmul.f32 v2, v31;
	[tilespmem:s24+$0x1180] =	vst v50  }
0x35d: {  	[tilespmem:s24+$0x1200] =	vst v57;
	v5 =	vmul.f32 v44, v5  }
0x35e: {  	[tilespmem:s24+$0x1280] =	vst v58;
	v8 =	vmul.f32 v44, v20  }
0x35f: {  	v44 =	vmul.f32 v2, v28;
	[tilespmem:s22+$0x1F00] =	vst v5  }
0x360: {  	v1 =	vld [tilespmem:s12+$0x0];
	[tilespmem:s22+$0x1F80] =	vst v8  }
0x361: {  	v0 =	vld [tilespmem:s2+$0x0];
	[tilespmem:s24+$0x1100] =	vst v44  }
0x362: {  	v5 =	vld [tilespmem:$0x1FAF0]  }
0x363: {  	v62 =	vmul.f32 v49, v49  }
0x364: {  	v36 =	vld [tilespmem:s1+$0x0]  }
0x365: {  	v10 =	vmul.f32 v1, v1;
	v4 =	vadd.f32 v62, v4  }
0x366: {  	v60 =	vmul.f32 v2, v32  }
0x367: {  	v4 =	vadd.f32 v10, v4;
	v11 =	vmul.f32 v0, v0;
	v5 =	vmul.f32 v2, v5  }
0x368: {  	[tilespmem:s24+$0x1300] =	vst v60  }
0x369: {  	v4 =	vadd.f32 v11, v4;
	v13 =	vmul.f32 v36, v36;
	v7 =	vld [tilespmem:$0x1FB20];
	[tilespmem:s24+$0x1380] =	vst v5  }
0x36a: {  	v5 =	vld [tilespmem:$0x1FB40]  }
0x36b: {  	v4 =	vadd.f32 v13, v4;
	_ =	sdelay $0x1  }
0x36c: {  	v4 =	vmax.f32 v4, $1.000000020e-24  }
0x36d: {  	v18 =	vshra.s32 v4, $0x1;
	v4 =	vmul.f32 $5.000000000e-01, v4;
	v7 =	vmul.f32 v2, v7  }
0x36e: {  	v6 =	vsub.s32 $0x5F3759DF, v18;
	v5 =	vmul.f32 v2, v5  }
0x36f: {  	v19 =	vmul.f32 v6, v4;
	[tilespmem:s24+$0x1400] =	vst v7  }
0x370: {  	v7 =	vld [tilespmem:$0x1FB70];
	[tilespmem:s24+$0x1480] =	vst v5  }
0x371: {  	v21 =	vmul.f32 v6, v19;
	v5 =	vld [tilespmem:$0x1FB90];
	_ =	sdelay $0x1  }
0x372: {  	v3 =	vsub.f32 $1.500000000e+00, v21;
	_ =	sdelay $0x1  }
0x373: {  	v3 =	vmul.f32 v6, v3;
	v7 =	vmul.f32 v2, v7  }
0x374: {  	v5 =	vmul.f32 v2, v5  }
0x375: {  	v62 =	vmul.f32 v3, v4;
	[tilespmem:s24+$0x1500] =	vst v7  }
0x376: {  	v9 =	vld [tilespmem:$0x1FBC0];
	[tilespmem:s24+$0x1580] =	vst v5  }
0x377: {  	v6 =	vmul.f32 v62, v3;
	v5 =	vld [tilespmem:$0x1FBE0];
	_ =	sdelay $0x1  }
0x378: {  	v6 =	vsub.f32 $1.500000000e+00, v6;
	_ =	sdelay $0x1  }
0x379: {  	v3 =	vmul.f32 v6, v3;
	v6 =	vmul.f32 v2, v9  }
0x37a: {  	v5 =	vmul.f32 v2, v5  }
0x37b: {  	v10 =	vmul.f32 v2, v24;
	[tilespmem:s24+$0x1600] =	vst v6  }
0x37c: {  	[tilespmem:s24+$0x1680] =	vst v5  }
0x37d: {  	v5 =	vld [tilespmem:$0x1FC20];
	[tilespmem:s24+$0x1700] =	vst v10  }
0x37e: {  	v6 =	vld [tilespmem:$0x1FC50];
	_ =	sdelay $0x3  }
0x37f: {  	v5 =	vmul.f32 v2, v5  }
0x380: {  	v6 =	vmul.f32 v2, v6  }
0x381: {  	[tilespmem:s24+$0x1780] =	vst v5  }
0x382: {  	v5 =	vld [tilespmem:$0x1FC60];
	[tilespmem:s24+$0x1800] =	vst v6  }
0x383: {  	v6 =	vld [tilespmem:$0x1FC90];
	_ =	sdelay $0x3  }
0x384: {  	v5 =	vmul.f32 v2, v5  }
0x385: {  	v6 =	vmul.f32 v2, v6  }
0x386: {  	[tilespmem:s24+$0x1880] =	vst v5  }
0x387: {  	v4 =	vmul.f32 v3, v4;
	v5 =	vld [tilespmem:$0x1FCA0];
	[tilespmem:s24+$0x1900] =	vst v6  }
0x388: {  	v11 =	vld [tilespmem:$0x1FCC0]  }
0x389: {  	v4 =	vmul.f32 v4, v3;
	_ =	sdelay $0x1  }
0x38a: {  	v4 =	vsub.f32 $1.500000000e+00, v4  }
0x38b: {  	v5 =	vmul.f32 v2, v5  }
0x38c: {  	v3 =	vmul.f32 v4, v3;
	v4 =	vmul.f32 v2, v11  }
0x38d: {  	[tilespmem:s24+$0x1980] =	vst v5  }
0x38e: {  	[tilespmem:s24+$0x1A00] =	vst v4  }
0x38f: {  	v4 =	vld [tilespmem:$0x1FCF0];
	_ =	sdelay $0x1  }
0x390: {  	v13 =	vmul.f32 v2, v43;
	_ =	sdelay $0x1  }
0x391: {  	[tilespmem:s24+$0x1A80] =	vst v13  }
0x392: {  	v5 =	vld [tilespmem:$0x1FD10];
	v4 =	vmul.f32 v2, v4;
	_ =	sdelay $0x1  }
0x393: {  	[tilespmem:s24+$0x1B00] =	vst v4  }
0x394: {  	v4 =	vld [tilespmem:$0x1FE10];
	_ =	sdelay $0x1  }
0x395: {  	v5 =	vmul.f32 v2, v5  }
0x396: {  	v3 =	vmul.f32 v3, v22  }
0x397: {  	[tilespmem:s24+$0x1B80] =	vst v5  }
0x398: {  	v5 =	vld [tilespmem:$0x1FE20];
	v4 =	vmul.f32 v3, v4;
	_ =	sdelay $0x1  }
0x399: {  	[tilespmem:s25+$0x1080] =	vst v4  }
0x39a: {  	v4 =	vld [tilespmem:$0x1FD20];
	_ =	sdelay $0x1  }
0x39b: {  	v5 =	vmul.f32 v3, v5;
	_ =	sdelay $0x1  }
0x39c: {  	[tilespmem:s25+$0x1100] =	vst v5  }
0x39d: {  	v5 =	vld [tilespmem:$0x1FD40];
	v4 =	vmul.f32 v2, v4;
	_ =	sdelay $0x1  }
0x39e: {  	[tilespmem:s24+$0x1C00] =	vst v4  }
0x39f: {  	v4 =	vld [tilespmem:$0x1FD70];
	_ =	sdelay $0x1  }
0x3a0: {  	v5 =	vmul.f32 v2, v5;
	_ =	sdelay $0x1  }
0x3a1: {  	[tilespmem:s24+$0x1C80] =	vst v5  }
0x3a2: {  	v5 =	vld [tilespmem:$0x1FE50];
	v4 =	vmul.f32 v2, v4;
	_ =	sdelay $0x1  }
0x3a3: {  	[tilespmem:s24+$0x1D00] =	vst v4  }
0x3a4: {  	v4 =	vld [tilespmem:$0x1FDA0];
	_ =	sdelay $0x1  }
0x3a5: {  	v5 =	vmul.f32 v3, v5  }
0x3a6: {  	v14 =	vmul.f32 v3, v14  }
0x3a7: {  	v18 =	vmul.f32 v2, v26;
	[tilespmem:s25+$0x1180] =	vst v5  }
0x3a8: {  	[tilespmem:s25+$0x1200] =	vst v14;
	v4 =	vmul.f32 v2, v4  }
0x3a9: {  	v19 =	vmul.f32 v3, v16;
	[tilespmem:s24+$0x1E00] =	vst v18  }
0x3aa: {  	v20 =	vmul.f32 v3, v12;
	[tilespmem:s24+$0x1D80] =	vst v4  }
0x3ab: {  	v21 =	vmul.f32 v3, v15;
	v4 =	vld [tilespmem:$0x1FE00];
	[tilespmem:s25+$0x1280] =	vst v19  }
0x3ac: {  	v22 =	vmul.f32 v3, v17;
	[tilespmem:s25+$0x1300] =	vst v20  }
0x3ad: {  	v23 =	vmul.f32 v3, v56;
	[tilespmem:s25+$0x1380] =	vst v21  }
0x3ae: {  	v28 =	vmul.f32 v3, v55;
	[tilespmem:s25+$0x1400] =	vst v22  }
0x3af: {  	v29 =	vmul.f32 v3, v54;
	[tilespmem:s25+$0x1480] =	vst v23  }
0x3b0: {  	v30 =	vmul.f32 v3, v51;
	[tilespmem:s25+$0x1500] =	vst v28  }
0x3b1: {  	v31 =	vmul.f32 v3, v33;
	[tilespmem:s25+$0x1580] =	vst v29  }
0x3b2: {  	v32 =	vmul.f32 v3, v52;
	[tilespmem:s25+$0x1600] =	vst v30  }
0x3b3: {  	v33 =	vmul.f32 v3, v53;
	[tilespmem:s25+$0x1680] =	vst v31  }
0x3b4: {  	v34 =	vmul.f32 v3, v34;
	[tilespmem:s25+$0x1700] =	vst v32  }
0x3b5: {  	v43 =	vmul.f32 v3, v35;
	[tilespmem:s25+$0x1780] =	vst v33  }
0x3b6: {  	v44 =	vmul.f32 v3, v37;
	[tilespmem:s25+$0x1800] =	vst v34  }
0x3b7: {  	v50 =	vmul.f32 v3, v38;
	[tilespmem:s25+$0x1880] =	vst v43  }
0x3b8: {  	v51 =	vmul.f32 v3, v39;
	[tilespmem:s25+$0x1900] =	vst v44  }
0x3b9: {  	v52 =	vmul.f32 v3, v40;
	[tilespmem:s25+$0x1980] =	vst v50  }
0x3ba: {  	v53 =	vmul.f32 v3, v41;
	[tilespmem:s25+$0x1A00] =	vst v51  }
0x3bb: {  	v54 =	vmul.f32 v3, v42;
	[tilespmem:s25+$0x1A80] =	vst v52  }
0x3bc: {  	v55 =	vmul.f32 v3, v45;
	[tilespmem:s25+$0x1B00] =	vst v53  }
0x3bd: {  	v56 =	vmul.f32 v3, v46;
	[tilespmem:s25+$0x1B80] =	vst v54  }
0x3be: {  	v57 =	vmul.f32 v3, v47;
	[tilespmem:s25+$0x1C00] =	vst v55  }
0x3bf: {  	v58 =	vmul.f32 v3, v48;
	[tilespmem:s25+$0x1C80] =	vst v56  }
0x3c0: {  	v60 =	vmul.f32 v3, v49;
	[tilespmem:s25+$0x1D00] =	vst v57  }
0x3c1: {  	v1 =	vmul.f32 v3, v1;
	[tilespmem:s25+$0x1D80] =	vst v58  }
0x3c2: {  	v0 =	vmul.f32 v3, v0;
	[tilespmem:s25+$0x1E00] =	vst v60  }
0x3c3: {  	v62 =	vmul.f32 v3, v36;
	[tilespmem:s25+$0x1E80] =	vst v1  }
0x3c4: {  	[tilespmem:s25+$0x1F00] =	vst v0;
	v4 =	vmul.f32 v2, v4  }
0x3c5: {  	[tilespmem:s25+$0x1F80] =	vst v62;
	v2 =	vmul.f32 v2, v25  }
0x3c6: {  	[tilespmem:s24+$0x1E80] =	vst v4  }
0x3c7: {  	s0 =	simm.s32 $0x0;
	[tilespmem:s24+$0x1F00] =	vst v2  }
0x3c8: {  	s31 =	simm.s32 $0xBC00;
	s22 =	simm.s32 $0x1;
	s30 =	rddreg [dreg:$0x9];
	v62 =	vld [tilespmem:$0x1FA80];
	[tilespmem:$0x1F830] =	vst v59  }
0x3c9: {  	v25 =	vld [tilespmem:$0x1FA90];
	[hbm4b:s30+s0] =	stream.linear.scatter [tilespmem:s31], [sflag:$0x1], $0x10000, $0x38  }
.LBB2_4:
0x3ca: {  	s0 =	sshll.u32 s22, $0x3  }
0x3cb: {  	s23 =	sadd.s32 s6, s0  }
0x3cc: {  	s1 =	rddreg [dreg:$0x0];
	s2 =	simm.s32 $0x0;
	s0 =	sshll.u32 s23, $0x4  }
0x3cd: {  	s3 =	simm.s32 $0x400;
	s4 =	simm.s32 $0x20000;
	s1 =	sadd.s32 s1, s0  }
0x3ce: {  	[tilespmem:s2], [sflag:$0x2] =	stream.strided.gather [hbm4b:s1+s3], $0x4000, s4, s3, $0x38;
	[tilespmem:$0x1D080] =	vst v63  }
0x3cf: {  	_ =	swait.ge [sflag:s14], $0x4000  }
0x3d0: {  	[sflag:s14] =	ssyncset.done $0x0;
	s18 =	rddreg [dreg:$0x7]  }
0x3d1: {  	s19 =	simm.s32 $0x4000;
	[sflag:s14] =	ssyncadd.s32 $0xFFFFC000;
	s0 =	sadd.s32 s0, s18  }
0x3d2: {  	[tilespmem:s19], [sflag:$0x2] =	stream.strided.gather [hbm4b:s0+s3], $0x7C00, s4, s3, $0x38;
	[tilespmem:$0x1D080] =	vst v63  }
0x3d3: {  	_ =	swait.ge [sflag:s14], $0x7C00  }
0x3d4: {  	[sflag:s14] =	ssyncset.done $0x0  }
0x3d5: {  	s20 =	simm.s32 $0x1;
	[sflag:s14] =	ssyncadd.s32 $0xFFFF8400  }
0x3d6: {  	s0 =	sand.u32 $0x60, s2;
	_ =	swait.ge [sflag:s20], $0x10000  }
0x3d7: {  	s21 =	simm.s32 $0x0;
	s3 =	sor.u32 $0x10, s0;
	[sflag:s20] =	ssyncset.done $0x0  }
0x3d8: {  	s15 =	sor.u32 s21, s3;
	[sflag:s20] =	ssyncadd.s32 $0xFFFF0000  }
0x3d9: {  	s24 =	sor.u32 $0x400, s15;
	v7 =	vld [tilespmem:s15+$0x0]  }
0x3da: {  	s25 =	sor.u32 $0x800, s15;
	v8 =	vld [tilespmem:s24+$0x0]  }
0x3db: {  	s26 =	sor.u32 $0xC00, s15;
	v9 =	vld [tilespmem:s25+$0x0]  }
0x3dc: {  	s30 =	sor.u32 $0x1000, s15;
	v10 =	vld [tilespmem:s26+$0x0]  }
0x3dd: {  	s31 =	sor.u32 $0x1400, s15;
	v11 =	vld [tilespmem:s30+$0x0]  }
0x3de: {  	s4 =	sor.u32 $0x1800, s15;
	v12 =	vld [tilespmem:s31+$0x0]  }
0x3df: {  	s5 =	sor.u32 $0x1C00, s15;
	v13 =	vld [tilespmem:s4+$0x0];
	v0 =	vmax.f32 v7, v8  }
0x3e0: {  	s7 =	sor.u32 $0x2000, s15;
	v14 =	vld [tilespmem:s5+$0x0];
	v0 =	vmax.f32 v0, v9  }
0x3e1: {  	s8 =	sor.u32 $0x2400, s15;
	v15 =	vld [tilespmem:s7+$0x0];
	v0 =	vmax.f32 v0, v10  }
0x3e2: {  	s9 =	sor.u32 $0x2800, s15;
	v16 =	vld [tilespmem:s8+$0x0];
	v0 =	vmax.f32 v0, v11  }
0x3e3: {  	s10 =	sor.u32 $0x2C00, s15;
	v17 =	vld [tilespmem:s9+$0x0];
	v0 =	vmax.f32 v0, v12  }
0x3e4: {  	s11 =	sor.u32 $0x3000, s15;
	v18 =	vld [tilespmem:s10+$0x0];
	v0 =	vmax.f32 v0, v13  }
0x3e5: {  	s12 =	sor.u32 $0x3400, s15;
	v19 =	vld [tilespmem:s11+$0x0];
	v0 =	vmax.f32 v0, v14  }
0x3e6: {  	s13 =	sor.u32 $0x3800, s15;
	v6 =	vld [tilespmem:s12+$0x0];
	v0 =	vmax.f32 v0, v15  }
0x3e7: {  	s16 =	sor.u32 $0x3C00, s15;
	v5 =	vld [tilespmem:s13+$0x0];
	v0 =	vmax.f32 v0, v16  }
0x3e8: {  	v4 =	vld [tilespmem:s16+$0x0];
	v0 =	vmax.f32 v0, v17  }
0x3e9: {  	s13 =	sor.u32 s0, s21;
	v0 =	vmax.f32 v0, v18  }
0x3ea: {  	s1 =	sor.u32 $0x400, s13;
	v0 =	vmax.f32 v0, v19  }
0x3eb: {  	v1 =	vld [tilespmem:s1+$0x0];
	v2 =	vmax.f32 v0, v6  }
0x3ec: {  	s17 =	sor.u32 $0x800, s13;
	v0 =	vld [tilespmem:s13+$0x0];
	v3 =	vmax.f32 v2, v5  }
0x3ed: {  	s18 =	sor.u32 $0xC00, s13;
	v2 =	vld [tilespmem:s17+$0x0];
	v20 =	vmax.f32 v3, v4  }
0x3ee: {  	v21 =	vimm.s32 $0x0;
	s19 =	sor.u32 $0x1000, s13;
	v3 =	vld [tilespmem:s18+$0x0];
	vm0 =	veq.f32 v4, v20  }
0x3ef: {  	s20 =	sor.u32 $0x1400, s13;
	v4 =	vld [tilespmem:s19+$0x0];
	vm12 =	veq.f32 v5, v20;
	v21 =	vsel vm0, $0xF, v21  }
0x3f0: {  	s21 =	sor.u32 $0x1800, s13;
	v5 =	vld [tilespmem:s20+$0x0];
	vm13 =	veq.f32 v6, v20;
	v21 =	vsel vm12, $0xE, v21  }
0x3f1: {  	s24 =	sor.u32 $0x1C00, s13;
	v6 =	vld [tilespmem:s21+$0x0];
	vm14 =	veq.f32 v19, v20;
	v22 =	vmax.f32 v0, v1;
	v21 =	vsel vm13, $0xD, v21  }
0x3f2: {  	s25 =	sor.u32 $0x2000, s13;
	v19 =	vld [tilespmem:s24+$0x0];
	vm15 =	veq.f32 v18, v20;
	v22 =	vmax.f32 v22, v2;
	v21 =	vsel vm14, $0xC, v21  }
0x3f3: {  	s26 =	sor.u32 $0x2400, s13;
	v18 =	vld [tilespmem:s25+$0x0];
	vm4 =	veq.f32 v17, v20;
	v22 =	vmax.f32 v22, v3;
	v21 =	vsel vm15, $0xB, v21  }
0x3f4: {  	s30 =	sor.u32 $0x2800, s13;
	v23 =	vld [tilespmem:s26+$0x0];
	vm5 =	veq.f32 v16, v20;
	v17 =	vmax.f32 v22, v4;
	v21 =	vsel vm4, $0xA, v21  }
0x3f5: {  	s31 =	sor.u32 $0x2C00, s13;
	v16 =	vld [tilespmem:s30+$0x0];
	vm6 =	veq.f32 v15, v20;
	v17 =	vmax.f32 v17, v5;
	v21 =	vsel vm5, $0x9, v21  }
0x3f6: {  	s4 =	sor.u32 $0x3000, s13;
	v15 =	vld [tilespmem:s31+$0x0];
	vm7 =	veq.f32 v14, v20;
	v17 =	vmax.f32 v17, v6;
	v21 =	vsel vm6, $0x8, v21  }
0x3f7: {  	s5 =	sor.u32 $0x3400, s13;
	v14 =	vld [tilespmem:s4+$0x0];
	vm1 =	veq.f32 v13, v20;
	v17 =	vmax.f32 v17, v19;
	v13 =	vsel vm7, $0x7, v21  }
0x3f8: {  	s7 =	sor.u32 $0x3800, s13;
	vm8 =	veq.f32 v12, v20;
	v21 =	vld [tilespmem:s5+$0x0];
	v17 =	vmax.f32 v17, v18;
	v12 =	vsel vm1, $0x6, v13  }
0x3f9: {  	vm9 =	veq.f32 v11, v20;
	v13 =	vld [tilespmem:s7+$0x0];
	v17 =	vmax.f32 v17, v23;
	v11 =	vsel vm8, $0x5, v12  }
0x3fa: {  	s8 =	sor.u32 $0x3C00, s13;
	vm10 =	veq.f32 v10, v20;
	v17 =	vmax.f32 v17, v16;
	v10 =	vsel vm9, $0x4, v11  }
0x3fb: {  	vm11 =	veq.f32 v9, v20;
	v12 =	vld [tilespmem:s8+$0x0];
	v11 =	vmax.f32 v17, v15;
	v9 =	vsel vm10, $0x3, v10  }
0x3fc: {  	s9 =	simm.s32 $0x0;
	vm12 =	veq.f32 v8, v20;
	v10 =	vmax.f32 v11, v14;
	v8 =	vsel vm11, $0x2, v9  }
0x3fd: {  	s1 =	sor.u32 s23, s9;
	vm13 =	veq.f32 v7, v20;
	v9 =	vmax.f32 v10, v21;
	v7 =	vsel vm12, $0x1, v8  }
0x3fe: {  	v44 =	vld [tilespmem:$0x1FAA0];
	v8 =	vmax.f32 v9, v13;
	v9 =	vmov s1;
	v7 =	vsel vm13, $0x0, v7  }
0x3ff: {  	s10 =	simm.s32 $0x0;
	v45 =	vld [tilespmem:$0x1FAB0];
	vm14 =	vlt.s32 v9, v63;
	v9 =	vperm.xlane v62, v7  }
0x400: {  	v46 =	vld [tilespmem:$0x1FAC0];
	s1 =	sand.u32 $0x3FFFE000, s10;
	v8 =	vmax.f32 v8, v12;
	v17 =	vsel vm14, $0x3F800000, v61;
	v10 =	vperm.xlane v59, v7  }
0x401: {  	v47 =	vld [tilespmem:$0x1FAD0];
	s1 =	sadd.s32 $0xBC00, s1;
	vm15 =	veq.f32 v12, v8;
	v12 =	vperm.xlane v25, v7;
	v9 =	vmul.f32 v9, v17  }
0x402: {  	s29 =	sor.u32 s3, s1;
	v10 =	vmul.f32 v10, v17  }
0x403: {  	v48 =	vld [tilespmem:$0x1FAE0];
	v12 =	vmul.f32 v12, v17;
	[tilespmem:s29+$0x0] =	vst v9  }
0x404: {  	v24 =	vimm.s32 $0x0;
	vm4 =	veq.f32 v13, v8;
	v13 =	vperm.xlane v44, v7;
	v49 =	vld [tilespmem:$0x1FB00];
	[tilespmem:s29+$0x80] =	vst v10  }
0x405: {  	v20 =	vperm.xlane v45, v7;
	vm5 =	veq.f32 v21, v8;
	v21 =	vperm.xlane v46, v7;
	v50 =	vld [tilespmem:$0x1FB10];
	[tilespmem:s29+$0x100] =	vst v12  }
0x406: {  	v22 =	vperm.xlane v47, v7;
	v11 =	vsel vm15, $0xF, v24;
	v13 =	vmul.f32 v13, v17;
	v51 =	vld [tilespmem:$0x1FB30]  }
0x407: {  	vm6 =	veq.f32 v14, v8;
	v11 =	vsel vm4, $0xE, v11;
	v20 =	vmul.f32 v20, v17  }
0x408: {  	v14 =	vmul.f32 v21, v17;
	v21 =	vperm.xlane v48, v7;
	v11 =	vsel vm5, $0xD, v11;
	[tilespmem:s29+$0x180] =	vst v13  }
0x409: {  	v9 =	vsel vm6, $0xC, v11;
	v11 =	vmul.f32 v22, v17;
	v52 =	vld [tilespmem:$0x1FB50];
	[tilespmem:s29+$0x200] =	vst v20;
	v22 =	vperm.xlane v49, v7  }
0x40a: {  	vm7 =	veq.f32 v15, v8;
	v10 =	vmul.f32 v21, v17;
	v53 =	vld [tilespmem:$0x1FB60];
	[tilespmem:s29+$0x280] =	vst v14;
	v15 =	vperm.xlane v50, v7  }
0x40b: {  	v54 =	vld [tilespmem:$0x1FB80];
	[tilespmem:s29+$0x300] =	vst v11;
	v12 =	vmul.f32 v22, v17;
	v21 =	vperm.xlane v51, v7  }
0x40c: {  	v56 =	vld [tilespmem:$0x1FBA0];
	[tilespmem:s29+$0x380] =	vst v10;
	v13 =	vmul.f32 v15, v17  }
0x40d: {  	vm8 =	veq.f32 v16, v8;
	v57 =	vld [tilespmem:$0x1FBB0];
	v16 =	vmul.f32 v21, v17;
	[tilespmem:s29+$0x400] =	vst v12  }
0x40e: {  	v58 =	vld [tilespmem:$0x1FBD0];
	[tilespmem:s29+$0x480] =	vst v13  }
0x40f: {  	v15 =	vperm.xlane v52, v7;
	v60 =	vld [tilespmem:$0x1FBF0];
	[tilespmem:s29+$0x500] =	vst v16  }
0x410: {  	vm11 =	veq.f32 v19, v8;
	v20 =	vperm.xlane v53, v7;
	v19 =	vld [tilespmem:$0x1FC00]  }
0x411: {  	v14 =	vmul.f32 v15, v17;
	v15 =	vperm.xlane v54, v7  }
0x412: {  	v11 =	vmul.f32 v20, v17;
	v20 =	vperm.xlane v56, v7  }
0x413: {  	vm10 =	veq.f32 v18, v8;
	v10 =	vmul.f32 v15, v17;
	v18 =	vperm.xlane v58, v7  }
0x414: {  	v15 =	vperm.xlane v57, v7;
	[tilespmem:s29+$0x580] =	vst v14;
	v12 =	vmul.f32 v20, v17  }
0x415: {  	v21 =	vld [tilespmem:$0x1FC10];
	[tilespmem:s29+$0x600] =	vst v11;
	v16 =	vmul.f32 v18, v17;
	v18 =	vperm.xlane v19, v7  }
0x416: {  	v13 =	vmul.f32 v15, v17;
	v22 =	vld [tilespmem:$0x1FC30];
	[tilespmem:s29+$0x680] =	vst v10  }
0x417: {  	v11 =	vmul.f32 v18, v17;
	v18 =	vld [tilespmem:$0x1FC40];
	[tilespmem:s29+$0x700] =	vst v12  }
0x418: {  	vm9 =	veq.f32 v23, v8;
	v15 =	vperm.xlane v60, v7;
	v23 =	vld [tilespmem:$0x1FA30];
	[tilespmem:s29+$0x780] =	vst v13  }
0x419: {  	v24 =	vld [tilespmem:$0x1FC70];
	[tilespmem:s29+$0x800] =	vst v16  }
0x41a: {  	vm12 =	veq.f32 v6, v8;
	v6 =	vmul.f32 v15, v17;
	v14 =	vperm.xlane v21, v7;
	v16 =	vld [tilespmem:$0x1FC80]  }
0x41b: {  	vm13 =	veq.f32 v5, v8;
	vm14 =	veq.f32 v4, v8;
	v15 =	vperm.xlane v22, v7  }
0x41c: {  	v9 =	vsel vm7, $0xB, v9;
	v5 =	vmul.f32 v14, v17;
	[tilespmem:s29+$0x880] =	vst v6;
	v10 =	vperm.xlane v18, v7  }
0x41d: {  	v9 =	vsel vm8, $0xA, v9;
	v12 =	vmul.f32 v15, v17;
	v35 =	vld [tilespmem:$0x1FA40];
	[tilespmem:s29+$0x900] =	vst v11;
	v14 =	vperm.xlane v23, v7  }
0x41e: {  	v9 =	vsel vm9, $0x9, v9;
	v27 =	vld [tilespmem:$0x1FA50];
	[tilespmem:s29+$0x980] =	vst v5;
	v4 =	vmul.f32 v10, v17;
	v10 =	vperm.xlane v24, v7  }
0x41f: {  	v9 =	vsel vm10, $0x8, v9;
	v26 =	vld [tilespmem:$0x1FCB0];
	[tilespmem:s29+$0xA00] =	vst v12;
	v13 =	vmul.f32 v14, v17;
	v14 =	vperm.xlane v16, v7  }
0x420: {  	vm15 =	veq.f32 v3, v8;
	v9 =	vsel vm11, $0x7, v9;
	v15 =	vld [tilespmem:$0x1FA60];
	v3 =	vmul.f32 v10, v17;
	[tilespmem:s29+$0xA80] =	vst v4  }
0x421: {  	v9 =	vsel vm12, $0x6, v9;
	v10 =	vmul.f32 v14, v17;
	v20 =	vld [tilespmem:$0x1FA70];
	[tilespmem:s29+$0xB00] =	vst v13  }
0x422: {  	v9 =	vsel vm13, $0x5, v9;
	v6 =	vperm.xlane v35, v7;
	v43 =	vld [tilespmem:$0x1FCD0];
	[tilespmem:s29+$0xB80] =	vst v3  }
0x423: {  	vm4 =	veq.f32 v2, v8;
	v9 =	vsel vm14, $0x4, v9;
	v11 =	vperm.xlane v27, v7;
	v28 =	vld [tilespmem:$0x1FCE0];
	[tilespmem:s29+$0xC00] =	vst v10  }
0x424: {  	v9 =	vsel vm15, $0x3, v9;
	v2 =	vmul.f32 v6, v17;
	v5 =	vperm.xlane v26, v7;
	v29 =	vld [tilespmem:$0x1FD00]  }
0x425: {  	v6 =	vsel vm4, $0x2, v9;
	v9 =	vmul.f32 v11, v17;
	v11 =	vperm.xlane v15, v7  }
0x426: {  	vm5 =	veq.f32 v1, v8;
	v4 =	vmul.f32 v5, v17;
	[tilespmem:s29+$0xC80] =	vst v2;
	v1 =	vperm.xlane v20, v7  }
0x427: {  	v5 =	vsel vm5, $0x1, v6;
	v6 =	vmul.f32 v11, v17;
	[tilespmem:s29+$0xD00] =	vst v9;
	v11 =	vperm.xlane v43, v7  }
0x428: {  	vm6 =	veq.f32 v0, v8;
	[tilespmem:s29+$0xD80] =	vst v4;
	v0 =	vmul.f32 v1, v17;
	v3 =	vperm.xlane v28, v7  }
0x429: {  	[tilespmem:s29+$0xE00] =	vst v6;
	v1 =	vsel vm6, $0x0, v5;
	v5 =	vmul.f32 v11, v17;
	v7 =	vperm.xlane v29, v7  }
0x42a: {  	v2 =	vperm.xlane v62, v1;
	v3 =	vmul.f32 v3, v17;
	[tilespmem:s29+$0xE80] =	vst v0  }
0x42b: {  	v7 =	vmul.f32 v7, v17;
	[tilespmem:s29+$0xF00] =	vst v5  }
0x42c: {  	v0 =	vmul.f32 v2, v17;
	[tilespmem:s29+$0xF80] =	vst v3  }
0x42d: {  	s24 =	sor.u32 s0, s1;
	[tilespmem:s29+$0x1000] =	vst v7  }
0x42e: {  	[tilespmem:s24+$0x0] =	vst v0;
	v0 =	vld [tilespmem:s15+$0x4000];
	_ =	sdelay $0x4  }
0x42f: {  	[tilespmem:$0x1F490] =	vst v0  }
0x430: {  	v8 =	vperm.xlane v59, v1;
	v30 =	vld [tilespmem:s15+$0x4400];
	_ =	sdelay $0x1  }
0x431: {  	v7 =	vmul.f32 v8, v17  }
0x432: {  	v4 =	vperm.xlane v25, v1  }
0x433: {  	v9 =	vperm.xlane v44, v1;
	[tilespmem:s24+$0x80] =	vst v7  }
0x434: {  	v6 =	vperm.xlane v45, v1;
	v4 =	vmul.f32 v4, v17;
	[tilespmem:$0x1F5A0] =	vst v30  }
0x435: {  	v10 =	vperm.xlane v46, v1;
	v9 =	vmul.f32 v9, v17;
	v31 =	vld [tilespmem:s15+$0x4800]  }
0x436: {  	v6 =	vmul.f32 v6, v17;
	[tilespmem:s24+$0x100] =	vst v4  }
0x437: {  	v11 =	vperm.xlane v47, v1;
	v10 =	vmul.f32 v10, v17;
	[tilespmem:s24+$0x180] =	vst v9  }
0x438: {  	[tilespmem:s24+$0x200] =	vst v6  }
0x439: {  	v12 =	vperm.xlane v48, v1;
	v11 =	vmul.f32 v11, v17;
	[tilespmem:s24+$0x280] =	vst v10  }
0x43a: {  	v13 =	vperm.xlane v50, v1;
	v5 =	vperm.xlane v49, v1;
	[tilespmem:$0x1F5C0] =	vst v31  }
0x43b: {  	v12 =	vmul.f32 v12, v17;
	[tilespmem:s24+$0x300] =	vst v11;
	v11 =	vmul.f32 v30, v30;
	v30 =	vld [tilespmem:s15+$0x4C00]  }
0x43c: {  	v5 =	vmul.f32 v5, v17  }
0x43d: {  	v13 =	vmul.f32 v13, v17;
	v3 =	vperm.xlane v51, v1;
	[tilespmem:s24+$0x380] =	vst v12  }
0x43e: {  	[tilespmem:s24+$0x400] =	vst v5  }
0x43f: {  	v2 =	vperm.xlane v52, v1;
	v3 =	vmul.f32 v3, v17;
	[tilespmem:s24+$0x480] =	vst v13  }
0x440: {  	v14 =	vperm.xlane v54, v1;
	v8 =	vperm.xlane v53, v1;
	[tilespmem:$0x1F5D0] =	vst v30  }
0x441: {  	v2 =	vmul.f32 v2, v17;
	[tilespmem:s24+$0x500] =	vst v3;
	v3 =	vmul.f32 v31, v31;
	v31 =	vld [tilespmem:s15+$0x5000]  }
0x442: {  	v8 =	vmul.f32 v8, v17  }
0x443: {  	v14 =	vmul.f32 v14, v17;
	[tilespmem:s24+$0x580] =	vst v2  }
0x444: {  	[tilespmem:s24+$0x600] =	vst v8  }
0x445: {  	[tilespmem:s24+$0x680] =	vst v14  }
0x446: {  	v7 =	vperm.xlane v56, v1;
	[tilespmem:$0x1F5E0] =	vst v31  }
0x447: {  	v4 =	vperm.xlane v57, v1;
	v33 =	vld [tilespmem:s15+$0x5400]  }
0x448: {  	v7 =	vmul.f32 v7, v17  }
0x449: {  	v4 =	vmul.f32 v4, v17  }
0x44a: {  	[tilespmem:s24+$0x700] =	vst v7  }
0x44b: {  	[tilespmem:s24+$0x780] =	vst v4  }
0x44c: {  	[tilespmem:$0x1F5F0] =	vst v33  }
0x44d: {  	v9 =	vperm.xlane v58, v1;
	v7 =	vmul.f32 v30, v30;
	v30 =	vld [tilespmem:s15+$0x5800];
	_ =	sdelay $0x1  }
0x44e: {  	v9 =	vmul.f32 v9, v17;
	_ =	sdelay $0x1  }
0x44f: {  	[tilespmem:s24+$0x800] =	vst v9  }
0x450: {  	[tilespmem:$0x1F610] =	vst v30  }
0x451: {  	v6 =	vperm.xlane v60, v1;
	v32 =	vld [tilespmem:s15+$0x5C00];
	_ =	sdelay $0x1  }
0x452: {  	v6 =	vmul.f32 v6, v17;
	_ =	sdelay $0x1  }
0x453: {  	v10 =	vmul.f32 v0, v0;
	v13 =	vperm.xlane v22, v1;
	[tilespmem:s24+$0x880] =	vst v6  }
0x454: {  	[tilespmem:$0x1F620] =	vst v32  }
0x455: {  	v12 =	vperm.xlane v19, v1;
	v6 =	vadd.f32 v11, v10;
	v11 =	vmul.f32 v13, v17;
	v13 =	vld [tilespmem:s15+$0x6000];
	_ =	sdelay $0x1  }
0x456: {  	v12 =	vmul.f32 v12, v17;
	_ =	sdelay $0x1  }
0x457: {  	[tilespmem:s24+$0x900] =	vst v12  }
0x458: {  	[tilespmem:$0x1F640] =	vst v13  }
0x459: {  	v5 =	vperm.xlane v21, v1;
	v12 =	vmul.f32 v31, v31;
	v31 =	vld [tilespmem:s15+$0x6400];
	_ =	sdelay $0x1  }
0x45a: {  	v5 =	vmul.f32 v5, v17;
	_ =	sdelay $0x1  }
0x45b: {  	[tilespmem:s24+$0x980] =	vst v5  }
0x45c: {  	[tilespmem:$0x1F650] =	vst v31  }
0x45d: {  	v34 =	vld [tilespmem:s15+$0x6800];
	_ =	sdelay $0x3  }
0x45e: {  	v14 =	vperm.xlane v24, v1;
	[tilespmem:s24+$0xA00] =	vst v11  }
0x45f: {  	[tilespmem:$0x1F660] =	vst v34  }
0x460: {  	v2 =	vperm.xlane v18, v1;
	v11 =	vmul.f32 v14, v17;
	v14 =	vld [tilespmem:s15+$0x6C00];
	_ =	sdelay $0x1  }
0x461: {  	v2 =	vmul.f32 v2, v17;
	_ =	sdelay $0x1  }
0x462: {  	v8 =	vperm.xlane v23, v1;
	[tilespmem:s24+$0xA80] =	vst v2  }
0x463: {  	[tilespmem:$0x1F680] =	vst v14  }
0x464: {  	v3 =	vadd.f32 v3, v6;
	v6 =	vmul.f32 v8, v17;
	v8 =	vperm.xlane v15, v1;
	v15 =	vld [tilespmem:s15+$0x7000];
	_ =	sdelay $0x3  }
0x465: {  	[tilespmem:s24+$0xB00] =	vst v6  }
0x466: {  	[tilespmem:$0x1F690] =	vst v15  }
0x467: {  	[tilespmem:s24+$0xB80] =	vst v11;
	v11 =	vld [tilespmem:s15+$0x7400];
	_ =	sdelay $0x3  }
0x468: {  	v2 =	vadd.f32 v7, v3  }
0x469: {  	[tilespmem:$0x1F6B0] =	vst v11  }
0x46a: {  	v4 =	vperm.xlane v16, v1;
	v2 =	vadd.f32 v12, v2;
	v12 =	vld [tilespmem:s15+$0x7800];
	_ =	sdelay $0x1  }
0x46b: {  	v4 =	vmul.f32 v4, v17;
	_ =	sdelay $0x1  }
0x46c: {  	[tilespmem:s24+$0xC00] =	vst v4  }
0x46d: {  	[tilespmem:$0x1F6C0] =	vst v12  }
0x46e: {  	v9 =	vperm.xlane v35, v1;
	v3 =	vperm.xlane v20, v1;
	v20 =	vld [tilespmem:s15+$0x7C00];
	_ =	sdelay $0x1  }
0x46f: {  	v10 =	vperm.xlane v27, v1;
	v7 =	vmul.f32 v9, v17;
	_ =	sdelay $0x1  }
0x470: {  	s9 =	simm.s32 $0x8000;
	v10 =	vmul.f32 v10, v17;
	[tilespmem:s24+$0xC80] =	vst v7  }
0x471: {  	s11 =	sor.u32 s3, s9;
	[tilespmem:$0x1F6D0] =	vst v20  }
0x472: {  	[tilespmem:s24+$0xD00] =	vst v10;
	v10 =	vld [tilespmem:s11+$0x0];
	_ =	sdelay $0x3  }
0x473: {  	s10 =	simm.s32 $0x8400  }
0x474: {  	s12 =	sor.u32 s3, s10;
	[tilespmem:$0x1F6E0] =	vst v10  }
0x475: {  	v5 =	vperm.xlane v26, v1;
	v4 =	vperm.xlane v28, v1;
	v28 =	vld [tilespmem:s12+$0x0];
	_ =	sdelay $0x1  }
0x476: {  	v5 =	vmul.f32 v5, v17;
	_ =	sdelay $0x1  }
0x477: {  	s11 =	simm.s32 $0x8800;
	[tilespmem:s24+$0xD80] =	vst v5  }
0x478: {  	s15 =	sor.u32 s3, s11;
	[tilespmem:$0x1F6F0] =	vst v28  }
0x479: {  	v0 =	vld [tilespmem:s15+$0x0];
	_ =	sdelay $0x1  }
0x47a: {  	v7 =	vmul.f32 v8, v17;
	_ =	sdelay $0x1  }
0x47b: {  	v3 =	vmul.f32 v3, v17;
	s12 =	simm.s32 $0x8C00;
	[tilespmem:s24+$0xE00] =	vst v7  }
0x47c: {  	s16 =	sor.u32 s3, s12;
	[tilespmem:$0x1F700] =	vst v0  }
0x47d: {  	[tilespmem:s24+$0xE80] =	vst v3;
	v3 =	vmul.f32 v13, v13;
	v13 =	vld [tilespmem:s16+$0x0];
	_ =	sdelay $0x3  }
0x47e: {  	v6 =	vmul.f32 v33, v33;
	s15 =	simm.s32 $0x9000  }
0x47f: {  	v9 =	vperm.xlane v43, v1;
	s17 =	sor.u32 s3, s15;
	[tilespmem:$0x1F710] =	vst v13  }
0x480: {  	v2 =	vadd.f32 v6, v2;
	v6 =	vmul.f32 v30, v30;
	v1 =	vperm.xlane v29, v1;
	v29 =	vld [tilespmem:s17+$0x0];
	_ =	sdelay $0x1  }
0x481: {  	v2 =	vadd.f32 v6, v2;
	v6 =	vmul.f32 v9, v17;
	_ =	sdelay $0x1  }
0x482: {  	s16 =	simm.s32 $0x9400;
	[tilespmem:s24+$0xF00] =	vst v6  }
0x483: {  	s18 =	sor.u32 s3, s16;
	[tilespmem:$0x1F720] =	vst v29  }
0x484: {  	v30 =	vld [tilespmem:s18+$0x0];
	_ =	sdelay $0x1  }
0x485: {  	v4 =	vmul.f32 v4, v17;
	_ =	sdelay $0x1  }
0x486: {  	v1 =	vmul.f32 v1, v17;
	[tilespmem:s24+$0xF80] =	vst v4  }
0x487: {  	[tilespmem:$0x1F730] =	vst v30  }
0x488: {  	[tilespmem:s24+$0x1000] =	vst v1  }
0x489: {  	v4 =	vld [tilespmem:s13+$0x4000];
	_ =	sdelay $0x3  }
0x48a: {  	v5 =	vmul.f32 v32, v32  }
0x48b: {  	[tilespmem:$0x1F7B0] =	vst v4  }
0x48c: {  	v2 =	vadd.f32 v5, v2;
	v5 =	vld [tilespmem:s13+$0x4400];
	_ =	sdelay $0x3  }
0x48d: {  	s17 =	simm.s32 $0x9800  }
0x48e: {  	s19 =	sor.u32 s3, s17;
	[tilespmem:$0x1F7C0] =	vst v5  }
0x48f: {  	v2 =	vadd.f32 v3, v2;
	v3 =	vmul.f32 v31, v31;
	v31 =	vld [tilespmem:s19+$0x0];
	_ =	sdelay $0x4  }
0x490: {  	[tilespmem:$0x1F740] =	vst v31  }
0x491: {  	v6 =	vld [tilespmem:s13+$0x4800];
	_ =	sdelay $0x3  }
0x492: {  	s4 =	simm.s32 $0x9C00;
	v1 =	vadd.f32 v3, v2;
	v2 =	vmul.f32 v34, v34  }
0x493: {  	s20 =	sor.u32 s3, s4;
	[tilespmem:$0x1F7D0] =	vst v6  }
0x494: {  	v1 =	vadd.f32 v2, v1;
	v2 =	vmul.f32 v14, v14;
	v14 =	vld [tilespmem:s20+$0x0];
	_ =	sdelay $0x4  }
0x495: {  	[tilespmem:$0x1F750] =	vst v14  }
0x496: {  	v7 =	vld [tilespmem:s13+$0x4C00];
	_ =	sdelay $0x3  }
0x497: {  	s1 =	simm.s32 $0xA000  }
0x498: {  	s5 =	sor.u32 s3, s1;
	[tilespmem:$0x1F7E0] =	vst v7  }
0x499: {  	v40 =	vld [tilespmem:s5+$0x0];
	_ =	sdelay $0x4  }
0x49a: {  	[tilespmem:$0x1F760] =	vst v40  }
0x49b: {  	v3 =	vmul.f32 v4, v4;
	v4 =	vmul.f32 v5, v5;
	v5 =	vld [tilespmem:s13+$0x5000];
	_ =	sdelay $0x3  }
0x49c: {  	s2 =	simm.s32 $0xA400  }
0x49d: {  	s21 =	sor.u32 s3, s2;
	[tilespmem:$0x1F7F0] =	vst v5  }
0x49e: {  	v41 =	vld [tilespmem:s21+$0x0];
	_ =	sdelay $0x4  }
0x49f: {  	[tilespmem:$0x1F770] =	vst v41  }
0x4a0: {  	v3 =	vadd.f32 v4, v3;
	v4 =	vmul.f32 v6, v6;
	v6 =	vld [tilespmem:s13+$0x5400];
	_ =	sdelay $0x3  }
0x4a1: {  	s8 =	simm.s32 $0xA800  }
0x4a2: {  	s25 =	sor.u32 s3, s8;
	[tilespmem:$0x1F800] =	vst v6  }
0x4a3: {  	v37 =	vld [tilespmem:s25+$0x0];
	_ =	sdelay $0x4  }
0x4a4: {  	[tilespmem:$0x1F780] =	vst v37  }
0x4a5: {  	v1 =	vadd.f32 v2, v1;
	v2 =	vmul.f32 v15, v15;
	v8 =	vld [tilespmem:s13+$0x5800];
	_ =	sdelay $0x1  }
0x4a6: {  	v1 =	vadd.f32 v2, v1;
	v2 =	vmul.f32 v11, v11;
	_ =	sdelay $0x1  }
0x4a7: {  	s7 =	simm.s32 $0xAC00;
	v1 =	vadd.f32 v2, v1;
	v2 =	vmul.f32 v12, v12  }
0x4a8: {  	s18 =	sor.u32 s3, s7;
	[tilespmem:$0x1F810] =	vst v8  }
0x4a9: {  	v1 =	vadd.f32 v2, v1;
	v2 =	vmul.f32 v20, v20;
	v20 =	vld [tilespmem:s18+$0x0];
	_ =	sdelay $0x4  }
0x4aa: {  	[tilespmem:$0x1F790] =	vst v20  }
0x4ab: {  	v9 =	vld [tilespmem:s13+$0x5C00];
	_ =	sdelay $0x3  }
0x4ac: {  	s5 =	simm.s32 $0xB000  }
0x4ad: {  	s26 =	sor.u32 s3, s5;
	[tilespmem:$0x1F820] =	vst v9  }
0x4ae: {  	v38 =	vld [tilespmem:s26+$0x0]  }
0x4af: {  	v3 =	vadd.f32 v4, v3;
	v4 =	vmul.f32 v7, v7;
	_ =	sdelay $0x1  }
0x4b0: {  	v3 =	vadd.f32 v4, v3;
	v4 =	vmul.f32 v5, v5  }
0x4b1: {  	v1 =	vadd.f32 v2, v1;
	v2 =	vmul.f32 v10, v10  }
0x4b2: {  	s31 =	simm.s32 $0xB400;
	v3 =	vadd.f32 v4, v3;
	v5 =	vmul.f32 v6, v6;
	[tilespmem:$0x1F7A0] =	vst v38  }
0x4b3: {  	s30 =	sor.u32 s3, s31;
	v1 =	vadd.f32 v2, v1;
	v2 =	vmul.f32 v28, v28;
	v7 =	vld [tilespmem:s13+$0x6000]  }
0x4b4: {  	v55 =	vmov v25;
	v3 =	vadd.f32 v5, v3;
	v4 =	vmul.f32 v8, v8;
	v25 =	vld [tilespmem:s30+$0x0]  }
0x4b5: {  	s28 =	simm.s32 $0xB800;
	v2 =	vadd.f32 v2, v1;
	v5 =	vmul.f32 v0, v0;
	v8 =	vld [tilespmem:s13+$0x6400]  }
0x4b6: {  	s3 =	sor.u32 s3, s28;
	v3 =	vadd.f32 v4, v3;
	v6 =	vmul.f32 v9, v9;
	v10 =	vld [tilespmem:s13+$0x6800]  }
0x4b7: {  	v2 =	vadd.f32 v5, v2;
	v4 =	vmul.f32 v13, v13;
	v1 =	vld [tilespmem:s3+$0x0]  }
0x4b8: {  	v3 =	vadd.f32 v6, v3;
	v9 =	vld [tilespmem:s13+$0x6C00];
	[tilespmem:$0x1F320] =	vst v7;
	v5 =	vmul.f32 v7, v7  }
0x4b9: {  	v2 =	vadd.f32 v4, v2;
	v4 =	vmul.f32 v29, v29;
	v11 =	vld [tilespmem:s13+$0x7000]  }
0x4ba: {  	v6 =	vmul.f32 v8, v8;
	v7 =	vld [tilespmem:s13+$0x7400];
	[tilespmem:$0x1F330] =	vst v8;
	v3 =	vadd.f32 v5, v3  }
0x4bb: {  	v2 =	vadd.f32 v4, v2;
	v4 =	vmul.f32 v30, v30;
	v8 =	vld [tilespmem:s13+$0x7800];
	[tilespmem:$0x1F340] =	vst v10  }
0x4bc: {  	s9 =	sor.u32 s0, s9;
	v5 =	vmul.f32 v10, v10;
	v10 =	vld [tilespmem:s13+$0x7C00];
	v3 =	vadd.f32 v6, v3  }
0x4bd: {  	s10 =	sor.u32 s0, s10;
	v2 =	vadd.f32 v4, v2;
	v4 =	vmul.f32 v31, v31;
	v13 =	vld [tilespmem:s9+$0x0];
	[tilespmem:$0x1F350] =	vst v9  }
0x4be: {  	s11 =	sor.u32 s0, s11;
	v6 =	vmul.f32 v9, v9;
	v12 =	vld [tilespmem:s10+$0x0];
	v3 =	vadd.f32 v5, v3  }
0x4bf: {  	s25 =	simm.s32 $0x20;
	v2 =	vadd.f32 v4, v2;
	v4 =	vmul.f32 v14, v14;
	s13 =	sor.u32 s0, s12;
	v15 =	vld [tilespmem:s11+$0x0];
	[tilespmem:$0x1F360] =	vst v11  }
0x4c0: {  	s18 =	sor.u32 s0, s15;
	s3 =	sand.u32 $0x60, s25;
	v5 =	vmul.f32 v11, v11;
	v28 =	vld [tilespmem:s13+$0x0];
	v3 =	vadd.f32 v6, v3  }
0x4c1: {  	s19 =	sor.u32 s0, s16;
	v2 =	vadd.f32 v4, v2;
	v4 =	vmul.f32 v40, v40;
	s9 =	simm.s32 $0x0;
	v29 =	vld [tilespmem:s18+$0x0];
	[tilespmem:$0x1F370] =	vst v7;
	s13 =	sor.u32 $0x10, s3  }
0x4c2: {  	s20 =	sor.u32 s0, s17;
	v6 =	vmul.f32 v7, v7;
	v42 =	vld [tilespmem:s19+$0x0];
	s30 =	sor.u32 s9, s13;
	v3 =	vadd.f32 v5, v3  }
0x4c3: {  	v2 =	vadd.f32 v4, v2;
	v4 =	vmul.f32 v41, v41;
	v36 =	vld [tilespmem:s20+$0x0];
	[tilespmem:$0x1F380] =	vst v8;
	s21 =	sor.u32 $0x400, s30  }
0x4c4: {  	v5 =	vmul.f32 v8, v8;
	v7 =	vld [tilespmem:s21+$0x0];
	v3 =	vadd.f32 v6, v3  }
0x4c5: {  	v2 =	vadd.f32 v4, v2;
	v4 =	vmul.f32 v37, v37;
	s26 =	sor.u32 $0x800, s30;
	v6 =	vld [tilespmem:s30+$0x0];
	[tilespmem:$0x1F390] =	vst v10  }
0x4c6: {  	s11 =	sor.u32 $0xC00, s30;
	v8 =	vmul.f32 v10, v10;
	v3 =	vadd.f32 v5, v3;
	v5 =	vld [tilespmem:s26+$0x0]  }
0x4c7: {  	v2 =	vadd.f32 v4, v2;
	v4 =	vmul.f32 v20, v20;
	s12 =	sor.u32 $0x1000, s30;
	v9 =	vld [tilespmem:s11+$0x0];
	[tilespmem:$0x1F3A0] =	vst v13  }
0x4c8: {  	s15 =	sor.u32 $0x1400, s30;
	v10 =	vmul.f32 v13, v13;
	v3 =	vadd.f32 v8, v3;
	v8 =	vld [tilespmem:s12+$0x0]  }
0x4c9: {  	v2 =	vadd.f32 v4, v2;
	v4 =	vmul.f32 v38, v38;
	s16 =	sor.u32 $0x1800, s30;
	v11 =	vld [tilespmem:s15+$0x0];
	[tilespmem:$0x1F3B0] =	vst v12  }
0x4ca: {  	s17 =	sor.u32 $0x1C00, s30;
	v13 =	vmax.f32 v6, v7;
	v3 =	vadd.f32 v10, v3;
	v10 =	vmul.f32 v12, v12;
	v12 =	vld [tilespmem:s16+$0x0]  }
0x4cb: {  	v2 =	vadd.f32 v4, v2;
	s18 =	sor.u32 $0x2000, s30;
	v14 =	vld [tilespmem:s17+$0x0];
	[tilespmem:$0x1F3C0] =	vst v15;
	v4 =	vmax.f32 v13, v5;
	v13 =	vmul.f32 v25, v25  }
0x4cc: {  	s19 =	sor.u32 $0x2400, s30;
	v3 =	vadd.f32 v10, v3;
	v4 =	vmax.f32 v4, v9;
	v10 =	vmul.f32 v15, v15;
	v15 =	vld [tilespmem:s18+$0x0]  }
0x4cd: {  	s20 =	sor.u32 $0x2800, s30;
	v20 =	vld [tilespmem:s19+$0x0];
	[tilespmem:$0x1F3D0] =	vst v28;
	v2 =	vadd.f32 v13, v2;
	v4 =	vmax.f32 v4, v8;
	v13 =	vmul.f32 v1, v1  }
0x4ce: {  	s21 =	sor.u32 $0x2C00, s30;
	v3 =	vadd.f32 v10, v3;
	v4 =	vmax.f32 v4, v11;
	v10 =	vmul.f32 v28, v28;
	v28 =	vld [tilespmem:s20+$0x0]  }
0x4cf: {  	s26 =	sor.u32 $0x3000, s30;
	v2 =	vadd.f32 v13, v2;
	v4 =	vmax.f32 v4, v12;
	v13 =	vld [tilespmem:s21+$0x0];
	[tilespmem:$0x1F3E0] =	vst v29  }
0x4d0: {  	s12 =	sor.u32 $0x3400, s30;
	v3 =	vadd.f32 v10, v3;
	v4 =	vmax.f32 v4, v14;
	v10 =	vmul.f32 v29, v29;
	v29 =	vld [tilespmem:s26+$0x0]  }
0x4d1: {  	s15 =	sor.u32 $0x3800, s30;
	v30 =	vld [tilespmem:s12+$0x0];
	v4 =	vmax.f32 v4, v15  }
0x4d2: {  	s16 =	sor.u32 $0x3C00, s30;
	v2 =	vmax.f32 v2, $1.000000020e-24;
	v3 =	vadd.f32 v10, v3;
	v4 =	vmax.f32 v4, v20;
	v10 =	vld [tilespmem:s15+$0x0]  }
0x4d3: {  	v31 =	vshra.s32 v2, $0x1;
	v32 =	vmul.f32 $5.000000000e-01, v2;
	v2 =	vmax.f32 v4, v28;
	v4 =	vld [tilespmem:s16+$0x0]  }
0x4d4: {  	s4 =	sor.u32 s0, s4;
	v31 =	vsub.s32 $0x5F3759DF, v31;
	[tilespmem:$0x1F3F0] =	vst v42;
	v2 =	vmax.f32 v2, v13  }
0x4d5: {  	v33 =	vmul.f32 v42, v42;
	v40 =	vmul.f32 v31, v32;
	v37 =	vld [tilespmem:s4+$0x0];
	v2 =	vmax.f32 v2, v29  }
0x4d6: {  	v42 =	vmul.f32 v36, v36;
	v2 =	vmax.f32 v2, v30  }
0x4d7: {  	v3 =	vadd.f32 v33, v3;
	v41 =	vmul.f32 v31, v40;
	v2 =	vmax.f32 v2, v10  }
0x4d8: {  	v0 =	vimm.s32 $0x0;
	v40 =	vmax.f32 v2, v4  }
0x4d9: {  	v2 =	vadd.f32 v42, v3;
	v3 =	vsub.f32 $1.500000000e+00, v41;
	vm7 =	veq.f32 v4, v40  }
0x4da: {  	vm8 =	veq.f32 v10, v40;
	v4 =	vmul.f32 v37, v37;
	v10 =	vsel vm7, $0xF, v0  }
0x4db: {  	[tilespmem:$0x1F400] =	vst v36;
	vm9 =	veq.f32 v30, v40;
	v31 =	vmul.f32 v31, v3;
	v3 =	vsel vm8, $0xE, v10  }
0x4dc: {  	s1 =	sor.u32 s0, s1;
	[tilespmem:$0x1F410] =	vst v37;
	vm10 =	veq.f32 v29, v40;
	v10 =	vadd.f32 v4, v2;
	v2 =	vsel vm9, $0xD, v3  }
0x4dd: {  	vm11 =	veq.f32 v13, v40;
	vm2 =	veq.f32 v28, v40;
	v13 =	vld [tilespmem:s1+$0x0];
	v2 =	vsel vm10, $0xC, v2  }
0x4de: {  	s2 =	sor.u32 s0, s2;
	s15 =	sor.u32 s3, s9;
	vm12 =	veq.f32 v20, v40;
	vm3 =	veq.f32 v15, v40;
	v2 =	vsel vm11, $0xB, v2  }
0x4df: {  	s17 =	sor.u32 $0x400, s15;
	vm13 =	veq.f32 v14, v40;
	vm4 =	veq.f32 v12, v40;
	v12 =	vld [tilespmem:s2+$0x0];
	v2 =	vsel vm2, $0xA, v2  }
0x4e0: {  	vm14 =	veq.f32 v11, v40;
	v4 =	vmul.f32 v31, v32;
	v3 =	vsel vm12, $0x9, v2;
	v2 =	vld [tilespmem:s17+$0x0]  }
0x4e1: {  	s18 =	sor.u32 $0x800, s15;
	vm15 =	veq.f32 v8, v40;
	vm5 =	veq.f32 v9, v40;
	v8 =	vsel vm3, $0x8, v3;
	v3 =	vld [tilespmem:s15+$0x0]  }
0x4e2: {  	s19 =	sor.u32 $0xC00, s15;
	vm8 =	veq.f32 v5, v40;
	v9 =	vmul.f32 v4, v31;
	v4 =	vld [tilespmem:s18+$0x0];
	[tilespmem:$0x1F420] =	vst v13;
	v5 =	vsel vm13, $0x7, v8  }
0x4e3: {  	s20 =	sor.u32 $0x1000, s15;
	vm9 =	veq.f32 v7, v40;
	v8 =	vmul.f32 v13, v13;
	v7 =	vsel vm4, $0x6, v5;
	v5 =	vld [tilespmem:s19+$0x0]  }
0x4e4: {  	s21 =	sor.u32 $0x1400, s15;
	vm10 =	veq.f32 v6, v40;
	v6 =	vsub.f32 $1.500000000e+00, v9;
	v9 =	vsel vm14, $0x5, v7;
	v7 =	vld [tilespmem:s20+$0x0];
	[tilespmem:$0x1F430] =	vst v12  }
0x4e5: {  	s26 =	sor.u32 $0x1800, s15;
	s4 =	simm.s32 $0x0;
	v11 =	vmul.f32 v12, v12;
	v10 =	vadd.f32 v8, v10;
	v9 =	vsel vm15, $0x4, v9;
	v8 =	vld [tilespmem:s21+$0x0]  }
0x4e6: {  	s9 =	sor.u32 $0x1C00, s15;
	s2 =	sor.u32 s23, s4;
	v6 =	vmul.f32 v6, v31;
	v12 =	vld [tilespmem:s26+$0x0];
	v9 =	vsel vm5, $0x3, v9;
	v13 =	vmax.f32 v3, v2  }
0x4e7: {  	s10 =	sor.u32 $0x2000, s15;
	v14 =	vadd.f32 v11, v10;
	v11 =	vmov s2;
	v10 =	vmax.f32 v13, v4;
	v13 =	vld [tilespmem:s9+$0x0]  }
0x4e8: {  	s11 =	sor.u32 $0x2400, s15;
	v15 =	vld [tilespmem:s10+$0x0];
	v9 =	vsel vm8, $0x2, v9;
	vm11 =	vlt.s32 v11, v63;
	v10 =	vmax.f32 v10, v5  }
0x4e9: {  	s12 =	sor.u32 $0x2800, s15;
	v20 =	vld [tilespmem:s11+$0x0];
	v9 =	vsel vm9, $0x1, v9;
	v61 =	vsel vm11, $0x3F800000, v61;
	v11 =	vmax.f32 v10, v7  }
0x4ea: {  	s16 =	sor.u32 $0x2C00, s15;
	v28 =	vld [tilespmem:s12+$0x0];
	v10 =	vsel vm10, $0x0, v9;
	v9 =	vmul.f32 v6, v32;
	v11 =	vmax.f32 v11, v8  }
0x4eb: {  	s17 =	sor.u32 $0x3000, s15;
	v30 =	vld [tilespmem:s16+$0x0];
	s21 =	simm.s32 $0x800;
	v29 =	vperm.xlane v62, v10;
	v31 =	vperm.xlane v59, v10;
	v11 =	vmax.f32 v11, v12  }
0x4ec: {  	s18 =	sor.u32 $0x3400, s15;
	s26 =	sand.u32 $0x3FFFE000, s21;
	v32 =	vld [tilespmem:s17+$0x0];
	v41 =	vperm.xlane v55, v10;
	v42 =	vperm.xlane v44, v10;
	v11 =	vmax.f32 v11, v13  }
0x4ed: {  	s19 =	sor.u32 $0x3800, s15;
	v34 =	vld [tilespmem:s18+$0x0];
	s1 =	sadd.s32 $0xBC00, s26;
	v63 =	vperm.xlane v45, v10;
	v29 =	vmul.f32 v29, v61;
	v11 =	vmax.f32 v11, v15  }
0x4ee: {  	s20 =	sor.u32 $0x3C00, s15;
	v37 =	vld [tilespmem:s19+$0x0];
	s26 =	sor.u32 s13, s1;
	v40 =	vperm.xlane v46, v10;
	v31 =	vmul.f32 v31, v61;
	v11 =	vmax.f32 v11, v20  }
0x4ef: {  	v39 =	vld [tilespmem:s20+$0x0];
	v33 =	vmul.f32 v41, v61;
	v36 =	vmul.f32 v42, v61;
	[tilespmem:s26+$0x0] =	vst v29;
	v11 =	vmax.f32 v11, v28  }
0x4f0: {  	v38 =	vmul.f32 v63, v61;
	v63 =	vperm.xlane v49, v10;
	[tilespmem:s26+$0x80] =	vst v31;
	v11 =	vmax.f32 v11, v30  }
0x4f1: {  	s4 =	sor.u32 s0, s8;
	v41 =	vperm.xlane v47, v10;
	v40 =	vmul.f32 v40, v61;
	[tilespmem:s26+$0x100] =	vst v33;
	v11 =	vmax.f32 v11, v32  }
0x4f2: {  	v42 =	vperm.xlane v48, v10;
	v33 =	vmul.f32 v63, v61;
	v63 =	vld [tilespmem:s4+$0x0];
	[tilespmem:s26+$0x180] =	vst v36;
	v11 =	vmax.f32 v11, v34  }
0x4f3: {  	v29 =	vmul.f32 v41, v61;
	v41 =	vperm.xlane v51, v10;
	[tilespmem:s26+$0x200] =	vst v38;
	v11 =	vmax.f32 v11, v37  }
0x4f4: {  	s8 =	sor.u32 s0, s7;
	v31 =	vmul.f32 v42, v61;
	[tilespmem:s26+$0x280] =	vst v40;
	v11 =	vmax.f32 v11, v39  }
0x4f5: {  	v42 =	vperm.xlane v50, v10;
	[tilespmem:s26+$0x300] =	vst v29;
	vm7 =	veq.f32 v37, v11;
	v37 =	vmul.f32 v41, v61;
	v41 =	vld [tilespmem:s8+$0x0]  }
0x4f6: {  	s9 =	sor.u32 s0, s5;
	[tilespmem:s26+$0x380] =	vst v31;
	vm5 =	veq.f32 v39, v11;
	v39 =	vperm.xlane v52, v10  }
0x4f7: {  	v38 =	vld [tilespmem:s9+$0x0];
	v36 =	vmul.f32 v42, v61;
	[tilespmem:$0x1F440] =	vst v63  }
0x4f8: {  	vm0 =	veq.f32 v34, v11;
	[tilespmem:s26+$0x400] =	vst v33;
	v34 =	vmul.f32 v39, v61;
	v39 =	vperm.xlane v54, v10  }
0x4f9: {  	s10 =	sor.u32 s0, s31;
	v42 =	vperm.xlane v53, v10;
	[tilespmem:s26+$0x480] =	vst v36  }
0x4fa: {  	vm13 =	veq.f32 v30, v11;
	v30 =	vmul.f32 v39, v61;
	v39 =	vld [tilespmem:s10+$0x0];
	[tilespmem:$0x1F450] =	vst v41  }
0x4fb: {  	v29 =	vmul.f32 v42, v61;
	v42 =	vperm.xlane v56, v10;
	[tilespmem:s26+$0x500] =	vst v37  }
0x4fc: {  	s0 =	sor.u32 s0, s28;
	v40 =	vperm.xlane v57, v10;
	[tilespmem:s26+$0x580] =	vst v34  }
0x4fd: {  	v31 =	vmul.f32 v63, v63;
	vm14 =	veq.f32 v28, v11;
	v28 =	vmul.f32 v42, v61;
	v63 =	vld [tilespmem:s0+$0x0];
	[tilespmem:$0x1F460] =	vst v38  }
0x4fe: {  	vm15 =	veq.f32 v20, v11;
	v20 =	vmul.f32 v40, v61;
	v40 =	vperm.xlane v60, v10;
	[tilespmem:s26+$0x600] =	vst v29  }
0x4ff: {  	v14 =	vadd.f32 v31, v14;
	v42 =	vperm.xlane v58, v10;
	v31 =	vmul.f32 v41, v41;
	[tilespmem:s26+$0x680] =	vst v30  }
0x500: {  	vm6 =	veq.f32 v15, v11;
	v15 =	vmul.f32 v40, v61;
	v41 =	vmul.f32 v38, v38;
	[tilespmem:$0x1F470] =	vst v39  }
0x501: {  	v14 =	vadd.f32 v31, v14;
	v31 =	vmul.f32 v42, v61;
	v29 =	vperm.xlane v19, v10;
	[tilespmem:s26+$0x700] =	vst v28  }
0x502: {  	vm8 =	veq.f32 v13, v11;
	v42 =	vperm.xlane v21, v10;
	v30 =	vmul.f32 v39, v39;
	[tilespmem:s26+$0x780] =	vst v20  }
0x503: {  	v14 =	vadd.f32 v41, v14;
	v13 =	vmul.f32 v29, v61;
	v28 =	vperm.xlane v22, v10;
	[tilespmem:$0x1F480] =	vst v63  }
0x504: {  	vm9 =	veq.f32 v12, v11;
	v20 =	vmul.f32 v42, v61;
	v29 =	vmul.f32 v63, v63;
	[tilespmem:s26+$0x800] =	vst v31  }
0x505: {  	v14 =	vadd.f32 v30, v14;
	v12 =	vmul.f32 v28, v61;
	v28 =	vperm.xlane v18, v10;
	[tilespmem:s26+$0x880] =	vst v15  }
0x506: {  	v30 =	vperm.xlane v16, v10;
	[tilespmem:s26+$0x900] =	vst v13  }
0x507: {  	v15 =	vperm.xlane v23, v10;
	[tilespmem:s26+$0x980] =	vst v20;
	v14 =	vadd.f32 v29, v14;
	v13 =	vmul.f32 v28, v61  }
0x508: {  	v29 =	vperm.xlane v24, v10;
	v28 =	vsel vm5, $0xF, v0;
	[tilespmem:s26+$0xA00] =	vst v12;
	v12 =	vmul.f32 v30, v61  }
0x509: {  	v20 =	vsel vm7, $0xE, v28;
	v28 =	vmul.f32 v15, v61;
	[tilespmem:s26+$0xA80] =	vst v13  }
0x50a: {  	v29 =	vmul.f32 v29, v61;
	[tilespmem:s26+$0xC00] =	vst v12  }
0x50b: {  	[tilespmem:s26+$0xB00] =	vst v28  }
0x50c: {  	[tilespmem:s26+$0xB80] =	vst v29  }
0x50d: {  	v39 =	vld [tilespmem:$0x1FA60]  }
0x50e: {  	v30 =	vperm.xlane v35, v10;
	v14 =	vmax.f32 v14, $1.000000020e-24  }
0x50f: {  	v13 =	vshra.s32 v14, $0x1;
	v15 =	vmul.f32 $5.000000000e-01, v14;
	v14 =	vperm.xlane v27, v10  }
0x510: {  	v28 =	vmul.f32 v30, v61;
	v30 =	vperm.xlane v26, v10  }
0x511: {  	vm12 =	veq.f32 v32, v11;
	v20 =	vsel vm0, $0xD, v20;
	v14 =	vmul.f32 v14, v61  }
0x512: {  	v12 =	vsel vm12, $0xC, v20;
	v20 =	vmul.f32 v30, v61;
	v30 =	vperm.xlane v39, v10  }
0x513: {  	[tilespmem:s26+$0xC80] =	vst v28  }
0x514: {  	v40 =	vld [tilespmem:$0x1FA70];
	[tilespmem:s26+$0xD00] =	vst v14;
	v14 =	vmul.f32 v30, v61  }
0x515: {  	[tilespmem:s26+$0xD80] =	vst v20  }
0x516: {  	v13 =	vsub.s32 $0x5F3759DF, v13;
	v41 =	vld [tilespmem:$0x1FCE0];
	[tilespmem:s26+$0xE00] =	vst v14  }
0x517: {  	v29 =	vmul.f32 v13, v15;
	v42 =	vld [tilespmem:$0x1FD00];
	_ =	sdelay $0x1  }
0x518: {  	v28 =	vmul.f32 v13, v29;
	v29 =	vperm.xlane v40, v10  }
0x519: {  	v12 =	vsel vm13, $0xB, v12;
	v30 =	vperm.xlane v43, v10  }
0x51a: {  	v12 =	vsel vm14, $0xA, v12;
	v20 =	vmul.f32 v29, v61;
	v29 =	vperm.xlane v41, v10  }
0x51b: {  	v28 =	vsub.f32 $1.500000000e+00, v28;
	v14 =	vmul.f32 v30, v61;
	v10 =	vperm.xlane v42, v10  }
0x51c: {  	v12 =	vsel vm15, $0x9, v12;
	[tilespmem:s26+$0xE80] =	vst v20;
	v20 =	vmul.f32 v29, v61  }
0x51d: {  	v12 =	vsel vm6, $0x8, v12;
	v13 =	vmul.f32 v13, v28;
	[tilespmem:s26+$0xF00] =	vst v14;
	v10 =	vmul.f32 v10, v61  }
0x51e: {  	v12 =	vsel vm8, $0x7, v12;
	[tilespmem:s26+$0xF80] =	vst v20  }
0x51f: {  	vm10 =	veq.f32 v8, v11;
	v8 =	vsel vm9, $0x6, v12;
	v12 =	vmul.f32 v13, v15;
	[tilespmem:s26+$0x1000] =	vst v10  }
0x520: {  	v9 =	vmul.f32 v9, v6;
	vm11 =	veq.f32 v7, v11;
	v8 =	vsel vm10, $0x5, v8;
	v28 =	vld [tilespmem:s30+$0x4000]  }
0x521: {  	vm12 =	veq.f32 v5, v11;
	v5 =	vsel vm11, $0x4, v8;
	v8 =	vmul.f32 v12, v13;
	v29 =	vld [tilespmem:s30+$0x4400]  }
0x522: {  	v7 =	vsub.f32 $1.500000000e+00, v9;
	vm13 =	veq.f32 v4, v11;
	v4 =	vsel vm12, $0x3, v5  }
0x523: {  	vm14 =	veq.f32 v2, v11;
	v2 =	vsel vm13, $0x2, v4;
	v4 =	vsub.f32 $1.500000000e+00, v8;
	v30 =	vld [tilespmem:s30+$0x4800]  }
0x524: {  	v31 =	vld [tilespmem:s30+$0x4C00]  }
0x525: {  	v6 =	vmul.f32 v7, v6;
	v34 =	vmul.f32 v4, v13;
	v0 =	vld [tilespmem:$0x1F490]  }
0x526: {  	v32 =	vld [tilespmem:s30+$0x5000];
	v4 =	vmul.f32 v28, v28;
	v5 =	vmul.f32 v29, v29  }
0x527: {  	v33 =	vld [tilespmem:s30+$0x5400]  }
0x528: {  	v36 =	vmul.f32 v6, v17;
	v12 =	vld [tilespmem:s30+$0x5800];
	v6 =	vmul.f32 v30, v30;
	v4 =	vadd.f32 v5, v4  }
0x529: {  	vm15 =	veq.f32 v3, v11;
	v2 =	vsel vm14, $0x1, v2;
	v37 =	vld [tilespmem:s30+$0x5C00]  }
0x52a: {  	v2 =	vsel vm15, $0x0, v2;
	v4 =	vadd.f32 v6, v4;
	v6 =	vmul.f32 v31, v31  }
0x52b: {  	v1 =	vmul.f32 v36, v1;
	v3 =	vperm.xlane v62, v2  }
0x52c: {  	v7 =	vperm.xlane v55, v2;
	v20 =	vld [tilespmem:s30+$0x6000];
	v9 =	vmul.f32 v32, v32;
	v4 =	vadd.f32 v6, v4  }
0x52d: {  	v8 =	vperm.xlane v44, v2;
	v14 =	vperm.xlane v50, v2;
	[tilespmem:$0x1F4A0] =	vst v12  }
0x52e: {  	v0 =	vmul.f32 v36, v0;
	v55 =	vld [tilespmem:s30+$0x6400];
	[tilespmem:$0x1F4B0] =	vst v37;
	v4 =	vadd.f32 v9, v4;
	v9 =	vmul.f32 v33, v33  }
0x52f: {  	v3 =	vmul.f32 v3, v61;
	v5 =	vperm.xlane v59, v2;
	[tilespmem:s29+$0x1F80] =	vst v1  }
0x530: {  	v7 =	vmul.f32 v7, v61;
	v12 =	vmul.f32 v12, v12;
	[tilespmem:s29+$0x1080] =	vst v0;
	v4 =	vadd.f32 v9, v4  }
0x531: {  	s28 =	sor.u32 s3, s1;
	v13 =	vperm.xlane v49, v2;
	v59 =	vld [tilespmem:s30+$0x6800];
	[tilespmem:$0x1F4C0] =	vst v20;
	v5 =	vmul.f32 v5, v61  }
0x532: {  	v8 =	vmul.f32 v8, v61;
	[tilespmem:s28+$0x0] =	vst v3;
	v4 =	vadd.f32 v12, v4;
	v12 =	vmul.f32 v37, v37  }
0x533: {  	v10 =	vperm.xlane v46, v2;
	v1 =	vmul.f32 v13, v61;
	[tilespmem:s28+$0x80] =	vst v5  }
0x534: {  	v6 =	vperm.xlane v45, v2;
	v0 =	vadd.f32 v12, v4;
	v12 =	vmul.f32 v20, v20;
	v20 =	vld [tilespmem:s30+$0x6C00];
	[tilespmem:$0x1F4D0] =	vst v55  }
0x535: {  	v13 =	vmul.f32 v14, v61;
	v14 =	vperm.xlane v53, v2;
	[tilespmem:s28+$0x100] =	vst v7  }
0x536: {  	v11 =	vperm.xlane v47, v2;
	v6 =	vmul.f32 v6, v61;
	[tilespmem:s28+$0x180] =	vst v8  }
0x537: {  	v10 =	vmul.f32 v10, v61;
	v7 =	vmul.f32 v14, v61;
	v14 =	vld [tilespmem:s30+$0x7000];
	[tilespmem:$0x1F4E0] =	vst v59  }
0x538: {  	v9 =	vperm.xlane v48, v2;
	[tilespmem:s28+$0x200] =	vst v6  }
0x539: {  	v11 =	vmul.f32 v11, v61;
	[tilespmem:s28+$0x280] =	vst v10  }
0x53a: {  	v9 =	vmul.f32 v9, v61;
	v63 =	vld [tilespmem:s30+$0x7400];
	[tilespmem:$0x1F4F0] =	vst v20  }
0x53b: {  	v0 =	vadd.f32 v12, v0;
	v12 =	vperm.xlane v57, v2;
	[tilespmem:s28+$0x300] =	vst v11  }
0x53c: {  	v3 =	vperm.xlane v52, v2;
	v5 =	vmul.f32 v55, v55;
	[tilespmem:s28+$0x380] =	vst v9  }
0x53d: {  	v4 =	vperm.xlane v51, v2;
	v10 =	vmul.f32 v12, v61;
	v12 =	vld [tilespmem:s30+$0x7800];
	[tilespmem:$0x1F500] =	vst v14  }
0x53e: {  	v3 =	vmul.f32 v3, v61;
	v8 =	vmul.f32 v59, v59;
	v0 =	vadd.f32 v5, v0;
	[tilespmem:s28+$0x400] =	vst v1  }
0x53f: {  	v4 =	vmul.f32 v4, v61;
	v6 =	vperm.xlane v56, v2;
	[tilespmem:s28+$0x480] =	vst v13  }
0x540: {  	v0 =	vadd.f32 v8, v0;
	v8 =	vmul.f32 v20, v20;
	v9 =	vmul.f32 v14, v14;
	v14 =	vld [tilespmem:s30+$0x7C00];
	[tilespmem:$0x1F510] =	vst v63  }
0x541: {  	s0 =	simm.s32 $0x8000;
	v5 =	vperm.xlane v54, v2;
	[tilespmem:s28+$0x500] =	vst v4  }
0x542: {  	s11 =	sor.u32 s13, s0;
	v6 =	vmul.f32 v6, v61;
	v0 =	vadd.f32 v8, v0;
	[tilespmem:s28+$0x580] =	vst v3  }
0x543: {  	v5 =	vmul.f32 v5, v61;
	v8 =	vperm.xlane v58, v2;
	v13 =	vld [tilespmem:s11+$0x0];
	[tilespmem:$0x1F520] =	vst v12  }
0x544: {  	s1 =	simm.s32 $0x8400;
	v11 =	vperm.xlane v19, v2;
	v0 =	vadd.f32 v9, v0;
	v9 =	vmul.f32 v63, v63;
	[tilespmem:s28+$0x600] =	vst v7  }
0x545: {  	s12 =	sor.u32 s13, s1;
	v1 =	vperm.xlane v60, v2;
	v8 =	vmul.f32 v8, v61;
	[tilespmem:s28+$0x680] =	vst v5  }
0x546: {  	v4 =	vmul.f32 v11, v61;
	v0 =	vadd.f32 v9, v0;
	v9 =	vmul.f32 v12, v12;
	v12 =	vld [tilespmem:s12+$0x0];
	[tilespmem:$0x1F530] =	vst v14  }
0x547: {  	s2 =	simm.s32 $0x8800;
	v11 =	vperm.xlane v18, v2;
	v7 =	vperm.xlane v22, v2;
	[tilespmem:s28+$0x700] =	vst v6  }
0x548: {  	s16 =	sor.u32 s13, s2;
	v1 =	vmul.f32 v1, v61;
	v3 =	vperm.xlane v21, v2;
	[tilespmem:s28+$0x780] =	vst v10  }
0x549: {  	v6 =	vmul.f32 v7, v61;
	v7 =	vmul.f32 v11, v61;
	v11 =	vld [tilespmem:s16+$0x0];
	[tilespmem:$0x1F540] =	vst v13  }
0x54a: {  	s4 =	simm.s32 $0x8C00;
	[tilespmem:s28+$0x800] =	vst v8  }
0x54b: {  	s17 =	sor.u32 s13, s4;
	v3 =	vmul.f32 v3, v61;
	[tilespmem:s28+$0x880] =	vst v1  }
0x54c: {  	v5 =	vmul.f32 v14, v14;
	v0 =	vadd.f32 v9, v0;
	v9 =	vmul.f32 v13, v13;
	v13 =	vld [tilespmem:s17+$0x0];
	[tilespmem:$0x1F550] =	vst v12  }
0x54d: {  	s5 =	simm.s32 $0x9000;
	v10 =	vperm.xlane v16, v2;
	v8 =	vperm.xlane v24, v2;
	[tilespmem:s28+$0x900] =	vst v4  }
0x54e: {  	s18 =	sor.u32 s13, s5;
	v0 =	vadd.f32 v5, v0;
	v5 =	vperm.xlane v23, v2;
	[tilespmem:s28+$0x980] =	vst v3  }
0x54f: {  	v4 =	vmul.f32 v8, v61;
	v8 =	vmul.f32 v10, v61;
	v10 =	vld [tilespmem:s18+$0x0];
	[tilespmem:$0x1F560] =	vst v11  }
0x550: {  	s7 =	simm.s32 $0x9400;
	v0 =	vadd.f32 v9, v0;
	v1 =	vmul.f32 v5, v61;
	v5 =	vmul.f32 v12, v12;
	[tilespmem:s28+$0xA00] =	vst v6  }
0x551: {  	s19 =	sor.u32 s13, s7;
	[tilespmem:s28+$0xA80] =	vst v7  }
0x552: {  	v3 =	vperm.xlane v35, v2;
	v0 =	vadd.f32 v5, v0;
	v5 =	vmul.f32 v11, v11;
	v11 =	vld [tilespmem:s19+$0x0];
	[tilespmem:$0x1F570] =	vst v13  }
0x553: {  	s8 =	simm.s32 $0x9800;
	v9 =	vperm.xlane v26, v2;
	v6 =	vperm.xlane v27, v2;
	[tilespmem:s28+$0xB00] =	vst v1  }
0x554: {  	s20 =	sor.u32 s13, s8;
	v3 =	vmul.f32 v3, v61;
	[tilespmem:s28+$0xB80] =	vst v4  }
0x555: {  	v1 =	vmul.f32 v6, v61;
	v6 =	vmul.f32 v9, v61;
	v9 =	vld [tilespmem:s20+$0x0];
	[tilespmem:$0x1F580] =	vst v10  }
0x556: {  	v7 =	vperm.xlane v40, v2;
	[tilespmem:s28+$0xC00] =	vst v8  }
0x557: {  	s9 =	simm.s32 $0x9C00;
	v0 =	vadd.f32 v5, v0;
	v5 =	vmul.f32 v13, v13;
	v4 =	vperm.xlane v39, v2;
	[tilespmem:s28+$0xC80] =	vst v3  }
0x558: {  	s21 =	sor.u32 s13, s9;
	s10 =	simm.s32 $0xA000;
	v8 =	vperm.xlane v43, v2;
	v3 =	vperm.xlane v41, v2;
	[tilespmem:s28+$0xD00] =	vst v1  }
0x559: {  	s30 =	sor.u32 s13, s10;
	v23 =	vld [tilespmem:s21+$0x0];
	v1 =	vperm.xlane v42, v2;
	v2 =	vmul.f32 v4, v61;
	[tilespmem:s28+$0xD80] =	vst v6  }
0x55a: {  	v0 =	vadd.f32 v5, v0;
	v5 =	vmul.f32 v10, v10;
	v10 =	vld [tilespmem:s30+$0x0];
	v4 =	vmul.f32 v7, v61;
	[tilespmem:$0x1F590] =	vst v9  }
0x55b: {  	s11 =	simm.s32 $0xA400;
	v3 =	vmul.f32 v3, v61;
	[tilespmem:s28+$0xE00] =	vst v2  }
0x55c: {  	s31 =	sor.u32 s13, s11;
	s12 =	simm.s32 $0xA800;
	v6 =	vmul.f32 v34, v15;
	v2 =	vmul.f32 v8, v61;
	[tilespmem:s28+$0xE80] =	vst v4  }
0x55d: {  	s16 =	sor.u32 s13, s12;
	v24 =	vld [tilespmem:s31+$0x0];
	[tilespmem:s28+$0xF80] =	vst v3  }
0x55e: {  	v1 =	vmul.f32 v1, v61;
	[tilespmem:s28+$0xF00] =	vst v2;
	v2 =	vmul.f32 v6, v34;
	v6 =	vld [tilespmem:s16+$0x0]  }
0x55f: {  	v3 =	vld [tilespmem:$0x1F5A0];
	[tilespmem:$0x1F5B0] =	vst v10  }
0x560: {  	[tilespmem:s28+$0x1000] =	vst v1  }
0x561: {  	v1 =	vld [tilespmem:$0x1F5C0];
	_ =	sdelay $0x2  }
0x562: {  	v3 =	vmul.f32 v36, v3;
	_ =	sdelay $0x1  }
0x563: {  	v1 =	vmul.f32 v36, v1;
	[tilespmem:s29+$0x1100] =	vst v3  }
0x564: {  	v2 =	vsub.f32 $1.500000000e+00, v2;
	v3 =	vld [tilespmem:$0x1F5D0]  }
0x565: {  	[tilespmem:s29+$0x1180] =	vst v1  }
0x566: {  	s18 =	simm.s32 $0xAC00;
	v1 =	vmul.f32 v2, v34;
	v2 =	vld [tilespmem:$0x1F5E0]  }
0x567: {  	s20 =	sor.u32 s13, s18;
	s21 =	simm.s32 $0xB000;
	v0 =	vadd.f32 v5, v0;
	v5 =	vmul.f32 v11, v11  }
0x568: {  	s30 =	sor.u32 s13, s21;
	v7 =	vld [tilespmem:s20+$0x0]  }
0x569: {  	v0 =	vadd.f32 v5, v0;
	v5 =	vmul.f32 v9, v9;
	v8 =	vld [tilespmem:s30+$0x0];
	v3 =	vmul.f32 v36, v3  }
0x56a: {  	v21 =	vld [tilespmem:s15+$0x4000]  }
0x56b: {  	v0 =	vadd.f32 v5, v0;
	v5 =	vld [tilespmem:s15+$0x4400];
	v2 =	vmul.f32 v36, v2;
	[tilespmem:s29+$0x1200] =	vst v3  }
0x56c: {  	v3 =	vld [tilespmem:$0x1F5F0];
	[tilespmem:$0x1F600] =	vst v6  }
0x56d: {  	[tilespmem:s29+$0x1280] =	vst v2  }
0x56e: {  	v4 =	vmul.f32 v23, v23;
	v44 =	vmul.f32 v1, v17;
	v1 =	vld [tilespmem:$0x1F610];
	_ =	sdelay $0x1  }
0x56f: {  	v0 =	vadd.f32 v4, v0;
	v4 =	vmul.f32 v10, v10  }
0x570: {  	s19 =	simm.s32 $0xB400;
	v3 =	vmul.f32 v36, v3  }
0x571: {  	s31 =	sor.u32 s13, s19;
	v0 =	vadd.f32 v4, v0;
	v4 =	vmul.f32 v24, v24  }
0x572: {  	v9 =	vld [tilespmem:s31+$0x0];
	v1 =	vmul.f32 v36, v1;
	[tilespmem:s29+$0x1300] =	vst v3  }
0x573: {  	v0 =	vadd.f32 v4, v0;
	v4 =	vmul.f32 v6, v6;
	v6 =	vld [tilespmem:s15+$0x4800];
	[tilespmem:$0x1F630] =	vst v7  }
0x574: {  	v2 =	vld [tilespmem:$0x1F620];
	[tilespmem:s29+$0x1380] =	vst v1  }
0x575: {  	v1 =	vld [tilespmem:$0x1F640];
	_ =	sdelay $0x1  }
0x576: {  	v0 =	vadd.f32 v4, v0;
	v4 =	vld [tilespmem:$0x1F650];
	_ =	sdelay $0x1  }
0x577: {  	s30 =	simm.s32 $0xB800;
	v2 =	vmul.f32 v36, v2  }
0x578: {  	s13 =	sor.u32 s13, s30;
	v1 =	vmul.f32 v36, v1  }
0x579: {  	v3 =	vmul.f32 v7, v7;
	v50 =	vld [tilespmem:s13+$0x0];
	[tilespmem:s29+$0x1400] =	vst v2  }
0x57a: {  	v4 =	vmul.f32 v36, v4;
	v2 =	vld [tilespmem:$0x1F660];
	[tilespmem:s29+$0x1480] =	vst v1  }
0x57b: {  	v0 =	vadd.f32 v3, v0;
	v16 =	vld [tilespmem:s15+$0x4C00];
	v3 =	vmul.f32 v8, v8;
	[tilespmem:$0x1F670] =	vst v5  }
0x57c: {  	[tilespmem:s29+$0x1500] =	vst v4  }
0x57d: {  	v0 =	vadd.f32 v3, v0;
	v3 =	vld [tilespmem:$0x1F680];
	_ =	sdelay $0x1  }
0x57e: {  	v2 =	vmul.f32 v36, v2;
	_ =	sdelay $0x1  }
0x57f: {  	[tilespmem:s29+$0x1580] =	vst v2  }
0x580: {  	v2 =	vld [tilespmem:$0x1F690];
	v3 =	vmul.f32 v36, v3  }
0x581: {  	[tilespmem:$0x1F6A0] =	vst v6  }
0x582: {  	[tilespmem:s29+$0x1600] =	vst v3  }
0x583: {  	v3 =	vld [tilespmem:$0x1F6B0];
	_ =	sdelay $0x1  }
0x584: {  	v2 =	vmul.f32 v36, v2;
	_ =	sdelay $0x1  }
0x585: {  	[tilespmem:s29+$0x1680] =	vst v2  }
0x586: {  	v2 =	vld [tilespmem:$0x1F6C0];
	v3 =	vmul.f32 v36, v3  }
0x587: {  	v4 =	vmul.f32 v9, v9  }
0x588: {  	[tilespmem:s29+$0x1700] =	vst v3  }
0x589: {  	v0 =	vadd.f32 v4, v0;
	v4 =	vmul.f32 v50, v50;
	v3 =	vld [tilespmem:$0x1F6D0]  }
0x58a: {  	v1 =	vmul.f32 v21, v21;
	v5 =	vmul.f32 v5, v5  }
0x58b: {  	v0 =	vadd.f32 v4, v0;
	v4 =	vld [tilespmem:$0x1F6E0];
	v2 =	vmul.f32 v36, v2  }
0x58c: {  	v1 =	vadd.f32 v5, v1;
	v5 =	vmul.f32 v6, v6  }
0x58d: {  	[tilespmem:s29+$0x1780] =	vst v2  }
0x58e: {  	v1 =	vadd.f32 v5, v1;
	v5 =	vmul.f32 v16, v16;
	v2 =	vld [tilespmem:$0x1F6F0];
	v3 =	vmul.f32 v36, v3  }
0x58f: {  	v12 =	vld [tilespmem:s15+$0x5000]  }
0x590: {  	v1 =	vadd.f32 v5, v1;
	v5 =	vld [tilespmem:$0x1F700];
	v4 =	vmul.f32 v36, v4;
	[tilespmem:s29+$0x1800] =	vst v3  }
0x591: {  	v3 =	vld [tilespmem:$0x1F710]  }
0x592: {  	v6 =	vld [tilespmem:$0x1F720];
	[tilespmem:s29+$0x1880] =	vst v4  }
0x593: {  	v2 =	vmul.f32 v36, v2;
	v4 =	vld [tilespmem:$0x1F730]  }
0x594: {  	v15 =	vld [tilespmem:s15+$0x5400]  }
0x595: {  	v0 =	vmax.f32 v0, $1.000000020e-24;
	v17 =	vld [tilespmem:s15+$0x5800];
	v5 =	vmul.f32 v36, v5;
	[tilespmem:s29+$0x1900] =	vst v2  }
0x596: {  	v7 =	vshra.s32 v0, $0x1;
	v58 =	vmul.f32 $5.000000000e-01, v0;
	v0 =	vld [tilespmem:$0x1F740];
	v3 =	vmul.f32 v36, v3  }
0x597: {  	v14 =	vld [tilespmem:s15+$0x5C00];
	[tilespmem:s29+$0x1980] =	vst v5;
	v6 =	vmul.f32 v36, v6  }
0x598: {  	v5 =	vld [tilespmem:$0x1F750];
	v4 =	vmul.f32 v36, v4;
	[tilespmem:s29+$0x1A00] =	vst v3  }
0x599: {  	v3 =	vld [tilespmem:$0x1F760];
	[tilespmem:s29+$0x1A80] =	vst v6  }
0x59a: {  	v2 =	vsub.s32 $0x5F3759DF, v7;
	v7 =	vmul.f32 v12, v12;
	v6 =	vld [tilespmem:$0x1F770];
	[tilespmem:s29+$0x1B00] =	vst v4  }
0x59b: {  	v27 =	vmov v8;
	v8 =	vmul.f32 v2, v58;
	v0 =	vmul.f32 v36, v0;
	v4 =	vld [tilespmem:$0x1F780]  }
0x59c: {  	v1 =	vadd.f32 v7, v1;
	v7 =	vmul.f32 v15, v15  }
0x59d: {  	v56 =	vld [tilespmem:s15+$0x6000];
	v8 =	vmul.f32 v2, v8;
	v5 =	vmul.f32 v36, v5;
	[tilespmem:s29+$0x1B80] =	vst v0  }
0x59e: {  	v1 =	vadd.f32 v7, v1;
	v7 =	vmul.f32 v17, v17;
	v0 =	vld [tilespmem:$0x1F790];
	v3 =	vmul.f32 v36, v3  }
0x59f: {  	v26 =	vmov v9;
	v8 =	vsub.f32 $1.500000000e+00, v8;
	v9 =	vld [tilespmem:$0x1F7A0];
	[tilespmem:s29+$0x1C00] =	vst v5;
	v6 =	vmul.f32 v36, v6  }
0x5a0: {  	v55 =	vld [tilespmem:s15+$0x6400];
	v7 =	vadd.f32 v7, v1;
	v5 =	vmul.f32 v14, v14;
	v4 =	vmul.f32 v36, v4;
	[tilespmem:s29+$0x1C80] =	vst v3  }
0x5a1: {  	v1 =	vmul.f32 v2, v8;
	v2 =	vld [tilespmem:$0x1F7B0];
	[tilespmem:s29+$0x1D00] =	vst v6  }
0x5a2: {  	v3 =	vadd.f32 v5, v7;
	v5 =	vld [tilespmem:$0x1F7C0];
	[tilespmem:s29+$0x1D80] =	vst v4  }
0x5a3: {  	v4 =	vld [tilespmem:$0x1F7D0]  }
0x5a4: {  	v54 =	vld [tilespmem:s15+$0x6800]  }
0x5a5: {  	v51 =	vld [tilespmem:s15+$0x6C00]  }
0x5a6: {  	v34 =	vld [tilespmem:s15+$0x7000];
	v0 =	vmul.f32 v36, v0  }
0x5a7: {  	v52 =	vld [tilespmem:s15+$0x7400]  }
0x5a8: {  	v7 =	vmul.f32 v44, v4;
	v4 =	vld [tilespmem:$0x1F7E0];
	[tilespmem:s29+$0x1E00] =	vst v0  }
0x5a9: {  	v0 =	vld [tilespmem:$0x1F7F0]  }
0x5aa: {  	v53 =	vld [tilespmem:s15+$0x7800]  }
0x5ab: {  	s1 =	sor.u32 s3, s1;
	v35 =	vld [tilespmem:s15+$0x7C00]  }
0x5ac: {  	s2 =	sor.u32 s3, s2;
	v37 =	vld [tilespmem:s1+$0x0];
	v6 =	vmul.f32 v56, v56;
	v9 =	vmul.f32 v36, v9  }
0x5ad: {  	s4 =	sor.u32 s3, s4;
	v10 =	vmul.f32 v36, v25;
	v38 =	vld [tilespmem:s2+$0x0];
	v2 =	vmul.f32 v44, v2  }
0x5ae: {  	v39 =	vld [tilespmem:s4+$0x0];
	v3 =	vadd.f32 v6, v3;
	[tilespmem:s29+$0x1E80] =	vst v9;
	v6 =	vmul.f32 v44, v0;
	v0 =	vmul.f32 v55, v55  }
0x5af: {  	v8 =	vmul.f32 v44, v4;
	v4 =	vld [tilespmem:$0x1F800];
	[tilespmem:s29+$0x1F00] =	vst v10  }
0x5b0: {  	v0 =	vadd.f32 v0, v3;
	v3 =	vld [tilespmem:$0x1F810];
	[tilespmem:s24+$0x1080] =	vst v2  }
0x5b1: {  	s5 =	sor.u32 s3, s5;
	v48 =	vmul.f32 v34, v34;
	v2 =	vld [tilespmem:$0x1F820]  }
0x5b2: {  	s7 =	sor.u32 s3, s7;
	v40 =	vld [tilespmem:s5+$0x0];
	v57 =	vmul.f32 v53, v53;
	v60 =	vmul.f32 v35, v35  }
0x5b3: {  	s8 =	sor.u32 s3, s8;
	v41 =	vld [tilespmem:s7+$0x0];
	v5 =	vmul.f32 v44, v5;
	v10 =	vmul.f32 v54, v54  }
0x5b4: {  	s0 =	sor.u32 s3, s0;
	v42 =	vld [tilespmem:s8+$0x0];
	v9 =	vmul.f32 v44, v4;
	v4 =	vmul.f32 v1, v58  }
0x5b5: {  	v43 =	vmov v11;
	s13 =	sor.u32 s3, s9;
	v11 =	vmul.f32 v38, v38;
	v36 =	vld [tilespmem:s0+$0x0];
	[tilespmem:s24+$0x1100] =	vst v5;
	v5 =	vmul.f32 v51, v51  }
0x5b6: {  	s17 =	sor.u32 s3, s11;
	v45 =	vld [tilespmem:s13+$0x0];
	[tilespmem:s24+$0x1180] =	vst v7;
	v49 =	vmul.f32 v4, v1;
	v4 =	vmul.f32 v44, v2;
	v2 =	vadd.f32 v10, v0  }
0x5b7: {  	s15 =	sor.u32 s3, s10;
	v47 =	vld [tilespmem:s17+$0x0];
	[tilespmem:s24+$0x1200] =	vst v8;
	v8 =	vmul.f32 v40, v40;
	v3 =	vmul.f32 v44, v3  }
0x5b8: {  	s31 =	sor.u32 s3, s18;
	v46 =	vld [tilespmem:s15+$0x0];
	[tilespmem:s24+$0x1300] =	vst v9;
	v9 =	vmul.f32 v39, v39;
	v0 =	vmul.f32 v52, v52;
	v5 =	vadd.f32 v5, v2  }
0x5b9: {  	v18 =	vmovc v61;
	s21 =	sor.u32 s3, s21;
	s20 =	sor.u32 s3, s12;
	v10 =	vmul.f32 v37, v37;
	v59 =	vsub.f32 $1.500000000e+00, v49;
	v49 =	vld [tilespmem:s31+$0x0];
	[tilespmem:s24+$0x1380] =	vst v3;
	v3 =	vmul.f32 v42, v42  }
0x5ba: {  	s18 =	sor.u32 s3, s30;
	s1 =	sor.u32 s3, s19;
	s29 =	simm.s32 $0x2;
	[tilespmem:s24+$0x1280] =	vst v6;
	v2 =	vmul.f32 v36, v36;
	v6 =	vadd.f32 v48, v5;
	v48 =	vld [tilespmem:s20+$0x0];
	v5 =	vmul.f32 v41, v41  }
.LBB2_5:
0x5bb: {  	[tilespmem:$0x1F2E0] =	vst v12;
	v12 =	vld [tilespmem:$0x1F330];
	_ =	sdelay $0x1  }
0x5bc: {  	[tilespmem:$0x1F280] =	vst v43;
	v63 =	vld [tilespmem:s21+$0x0]  }
0x5bd: {  	[tilespmem:s24+$0x1400] =	vst v4;
	v4 =	vld [tilespmem:$0x1F320]  }
0x5be: {  	[tilespmem:$0x1F310] =	vst v14;
	v14 =	vld [tilespmem:$0x1F350]  }
0x5bf: {  	[tilespmem:$0x1F300] =	vst v17;
	v17 =	vld [tilespmem:$0x1F3D0];
	v43 =	vmul.f32 v59, v1;
	v59 =	vmul.f32 v44, v12;
	v12 =	vmov v55  }
0x5c0: {  	s29 =	sadd.s32 $0x2, s29;
	s25 =	sadd.s32 $0x20, s25;
	[tilespmem:$0x1F330] =	vst v12;
	v12 =	vld [tilespmem:$0x1F340]  }
0x5c1: {  	v20 =	vld [tilespmem:$0x1F430];
	s5 =	sshrl.u32 s29, $0x3;
	s31 =	sand.u32 $0x60, s25  }
0x5c2: {  	[tilespmem:$0x1F2C0] =	vst v21;
	v21 =	vld [tilespmem:$0x1F440];
	s3 =	sshll.u32 s5, $0x7;
	s0 =	sor.u32 $0x10, s31;
	v61 =	vmul.f32 v44, v4;
	v4 =	vmov v56;
	v56 =	vadd.f32 v0, v6  }
0x5c3: {  	v1 =	vld [tilespmem:s18+$0x0];
	s15 =	sor.u32 s3, s0  }
0x5c4: {  	s18 =	sor.u32 $0x400, s15;
	v0 =	vld [tilespmem:s1+$0x0];
	[tilespmem:s24+$0x1500] =	vst v59;
	v56 =	vadd.f32 v57, v56  }
0x5c5: {  	v25 =	vmovc v62;
	v59 =	vld [tilespmem:s18+$0x0];
	[tilespmem:s24+$0x1480] =	vst v61;
	v61 =	vmul.f32 v43, v58;
	v62 =	vmul.f32 v44, v12;
	v12 =	vmov v54  }
0x5c6: {  	s2 =	sor.u32 $0xC00, s15;
	v58 =	vld [tilespmem:s15+$0x0];
	[tilespmem:$0x1F340] =	vst v12;
	v12 =	vadd.f32 v60, v56  }
0x5c7: {  	v13 =	vmul.f32 v61, v43;
	v61 =	vld [tilespmem:s2+$0x0]  }
0x5c8: {  	[tilespmem:$0x1F290] =	vst v23;
	s20 =	sor.u32 $0x800, s15;
	v12 =	vadd.f32 v2, v12;
	v2 =	vld [tilespmem:$0x1F360]  }
0x5c9: {  	[tilespmem:$0x1F2B0] =	vst v18;
	v60 =	vld [tilespmem:s20+$0x0]  }
0x5ca: {  	[tilespmem:$0x1F2D0] =	vst v16;
	v13 =	vsub.f32 $1.500000000e+00, v13;
	v12 =	vadd.f32 v10, v12;
	v10 =	vld [tilespmem:$0x1F380]  }
0x5cb: {  	[tilespmem:$0x1F2F0] =	vst v15;
	v23 =	vld [tilespmem:$0x1F470];
	s4 =	sor.u32 $0x1000, s15;
	v14 =	vmul.f32 v44, v14  }
0x5cc: {  	[tilespmem:s24+$0x1580] =	vst v62;
	v62 =	vld [tilespmem:s4+$0x0];
	v13 =	vmul.f32 v13, v43  }
0x5cd: {  	v16 =	vmov v34;
	[tilespmem:s24+$0x1600] =	vst v14;
	v34 =	vmax.f32 v58, v59;
	v14 =	vmul.f32 v44, v2;
	v2 =	vld [tilespmem:$0x1F370]  }
0x5ce: {  	[tilespmem:$0x1F360] =	vst v16;
	v16 =	vmax.f32 v34, v60;
	v34 =	vmul.f32 v13, v18;
	v18 =	vld [tilespmem:$0x1F410]  }
0x5cf: {  	v12 =	vadd.f32 v11, v12;
	v13 =	vmax.f32 v16, v61;
	v16 =	vld [tilespmem:$0x1F3C0];
	v43 =	vmul.f32 v44, v10;
	v10 =	vmovc v53  }
0x5d0: {  	[tilespmem:$0x1F380] =	vst v10;
	v10 =	vld [tilespmem:$0x1F390]  }
0x5d1: {  	v15 =	vmovc v51;
	s2 =	sor.u32 $0x1800, s15;
	v9 =	vadd.f32 v9, v12;
	v12 =	vmul.f32 v34, v50;
	v50 =	vmul.f32 v44, v17;
	v17 =	vld [tilespmem:$0x1F3E0]  }
0x5d2: {  	[tilespmem:$0x1F350] =	vst v15;
	v53 =	vld [tilespmem:s2+$0x0];
	v15 =	vmul.f32 v44, v2  }
0x5d3: {  	v8 =	vadd.f32 v8, v9;
	v9 =	vld [tilespmem:$0x1F3F0]  }
0x5d4: {  	[tilespmem:s24+$0x1700] =	vst v15;
	v15 =	vld [tilespmem:$0x1F3B0]  }
0x5d5: {  	[tilespmem:s24+$0x1680] =	vst v14;
	v5 =	vadd.f32 v5, v8;
	v14 =	vmul.f32 v44, v10;
	v10 =	vld [tilespmem:$0x1F3A0]  }
0x5d6: {  	s7 =	sor.u32 $0x1400, s15;
	v2 =	vmov v52;
	v8 =	vld [tilespmem:$0x1F420]  }
0x5d7: {  	v7 =	vmul.f32 v45, v45;
	[tilespmem:$0x1F370] =	vst v2;
	v2 =	vld [tilespmem:s7+$0x0];
	v3 =	vadd.f32 v3, v5  }
0x5d8: {  	v5 =	vld [tilespmem:$0x1F450]  }
0x5d9: {  	s20 =	sor.u32 $0x1C00, s15;
	[tilespmem:s24+$0x1A00] =	vst v50;
	v16 =	vmul.f32 v44, v16;
	v3 =	vadd.f32 v7, v3;
	v7 =	vld [tilespmem:$0x1F480]  }
0x5da: {  	[tilespmem:s24+$0x1780] =	vst v43;
	v15 =	vmul.f32 v44, v15;
	v52 =	vmul.f32 v44, v10;
	v10 =	vld [tilespmem:s20+$0x0];
	s20 =	sor.u32 $0x2000, s15  }
0x5db: {  	[tilespmem:s24+$0x1980] =	vst v16;
	v11 =	vld [tilespmem:s20+$0x0]  }
0x5dc: {  	s20 =	sor.u32 $0x2400, s15;
	[tilespmem:s24+$0x1900] =	vst v15;
	v15 =	vld [tilespmem:$0x1F400]  }
0x5dd: {  	[tilespmem:s24+$0x1800] =	vst v14;
	v43 =	vld [tilespmem:s20+$0x0];
	s20 =	sor.u32 $0x2800, s15  }
0x5de: {  	[tilespmem:s24+$0x1880] =	vst v52;
	v52 =	vmul.f32 v44, v17;
	v14 =	vld [tilespmem:s20+$0x0];
	s20 =	sor.u32 $0x2C00, s15  }
0x5df: {  	s30 =	sor.u32 s31, s3;
	v17 =	vld [tilespmem:s20+$0x0];
	s20 =	sor.u32 $0x3000, s15;
	[tilespmem:s26+$0x1F80] =	vst v12  }
0x5e0: {  	s17 =	sor.u32 $0x400, s30;
	v13 =	vmax.f32 v13, v62;
	v9 =	vmul.f32 v44, v9;
	[tilespmem:s24+$0x1A80] =	vst v52;
	v12 =	vld [tilespmem:s20+$0x0]  }
0x5e1: {  	v6 =	vmul.f32 v46, v46;
	v13 =	vmax.f32 v13, v2;
	v52 =	vld [tilespmem:s17+$0x0]  }
0x5e2: {  	v13 =	vmax.f32 v13, v53;
	s20 =	sor.u32 $0x3400, s15;
	[tilespmem:s24+$0x1B00] =	vst v9;
	v9 =	vld [tilespmem:$0x1F460]  }
0x5e3: {  	[tilespmem:$0x1F2A0] =	vst v24;
	v3 =	vadd.f32 v6, v3;
	v13 =	vmax.f32 v13, v10;
	v15 =	vmul.f32 v44, v15;
	v19 =	vld [tilespmem:s20+$0x0]  }
0x5e4: {  	[tilespmem:$0x1F320] =	vst v4;
	v24 =	vmul.f32 v34, v29;
	v6 =	vmul.f32 v34, v30;
	s20 =	sor.u32 $0x3800, s15;
	v13 =	vmax.f32 v13, v11;
	v50 =	vld [tilespmem:s30+$0x0]  }
0x5e5: {  	v20 =	vmul.f32 v44, v20;
	v4 =	vmul.f32 v47, v47;
	v16 =	vld [tilespmem:s20+$0x0];
	s20 =	sor.u32 $0x3C00, s15;
	v13 =	vmax.f32 v13, v43;
	[tilespmem:s24+$0x1B80] =	vst v15  }
0x5e6: {  	v21 =	vmul.f32 v44, v21;
	v23 =	vmul.f32 v44, v23;
	v22 =	vld [tilespmem:s20+$0x0];
	v13 =	vmax.f32 v13, v14;
	[tilespmem:s26+$0x1100] =	vst v24  }
0x5e7: {  	v15 =	vmul.f32 v34, v28;
	v28 =	vadd.f32 v4, v3;
	v3 =	vmov v0;
	[tilespmem:s26+$0x1180] =	vst v6  }
0x5e8: {  	v18 =	vmul.f32 v44, v18;
	v6 =	vmov v38;
	v13 =	vmax.f32 v13, v17;
	[tilespmem:$0x1F470] =	vst v3  }
0x5e9: {  	s19 =	sor.u32 $0x800, s30;
	v8 =	vmul.f32 v44, v8;
	v5 =	vmul.f32 v44, v5;
	[tilespmem:$0x1F3C0] =	vst v6;
	v13 =	vmax.f32 v13, v12  }
0x5ea: {  	s21 =	sor.u32 $0xC00, s30;
	v7 =	vmul.f32 v44, v7;
	v9 =	vmul.f32 v44, v9;
	v44 =	vld [tilespmem:s19+$0x0];
	[tilespmem:s24+$0x1C00] =	vst v18;
	v13 =	vmax.f32 v13, v19  }
0x5eb: {  	s16 =	sor.u32 $0x1000, s30;
	v29 =	vld [tilespmem:s21+$0x0];
	[tilespmem:s24+$0x1C80] =	vst v8;
	v13 =	vmax.f32 v13, v16  }
0x5ec: {  	s18 =	sor.u32 $0x1400, s30;
	v51 =	vmul.f32 v1, v1;
	v30 =	vld [tilespmem:s16+$0x0];
	[tilespmem:s24+$0x1D00] =	vst v20;
	v8 =	vmax.f32 v13, v22  }
0x5ed: {  	s12 =	sor.u32 $0x1800, s30;
	v13 =	vmul.f32 v34, v31;
	v31 =	vld [tilespmem:s18+$0x0];
	[tilespmem:s24+$0x1D80] =	vst v21;
	v21 =	vimm.s32 $0x0;
	vm0 =	veq.f32 v22, v8  }
0x5ee: {  	v54 =	vmul.f32 v0, v0;
	v18 =	vmul.f32 v34, v32;
	v32 =	vld [tilespmem:s12+$0x0];
	[tilespmem:s24+$0x1E00] =	vst v5;
	v5 =	vmovc v63;
	v4 =	vsel vm0, $0xF, v21  }
0x5ef: {  	s13 =	sor.u32 $0x1C00, s30;
	v56 =	vmul.f32 v63, v63;
	v20 =	vmul.f32 v34, v33;
	v22 =	vmax.f32 v50, v52;
	[tilespmem:$0x1F460] =	vst v5  }
0x5f0: {  	s10 =	sor.u32 $0x2000, s30;
	vm9 =	veq.f32 v16, v8;
	vm10 =	veq.f32 v19, v8;
	vm11 =	veq.f32 v12, v8;
	v33 =	vld [tilespmem:s13+$0x0];
	[tilespmem:s24+$0x1E80] =	vst v9  }
0x5f1: {  	vm12 =	veq.f32 v17, v8;
	v22 =	vmax.f32 v22, v44;
	v16 =	vsel vm9, $0xE, v4;
	v3 =	vld [tilespmem:s10+$0x0];
	[tilespmem:s24+$0x1F00] =	vst v23;
	v4 =	vmovc v1  }
0x5f2: {  	s11 =	sor.u32 $0x2400, s30;
	vm13 =	veq.f32 v14, v8;
	v0 =	vmax.f32 v22, v29;
	v9 =	vsel vm10, $0xD, v16;
	[tilespmem:$0x1F480] =	vst v4  }
0x5f3: {  	s8 =	sor.u32 $0x2800, s30;
	vm14 =	veq.f32 v43, v8;
	v0 =	vmax.f32 v0, v30;
	v5 =	vmovc v35;
	v1 =	vsel vm11, $0xC, v9;
	v4 =	vld [tilespmem:s11+$0x0];
	[tilespmem:s24+$0x1F80] =	vst v7  }
0x5f4: {  	s9 =	sor.u32 $0x2C00, s30;
	vm15 =	veq.f32 v11, v8;
	[tilespmem:$0x1F390] =	vst v5;
	v0 =	vmax.f32 v0, v31;
	v1 =	vsel vm12, $0xB, v1;
	v7 =	vmovc v36;
	v5 =	vld [tilespmem:s8+$0x0]  }
0x5f5: {  	s4 =	sor.u32 $0x3000, s30;
	vm4 =	veq.f32 v10, v8;
	v0 =	vmax.f32 v0, v32;
	[tilespmem:$0x1F3A0] =	vst v7;
	v7 =	vld [tilespmem:s9+$0x0];
	v1 =	vsel vm13, $0xA, v1;
	v9 =	vmovc v37  }
0x5f6: {  	s7 =	sor.u32 $0x3400, s30;
	vm1 =	veq.f32 v53, v8;
	v0 =	vmax.f32 v0, v33;
	[tilespmem:$0x1F3B0] =	vst v9;
	v9 =	vld [tilespmem:s4+$0x0];
	v1 =	vsel vm14, $0x9, v1  }
0x5f7: {  	s1 =	sor.u32 $0x3800, s30;
	[tilespmem:s26+$0x1080] =	vst v15;
	v10 =	vmovc v39;
	vm5 =	veq.f32 v2, v8;
	v6 =	vld [tilespmem:s7+$0x0];
	v0 =	vmax.f32 v0, v3;
	v1 =	vsel vm15, $0x8, v1  }
0x5f8: {  	s2 =	sor.u32 $0x3C00, s30;
	v11 =	vmovc v40;
	vm6 =	veq.f32 v62, v8;
	[tilespmem:$0x1F3D0] =	vst v10;
	v10 =	vld [tilespmem:s1+$0x0];
	v1 =	vsel vm4, $0x7, v1;
	v0 =	vmax.f32 v0, v4  }
0x5f9: {  	v2 =	vmovc v41;
	vm7 =	veq.f32 v61, v8;
	[tilespmem:$0x1F3E0] =	vst v11;
	v11 =	vld [tilespmem:s2+$0x0];
	v1 =	vsel vm1, $0x6, v1;
	v0 =	vmax.f32 v0, v5  }
0x5fa: {  	[tilespmem:s26+$0x1280] =	vst v18;
	v63 =	vld [tilespmem:$0x1FFF0];
	v61 =	vimm.f32 $0.0e+00;
	v1 =	vsel vm5, $0x5, v1;
	v0 =	vmax.f32 v0, v7  }
0x5fb: {  	vm8 =	veq.f32 v60, v8;
	[tilespmem:s26+$0x1200] =	vst v13;
	v1 =	vsel vm6, $0x4, v1;
	v0 =	vmax.f32 v0, v9  }
0x5fc: {  	[tilespmem:$0x1F3F0] =	vst v2;
	vm9 =	veq.f32 v59, v8;
	v2 =	vmovc v49;
	v36 =	vld [tilespmem:$0x1F830];
	v1 =	vsel vm7, $0x3, v1;
	v0 =	vmax.f32 v0, v6  }
0x5fd: {  	v12 =	vmovc v48;
	s12 =	sor.u32 s23, s5;
	v23 =	vld [tilespmem:$0x1FA90];
	vm10 =	veq.f32 v58, v8;
	[tilespmem:$0x1F450] =	vst v2;
	v2 =	vsel vm8, $0x2, v1;
	v0 =	vmax.f32 v0, v10  }
0x5fe: {  	v15 =	vmovc v45;
	[tilespmem:$0x1F440] =	vst v12;
	v12 =	vld [tilespmem:$0x1FAA0];
	v13 =	vmovc v47;
	v1 =	vmax.f32 v0, v11;
	v0 =	vsel vm9, $0x1, v2;
	v2 =	vmov s12  }
0x5ff: {  	v14 =	vmovc v46;
	[tilespmem:$0x1F430] =	vst v13;
	v13 =	vld [tilespmem:$0x1FAB0];
	vm11 =	veq.f32 v11, v1;
	v0 =	vsel vm10, $0x0, v0;
	vm12 =	vlt.s32 v2, v63  }
0x600: {  	[tilespmem:$0x1F420] =	vst v14;
	s13 =	sshll.u32 s29, $0xA;
	v14 =	vld [tilespmem:$0x1FAC0];
	vm13 =	veq.f32 v10, v1;
	vm14 =	veq.f32 v6, v1;
	v2 =	vperm.xlane v25, v0  }
0x601: {  	[tilespmem:$0x1F410] =	vst v15;
	v15 =	vld [tilespmem:$0x1FAD0];
	v16 =	vmovc v42;
	s1 =	sand.u32 $0x3FFFE000, s13;
	vm15 =	veq.f32 v9, v1;
	v35 =	vsel vm12, $0x3F800000, v61;
	v10 =	vperm.xlane v36, v0  }
0x602: {  	[tilespmem:$0x1F400] =	vst v16;
	v16 =	vld [tilespmem:$0x1FAE0];
	s1 =	sadd.s32 $0xBC00, s1;
	vm4 =	veq.f32 v7, v1;
	v11 =	vperm.xlane v23, v0;
	v2 =	vmul.f32 v2, v35  }
0x603: {  	[tilespmem:s26+$0x1300] =	vst v20;
	v17 =	vld [tilespmem:$0x1FB00];
	s13 =	sor.u32 s0, s1;
	vm5 =	veq.f32 v5, v1;
	v6 =	vmul.f32 v10, v35;
	v10 =	vperm.xlane v12, v0  }
0x604: {  	v18 =	vld [tilespmem:$0x1FB10];
	vm6 =	veq.f32 v4, v1;
	[tilespmem:s13+$0x0] =	vst v2;
	v2 =	vmul.f32 v11, v35;
	v11 =	vperm.xlane v13, v0  }
0x605: {  	v19 =	vld [tilespmem:$0x1FB30];
	v8 =	vsel vm11, $0xF, v21;
	v9 =	vperm.xlane v14, v0;
	[tilespmem:s13+$0x80] =	vst v6;
	v6 =	vmul.f32 v10, v35  }
0x606: {  	v20 =	vld [tilespmem:$0x1FB50];
	v8 =	vsel vm13, $0xE, v8;
	v10 =	vperm.xlane v15, v0;
	[tilespmem:s13+$0x100] =	vst v2;
	v2 =	vmul.f32 v11, v35  }
0x607: {  	v7 =	vperm.xlane v16, v0;
	v21 =	vld [tilespmem:$0x1FB60];
	v8 =	vsel vm14, $0xD, v8;
	[tilespmem:s13+$0x180] =	vst v6;
	v6 =	vmul.f32 v9, v35  }
0x608: {  	v22 =	vld [tilespmem:$0x1FB80];
	v8 =	vsel vm15, $0xC, v8;
	v9 =	vperm.xlane v17, v0;
	[tilespmem:s13+$0x200] =	vst v2;
	v2 =	vmul.f32 v10, v35  }
0x609: {  	v5 =	vmul.f32 v7, v35;
	v8 =	vsel vm4, $0xB, v8;
	[tilespmem:s13+$0x280] =	vst v6;
	v6 =	vperm.xlane v18, v0  }
0x60a: {  	v24 =	vld [tilespmem:$0x1FBB0];
	v7 =	vsel vm5, $0xA, v8;
	v8 =	vperm.xlane v19, v0;
	[tilespmem:s13+$0x300] =	vst v2;
	v2 =	vmul.f32 v9, v35  }
0x60b: {  	vm9 =	veq.f32 v32, v1;
	[tilespmem:s13+$0x380] =	vst v5;
	v5 =	vperm.xlane v20, v0;
	v4 =	vmul.f32 v6, v35  }
0x60c: {  	v32 =	vld [tilespmem:$0x1FBF0];
	v6 =	vsel vm6, $0x9, v7;
	v7 =	vperm.xlane v21, v0;
	[tilespmem:s13+$0x400] =	vst v2;
	v2 =	vmul.f32 v8, v35  }
0x60d: {  	vm7 =	veq.f32 v3, v1;
	v3 =	vmul.f32 v5, v35;
	[tilespmem:s13+$0x480] =	vst v4;
	v4 =	vperm.xlane v22, v0  }
0x60e: {  	v37 =	vld [tilespmem:$0x1FC10];
	[tilespmem:s13+$0x500] =	vst v2;
	v2 =	vmul.f32 v7, v35  }
0x60f: {  	[tilespmem:s13+$0x580] =	vst v3;
	v7 =	vld [tilespmem:$0x1FBA0];
	v3 =	vmul.f32 v4, v35;
	v4 =	vperm.xlane v24, v0  }
0x610: {  	v55 =	vmul.f32 v49, v49;
	v57 =	vmul.f32 v48, v48;
	v39 =	vld [tilespmem:$0x1FC40]  }
0x611: {  	v62 =	vmov v25;
	v25 =	vld [tilespmem:$0x1FBD0];
	[tilespmem:s13+$0x680] =	vst v3;
	v3 =	vmul.f32 v4, v35;
	v4 =	vperm.xlane v32, v0  }
0x612: {  	v41 =	vld [tilespmem:$0x1FC70];
	vm8 =	veq.f32 v33, v1;
	vm10 =	veq.f32 v31, v1;
	vm11 =	veq.f32 v30, v1  }
0x613: {  	v33 =	vld [tilespmem:$0x1FC00];
	vm12 =	veq.f32 v29, v1;
	[tilespmem:s13+$0x780] =	vst v3;
	v3 =	vmul.f32 v4, v35;
	v4 =	vperm.xlane v37, v0  }
0x614: {  	v43 =	vld [tilespmem:$0x1FA40];
	vm13 =	veq.f32 v44, v1;
	v5 =	vsel vm7, $0x8, v6;
	v6 =	vperm.xlane v7, v0  }
0x615: {  	v38 =	vld [tilespmem:$0x1FC30];
	vm14 =	veq.f32 v52, v1;
	[tilespmem:s13+$0x880] =	vst v3;
	v3 =	vmul.f32 v4, v35;
	v4 =	vperm.xlane v39, v0  }
0x616: {  	v45 =	vld [tilespmem:$0x1FCB0];
	vm15 =	veq.f32 v50, v1;
	[tilespmem:s13+$0x600] =	vst v2;
	v2 =	vmul.f32 v6, v35;
	v6 =	vperm.xlane v25, v0  }
0x617: {  	v40 =	vld [tilespmem:$0x1FA30];
	v5 =	vsel vm8, $0x7, v5;
	[tilespmem:s13+$0x980] =	vst v3;
	v3 =	vmul.f32 v4, v35;
	v4 =	vperm.xlane v41, v0  }
0x618: {  	v47 =	vld [tilespmem:$0x1FA70];
	v5 =	vsel vm9, $0x6, v5;
	[tilespmem:s13+$0x700] =	vst v2;
	v2 =	vmul.f32 v6, v35;
	v6 =	vperm.xlane v33, v0  }
0x619: {  	v58 =	vld [tilespmem:$0x1FCD0];
	v5 =	vsel vm10, $0x5, v5;
	[tilespmem:s13+$0xA80] =	vst v3;
	v3 =	vmul.f32 v4, v35;
	v4 =	vperm.xlane v43, v0  }
0x61a: {  	v42 =	vld [tilespmem:$0x1FC80];
	v5 =	vsel vm11, $0x4, v5;
	[tilespmem:s13+$0x800] =	vst v2;
	v2 =	vmul.f32 v6, v35;
	v6 =	vperm.xlane v38, v0  }
0x61b: {  	v5 =	vsel vm12, $0x3, v5;
	[tilespmem:s13+$0xB80] =	vst v3;
	v3 =	vmul.f32 v4, v35;
	v4 =	vperm.xlane v45, v0  }
0x61c: {  	v5 =	vsel vm13, $0x2, v5;
	[tilespmem:s13+$0x900] =	vst v2;
	v2 =	vmul.f32 v6, v35;
	v6 =	vperm.xlane v40, v0  }
0x61d: {  	v5 =	vsel vm14, $0x1, v5;
	[tilespmem:s13+$0xC80] =	vst v3;
	v1 =	vmul.f32 v4, v35;
	v3 =	vperm.xlane v47, v0  }
0x61e: {  	v4 =	vsel vm15, $0x0, v5;
	v5 =	vperm.xlane v58, v0;
	[tilespmem:s13+$0xA00] =	vst v2;
	v2 =	vmul.f32 v6, v35  }
0x61f: {  	v6 =	vperm.xlane v42, v0;
	v8 =	vperm.xlane v36, v4  }
0x620: {  	v9 =	vperm.xlane v12, v4;
	v10 =	vperm.xlane v13, v4  }
0x621: {  	v11 =	vperm.xlane v14, v4;
	v12 =	vperm.xlane v15, v4  }
0x622: {  	v13 =	vperm.xlane v16, v4;
	v14 =	vperm.xlane v17, v4  }
0x623: {  	v15 =	vperm.xlane v18, v4;
	v16 =	vperm.xlane v19, v4  }
0x624: {  	v17 =	vperm.xlane v20, v4;
	v18 =	vperm.xlane v21, v4  }
0x625: {  	v44 =	vld [tilespmem:$0x1FA50];
	v19 =	vperm.xlane v22, v4;
	v20 =	vperm.xlane v7, v4  }
0x626: {  	v59 =	vld [tilespmem:$0x1FCE0];
	v21 =	vperm.xlane v24, v4;
	v22 =	vperm.xlane v25, v4  }
0x627: {  	v46 =	vld [tilespmem:$0x1FA60];
	v24 =	vperm.xlane v33, v4;
	v37 =	vperm.xlane v37, v4  }
0x628: {  	v60 =	vld [tilespmem:$0x1FD00];
	v38 =	vperm.xlane v38, v4;
	[tilespmem:s13+$0xD80] =	vst v1;
	v1 =	vmul.f32 v3, v35  }
0x629: {  	v39 =	vperm.xlane v39, v4;
	[tilespmem:s13+$0xB00] =	vst v2;
	v2 =	vmul.f32 v6, v35  }
0x62a: {  	v6 =	vperm.xlane v44, v0;
	v12 =	vmul.f32 v12, v35;
	[tilespmem:s13+$0xE80] =	vst v1  }
0x62b: {  	s24 =	smov.u32 s28;
	s28 =	sor.u32 s31, s1;
	v3 =	vperm.xlane v59, v0;
	v13 =	vmul.f32 v13, v35;
	[tilespmem:s13+$0xC00] =	vst v2  }
0x62c: {  	v2 =	vmul.f32 v6, v35;
	v6 =	vperm.xlane v46, v0;
	[tilespmem:s28+$0x300] =	vst v12  }
0x62d: {  	v1 =	vmul.f32 v3, v35;
	v0 =	vperm.xlane v60, v0;
	[tilespmem:s28+$0x380] =	vst v13  }
0x62e: {  	v40 =	vperm.xlane v40, v4;
	[tilespmem:s13+$0xD00] =	vst v2;
	v2 =	vmul.f32 v6, v35  }
0x62f: {  	v41 =	vperm.xlane v41, v4;
	[tilespmem:s13+$0xF80] =	vst v1;
	v6 =	vadd.f32 v57, v28;
	v0 =	vmul.f32 v0, v35  }
0x630: {  	v42 =	vperm.xlane v42, v4;
	[tilespmem:s13+$0xE00] =	vst v2;
	v2 =	vmul.f32 v5, v35  }
0x631: {  	v50 =	vperm.xlane v59, v4;
	v15 =	vmul.f32 v15, v35;
	v3 =	vadd.f32 v55, v6;
	[tilespmem:s13+$0x1000] =	vst v0  }
0x632: {  	v43 =	vperm.xlane v43, v4;
	v16 =	vmul.f32 v16, v35;
	[tilespmem:s13+$0xF00] =	vst v2  }
0x633: {  	v45 =	vperm.xlane v45, v4;
	v53 =	vmul.f32 v50, v35;
	[tilespmem:s28+$0x480] =	vst v15;
	v1 =	vadd.f32 v56, v3;
	v28 =	vld [tilespmem:s15+$0x4000]  }
0x634: {  	v49 =	vperm.xlane v58, v4;
	v12 =	vmul.f32 v18, v35;
	[tilespmem:s28+$0x500] =	vst v16;
	v29 =	vld [tilespmem:s15+$0x4400]  }
0x635: {  	v44 =	vperm.xlane v44, v4;
	v13 =	vmul.f32 v20, v35;
	[tilespmem:s28+$0xF80] =	vst v53;
	v0 =	vadd.f32 v54, v1  }
0x636: {  	v18 =	vmul.f32 v21, v35;
	v16 =	vmul.f32 v24, v35;
	[tilespmem:s28+$0x600] =	vst v12;
	v30 =	vld [tilespmem:s15+$0x4800]  }
0x637: {  	v21 =	vmul.f32 v37, v35;
	v24 =	vmul.f32 v43, v35;
	[tilespmem:s28+$0x700] =	vst v13;
	v0 =	vadd.f32 v51, v0  }
0x638: {  	v57 =	vmul.f32 v8, v35;
	v12 =	vmul.f32 v39, v35;
	[tilespmem:s28+$0x780] =	vst v18;
	v31 =	vld [tilespmem:s15+$0x4C00]  }
0x639: {  	[tilespmem:s28+$0x900] =	vst v16;
	v0 =	vmax.f32 v0, $1.000000020e-24;
	v3 =	vmul.f32 v28, v28;
	v6 =	vmul.f32 v29, v29  }
0x63a: {  	[tilespmem:s28+$0x980] =	vst v21;
	v2 =	vperm.xlane v23, v4;
	v23 =	vperm.xlane v32, v4;
	v32 =	vld [tilespmem:s15+$0x5000];
	v1 =	vshra.s32 v0, $0x1  }
0x63b: {  	[tilespmem:s28+$0xC80] =	vst v24;
	v36 =	vsub.s32 $0x5F3759DF, v1;
	v1 =	vadd.f32 v6, v3;
	v3 =	vmul.f32 v30, v30  }
0x63c: {  	v46 =	vperm.xlane v46, v4;
	v13 =	vmul.f32 v42, v35;
	[tilespmem:s28+$0x80] =	vst v57;
	v33 =	vld [tilespmem:s15+$0x5400]  }
0x63d: {  	v18 =	vmul.f32 v44, v35;
	[tilespmem:s28+$0xA80] =	vst v12;
	v1 =	vadd.f32 v3, v1;
	v3 =	vmul.f32 v31, v31  }
0x63e: {  	v48 =	vmul.f32 v46, v35;
	v5 =	vperm.xlane v62, v4;
	[tilespmem:s28+$0xC00] =	vst v13;
	v6 =	vld [tilespmem:s15+$0x5800]  }
0x63f: {  	v25 =	vld [tilespmem:$0x1F4A0];
	v16 =	vmul.f32 v49, v35;
	[tilespmem:s28+$0xD00] =	vst v18;
	v7 =	vmul.f32 v32, v32;
	v3 =	vadd.f32 v3, v1  }
0x640: {  	v47 =	vperm.xlane v47, v4;
	[tilespmem:s28+$0xE00] =	vst v48;
	v5 =	vmul.f32 v5, v35;
	v1 =	vld [tilespmem:s15+$0x5C00]  }
0x641: {  	v18 =	vld [tilespmem:$0x1F500];
	[tilespmem:s28+$0xF00] =	vst v16;
	v2 =	vmul.f32 v2, v35;
	v55 =	vmul.f32 v33, v33;
	v3 =	vadd.f32 v7, v3  }
0x642: {  	[tilespmem:s28+$0x0] =	vst v5;
	v5 =	vmul.f32 v9, v35;
	v9 =	vmul.f32 v10, v35;
	v7 =	vld [tilespmem:s15+$0x6000]  }
0x643: {  	v16 =	vld [tilespmem:$0x1F550];
	v51 =	vperm.xlane v60, v4;
	[tilespmem:s28+$0x100] =	vst v2;
	v56 =	vmul.f32 v6, v6;
	v4 =	vadd.f32 v55, v3  }
0x644: {  	s19 =	sadd.s32 $0x8800, s3;
	v10 =	vmul.f32 v11, v35;
	[tilespmem:s28+$0x180] =	vst v5;
	v3 =	vld [tilespmem:s15+$0x6400]  }
0x645: {  	s20 =	sor.u32 s0, s19;
	s21 =	sadd.s32 $0x8C00, s3;
	v8 =	vld [tilespmem:s15+$0x6800];
	v15 =	vmul.f32 v23, v35;
	[tilespmem:s28+$0x200] =	vst v9;
	v58 =	vmul.f32 v1, v1;
	v4 =	vadd.f32 v56, v4  }
0x646: {  	s4 =	sor.u32 s0, s21;
	v52 =	vld [tilespmem:s20+$0x0];
	v23 =	vmul.f32 v40, v35;
	[tilespmem:s28+$0x280] =	vst v10  }
0x647: {  	v54 =	vld [tilespmem:s4+$0x0];
	v5 =	vmul.f32 v14, v35;
	[tilespmem:s28+$0x880] =	vst v15;
	v59 =	vmul.f32 v7, v7;
	v11 =	vadd.f32 v58, v4  }
0x648: {  	v10 =	vmul.f32 v17, v35;
	[tilespmem:s28+$0xB00] =	vst v23;
	v4 =	vld [tilespmem:s15+$0x6C00]  }
0x649: {  	s17 =	sadd.s32 $0x8400, s3;
	v2 =	vld [tilespmem:s15+$0x7000];
	v17 =	vmul.f32 v19, v35;
	[tilespmem:s28+$0x400] =	vst v5;
	v14 =	vmul.f32 v3, v3;
	v11 =	vadd.f32 v59, v11  }
0x64a: {  	s18 =	sor.u32 s0, s17;
	v9 =	vld [tilespmem:s15+$0x7400];
	v19 =	vmul.f32 v22, v35;
	[tilespmem:s28+$0x580] =	vst v10  }
0x64b: {  	s16 =	sadd.s32 $0x8000, s3;
	v22 =	vmul.f32 v38, v35;
	v60 =	vld [tilespmem:s18+$0x0];
	[tilespmem:s28+$0x680] =	vst v17;
	v11 =	vadd.f32 v14, v11;
	v14 =	vmul.f32 v8, v8  }
0x64c: {  	s9 =	sadd.s32 $0x9000, s3;
	s1 =	sor.u32 s0, s16;
	v15 =	vmul.f32 v47, v35;
	v5 =	vld [tilespmem:s15+$0x7800];
	[tilespmem:s28+$0x800] =	vst v19  }
0x64d: {  	s11 =	sor.u32 s0, s9;
	v10 =	vld [tilespmem:s1+$0x0];
	v17 =	vmul.f32 v41, v35;
	[tilespmem:s28+$0xA00] =	vst v22;
	v11 =	vadd.f32 v14, v11;
	v14 =	vmul.f32 v4, v4  }
0x64e: {  	v19 =	vmul.f32 v45, v35;
	v22 =	vld [tilespmem:s11+$0x0];
	[tilespmem:s28+$0xE80] =	vst v15  }
0x64f: {  	[tilespmem:s28+$0xB80] =	vst v17;
	v17 =	vld [tilespmem:$0x1F4E0];
	v20 =	vmul.f32 v2, v2;
	v14 =	vadd.f32 v14, v11  }
0x650: {  	v21 =	vmul.f32 v51, v35;
	[tilespmem:s28+$0xD80] =	vst v19;
	v55 =	vmul.f32 v34, v25;
	v25 =	vmov v6;
	v11 =	vld [tilespmem:s15+$0x7C00]  }
0x651: {  	v0 =	vmul.f32 $5.000000000e-01, v0;
	[tilespmem:$0x1F4A0] =	vst v25;
	v25 =	vld [tilespmem:$0x1F4C0];
	v14 =	vadd.f32 v20, v14;
	v20 =	vmul.f32 v9, v9  }
0x652: {  	[tilespmem:s28+$0x1000] =	vst v21;
	v21 =	vld [tilespmem:$0x1F570]  }
0x653: {  	v38 =	vld [tilespmem:s30+$0x4400];
	v56 =	vmul.f32 v36, v0;
	v14 =	vadd.f32 v20, v14;
	v20 =	vmul.f32 v5, v5  }
0x654: {  	v51 =	vld [tilespmem:s30+$0x6C00]  }
0x655: {  	v13 =	vmul.f32 v36, v56;
	v56 =	vld [tilespmem:s30+$0x6000];
	v14 =	vadd.f32 v20, v14;
	v20 =	vmul.f32 v11, v11  }
0x656: {  	s8 =	sor.u32 s31, s19;
	s19 =	sadd.s32 $0x9C00, s3;
	v23 =	vmovc v3;
	v57 =	vmul.f32 v34, v25;
	v25 =	vmov v1;
	v1 =	vmov v7;
	v7 =	vld [tilespmem:$0x1F4D0]  }
0x657: {  	s20 =	sor.u32 s0, s19;
	[tilespmem:$0x1F4D0] =	vst v23;
	v23 =	vld [tilespmem:$0x1F510];
	v14 =	vadd.f32 v20, v14;
	v20 =	vmul.f32 v10, v10  }
0x658: {  	v3 =	vmov v8;
	v8 =	vld [tilespmem:s20+$0x0];
	s15 =	sor.u32 s31, s21;
	s21 =	sadd.s32 $0xA000, s3  }
0x659: {  	s10 =	sor.u32 s31, s9;
	v24 =	vmov v4;
	v4 =	vld [tilespmem:$0x1F520];
	s9 =	sor.u32 s0, s21;
	v14 =	vadd.f32 v20, v14;
	v20 =	vmul.f32 v60, v60  }
0x65a: {  	s5 =	sor.u32 s31, s16;
	s12 =	sadd.s32 $0x9400, s3;
	v19 =	vld [tilespmem:s9+$0x0]  }
0x65b: {  	s7 =	sor.u32 s31, s17;
	s17 =	sadd.s32 $0x9800, s3;
	s16 =	sor.u32 s0, s12;
	v12 =	vmul.f32 v52, v52;
	v6 =	vadd.f32 v20, v14;
	v14 =	vld [tilespmem:$0x1F4B0]  }
0x65c: {  	s18 =	sor.u32 s0, s17;
	v20 =	vld [tilespmem:s16+$0x0];
	s16 =	sadd.s32 $0xA400, s3  }
0x65d: {  	s11 =	sor.u32 s31, s12;
	s12 =	sor.u32 s31, s17;
	[tilespmem:$0x1F4C0] =	vst v1;
	s17 =	sor.u32 s0, s16;
	v1 =	vadd.f32 v12, v6;
	v6 =	vmul.f32 v54, v54;
	v12 =	vld [tilespmem:s18+$0x0]  }
0x65e: {  	[tilespmem:$0x1F4B0] =	vst v25;
	v25 =	vmov v2;
	v2 =	vmov v9;
	v9 =	vld [tilespmem:s17+$0x0]  }
0x65f: {  	[tilespmem:$0x1F4E0] =	vst v3;
	v13 =	vsub.f32 $1.500000000e+00, v13;
	v1 =	vadd.f32 v6, v1;
	v6 =	vld [tilespmem:$0x1F4F0]  }
0x660: {  	v58 =	vmov v5;
	v5 =	vmov v11;
	s18 =	sadd.s32 $0xA800, s3;
	[tilespmem:$0x1F4F0] =	vst v24;
	v24 =	vld [tilespmem:$0x1F530]  }
0x661: {  	v13 =	vmul.f32 v36, v13;
	s20 =	sor.u32 s0, s18;
	[tilespmem:$0x1F530] =	vst v5;
	v5 =	vld [tilespmem:$0x1F560]  }
0x662: {  	v3 =	vmul.f32 v22, v22;
	[tilespmem:$0x1F500] =	vst v25;
	v25 =	vmov v10;
	v10 =	vmov v60;
	v11 =	vld [tilespmem:s20+$0x0]  }
0x663: {  	s2 =	sor.u32 s31, s19;
	v18 =	vmul.f32 v34, v18;
	v15 =	vmul.f32 v13, v0;
	s19 =	sor.u32 s31, s21;
	s21 =	sadd.s32 $0xAC00, s3;
	[tilespmem:$0x1F550] =	vst v10;
	v10 =	vld [tilespmem:s30+$0x4000]  }
0x664: {  	v16 =	vmul.f32 v34, v16;
	s9 =	sor.u32 s31, s18;
	s18 =	sor.u32 s0, s21;
	[tilespmem:s26+$0x1380] =	vst v55;
	v55 =	vld [tilespmem:s30+$0x6400];
	v1 =	vadd.f32 v3, v1;
	v3 =	vmul.f32 v20, v20  }
0x665: {  	v17 =	vmul.f32 v34, v17;
	v15 =	vmul.f32 v15, v13;
	v39 =	vld [tilespmem:s18+$0x0]  }
0x666: {  	v21 =	vmul.f32 v34, v21;
	[tilespmem:$0x1F510] =	vst v2;
	v2 =	vmul.f32 v12, v12;
	v1 =	vadd.f32 v3, v1;
	v3 =	vld [tilespmem:$0x1F540]  }
0x667: {  	v7 =	vmul.f32 v34, v7;
	v59 =	vsub.f32 $1.500000000e+00, v15;
	v14 =	vmul.f32 v34, v14;
	[tilespmem:$0x1F540] =	vst v25;
	v25 =	vld [tilespmem:$0x1F580]  }
0x668: {  	s20 =	sadd.s32 $0xB000, s3;
	[tilespmem:s26+$0x1480] =	vst v57;
	v43 =	vmov v20;
	v20 =	vld [tilespmem:s30+$0x5400];
	v1 =	vadd.f32 v2, v1;
	v2 =	vmul.f32 v8, v8  }
0x669: {  	v23 =	vmul.f32 v34, v23;
	v13 =	vmul.f32 v59, v13;
	s18 =	sor.u32 s0, s20;
	[tilespmem:s26+$0x1400] =	vst v14;
	v14 =	vld [tilespmem:$0x1F280]  }
0x66a: {  	v15 =	vmov v22;
	s4 =	sor.u32 s31, s16;
	v42 =	vld [tilespmem:s18+$0x0];
	[tilespmem:s26+$0x1500] =	vst v7;
	v1 =	vadd.f32 v2, v1;
	v2 =	vmul.f32 v19, v19  }
0x66b: {  	v0 =	vmul.f32 v13, v0;
	s16 =	sor.u32 s31, s21;
	s21 =	sor.u32 s31, s20;
	s20 =	sadd.s32 $0xB400, s3;
	v7 =	vld [tilespmem:$0x1F5B0];
	[tilespmem:$0x1F580] =	vst v15;
	v6 =	vmul.f32 v34, v6  }
0x66c: {  	s17 =	sor.u32 s0, s20;
	[tilespmem:s26+$0x1580] =	vst v17;
	v36 =	vmul.f32 v34, v25;
	v25 =	vld [tilespmem:$0x1F590];
	v1 =	vadd.f32 v2, v1;
	v2 =	vmul.f32 v9, v9  }
0x66d: {  	v4 =	vmul.f32 v34, v4;
	v0 =	vmul.f32 v0, v13;
	s3 =	sadd.s32 $0xB800, s3;
	v60 =	vld [tilespmem:s17+$0x0];
	[tilespmem:s26+$0x1680] =	vst v18  }
0x66e: {  	s0 =	sor.u32 s0, s3;
	v15 =	vld [tilespmem:s30+$0x4800];
	v24 =	vmul.f32 v34, v24;
	[tilespmem:s26+$0x1600] =	vst v6;
	v1 =	vadd.f32 v2, v1;
	v2 =	vmul.f32 v11, v11  }
0x66f: {  	v22 =	vmul.f32 v10, v10;
	v18 =	vmul.f32 v38, v38;
	v50 =	vld [tilespmem:s0+$0x0];
	[tilespmem:s26+$0x1700] =	vst v23  }
0x670: {  	v17 =	vld [tilespmem:$0x1F2A0];
	v5 =	vmul.f32 v34, v5;
	[tilespmem:s26+$0x1780] =	vst v4;
	v1 =	vadd.f32 v2, v1;
	v2 =	vmul.f32 v39, v39  }
0x671: {  	v0 =	vsub.f32 $1.500000000e+00, v0;
	v18 =	vadd.f32 v18, v22;
	v22 =	vld [tilespmem:s30+$0x5800];
	[tilespmem:s26+$0x1800] =	vst v24;
	v40 =	vmul.f32 v34, v25;
	v25 =	vmovc v52  }
0x672: {  	v6 =	vmov v12;
	[tilespmem:$0x1F560] =	vst v25;
	v25 =	vld [tilespmem:$0x1F290];
	v1 =	vadd.f32 v2, v1;
	v2 =	vmul.f32 v42, v42  }
0x673: {  	v0 =	vmul.f32 v0, v13;
	v14 =	vmul.f32 v34, v14;
	[tilespmem:$0x1F590] =	vst v6;
	v6 =	vld [tilespmem:s30+$0x4C00]  }
0x674: {  	v23 =	vmovc v8;
	v8 =	vmov v19;
	v4 =	vld [tilespmem:$0x1F630];
	[tilespmem:s26+$0x1980] =	vst v5;
	v1 =	vadd.f32 v2, v1;
	v2 =	vmul.f32 v60, v60  }
0x675: {  	v5 =	vmul.f32 v34, v26;
	[tilespmem:$0x1F5B0] =	vst v8;
	v8 =	vld [tilespmem:s30+$0x5000];
	v19 =	vmul.f32 v15, v15  }
0x676: {  	[tilespmem:s26+$0x1900] =	vst v16;
	v16 =	vld [tilespmem:$0x1F2B0];
	v3 =	vmul.f32 v34, v3;
	v7 =	vmul.f32 v34, v7  }
0x677: {  	v12 =	vld [tilespmem:$0x1F600];
	v24 =	vmovc v9;
	[tilespmem:s26+$0x1B00] =	vst v14;
	v9 =	vadd.f32 v19, v18;
	v41 =	vmul.f32 v34, v25;
	v25 =	vmov v54  }
0x678: {  	v1 =	vadd.f32 v2, v1;
	[tilespmem:$0x1F570] =	vst v25;
	v25 =	vmul.f32 v6, v6;
	v2 =	vmov v11;
	v11 =	vld [tilespmem:$0x1F2C0]  }
0x679: {  	v14 =	vld [tilespmem:$0x1F670];
	[tilespmem:s26+$0x1880] =	vst v3;
	v3 =	vmul.f32 v34, v27;
	v27 =	vmul.f32 v50, v50  }
0x67a: {  	v17 =	vmul.f32 v34, v17;
	v19 =	vld [tilespmem:s30+$0x5C00];
	v13 =	vmul.f32 v8, v8;
	v9 =	vadd.f32 v25, v9  }
0x67b: {  	[tilespmem:s26+$0x1C80] =	vst v7;
	v44 =	vmul.f32 v0, v16;
	v7 =	vmov v15;
	v15 =	vld [tilespmem:$0x1F2D0];
	v25 =	vadd.f32 v27, v1  }
0x67c: {  	v4 =	vmul.f32 v34, v4;
	v0 =	vmul.f32 v20, v20;
	v52 =	vld [tilespmem:s30+$0x7400];
	[tilespmem:$0x1F600] =	vst v2;
	v2 =	vadd.f32 v13, v9  }
0x67d: {  	[tilespmem:$0x1F520] =	vst v58;
	v12 =	vmul.f32 v34, v12;
	v54 =	vld [tilespmem:s30+$0x6800];
	v16 =	vmax.f32 v25, $1.000000020e-24;
	v11 =	vmul.f32 v44, v11  }
0x67e: {  	[tilespmem:s26+$0x1A00] =	vst v21;
	v34 =	vld [tilespmem:s30+$0x7000];
	v58 =	vmul.f32 $5.000000000e-01, v16;
	v0 =	vadd.f32 v0, v2;
	v2 =	vshra.s32 v16, $0x1  }
0x67f: {  	v16 =	vld [tilespmem:$0x1F6A0];
	[tilespmem:s24+$0x1080] =	vst v11;
	v11 =	vsub.s32 $0x5F3759DF, v2  }
0x680: {  	[tilespmem:s26+$0x1E80] =	vst v3;
	v3 =	vld [tilespmem:$0x1F300];
	v14 =	vmul.f32 v44, v14;
	v2 =	vmul.f32 v11, v58  }
0x681: {  	[tilespmem:s26+$0x1E00] =	vst v4;
	v4 =	vld [tilespmem:$0x1F2F0]  }
0x682: {  	v21 =	vmov v10;
	v10 =	vmov v39;
	v53 =	vld [tilespmem:s30+$0x7800];
	[tilespmem:s24+$0x1100] =	vst v14;
	v2 =	vmul.f32 v11, v2  }
0x683: {  	[tilespmem:$0x1F630] =	vst v10;
	v18 =	vmov v35;
	v9 =	vmul.f32 v22, v22;
	v35 =	vld [tilespmem:s30+$0x7C00]  }
0x684: {  	[tilespmem:s26+$0x1A80] =	vst v36;
	v1 =	vmovc v38;
	v25 =	vmul.f32 v44, v16;
	v16 =	vmov v6;
	v6 =	vsub.f32 $1.500000000e+00, v2;
	v2 =	vld [tilespmem:$0x1F2E0]  }
0x685: {  	v13 =	vmul.f32 v19, v19;
	[tilespmem:$0x1F670] =	vst v1;
	v0 =	vadd.f32 v9, v0;
	v36 =	vld [tilespmem:s5+$0x0]  }
0x686: {  	[tilespmem:$0x1F6A0] =	vst v7;
	v37 =	vld [tilespmem:s7+$0x0]  }
0x687: {  	v15 =	vmul.f32 v44, v15;
	v1 =	vmul.f32 v56, v56;
	v7 =	vadd.f32 v13, v0;
	v38 =	vld [tilespmem:s8+$0x0];
	[tilespmem:s24+$0x1180] =	vst v25  }
0x688: {  	[tilespmem:s26+$0x1B80] =	vst v40;
	v39 =	vld [tilespmem:s15+$0x0]  }
0x689: {  	v1 =	vadd.f32 v1, v7;
	v40 =	vld [tilespmem:s10+$0x0];
	[tilespmem:s24+$0x1200] =	vst v15;
	v7 =	vmul.f32 v44, v2  }
0x68a: {  	[tilespmem:s26+$0x1C00] =	vst v41;
	v41 =	vld [tilespmem:s11+$0x0]  }
0x68b: {  	v4 =	vmul.f32 v44, v4;
	v27 =	vmov v42;
	v42 =	vld [tilespmem:s12+$0x0];
	[tilespmem:s24+$0x1280] =	vst v7  }
0x68c: {  	v10 =	vmul.f32 v55, v55;
	[tilespmem:s26+$0x1D80] =	vst v12;
	v45 =	vld [tilespmem:s2+$0x0]  }
0x68d: {  	v3 =	vmul.f32 v44, v3;
	v9 =	vmul.f32 v54, v54;
	v46 =	vld [tilespmem:s19+$0x0];
	[tilespmem:s24+$0x1300] =	vst v4  }
0x68e: {  	v12 =	vmovc v8;
	v14 =	vmul.f32 v51, v51;
	v13 =	vmul.f32 v34, v34;
	v8 =	vadd.f32 v10, v1;
	v47 =	vld [tilespmem:s4+$0x0]  }
0x68f: {  	v26 =	vmov v60;
	v0 =	vmul.f32 v52, v52;
	v1 =	vmul.f32 v11, v6;
	v48 =	vld [tilespmem:s9+$0x0]  }
0x690: {  	p0 =	slt.u32 s29, $0x3E;
	v57 =	vmul.f32 v53, v53;
	v60 =	vmul.f32 v35, v35;
	v6 =	vadd.f32 v9, v8;
	[tilespmem:s24+$0x1380] =	vst v3;
	v3 =	vld [tilespmem:$0x1F310]  }
.Ltmp1:
0x691: {  	v10 =	vmul.f32 v37, v37;
	v7 =	vmul.f32 v1, v58;
	(pc) =	sbr.rel @p0 .LBB2_5-.Ltmp1, $4  }
0x692: {  	[tilespmem:s26+$0x1F00] =	vst v5;
	v11 =	vmul.f32 v38, v38;
	v2 =	vmul.f32 v36, v36;
	v6 =	vadd.f32 v14, v6  }
0x693: {  	[tilespmem:s26+$0x1D00] =	vst v17;
	v9 =	vmul.f32 v39, v39;
	v7 =	vmul.f32 v7, v1  }
0x694: {  	v17 =	vmovc v22;
	v8 =	vmul.f32 v40, v40;
	v5 =	vmul.f32 v41, v41;
	v6 =	vadd.f32 v13, v6  }
0x695: {  	s1 =	sor.u32 s31, s20;
	s18 =	sor.u32 s31, s3;
	s26 =	smov.u32 s13;
	v15 =	vmovc v20;
	v14 =	vmovc v19;
	v49 =	vld [tilespmem:s16+$0x0];
	v59 =	vsub.f32 $1.500000000e+00, v7;
	v4 =	vmul.f32 v44, v3;
	v3 =	vmul.f32 v42, v42  }
0x696: {  	v0 =	vadd.f32 v0, v6;
	_ =	sdelay $0x1  }
0x697: {  	v0 =	vadd.f32 v57, v0;
	_ =	sdelay $0x1  }
0x698: {  	v0 =	vadd.f32 v60, v0;
	_ =	sdelay $0x1  }
0x699: {  	v0 =	vadd.f32 v2, v0;
	_ =	sdelay $0x1  }
0x69a: {  	v0 =	vadd.f32 v10, v0;
	_ =	sdelay $0x1  }
0x69b: {  	v0 =	vadd.f32 v11, v0;
	_ =	sdelay $0x1  }
0x69c: {  	v0 =	vadd.f32 v9, v0  }
0x69d: {  	v57 =	vld [tilespmem:$0x1F320]  }
0x69e: {  	v0 =	vadd.f32 v8, v0;
	_ =	sdelay $0x1  }
0x69f: {  	v0 =	vadd.f32 v5, v0;
	_ =	sdelay $0x1  }
0x6a0: {  	v0 =	vadd.f32 v3, v0;
	v3 =	vmul.f32 v44, v57  }
0x6a1: {  	[tilespmem:s24+$0x1400] =	vst v4  }
0x6a2: {  	v4 =	vld [tilespmem:$0x1F330];
	[tilespmem:s24+$0x1480] =	vst v3  }
0x6a3: {  	v3 =	vld [tilespmem:$0x1F340];
	_ =	sdelay $0x3  }
0x6a4: {  	v4 =	vmul.f32 v44, v4  }
0x6a5: {  	v3 =	vmul.f32 v44, v3  }
0x6a6: {  	[tilespmem:s24+$0x1500] =	vst v4  }
0x6a7: {  	v4 =	vld [tilespmem:$0x1F350];
	[tilespmem:s24+$0x1580] =	vst v3  }
0x6a8: {  	v9 =	vld [tilespmem:$0x1F360];
	_ =	sdelay $0x3  }
0x6a9: {  	v1 =	vmul.f32 v59, v1;
	v4 =	vmul.f32 v44, v4  }
0x6aa: {  	v10 =	vmul.f32 v44, v9  }
0x6ab: {  	v22 =	vmul.f32 v1, v58;
	[tilespmem:s24+$0x1600] =	vst v4  }
0x6ac: {  	v13 =	vld [tilespmem:$0x1F370];
	[tilespmem:s24+$0x1680] =	vst v10  }
0x6ad: {  	v2 =	vmul.f32 v22, v1;
	v22 =	vld [tilespmem:$0x1F380];
	_ =	sdelay $0x3  }
0x6ae: {  	v19 =	vmul.f32 v44, v13  }
0x6af: {  	v2 =	vsub.f32 $1.500000000e+00, v2;
	v57 =	vmul.f32 v44, v22  }
0x6b0: {  	[tilespmem:s24+$0x1700] =	vst v19  }
0x6b1: {  	v1 =	vmul.f32 v2, v1;
	v2 =	vld [tilespmem:$0x1F390];
	[tilespmem:s24+$0x1780] =	vst v57  }
0x6b2: {  	v5 =	vld [tilespmem:$0x1F3A0];
	_ =	sdelay $0x3  }
0x6b3: {  	v2 =	vmul.f32 v44, v2  }
0x6b4: {  	v5 =	vmul.f32 v44, v5  }
0x6b5: {  	v3 =	vmul.f32 v1, v18;
	[tilespmem:s24+$0x1800] =	vst v2  }
0x6b6: {  	[tilespmem:s24+$0x1880] =	vst v5  }
0x6b7: {  	v7 =	vmul.f32 v3, v50;
	v5 =	vld [tilespmem:$0x1F3B0];
	_ =	sdelay $0x1  }
0x6b8: {  	[tilespmem:s26+$0x1F80] =	vst v7  }
0x6b9: {  	v7 =	vld [tilespmem:$0x1F3C0];
	_ =	sdelay $0x1  }
0x6ba: {  	v5 =	vmul.f32 v44, v5;
	_ =	sdelay $0x1  }
0x6bb: {  	[tilespmem:s24+$0x1900] =	vst v5  }
0x6bc: {  	v7 =	vmul.f32 v44, v7;
	v5 =	vld [tilespmem:$0x1F3D0];
	_ =	sdelay $0x1  }
0x6bd: {  	[tilespmem:s24+$0x1980] =	vst v7  }
0x6be: {  	v7 =	vld [tilespmem:$0x1F3E0];
	_ =	sdelay $0x1  }
0x6bf: {  	v5 =	vmul.f32 v44, v5;
	_ =	sdelay $0x1  }
0x6c0: {  	[tilespmem:s24+$0x1A00] =	vst v5  }
0x6c1: {  	v7 =	vmul.f32 v44, v7;
	v5 =	vld [tilespmem:$0x1F3F0];
	_ =	sdelay $0x1  }
0x6c2: {  	[tilespmem:s24+$0x1A80] =	vst v7  }
0x6c3: {  	v7 =	vld [tilespmem:$0x1F400];
	_ =	sdelay $0x1  }
0x6c4: {  	v58 =	vmul.f32 v45, v45;
	v5 =	vmul.f32 v44, v5;
	_ =	sdelay $0x1  }
0x6c5: {  	v59 =	vmul.f32 v46, v46;
	v0 =	vadd.f32 v58, v0;
	[tilespmem:s24+$0x1B00] =	vst v5  }
0x6c6: {  	v7 =	vmul.f32 v44, v7;
	v5 =	vld [tilespmem:$0x1F410]  }
0x6c7: {  	v11 =	vmul.f32 v47, v47;
	v60 =	vadd.f32 v59, v0  }
0x6c8: {  	[tilespmem:s24+$0x1B80] =	vst v7  }
0x6c9: {  	v20 =	vadd.f32 v11, v60;
	v11 =	vld [tilespmem:$0x1F420];
	_ =	sdelay $0x1  }
0x6ca: {  	v5 =	vmul.f32 v44, v5;
	_ =	sdelay $0x1  }
0x6cb: {  	[tilespmem:s24+$0x1C00] =	vst v5  }
0x6cc: {  	v6 =	vmul.f32 v44, v11;
	v5 =	vld [tilespmem:$0x1F430];
	_ =	sdelay $0x1  }
0x6cd: {  	[tilespmem:s24+$0x1C80] =	vst v6  }
0x6ce: {  	v6 =	vld [tilespmem:$0x1F440];
	_ =	sdelay $0x1  }
0x6cf: {  	v5 =	vmul.f32 v44, v5;
	_ =	sdelay $0x1  }
0x6d0: {  	[tilespmem:s24+$0x1D00] =	vst v5  }
0x6d1: {  	v6 =	vmul.f32 v44, v6;
	v5 =	vld [tilespmem:$0x1F450];
	_ =	sdelay $0x1  }
0x6d2: {  	[tilespmem:s24+$0x1D80] =	vst v6  }
0x6d3: {  	v6 =	vld [tilespmem:$0x1F460];
	_ =	sdelay $0x1  }
0x6d4: {  	v0 =	vld [tilespmem:s21+$0x0];
	v5 =	vmul.f32 v44, v5  }
0x6d5: {  	v58 =	vmul.f32 v48, v48  }
0x6d6: {  	v1 =	vld [tilespmem:s1+$0x0];
	[tilespmem:s24+$0x1E00] =	vst v5  }
0x6d7: {  	v59 =	vmul.f32 v49, v49;
	v4 =	vadd.f32 v58, v20;
	v6 =	vmul.f32 v44, v6;
	v5 =	vld [tilespmem:$0x1F470]  }
0x6d8: {  	v28 =	vmul.f32 v3, v28;
	v20 =	vld [tilespmem:$0x1F480]  }
0x6d9: {  	v60 =	vmul.f32 v0, v0;
	v29 =	vmul.f32 v3, v29;
	v4 =	vadd.f32 v59, v4;
	[tilespmem:s24+$0x1E80] =	vst v6  }
0x6da: {  	v30 =	vmul.f32 v3, v30;
	[tilespmem:s26+$0x1080] =	vst v28  }
0x6db: {  	v50 =	vmul.f32 v3, v32;
	v4 =	vadd.f32 v60, v4;
	v9 =	vmul.f32 v1, v1;
	[tilespmem:s26+$0x1100] =	vst v29  }
0x6dc: {  	[tilespmem:s26+$0x1180] =	vst v30;
	v5 =	vmul.f32 v44, v5  }
0x6dd: {  	v4 =	vadd.f32 v9, v4;
	[tilespmem:s26+$0x1280] =	vst v50;
	v9 =	vmul.f32 v44, v20  }
0x6de: {  	v44 =	vmul.f32 v3, v31;
	[tilespmem:s24+$0x1F00] =	vst v5  }
0x6df: {  	[tilespmem:s24+$0x1F80] =	vst v9  }
0x6e0: {  	[tilespmem:s26+$0x1200] =	vst v44  }
0x6e1: {  	v5 =	vld [tilespmem:$0x1F4A0];
	_ =	sdelay $0x1  }
0x6e2: {  	v2 =	vld [tilespmem:s18+$0x0];
	_ =	sdelay $0x1  }
0x6e3: {  	v57 =	vmul.f32 v3, v33  }
0x6e4: {  	v5 =	vmul.f32 v3, v5  }
0x6e5: {  	[tilespmem:s26+$0x1300] =	vst v57  }
0x6e6: {  	v10 =	vmul.f32 v2, v2;
	v8 =	vld [tilespmem:$0x1F4B0];
	[tilespmem:s26+$0x1380] =	vst v5  }
0x6e7: {  	v5 =	vld [tilespmem:$0x1F4C0]  }
0x6e8: {  	v4 =	vadd.f32 v10, v4;
	_ =	sdelay $0x1  }
0x6e9: {  	v4 =	vmax.f32 v4, $1.000000020e-24  }
0x6ea: {  	v13 =	vshra.s32 v4, $0x1;
	v4 =	vmul.f32 $5.000000000e-01, v4;
	v8 =	vmul.f32 v3, v8  }
0x6eb: {  	v7 =	vsub.s32 $0x5F3759DF, v13;
	v5 =	vmul.f32 v3, v5  }
0x6ec: {  	v19 =	vmul.f32 v7, v4;
	[tilespmem:s26+$0x1400] =	vst v8  }
0x6ed: {  	v8 =	vld [tilespmem:$0x1F4D0];
	[tilespmem:s26+$0x1480] =	vst v5  }
0x6ee: {  	v22 =	vmul.f32 v7, v19;
	v5 =	vld [tilespmem:$0x1F4E0];
	_ =	sdelay $0x1  }
0x6ef: {  	v6 =	vsub.f32 $1.500000000e+00, v22;
	_ =	sdelay $0x1  }
0x6f0: {  	v6 =	vmul.f32 v7, v6;
	v8 =	vmul.f32 v3, v8  }
0x6f1: {  	v5 =	vmul.f32 v3, v5  }
0x6f2: {  	v58 =	vmul.f32 v6, v4;
	[tilespmem:s26+$0x1500] =	vst v8  }
0x6f3: {  	v59 =	vld [tilespmem:$0x1F4F0];
	[tilespmem:s26+$0x1580] =	vst v5  }
0x6f4: {  	v7 =	vmul.f32 v58, v6;
	v5 =	vld [tilespmem:$0x1F500];
	_ =	sdelay $0x1  }
0x6f5: {  	v7 =	vsub.f32 $1.500000000e+00, v7;
	_ =	sdelay $0x1  }
0x6f6: {  	v6 =	vmul.f32 v7, v6;
	v7 =	vmul.f32 v3, v59  }
0x6f7: {  	v5 =	vmul.f32 v3, v5  }
0x6f8: {  	[tilespmem:s26+$0x1600] =	vst v7  }
0x6f9: {  	v7 =	vld [tilespmem:$0x1F510];
	[tilespmem:s26+$0x1680] =	vst v5  }
0x6fa: {  	v5 =	vld [tilespmem:$0x1F520];
	_ =	sdelay $0x3  }
0x6fb: {  	v7 =	vmul.f32 v3, v7  }
0x6fc: {  	v5 =	vmul.f32 v3, v5  }
0x6fd: {  	[tilespmem:s26+$0x1700] =	vst v7  }
0x6fe: {  	v7 =	vld [tilespmem:$0x1F530];
	[tilespmem:s26+$0x1780] =	vst v5  }
0x6ff: {  	v5 =	vld [tilespmem:$0x1F540];
	_ =	sdelay $0x3  }
0x700: {  	v7 =	vmul.f32 v3, v7  }
0x701: {  	v5 =	vmul.f32 v3, v5  }
0x702: {  	[tilespmem:s26+$0x1800] =	vst v7  }
0x703: {  	v7 =	vld [tilespmem:$0x1F550];
	[tilespmem:s26+$0x1880] =	vst v5  }
0x704: {  	v5 =	vld [tilespmem:$0x1F560];
	_ =	sdelay $0x3  }
0x705: {  	v7 =	vmul.f32 v3, v7  }
0x706: {  	v5 =	vmul.f32 v3, v5  }
0x707: {  	v4 =	vmul.f32 v6, v4;
	[tilespmem:s26+$0x1900] =	vst v7  }
0x708: {  	v60 =	vld [tilespmem:$0x1F570];
	[tilespmem:s26+$0x1980] =	vst v5  }
0x709: {  	v4 =	vmul.f32 v4, v6;
	v5 =	vld [tilespmem:$0x1F580];
	_ =	sdelay $0x1  }
0x70a: {  	v4 =	vsub.f32 $1.500000000e+00, v4;
	_ =	sdelay $0x1  }
0x70b: {  	v4 =	vmul.f32 v4, v6;
	v6 =	vmul.f32 v3, v60  }
0x70c: {  	v5 =	vmul.f32 v3, v5  }
0x70d: {  	[tilespmem:s26+$0x1A00] =	vst v6  }
0x70e: {  	[tilespmem:s26+$0x1A80] =	vst v5  }
0x70f: {  	v5 =	vld [tilespmem:$0x1F590];
	_ =	sdelay $0x3  }
0x710: {  	v9 =	vmul.f32 v3, v43  }
0x711: {  	v5 =	vmul.f32 v3, v5  }
0x712: {  	[tilespmem:s26+$0x1B00] =	vst v9  }
0x713: {  	[tilespmem:s26+$0x1B80] =	vst v5  }
0x714: {  	v5 =	vld [tilespmem:$0x1F670];
	_ =	sdelay $0x1  }
0x715: {  	v4 =	vmul.f32 v4, v18;
	_ =	sdelay $0x1  }
0x716: {  	v10 =	vmul.f32 v4, v21  }
0x717: {  	v5 =	vmul.f32 v4, v5  }
0x718: {  	[tilespmem:s28+$0x1080] =	vst v10  }
0x719: {  	[tilespmem:s28+$0x1100] =	vst v5  }
0x71a: {  	v5 =	vld [tilespmem:$0x1F5B0];
	_ =	sdelay $0x3  }
0x71b: {  	v11 =	vmul.f32 v3, v23  }
0x71c: {  	v5 =	vmul.f32 v3, v5  }
0x71d: {  	v13 =	vmul.f32 v3, v24;
	[tilespmem:s26+$0x1C00] =	vst v11  }
0x71e: {  	[tilespmem:s26+$0x1C80] =	vst v5  }
0x71f: {  	v5 =	vld [tilespmem:$0x1F6A0];
	[tilespmem:s26+$0x1D00] =	vst v13  }
0x720: {  	v6 =	vld [tilespmem:$0x1F600];
	_ =	sdelay $0x3  }
0x721: {  	v5 =	vmul.f32 v4, v5  }
0x722: {  	v6 =	vmul.f32 v3, v6  }
0x723: {  	v18 =	vmul.f32 v4, v16;
	[tilespmem:s28+$0x1180] =	vst v5  }
0x724: {  	v19 =	vmul.f32 v4, v12;
	[tilespmem:s26+$0x1D80] =	vst v6  }
0x725: {  	v20 =	vmul.f32 v3, v27;
	v6 =	vld [tilespmem:$0x1F630];
	[tilespmem:s28+$0x1200] =	vst v18  }
0x726: {  	v21 =	vmul.f32 v4, v15;
	[tilespmem:s28+$0x1280] =	vst v19  }
0x727: {  	v22 =	vmul.f32 v4, v17;
	[tilespmem:s26+$0x1E80] =	vst v20  }
0x728: {  	v23 =	vmul.f32 v4, v14;
	[tilespmem:s28+$0x1300] =	vst v21  }
0x729: {  	v28 =	vmul.f32 v4, v56;
	[tilespmem:s28+$0x1380] =	vst v22  }
0x72a: {  	v29 =	vmul.f32 v4, v55;
	[tilespmem:s28+$0x1400] =	vst v23  }
0x72b: {  	v30 =	vmul.f32 v4, v54;
	[tilespmem:s28+$0x1480] =	vst v28  }
0x72c: {  	v31 =	vmul.f32 v4, v51;
	[tilespmem:s28+$0x1500] =	vst v29  }
0x72d: {  	v32 =	vmul.f32 v4, v34;
	[tilespmem:s28+$0x1580] =	vst v30  }
0x72e: {  	v33 =	vmul.f32 v4, v52;
	[tilespmem:s28+$0x1600] =	vst v31  }
0x72f: {  	v34 =	vmul.f32 v4, v53;
	[tilespmem:s28+$0x1680] =	vst v32  }
0x730: {  	v43 =	vmul.f32 v4, v35;
	[tilespmem:s28+$0x1700] =	vst v33  }
0x731: {  	v44 =	vmul.f32 v4, v36;
	[tilespmem:s28+$0x1780] =	vst v34  }
0x732: {  	v50 =	vmul.f32 v4, v37;
	[tilespmem:s28+$0x1800] =	vst v43  }
0x733: {  	v51 =	vmul.f32 v4, v38;
	[tilespmem:s28+$0x1880] =	vst v44  }
0x734: {  	v52 =	vmul.f32 v4, v39;
	[tilespmem:s28+$0x1900] =	vst v50  }
0x735: {  	v53 =	vmul.f32 v4, v40;
	[tilespmem:s28+$0x1980] =	vst v51  }
0x736: {  	v54 =	vmul.f32 v4, v41;
	[tilespmem:s28+$0x1A00] =	vst v52  }
0x737: {  	v55 =	vmul.f32 v4, v42;
	[tilespmem:s28+$0x1A80] =	vst v53  }
0x738: {  	v56 =	vmul.f32 v4, v45;
	[tilespmem:s28+$0x1B00] =	vst v54  }
0x739: {  	v57 =	vmul.f32 v4, v46;
	[tilespmem:s28+$0x1B80] =	vst v55  }
0x73a: {  	v58 =	vmul.f32 v4, v47;
	[tilespmem:s28+$0x1C00] =	vst v56  }
0x73b: {  	v59 =	vmul.f32 v4, v48;
	[tilespmem:s28+$0x1C80] =	vst v57  }
0x73c: {  	v60 =	vmul.f32 v4, v49;
	[tilespmem:s28+$0x1D00] =	vst v58  }
0x73d: {  	v0 =	vmul.f32 v4, v0;
	[tilespmem:s28+$0x1D80] =	vst v59  }
0x73e: {  	v1 =	vmul.f32 v4, v1;
	[tilespmem:s28+$0x1E00] =	vst v60  }
0x73f: {  	s22 =	sadd.s32 $0x1, s22;
	v2 =	vmul.f32 v4, v2;
	[tilespmem:s28+$0x1E80] =	vst v0  }
0x740: {  	p0 =	sne.s32 s22, $0x4;
	[tilespmem:s28+$0x1F00] =	vst v1;
	v6 =	vmul.f32 v3, v6  }
.Ltmp2:
0x741: {  	[tilespmem:s28+$0x1F80] =	vst v2;
	v3 =	vmul.f32 v3, v26;
	(pc) =	sbr.rel @p0 .LBB2_4-.Ltmp2, $4  }
0x742: {  	[tilespmem:s26+$0x1E00] =	vst v6  }
0x743: {  	s0 =	sshll.u32 s23, $0xA;
	s30 =	rddreg [dreg:$0x2];
	[tilespmem:s26+$0x1F00] =	vst v3  }
0x744: {  	s31 =	simm.s32 $0x0;
	s2 =	simm.s32 $0xBC00;
	s0 =	sadd.s32 s30, s0;
	v59 =	vld [tilespmem:$0x1F830]  }
0x745: {  	[hbm4b:s0+s31] =	stream.linear.scatter [tilespmem:s2], [sflag:$0x1], $0x10000, $0x38;
	v25 =	vld [tilespmem:$0x1FA90]  }
0x746: {  	s1 =	simm.s32 $0x1  }
0x747: {  	_ =	swait.ge [sflag:s1], $0x10000  }
0x748: {  	s2 =	rddreg [dreg:$0xb]  }
0x749: {  	s0 =	rddreg [dreg:$0xa];
	s2 =	sadd.s32 $0x1, s2  }
0x74a: {  	p0 =	sne.s32 s2, s0  }
.Ltmp3:
0x74b: {  	_ = 	snop;
	(pc) =	sbr.rel @p0 .LBB2_1-.Ltmp3, $3  }
0x74c: {  	_ =	sdelay $0x1  }
0x74d: {  	[sflag:s1] =	ssyncset.done $0x0  }
0x74e: {  	v43 =	vimm.s32 $0x0;
	[sflag:s1] =	ssyncadd.s32 $0xFFFF0000  }
0x74f: {  	_ =	sfence.sel $0x180000  }
0x750: {  	[bflag:$0x0] =	sbarrier.arrive $0xFFFF  }
0x751: {  	_ =	strace $0x90000047  }
0x752: {  	s0 =	stileid.u32;
	[bflag:$0x2] =	sbarrier.arrive $0xFFFF  }
0x753: {  	p0 =	sne.s32 s0, $0x0;
	s0 =	rddreg [dreg:$0x3]  }
0x754: {  	s0 =	sadd.s32 @!p0 $0x100000, s0  }
0x755: {  	[sflag:s0] =	ssyncadd.tile.s32 @!p0 $0x1;
	_ =	shalt  }
.Lfunc_end2:
_tile_overlayer_lowered:
.L_overlay_start_2:
0x756: {  	(tag) =	ssettag $0x2  }
0x757: {  	s0 =	rddreg [dreg:$0x0];
	s2 =	stileid.u32  }
0x758: {  	s1 =	rddreg [dreg:$0x1];
	p0 =	sne.s32 s2, $0x0  }
0x759: {  	s3 =	rddreg [dreg:$0x2];
	[bflag:$0x3] =	sbarrier.arrive $0xFFFF;
	s2 =	simm.s32 @!p0 $0x1C02  }
0x75a: {  	[timem:s3], [sflag:s2] =	dma.local @!p0 [hbm:s0], s1  }
0x75b: {  	s0 =	simm.s32 @!p0 $0x2  }
0x75c: {  	_ =	swait.ge @!p0 [sflag:s0], s1  }
0x75d: {  	s1 =	ssub.s32 @!p0 $0x0, s1;
	[sflag:s0] =	ssyncset.done @!p0 $0x0  }
0x75e: {  	[sflag:s0] =	ssyncadd.s32 @!p0 s1  }
0x75f: {  	[bflag:$0x3] =	sbarrier.arrive $0xFFFF  }
0x760: {  	_ =	shalt  }

</sc_bundles>
